<compile_context>
chip_gen: v7x
topology: tpu7x:2x2x1
jax: 0.10.2.dev20260603
libtpu: 0.0.44.dev20260713+nightly
codegen_flags: <defaults>
</compile_context>

<pallas_src>
import functools

import jax
import jax.numpy as jnp
from jax import lax
from jax.experimental import pallas as pl
from jax.experimental.pallas import tpu as pltpu
from jax.experimental.pallas import tpu_sc as plsc

N = 10000
E = 320000
D = 128
H = 128

NC = 2
NS = 16
NW = NC * NS
L = 16

C = 128
CH = 80
NCH = NW * CH
EPAD = NCH * C
DCH = NCH // NW
NP = 10240
RPT = NP // NS

_MESH = plsc.VectorSubcoreMesh(core_axis_name="c", subcore_axis_name="s")



def _msg_body(h_hbm, ei_hbm, m_out,
              pk_idx, src_cur, dst_cur, rows, m_acc, sem0, sem1):
    sems = (sem0, sem1)
    c = lax.axis_index("c")
    s = lax.axis_index("s")
    wid = c * NS + s

    pltpu.sync_copy(ei_hbm.at[pl.ds(wid * CH, CH)], pk_idx)

    z16 = jnp.zeros((L,), jnp.float32)

    def _zrow(i, carry):
        for jj in range(H // L):
            rows[0, i, pl.ds(jj * L, L)] = z16
        return carry
    lax.fori_loop(0, C, _zrow, 0)
    for k in range(RPT // C):
        pltpu.sync_copy(rows.at[0], m_acc.at[pl.ds(s * RPT + k * C, C)])

    plsc.subcore_barrier()

    def _unpack(j, b):
        for t in range(C // L):
            p = pk_idx[j, pl.ds(t * L, L)]
            src_cur[b, pl.ds(t * L, L)] = p & 0x3FFF
            dst_cur[b, pl.ds(t * L, L)] = lax.shift_right_logical(p, 14)

    def _gather(j, b):
        _unpack(j, b)
        return pltpu.async_copy(h_hbm.at[src_cur.at[b]], rows.at[b], sems[b])

    _gather(0, 0)
    _gather(1, 1)

    def _step(j2, carry):
        for b in range(2):
            j = j2 * 2 + b
            pltpu.make_async_copy(h_hbm.at[src_cur.at[b]], rows.at[b],
                                  sems[b]).wait()
            pltpu.sync_copy(rows.at[b], m_acc.at[dst_cur.at[b]], add=True)
            jn = j + 2

            @pl.when(jn < CH)
            def _():
                _gather(jn, b)
        return carry
    lax.fori_loop(0, CH // 2, _step, 0)

    plsc.subcore_barrier()

    pltpu.sync_copy(m_acc.at[pl.ds(s * RPT, RPT)],
                    m_out.at[c, pl.ds(s * RPT, RPT)])


_msg = pl.kernel(
    _msg_body,
    out_type=jax.ShapeDtypeStruct((NC, NP, H), jnp.float32),
    mesh=_MESH,
    scratch_types=[
        pltpu.VMEM((CH, C), jnp.int32),
        pltpu.VMEM((2, C), jnp.int32),
        pltpu.VMEM((2, C), jnp.int32),
        pltpu.VMEM((2, C, H), jnp.float32),
        pltpu.VMEM_SHARED((NP, H), jnp.float32),
        pltpu.SemaphoreType.DMA,
        pltpu.SemaphoreType.DMA,
    ],
)


def _deg_body(ei_hbm, deg_out, dst_idx, ones_b, zero_b, deg_acc):
    c = lax.axis_index("c")
    s = lax.axis_index("s")
    wid = c * NS + s

    pltpu.sync_copy(ei_hbm.at[pl.ds(wid * DCH, DCH)], dst_idx)

    def _unpack(i, carry):
        j = i // (C // L)
        t = (i % (C // L)) * L
        dst_idx[j, pl.ds(t, L)] = lax.shift_right_logical(
            dst_idx[j, pl.ds(t, L)], 14)
        return carry
    lax.fori_loop(0, DCH * (C // L), _unpack, 0)

    one16 = jnp.ones((L,), jnp.float32)
    z16 = jnp.zeros((L,), jnp.float32)

    def _fill(i, carry):
        for jj in range(H // L):
            ones_b[i, pl.ds(jj * L, L)] = one16
            zero_b[i, pl.ds(jj * L, L)] = z16
        return carry
    lax.fori_loop(0, C, _fill, 0)
    for k in range(RPT // C):
        pltpu.sync_copy(zero_b, deg_acc.at[pl.ds(s * RPT + k * C, C)])

    plsc.subcore_barrier()

    def _step(j, carry):
        pltpu.sync_copy(ones_b, deg_acc.at[dst_idx.at[j]], add=True)
        return carry
    lax.fori_loop(0, DCH, _step, 0)

    plsc.subcore_barrier()

    pltpu.sync_copy(deg_acc.at[pl.ds(s * RPT, RPT)],
                    deg_out.at[c, pl.ds(s * RPT, RPT)])


_deg = pl.kernel(
    _deg_body,
    out_type=jax.ShapeDtypeStruct((NC, NP, H), jnp.float32),
    mesh=_MESH,
    scratch_types=[
        pltpu.VMEM((DCH, C), jnp.int32),
        pltpu.VMEM((C, H), jnp.float32),
        pltpu.VMEM((C, H), jnp.float32),
        pltpu.VMEM_SHARED((NP, H), jnp.float32),
    ],
)



def _encoder_body(x_ref, w0_ref, b0_ref, w1_ref, b1_ref, out_ref):
    h = jnp.maximum(
        jnp.dot(x_ref[...], w0_ref[...], preferred_element_type=jnp.float32)
        + b0_ref[...], 0.0)
    out_ref[...] = jnp.maximum(
        jnp.dot(h, w1_ref[...], preferred_element_type=jnp.float32)
        + b1_ref[...], 0.0)


def _encoder(x, w0, b0, w1, b1):
    return pl.pallas_call(
        _encoder_body,
        out_shape=jax.ShapeDtypeStruct((N, H), jnp.float32),
    )(x, w0, b0.reshape(1, H), w1, b1.reshape(1, H))


def _mean_msg(m_ref, degp_ref):
    dp = degp_ref[...]
    deg = dp[0, :N, 0] + dp[1, :N, 0]
    dinv = 1.0 / jnp.maximum(deg, 1.0)
    return (m_ref[0, :N, :] + m_ref[1, :N, :]) * dinv[:, None]


def _conv_body(m_ref, degp_ref, h_ref, w_ref, b_ref, out_ref):
    m = _mean_msg(m_ref, degp_ref)
    out_ref[...] = jnp.maximum(
        jnp.dot(m, w_ref[...], preferred_element_type=jnp.float32)
        + b_ref[...] + h_ref[...], 0.0)


def _conv(m, degp, h, w, b):
    return pl.pallas_call(
        _conv_body,
        out_shape=jax.ShapeDtypeStruct((N, H), jnp.float32),
    )(m, degp, h, w, b.reshape(1, H))


def _conv_pred_body(m_ref, degp_ref, h_ref, w_ref, b_ref,
                    pw0_ref, pb0_ref, pw1_ref, pb1_ref, out_ref):
    m = _mean_msg(m_ref, degp_ref)
    hn = jnp.maximum(
        jnp.dot(m, w_ref[...], preferred_element_type=jnp.float32)
        + b_ref[...] + h_ref[...], 0.0)
    obj = jnp.mean(hn, axis=0, keepdims=True)
    z = jnp.maximum(
        jnp.dot(obj, pw0_ref[...], preferred_element_type=jnp.float32)
        + pb0_ref[...], 0.0)
    out_ref[...] = (
        jnp.dot(z, pw1_ref[...], preferred_element_type=jnp.float32)
        + pb1_ref[...])


def _conv_pred(m, degp, h, w, b, pw0, pb0, pw1, pb1):
    out = pl.pallas_call(
        _conv_pred_body,
        out_shape=jax.ShapeDtypeStruct((1, 1), jnp.float32),
    )(m, degp, h, w, b.reshape(1, H),
      pw0, pb0.reshape(1, H), pw1, pb1.reshape(1, 1))
    return out.reshape(())



def kernel(x, edge_index, enc_W0, enc_b0, enc_W1, enc_b1,
           conv_W0, conv_b0, conv_W1, conv_b1, conv_W2, conv_b2,
           pred_W0, pred_b0, pred_W1, pred_b1):
    src = edge_index[0]
    dst = edge_index[1]
    pad = EPAD - E
    src_p = jnp.concatenate([src, jnp.arange(pad, dtype=jnp.int32) % N])
    dst_p = jnp.concatenate(
        [dst, N + (jnp.arange(pad, dtype=jnp.int32) % (NP - N))])
    ei_p = (src_p | (dst_p << 14)).reshape(NCH, C)

    h = _encoder(x, enc_W0, enc_b0, enc_W1, enc_b1)
    degp = _deg(ei_p)

    m = _msg(h, ei_p)
    h = _conv(m, degp, h, conv_W0, conv_b0)
    m = _msg(h, ei_p)
    h = _conv(m, degp, h, conv_W1, conv_b1)
    m = _msg(h, ei_p)
    return _conv_pred(m, degp, h, conv_W2, conv_b2,
                      pred_W0, pred_b0, pred_W1, pred_b1)

# --- scband reference (transcript-rebuilt; emitter-appended) ---
"""Pipeline reference for scband-gnn-6932077216369 (READ-ONLY COPY).

The authoritative reference and input builder live on the scoring server;
editing this copy changes nothing except your own understanding.
"""

import jax, jax.numpy as jnp
import numpy as np

N = 10000
E = 320000
D = 128
H = 128

def setup_inputs(seed: int = 0):
    key = jax.random.key(seed)
    ks = jax.random.split(key, 20)
    inp = {}
    inp['x'] = jax.random.normal(ks[0], (N, D), dtype=jnp.float32)
    inp['edge_index'] = jax.random.randint(ks[1], (2, E), 0, N, dtype=jnp.int32)
    def w(k, shape):
        return jax.random.normal(k, shape, dtype=jnp.float32) / np.sqrt(shape[0])
    inp['enc_W0'] = w(ks[2], (D, H)); inp['enc_b0'] = jnp.zeros((H,), jnp.float32)
    inp['enc_W1'] = w(ks[3], (H, H)); inp['enc_b1'] = jnp.zeros((H,), jnp.float32)
    inp['conv_W0'] = w(ks[4], (H, H)); inp['conv_b0'] = jnp.zeros((H,), jnp.float32)
    inp['conv_W1'] = w(ks[5], (H, H)); inp['conv_b1'] = jnp.zeros((H,), jnp.float32)
    inp['conv_W2'] = w(ks[6], (H, H)); inp['conv_b2'] = jnp.zeros((H,), jnp.float32)
    inp['pred_W0'] = w(ks[7], (H, H)); inp['pred_b0'] = jnp.zeros((H,), jnp.float32)
    inp['pred_W1'] = w(ks[8], (H, 1)); inp['pred_b1'] = jnp.zeros((1,), jnp.float32)
    return inp

def _gnn(x, edge_index, enc, convs, pred):
    src = edge_index[0]
    dst = edge_index[1]
    h = x
    # node encoder MLP (num_encode_layers=2)
    for W, b in enc:
        h = jax.nn.relu(h @ W + b)
    # mean-aggregation message passing convs (num_conv_layers=3) with residual
    deg = jax.ops.segment_sum(jnp.ones((E,), jnp.float32), dst, num_segments=N)
    deg = jnp.clip(deg, 1.0, None)[:, None]
    for W, b in convs:
        m = jax.ops.segment_sum(h[src], dst, num_segments=N)
        h = jax.nn.relu((m / deg) @ W + b + h)
    # global mean pool -> graph-level obj_pred
    obj = jnp.mean(h, axis=0)
    # predictor MLP: [hid_dim]*num_pred_layers + [1]
    W0, b0 = pred[0]
    W1, b1 = pred[1]
    z = jax.nn.relu(obj @ W0 + b0)
    out = z @ W1 + b1
    return jnp.squeeze(out)

def reference(x, edge_index, enc_W0, enc_b0, enc_W1, enc_b1, conv_W0, conv_b0, conv_W1, conv_b1, conv_W2, conv_b2, pred_W0, pred_b0, pred_W1, pred_b1):
    return _gnn(x, edge_index,
                [(enc_W0, enc_b0), (enc_W1, enc_b1)],
                [(conv_W0, conv_b0), (conv_W1, conv_b1), (conv_W2, conv_b2)],
                [(pred_W0, pred_b0), (pred_W1, pred_b1)])

if __name__ == "__main__":
    import jax
    _d = setup_inputs()
    print(jax.jit(kernel)(*tuple(_d.values())))

</pallas_src>

<mosaic_0001>
#map = affine_map<(d0, d1) -> (0, 0)>
#map1 = affine_map<(d0, d1) -> (0, 0, 0)>
module attributes {stable_mosaic.version = 14 : i64} {
  func.func @_deg_body(%arg0: i32, %arg1: i32, %arg2: memref<2560x128xi32, #tpu.memory_space<hbm>>, %arg3: memref<2x10240x128xf32, #tpu.memory_space<hbm>>, %arg4: memref<80x128xi32, #tpu.memory_space<vmem>>, %arg5: memref<128x128xf32, #tpu.memory_space<vmem>>, %arg6: memref<128x128xf32, #tpu.memory_space<vmem>>, %arg7: memref<10240x128xf32, #tpu.memory_space<vmem_shared>>) attributes {dimension_semantics = [#tpu.dimension_semantics<core_parallel>, #tpu.dimension_semantics<subcore_parallel>], iteration_bounds = array<i64: 2, 16>, scalar_prefetch = 0 : i64, scratch_operands = 4 : i64, tpu.core_type = #tpu.core_type<sc_vector_subcore>, window_params = [{transform_indices = #map}, {transform_indices = #map1}]} {
    %mul3A = arith.constant 16 : i32
    %mul3A_0 = arith.muli %arg0, %mul3A : i32
    %add3A = arith.addi %mul3A_0, %arg1 : i32
    %mul3A_1 = arith.constant 80 : i32
    %mul3A_2 = arith.muli %add3A, %mul3A_1 : i32
    "tpu.region"() ({
      %run_scoped3A = tpu.sem_alloc : memref<!tpu.dma_semaphore, #tpu.memory_space<semaphore_mem>>
      %dma_start3A = arith.constant 0 : i32
      %dma_start3A_48 = tpu.memref_slice %arg2[%mul3A_2, %dma_start3A] : memref<2560x128xi32, #tpu.memory_space<hbm>> -> memref<80x128xi32, #tpu.memory_space<hbm>>
      %dma_start3A_49 = arith.constant 0 : i32
      %dma_start3A_50 = tpu.memref_slice %arg2[%mul3A_2, %dma_start3A_49] : memref<2560x128xi32, #tpu.memory_space<hbm>> -> memref<80x128xi32, #tpu.memory_space<hbm>>
      tpu.enqueue_dma source(%dma_start3A_50 : memref<80x128xi32, #tpu.memory_space<hbm>>) target(%arg4 : memref<80x128xi32, #tpu.memory_space<vmem>>) target_semaphore(%run_scoped3A : memref<!tpu.dma_semaphore, #tpu.memory_space<semaphore_mem>>)
      %dma_wait3A = arith.constant 0 : i32
      %dma_wait3A_51 = tpu.memref_slice %arg2[%mul3A_2, %dma_wait3A] : memref<2560x128xi32, #tpu.memory_space<hbm>> -> memref<80x128xi32, #tpu.memory_space<hbm>>
      %dma_wait3A_52 = arith.constant 0 : i32
      %dma_wait3A_53 = tpu.memref_slice %arg2[%mul3A_2, %dma_wait3A_52] : memref<2560x128xi32, #tpu.memory_space<hbm>> -> memref<80x128xi32, #tpu.memory_space<hbm>>
      tpu.wait_dma2 semaphore(%run_scoped3A : memref<!tpu.dma_semaphore, #tpu.memory_space<semaphore_mem>>) src(%dma_wait3A_53 : memref<80x128xi32, #tpu.memory_space<hbm>>) dst(%arg4 : memref<80x128xi32, #tpu.memory_space<vmem>>)
      tpu.yield
    }) : () -> ()
    %scan3A = arith.constant 0 : i32
    %scan3A_3 = arith.constant 0 : i32
    %scan3A_4 = arith.constant 640 : i32
    %scan3A_5 = arith.addi %scan3A_3, %scan3A_4 : i32
    %scan3A_6 = arith.constant 1 : i32
    scf.for %scan3A_48 = %scan3A_3 to %scan3A_5 step %scan3A_6  : i32 {
      %jit3A = arith.constant 8 : i32
      %div3A = arith.divsi %scan3A_48, %jit3A : i32
      %sign3A = arith.constant 0 : i32
      %sign3A_49 = arith.cmpi sgt, %scan3A_48, %sign3A : i32
      %sign3A_50 = arith.extui %sign3A_49 : i1 to i32
      %sign3A_51 = arith.constant 0 : i32
      %sign3A_52 = arith.cmpi slt, %scan3A_48, %sign3A_51 : i32
      %sign3A_53 = arith.extui %sign3A_52 : i1 to i32
      %sign3A_54 = arith.subi %sign3A_50, %sign3A_53 : i32
      %sign3A_55 = arith.constant 0 : i32
      %sign3A_56 = arith.cmpi sgt, %jit3A, %sign3A_55 : i32
      %sign3A_57 = arith.extui %sign3A_56 : i1 to i32
      %sign3A_58 = arith.constant 0 : i32
      %sign3A_59 = arith.cmpi slt, %jit3A, %sign3A_58 : i32
      %sign3A_60 = arith.extui %sign3A_59 : i1 to i32
      %sign3A_61 = arith.subi %sign3A_57, %sign3A_60 : i32
      %ne3A = arith.cmpi ne, %sign3A_54, %sign3A_61 : i32
      %rem3A = arith.remsi %scan3A_48, %jit3A : i32
      %ne3A_62 = arith.constant 0 : i32
      %ne3A_63 = arith.cmpi ne, %rem3A, %ne3A_62 : i32
      %and3A = arith.andi %ne3A, %ne3A_63 : i1
      %sub3A = arith.constant 1 : i32
      %sub3A_64 = arith.subi %div3A, %sub3A : i32
      %select_n3A = arith.select %and3A, %sub3A_64, %div3A : i32
      %jit3A_65 = arith.constant 8 : i32
      %eq3A = arith.constant 0 : i32
      %eq3A_66 = arith.cmpi eq, %jit3A_65, %eq3A : i32
      %jit3A_67 = arith.constant 1 : i32
      %select_n3A_68 = arith.select %eq3A_66, %jit3A_67, %jit3A_65 : i32
      %rem3A_69 = arith.remsi %scan3A_48, %select_n3A_68 : i32
      %ne3A_70 = arith.constant 0 : i32
      %ne3A_71 = arith.cmpi ne, %rem3A_69, %ne3A_70 : i32
      %lt3A = arith.constant 0 : i32
      %lt3A_72 = arith.cmpi slt, %rem3A_69, %lt3A : i32
      %lt3A_73 = arith.constant 0 : i32
      %lt3A_74 = arith.cmpi slt, %select_n3A_68, %lt3A_73 : i32
      %ne3A_75 = arith.xori %lt3A_72, %lt3A_74 : i1
      %and3A_76 = arith.andi %ne3A_75, %ne3A_71 : i1
      %add3A_77 = arith.addi %rem3A_69, %select_n3A_68 : i32
      %select_n3A_78 = arith.select %and3A_76, %add3A_77, %rem3A_69 : i32
      %mul3A_79 = arith.constant 16 : i32
      %mul3A_80 = arith.muli %select_n3A_78, %mul3A_79 : i32
      %get3A = arith.index_cast %select_n3A : i32 to index
      %get3A_81 = arith.index_cast %mul3A_80 : i32 to index
      %get3A_82 = tpu.vector_load %arg4[%get3A, %get3A_81] {strides = array<i32>} : memref<80x128xi32, #tpu.memory_space<vmem>>, vector<1x16xi32>,
      %get3A_83 = vector.shape_cast %get3A_82 : vector<1x16xi32> to vector<16xi32>
      %shift_right_logical3A = arith.constant 14 : i32
      %shift_right_logical3A_84 = vector.broadcast %shift_right_logical3A : i32 to vector<16xi32>
      %shift_right_logical3A_85 = arith.shrui %get3A_83, %shift_right_logical3A_84 : vector<16xi32>
      %swap3A = arith.index_cast %select_n3A : i32 to index
      %swap3A_86 = arith.index_cast %mul3A_80 : i32 to index
      %swap3A_87 = tpu.vector_load %arg4[%swap3A, %swap3A_86] {strides = array<i32>} : memref<80x128xi32, #tpu.memory_space<vmem>>, vector<1x16xi32>,
      %swap3A_88 = vector.shape_cast %swap3A_87 : vector<1x16xi32> to vector<16xi32>
      %swap3A_89 = vector.shape_cast %shift_right_logical3A_85 : vector<16xi32> to vector<1x16xi32>
      tpu.vector_store %arg4[%swap3A, %swap3A_86], %swap3A_89 {strides = array<i32>} : memref<80x128xi32, #tpu.memory_space<vmem>>, vector<1x16xi32>,
    }
    %scan3A_7 = arith.constant 640 : i32
    %broadcast_in_dim3A = arith.constant 1.000000e+00 : f32
    %broadcast_in_dim3A_8 = vector.broadcast %broadcast_in_dim3A : f32 to vector<16xf32>
    %broadcast_in_dim3A_9 = arith.constant 0.000000e+00 : f32
    %broadcast_in_dim3A_10 = vector.broadcast %broadcast_in_dim3A_9 : f32 to vector<16xf32>
    %scan3A_11 = arith.constant 0 : i32
    %scan3A_12 = arith.constant 0 : i32
    %scan3A_13 = arith.constant 128 : i32
    %scan3A_14 = arith.addi %scan3A_12, %scan3A_13 : i32
    %scan3A_15 = arith.constant 1 : i32
    scf.for %scan3A_48 = %scan3A_12 to %scan3A_14 step %scan3A_15  : i32 {
      %swap3A = arith.index_cast %scan3A_48 : i32 to index
      %swap3A_49 = arith.constant 0 : index
      %swap3A_50 = tpu.vector_load %arg5[%swap3A, %swap3A_49] {strides = array<i32>} : memref<128x128xf32, #tpu.memory_space<vmem>>, vector<1x16xf32>,
      %swap3A_51 = vector.shape_cast %swap3A_50 : vector<1x16xf32> to vector<16xf32>
      %swap3A_52 = vector.shape_cast %broadcast_in_dim3A_8 : vector<16xf32> to vector<1x16xf32>
      tpu.vector_store %arg5[%swap3A, %swap3A_49], %swap3A_52 {strides = array<i32>} : memref<128x128xf32, #tpu.memory_space<vmem>>, vector<1x16xf32>,
      %swap3A_53 = arith.index_cast %scan3A_48 : i32 to index
      %swap3A_54 = arith.constant 0 : index
      %swap3A_55 = tpu.vector_load %arg6[%swap3A_53, %swap3A_54] {strides = array<i32>} : memref<128x128xf32, #tpu.memory_space<vmem>>, vector<1x16xf32>,
      %swap3A_56 = vector.shape_cast %swap3A_55 : vector<1x16xf32> to vector<16xf32>
      %swap3A_57 = vector.shape_cast %broadcast_in_dim3A_10 : vector<16xf32> to vector<1x16xf32>
      tpu.vector_store %arg6[%swap3A_53, %swap3A_54], %swap3A_57 {strides = array<i32>} : memref<128x128xf32, #tpu.memory_space<vmem>>, vector<1x16xf32>,
      %swap3A_58 = arith.index_cast %scan3A_48 : i32 to index
      %swap3A_59 = arith.constant 16 : index
      %swap3A_60 = tpu.vector_load %arg5[%swap3A_58, %swap3A_59] {strides = array<i32>} : memref<128x128xf32, #tpu.memory_space<vmem>>, vector<1x16xf32>,
      %swap3A_61 = vector.shape_cast %swap3A_60 : vector<1x16xf32> to vector<16xf32>
      %swap3A_62 = vector.shape_cast %broadcast_in_dim3A_8 : vector<16xf32> to vector<1x16xf32>
      tpu.vector_store %arg5[%swap3A_58, %swap3A_59], %swap3A_62 {strides = array<i32>} : memref<128x128xf32, #tpu.memory_space<vmem>>, vector<1x16xf32>,
      %swap3A_63 = arith.index_cast %scan3A_48 : i32 to index
      %swap3A_64 = arith.constant 16 : index
      %swap3A_65 = tpu.vector_load %arg6[%swap3A_63, %swap3A_64] {strides = array<i32>} : memref<128x128xf32, #tpu.memory_space<vmem>>, vector<1x16xf32>,
      %swap3A_66 = vector.shape_cast %swap3A_65 : vector<1x16xf32> to vector<16xf32>
      %swap3A_67 = vector.shape_cast %broadcast_in_dim3A_10 : vector<16xf32> to vector<1x16xf32>
      tpu.vector_store %arg6[%swap3A_63, %swap3A_64], %swap3A_67 {strides = array<i32>} : memref<128x128xf32, #tpu.memory_space<vmem>>, vector<1x16xf32>,
      %swap3A_68 = arith.index_cast %scan3A_48 : i32 to index
      %swap3A_69 = arith.constant 32 : index
      %swap3A_70 = tpu.vector_load %arg5[%swap3A_68, %swap3A_69] {strides = array<i32>} : memref<128x128xf32, #tpu.memory_space<vmem>>, vector<1x16xf32>,
      %swap3A_71 = vector.shape_cast %swap3A_70 : vector<1x16xf32> to vector<16xf32>
      %swap3A_72 = vector.shape_cast %broadcast_in_dim3A_8 : vector<16xf32> to vector<1x16xf32>
      tpu.vector_store %arg5[%swap3A_68, %swap3A_69], %swap3A_72 {strides = array<i32>} : memref<128x128xf32, #tpu.memory_space<vmem>>, vector<1x16xf32>,
      %swap3A_73 = arith.index_cast %scan3A_48 : i32 to index
      %swap3A_74 = arith.constant 32 : index
      %swap3A_75 = tpu.vector_load %arg6[%swap3A_73, %swap3A_74] {strides = array<i32>} : memref<128x128xf32, #tpu.memory_space<vmem>>, vector<1x16xf32>,
      %swap3A_76 = vector.shape_cast %swap3A_75 : vector<1x16xf32> to vector<16xf32>
      %swap3A_77 = vector.shape_cast %broadcast_in_dim3A_10 : vector<16xf32> to vector<1x16xf32>
      tpu.vector_store %arg6[%swap3A_73, %swap3A_74], %swap3A_77 {strides = array<i32>} : memref<128x128xf32, #tpu.memory_space<vmem>>, vector<1x16xf32>,
      %swap3A_78 = arith.index_cast %scan3A_48 : i32 to index
      %swap3A_79 = arith.constant 48 : index
      %swap3A_80 = tpu.vector_load %arg5[%swap3A_78, %swap3A_79] {strides = array<i32>} : memref<128x128xf32, #tpu.memory_space<vmem>>, vector<1x16xf32>,
      %swap3A_81 = vector.shape_cast %swap3A_80 : vector<1x16xf32> to vector<16xf32>
      %swap3A_82 = vector.shape_cast %broadcast_in_dim3A_8 : vector<16xf32> to vector<1x16xf32>
      tpu.vector_store %arg5[%swap3A_78, %swap3A_79], %swap3A_82 {strides = array<i32>} : memref<128x128xf32, #tpu.memory_space<vmem>>, vector<1x16xf32>,
      %swap3A_83 = arith.index_cast %scan3A_48 : i32 to index
      %swap3A_84 = arith.constant 48 : index
      %swap3A_85 = tpu.vector_load %arg6[%swap3A_83, %swap3A_84] {strides = array<i32>} : memref<128x128xf32, #tpu.memory_space<vmem>>, vector<1x16xf32>,
      %swap3A_86 = vector.shape_cast %swap3A_85 : vector<1x16xf32> to vector<16xf32>
      %swap3A_87 = vector.shape_cast %broadcast_in_dim3A_10 : vector<16xf32> to vector<1x16xf32>
      tpu.vector_store %arg6[%swap3A_83, %swap3A_84], %swap3A_87 {strides = array<i32>} : memref<128x128xf32, #tpu.memory_space<vmem>>, vector<1x16xf32>,
      %swap3A_88 = arith.index_cast %scan3A_48 : i32 to index
      %swap3A_89 = arith.constant 64 : index
      %swap3A_90 = tpu.vector_load %arg5[%swap3A_88, %swap3A_89] {strides = array<i32>} : memref<128x128xf32, #tpu.memory_space<vmem>>, vector<1x16xf32>,
      %swap3A_91 = vector.shape_cast %swap3A_90 : vector<1x16xf32> to vector<16xf32>
      %swap3A_92 = vector.shape_cast %broadcast_in_dim3A_8 : vector<16xf32> to vector<1x16xf32>
      tpu.vector_store %arg5[%swap3A_88, %swap3A_89], %swap3A_92 {strides = array<i32>} : memref<128x128xf32, #tpu.memory_space<vmem>>, vector<1x16xf32>,
      %swap3A_93 = arith.index_cast %scan3A_48 : i32 to index
      %swap3A_94 = arith.constant 64 : index
      %swap3A_95 = tpu.vector_load %arg6[%swap3A_93, %swap3A_94] {strides = array<i32>} : memref<128x128xf32, #tpu.memory_space<vmem>>, vector<1x16xf32>,
      %swap3A_96 = vector.shape_cast %swap3A_95 : vector<1x16xf32> to vector<16xf32>
      %swap3A_97 = vector.shape_cast %broadcast_in_dim3A_10 : vector<16xf32> to vector<1x16xf32>
      tpu.vector_store %arg6[%swap3A_93, %swap3A_94], %swap3A_97 {strides = array<i32>} : memref<128x128xf32, #tpu.memory_space<vmem>>, vector<1x16xf32>,
      %swap3A_98 = arith.index_cast %scan3A_48 : i32 to index
      %swap3A_99 = arith.constant 80 : index
      %swap3A_100 = tpu.vector_load %arg5[%swap3A_98, %swap3A_99] {strides = array<i32>} : memref<128x128xf32, #tpu.memory_space<vmem>>, vector<1x16xf32>,
      %swap3A_101 = vector.shape_cast %swap3A_100 : vector<1x16xf32> to vector<16xf32>
      %swap3A_102 = vector.shape_cast %broadcast_in_dim3A_8 : vector<16xf32> to vector<1x16xf32>
      tpu.vector_store %arg5[%swap3A_98, %swap3A_99], %swap3A_102 {strides = array<i32>} : memref<128x128xf32, #tpu.memory_space<vmem>>, vector<1x16xf32>,
      %swap3A_103 = arith.index_cast %scan3A_48 : i32 to index
      %swap3A_104 = arith.constant 80 : index
      %swap3A_105 = tpu.vector_load %arg6[%swap3A_103, %swap3A_104] {strides = array<i32>} : memref<128x128xf32, #tpu.memory_space<vmem>>, vector<1x16xf32>,
      %swap3A_106 = vector.shape_cast %swap3A_105 : vector<1x16xf32> to vector<16xf32>
      %swap3A_107 = vector.shape_cast %broadcast_in_dim3A_10 : vector<16xf32> to vector<1x16xf32>
      tpu.vector_store %arg6[%swap3A_103, %swap3A_104], %swap3A_107 {strides = array<i32>} : memref<128x128xf32, #tpu.memory_space<vmem>>, vector<1x16xf32>,
      %swap3A_108 = arith.index_cast %scan3A_48 : i32 to index
      %swap3A_109 = arith.constant 96 : index
      %swap3A_110 = tpu.vector_load %arg5[%swap3A_108, %swap3A_109] {strides = array<i32>} : memref<128x128xf32, #tpu.memory_space<vmem>>, vector<1x16xf32>,
      %swap3A_111 = vector.shape_cast %swap3A_110 : vector<1x16xf32> to vector<16xf32>
      %swap3A_112 = vector.shape_cast %broadcast_in_dim3A_8 : vector<16xf32> to vector<1x16xf32>
      tpu.vector_store %arg5[%swap3A_108, %swap3A_109], %swap3A_112 {strides = array<i32>} : memref<128x128xf32, #tpu.memory_space<vmem>>, vector<1x16xf32>,
      %swap3A_113 = arith.index_cast %scan3A_48 : i32 to index
      %swap3A_114 = arith.constant 96 : index
      %swap3A_115 = tpu.vector_load %arg6[%swap3A_113, %swap3A_114] {strides = array<i32>} : memref<128x128xf32, #tpu.memory_space<vmem>>, vector<1x16xf32>,
      %swap3A_116 = vector.shape_cast %swap3A_115 : vector<1x16xf32> to vector<16xf32>
      %swap3A_117 = vector.shape_cast %broadcast_in_dim3A_10 : vector<16xf32> to vector<1x16xf32>
      tpu.vector_store %arg6[%swap3A_113, %swap3A_114], %swap3A_117 {strides = array<i32>} : memref<128x128xf32, #tpu.memory_space<vmem>>, vector<1x16xf32>,
      %swap3A_118 = arith.index_cast %scan3A_48 : i32 to index
      %swap3A_119 = arith.constant 112 : index
      %swap3A_120 = tpu.vector_load %arg5[%swap3A_118, %swap3A_119] {strides = array<i32>} : memref<128x128xf32, #tpu.memory_space<vmem>>, vector<1x16xf32>,
      %swap3A_121 = vector.shape_cast %swap3A_120 : vector<1x16xf32> to vector<16xf32>
      %swap3A_122 = vector.shape_cast %broadcast_in_dim3A_8 : vector<16xf32> to vector<1x16xf32>
      tpu.vector_store %arg5[%swap3A_118, %swap3A_119], %swap3A_122 {strides = array<i32>} : memref<128x128xf32, #tpu.memory_space<vmem>>, vector<1x16xf32>,
      %swap3A_123 = arith.index_cast %scan3A_48 : i32 to index
      %swap3A_124 = arith.constant 112 : index
      %swap3A_125 = tpu.vector_load %arg6[%swap3A_123, %swap3A_124] {strides = array<i32>} : memref<128x128xf32, #tpu.memory_space<vmem>>, vector<1x16xf32>,
      %swap3A_126 = vector.shape_cast %swap3A_125 : vector<1x16xf32> to vector<16xf32>
      %swap3A_127 = vector.shape_cast %broadcast_in_dim3A_10 : vector<16xf32> to vector<1x16xf32>
      tpu.vector_store %arg6[%swap3A_123, %swap3A_124], %swap3A_127 {strides = array<i32>} : memref<128x128xf32, #tpu.memory_space<vmem>>, vector<1x16xf32>,
    }
    %scan3A_16 = arith.constant 128 : i32
    %mul3A_17 = arith.constant 640 : i32
    %mul3A_18 = arith.muli %arg1, %mul3A_17 : i32
    %add3A_19 = arith.constant 0 : i32
    %add3A_20 = arith.addi %mul3A_18, %add3A_19 : i32
    "tpu.region"() ({
      %run_scoped3A = tpu.sem_alloc : memref<!tpu.dma_semaphore, #tpu.memory_space<semaphore_mem>>
      %dma_start3A = arith.constant 0 : i32
      %dma_start3A_48 = tpu.memref_slice %arg7[%add3A_20, %dma_start3A] : memref<10240x128xf32, #tpu.memory_space<vmem_shared>> -> memref<128x128xf32, #tpu.memory_space<vmem_shared>>
      %dma_start3A_49 = arith.constant 0 : i32
      %dma_start3A_50 = tpu.memref_slice %arg7[%add3A_20, %dma_start3A_49] : memref<10240x128xf32, #tpu.memory_space<vmem_shared>> -> memref<128x128xf32, #tpu.memory_space<vmem_shared>>
      tpu.enqueue_dma source(%arg6 : memref<128x128xf32, #tpu.memory_space<vmem>>) target(%dma_start3A_50 : memref<128x128xf32, #tpu.memory_space<vmem_shared>>) target_semaphore(%run_scoped3A : memref<!tpu.dma_semaphore, #tpu.memory_space<semaphore_mem>>)
      %dma_wait3A = arith.constant 0 : i32
      %dma_wait3A_51 = tpu.memref_slice %arg7[%add3A_20, %dma_wait3A] : memref<10240x128xf32, #tpu.memory_space<vmem_shared>> -> memref<128x128xf32, #tpu.memory_space<vmem_shared>>
      %dma_wait3A_52 = arith.constant 0 : i32
      %dma_wait3A_53 = tpu.memref_slice %arg7[%add3A_20, %dma_wait3A_52] : memref<10240x128xf32, #tpu.memory_space<vmem_shared>> -> memref<128x128xf32, #tpu.memory_space<vmem_shared>>
      tpu.wait_dma2 semaphore(%run_scoped3A : memref<!tpu.dma_semaphore, #tpu.memory_space<semaphore_mem>>) src(%arg6 : memref<128x128xf32, #tpu.memory_space<vmem>>) dst(%dma_wait3A_53 : memref<128x128xf32, #tpu.memory_space<vmem_shared>>)
      tpu.yield
    }) : () -> ()
    %mul3A_21 = arith.constant 640 : i32
    %mul3A_22 = arith.muli %arg1, %mul3A_21 : i32
    %add3A_23 = arith.constant 128 : i32
    %add3A_24 = arith.addi %mul3A_22, %add3A_23 : i32
    "tpu.region"() ({
      %run_scoped3A = tpu.sem_alloc : memref<!tpu.dma_semaphore, #tpu.memory_space<semaphore_mem>>
      %dma_start3A = arith.constant 0 : i32
      %dma_start3A_48 = tpu.memref_slice %arg7[%add3A_24, %dma_start3A] : memref<10240x128xf32, #tpu.memory_space<vmem_shared>> -> memref<128x128xf32, #tpu.memory_space<vmem_shared>>
      %dma_start3A_49 = arith.constant 0 : i32
      %dma_start3A_50 = tpu.memref_slice %arg7[%add3A_24, %dma_start3A_49] : memref<10240x128xf32, #tpu.memory_space<vmem_shared>> -> memref<128x128xf32, #tpu.memory_space<vmem_shared>>
      tpu.enqueue_dma source(%arg6 : memref<128x128xf32, #tpu.memory_space<vmem>>) target(%dma_start3A_50 : memref<128x128xf32, #tpu.memory_space<vmem_shared>>) target_semaphore(%run_scoped3A : memref<!tpu.dma_semaphore, #tpu.memory_space<semaphore_mem>>)
      %dma_wait3A = arith.constant 0 : i32
      %dma_wait3A_51 = tpu.memref_slice %arg7[%add3A_24, %dma_wait3A] : memref<10240x128xf32, #tpu.memory_space<vmem_shared>> -> memref<128x128xf32, #tpu.memory_space<vmem_shared>>
      %dma_wait3A_52 = arith.constant 0 : i32
      %dma_wait3A_53 = tpu.memref_slice %arg7[%add3A_24, %dma_wait3A_52] : memref<10240x128xf32, #tpu.memory_space<vmem_shared>> -> memref<128x128xf32, #tpu.memory_space<vmem_shared>>
      tpu.wait_dma2 semaphore(%run_scoped3A : memref<!tpu.dma_semaphore, #tpu.memory_space<semaphore_mem>>) src(%arg6 : memref<128x128xf32, #tpu.memory_space<vmem>>) dst(%dma_wait3A_53 : memref<128x128xf32, #tpu.memory_space<vmem_shared>>)
      tpu.yield
    }) : () -> ()
    %mul3A_25 = arith.constant 640 : i32
    %mul3A_26 = arith.muli %arg1, %mul3A_25 : i32
    %add3A_27 = arith.constant 256 : i32
    %add3A_28 = arith.addi %mul3A_26, %add3A_27 : i32
    "tpu.region"() ({
      %run_scoped3A = tpu.sem_alloc : memref<!tpu.dma_semaphore, #tpu.memory_space<semaphore_mem>>
      %dma_start3A = arith.constant 0 : i32
      %dma_start3A_48 = tpu.memref_slice %arg7[%add3A_28, %dma_start3A] : memref<10240x128xf32, #tpu.memory_space<vmem_shared>> -> memref<128x128xf32, #tpu.memory_space<vmem_shared>>
      %dma_start3A_49 = arith.constant 0 : i32
      %dma_start3A_50 = tpu.memref_slice %arg7[%add3A_28, %dma_start3A_49] : memref<10240x128xf32, #tpu.memory_space<vmem_shared>> -> memref<128x128xf32, #tpu.memory_space<vmem_shared>>
      tpu.enqueue_dma source(%arg6 : memref<128x128xf32, #tpu.memory_space<vmem>>) target(%dma_start3A_50 : memref<128x128xf32, #tpu.memory_space<vmem_shared>>) target_semaphore(%run_scoped3A : memref<!tpu.dma_semaphore, #tpu.memory_space<semaphore_mem>>)
      %dma_wait3A = arith.constant 0 : i32
      %dma_wait3A_51 = tpu.memref_slice %arg7[%add3A_28, %dma_wait3A] : memref<10240x128xf32, #tpu.memory_space<vmem_shared>> -> memref<128x128xf32, #tpu.memory_space<vmem_shared>>
      %dma_wait3A_52 = arith.constant 0 : i32
      %dma_wait3A_53 = tpu.memref_slice %arg7[%add3A_28, %dma_wait3A_52] : memref<10240x128xf32, #tpu.memory_space<vmem_shared>> -> memref<128x128xf32, #tpu.memory_space<vmem_shared>>
      tpu.wait_dma2 semaphore(%run_scoped3A : memref<!tpu.dma_semaphore, #tpu.memory_space<semaphore_mem>>) src(%arg6 : memref<128x128xf32, #tpu.memory_space<vmem>>) dst(%dma_wait3A_53 : memref<128x128xf32, #tpu.memory_space<vmem_shared>>)
      tpu.yield
    }) : () -> ()
    %mul3A_29 = arith.constant 640 : i32
    %mul3A_30 = arith.muli %arg1, %mul3A_29 : i32
    %add3A_31 = arith.constant 384 : i32
    %add3A_32 = arith.addi %mul3A_30, %add3A_31 : i32
    "tpu.region"() ({
      %run_scoped3A = tpu.sem_alloc : memref<!tpu.dma_semaphore, #tpu.memory_space<semaphore_mem>>
      %dma_start3A = arith.constant 0 : i32
      %dma_start3A_48 = tpu.memref_slice %arg7[%add3A_32, %dma_start3A] : memref<10240x128xf32, #tpu.memory_space<vmem_shared>> -> memref<128x128xf32, #tpu.memory_space<vmem_shared>>
      %dma_start3A_49 = arith.constant 0 : i32
      %dma_start3A_50 = tpu.memref_slice %arg7[%add3A_32, %dma_start3A_49] : memref<10240x128xf32, #tpu.memory_space<vmem_shared>> -> memref<128x128xf32, #tpu.memory_space<vmem_shared>>
      tpu.enqueue_dma source(%arg6 : memref<128x128xf32, #tpu.memory_space<vmem>>) target(%dma_start3A_50 : memref<128x128xf32, #tpu.memory_space<vmem_shared>>) target_semaphore(%run_scoped3A : memref<!tpu.dma_semaphore, #tpu.memory_space<semaphore_mem>>)
      %dma_wait3A = arith.constant 0 : i32
      %dma_wait3A_51 = tpu.memref_slice %arg7[%add3A_32, %dma_wait3A] : memref<10240x128xf32, #tpu.memory_space<vmem_shared>> -> memref<128x128xf32, #tpu.memory_space<vmem_shared>>
      %dma_wait3A_52 = arith.constant 0 : i32
      %dma_wait3A_53 = tpu.memref_slice %arg7[%add3A_32, %dma_wait3A_52] : memref<10240x128xf32, #tpu.memory_space<vmem_shared>> -> memref<128x128xf32, #tpu.memory_space<vmem_shared>>
      tpu.wait_dma2 semaphore(%run_scoped3A : memref<!tpu.dma_semaphore, #tpu.memory_space<semaphore_mem>>) src(%arg6 : memref<128x128xf32, #tpu.memory_space<vmem>>) dst(%dma_wait3A_53 : memref<128x128xf32, #tpu.memory_space<vmem_shared>>)
      tpu.yield
    }) : () -> ()
    %mul3A_33 = arith.constant 640 : i32
    %mul3A_34 = arith.muli %arg1, %mul3A_33 : i32
    %add3A_35 = arith.constant 512 : i32
    %add3A_36 = arith.addi %mul3A_34, %add3A_35 : i32
    "tpu.region"() ({
      %run_scoped3A = tpu.sem_alloc : memref<!tpu.dma_semaphore, #tpu.memory_space<semaphore_mem>>
      %dma_start3A = arith.constant 0 : i32
      %dma_start3A_48 = tpu.memref_slice %arg7[%add3A_36, %dma_start3A] : memref<10240x128xf32, #tpu.memory_space<vmem_shared>> -> memref<128x128xf32, #tpu.memory_space<vmem_shared>>
      %dma_start3A_49 = arith.constant 0 : i32
      %dma_start3A_50 = tpu.memref_slice %arg7[%add3A_36, %dma_start3A_49] : memref<10240x128xf32, #tpu.memory_space<vmem_shared>> -> memref<128x128xf32, #tpu.memory_space<vmem_shared>>
      tpu.enqueue_dma source(%arg6 : memref<128x128xf32, #tpu.memory_space<vmem>>) target(%dma_start3A_50 : memref<128x128xf32, #tpu.memory_space<vmem_shared>>) target_semaphore(%run_scoped3A : memref<!tpu.dma_semaphore, #tpu.memory_space<semaphore_mem>>)
      %dma_wait3A = arith.constant 0 : i32
      %dma_wait3A_51 = tpu.memref_slice %arg7[%add3A_36, %dma_wait3A] : memref<10240x128xf32, #tpu.memory_space<vmem_shared>> -> memref<128x128xf32, #tpu.memory_space<vmem_shared>>
      %dma_wait3A_52 = arith.constant 0 : i32
      %dma_wait3A_53 = tpu.memref_slice %arg7[%add3A_36, %dma_wait3A_52] : memref<10240x128xf32, #tpu.memory_space<vmem_shared>> -> memref<128x128xf32, #tpu.memory_space<vmem_shared>>
      tpu.wait_dma2 semaphore(%run_scoped3A : memref<!tpu.dma_semaphore, #tpu.memory_space<semaphore_mem>>) src(%arg6 : memref<128x128xf32, #tpu.memory_space<vmem>>) dst(%dma_wait3A_53 : memref<128x128xf32, #tpu.memory_space<vmem_shared>>)
      tpu.yield
    }) : () -> ()
    %barrier3A = arith.constant 0 : index
    tpu.barrier barrier_id(%barrier3A)
    %scan3A_37 = arith.constant 0 : i32
    %scan3A_38 = arith.constant 0 : i32
    %scan3A_39 = arith.constant 80 : i32
    %scan3A_40 = arith.addi %scan3A_38, %scan3A_39 : i32
    %scan3A_41 = arith.constant 1 : i32
    scf.for %scan3A_48 = %scan3A_38 to %scan3A_40 step %scan3A_41  : i32 {
      "tpu.region"() ({
        %run_scoped3A = tpu.sem_alloc : memref<!tpu.dma_semaphore, #tpu.memory_space<semaphore_mem>>
        %dma_start3A = arith.constant 0 : i32
        %dma_start3A_49 = tpu.memref_slice %arg4[%scan3A_48, %dma_start3A] : memref<80x128xi32, #tpu.memory_space<vmem>> -> memref<1x128xi32, #tpu.memory_space<vmem>>
        %dma_start3A_50 = tpu.memref_squeeze %dma_start3A_49 : memref<1x128xi32, #tpu.memory_space<vmem>> -> memref<128xi32, #tpu.memory_space<vmem>>
        %dma_start3A_51 = arith.constant 0 : i32
        %dma_start3A_52 = arith.constant 0 : i32
        %dma_start3A_53 = tpu.memref_slice %arg7[%dma_start3A_51, %dma_start3A_52] : memref<10240x128xf32, #tpu.memory_space<vmem_shared>> -> memref<10240x128xf32, #tpu.memory_space<vmem_shared>>
        tpu.enqueue_indirect_dma source(%arg5 : memref<128x128xf32, #tpu.memory_space<vmem>>) target(%dma_start3A_53 : memref<10240x128xf32, #tpu.memory_space<vmem_shared>>) offsets(%dma_start3A_50 : memref<128xi32, #tpu.memory_space<vmem>>) semaphore(%run_scoped3A : memref<!tpu.dma_semaphore, #tpu.memory_space<semaphore_mem>>) {add = true}
        %dma_wait3A = arith.constant 0 : i32
        %dma_wait3A_54 = tpu.memref_slice %arg4[%scan3A_48, %dma_wait3A] : memref<80x128xi32, #tpu.memory_space<vmem>> -> memref<1x128xi32, #tpu.memory_space<vmem>>
        %dma_wait3A_55 = tpu.memref_squeeze %dma_wait3A_54 : memref<1x128xi32, #tpu.memory_space<vmem>> -> memref<128xi32, #tpu.memory_space<vmem>>
        %dma_wait3A_56 = arith.constant 0 : i32
        %dma_wait3A_57 = arith.constant 0 : i32
        %dma_wait3A_58 = tpu.memref_slice %arg7[%dma_wait3A_56, %dma_wait3A_57] : memref<10240x128xf32, #tpu.memory_space<vmem_shared>> -> memref<10240x128xf32, #tpu.memory_space<vmem_shared>>
        tpu.wait_indirect_dma semaphore(%run_scoped3A : memref<!tpu.dma_semaphore, #tpu.memory_space<semaphore_mem>>) src(%arg5 : memref<128x128xf32, #tpu.memory_space<vmem>>) dst(%dma_wait3A_58 : memref<10240x128xf32, #tpu.memory_space<vmem_shared>>)
        tpu.yield
      }) : () -> ()
    }
    %scan3A_42 = arith.constant 80 : i32
    %barrier3A_43 = arith.constant 0 : index
    tpu.barrier barrier_id(%barrier3A_43)
    %mul3A_44 = arith.constant 640 : i32
    %mul3A_45 = arith.muli %arg1, %mul3A_44 : i32
    %mul3A_46 = arith.constant 640 : i32
    %mul3A_47 = arith.muli %arg1, %mul3A_46 : i32
    "tpu.region"() ({
      %run_scoped3A = tpu.sem_alloc : memref<!tpu.dma_semaphore, #tpu.memory_space<semaphore_mem>>
      %dma_start3A = arith.constant 0 : i32
      %dma_start3A_48 = tpu.memref_slice %arg3[%arg0, %mul3A_47, %dma_start3A] : memref<2x10240x128xf32, #tpu.memory_space<hbm>> -> memref<1x640x128xf32, #tpu.memory_space<hbm>>
      %dma_start3A_49 = tpu.memref_squeeze %dma_start3A_48 : memref<1x640x128xf32, #tpu.memory_space<hbm>> -> memref<640x128xf32, #tpu.memory_space<hbm>>
      %dma_start3A_50 = arith.constant 0 : i32
      %dma_start3A_51 = tpu.memref_slice %arg7[%mul3A_45, %dma_start3A_50] : memref<10240x128xf32, #tpu.memory_space<vmem_shared>> -> memref<640x128xf32, #tpu.memory_space<vmem_shared>>
      tpu.enqueue_dma source(%dma_start3A_51 : memref<640x128xf32, #tpu.memory_space<vmem_shared>>) target(%dma_start3A_49 : memref<640x128xf32, #tpu.memory_space<hbm>>) target_semaphore(%run_scoped3A : memref<!tpu.dma_semaphore, #tpu.memory_space<semaphore_mem>>)
      %dma_wait3A = arith.constant 0 : i32
      %dma_wait3A_52 = tpu.memref_slice %arg3[%arg0, %mul3A_47, %dma_wait3A] : memref<2x10240x128xf32, #tpu.memory_space<hbm>> -> memref<1x640x128xf32, #tpu.memory_space<hbm>>
      %dma_wait3A_53 = tpu.memref_squeeze %dma_wait3A_52 : memref<1x640x128xf32, #tpu.memory_space<hbm>> -> memref<640x128xf32, #tpu.memory_space<hbm>>
      %dma_wait3A_54 = arith.constant 0 : i32
      %dma_wait3A_55 = tpu.memref_slice %arg7[%mul3A_45, %dma_wait3A_54] : memref<10240x128xf32, #tpu.memory_space<vmem_shared>> -> memref<640x128xf32, #tpu.memory_space<vmem_shared>>
      tpu.wait_dma2 semaphore(%run_scoped3A : memref<!tpu.dma_semaphore, #tpu.memory_space<semaphore_mem>>) src(%dma_wait3A_55 : memref<640x128xf32, #tpu.memory_space<vmem_shared>>) dst(%dma_wait3A_53 : memref<640x128xf32, #tpu.memory_space<hbm>>)
      tpu.yield
    }) : () -> ()
    return
  }
}

#map = affine_map<(d0, d1) -> (0, 0)>
#map1 = affine_map<(d0, d1) -> (0, 0, 0)>
module attributes {stable_mosaic.version = 14 : i64} {
  func.func @_msg_body(%arg0: i32, %arg1: i32, %arg2: memref<10000x128xf32, #tpu.memory_space<hbm>>, %arg3: memref<2560x128xi32, #tpu.memory_space<hbm>>, %arg4: memref<2x10240x128xf32, #tpu.memory_space<hbm>>, %arg5: memref<80x128xi32, #tpu.memory_space<vmem>>, %arg6: memref<2x128xi32, #tpu.memory_space<vmem>>, %arg7: memref<2x128xi32, #tpu.memory_space<vmem>>, %arg8: memref<2x128x128xf32, #tpu.memory_space<vmem>>, %arg9: memref<10240x128xf32, #tpu.memory_space<vmem_shared>>, %arg10: memref<!tpu.dma_semaphore, #tpu.memory_space<semaphore_mem>>, %arg11: memref<!tpu.dma_semaphore, #tpu.memory_space<semaphore_mem>>) attributes {dimension_semantics = [#tpu.dimension_semantics<core_parallel>, #tpu.dimension_semantics<subcore_parallel>], iteration_bounds = array<i64: 2, 16>, scalar_prefetch = 0 : i64, scratch_operands = 7 : i64, tpu.core_type = #tpu.core_type<sc_vector_subcore>, window_params = [{transform_indices = #map}, {transform_indices = #map}, {transform_indices = #map1}]} {
    %mul3A = arith.constant 16 : i32
    %mul3A_0 = arith.muli %arg0, %mul3A : i32
    %add3A = arith.addi %mul3A_0, %arg1 : i32
    %mul3A_1 = arith.constant 80 : i32
    %mul3A_2 = arith.muli %add3A, %mul3A_1 : i32
    "tpu.region"() ({
      %run_scoped3A_431 = tpu.sem_alloc : memref<!tpu.dma_semaphore, #tpu.memory_space<semaphore_mem>>
      %dma_start3A_432 = arith.constant 0 : i32
      %dma_start3A_433 = tpu.memref_slice %arg3[%mul3A_2, %dma_start3A_432] : memref<2560x128xi32, #tpu.memory_space<hbm>> -> memref<80x128xi32, #tpu.memory_space<hbm>>
      %dma_start3A_434 = arith.constant 0 : i32
      %dma_start3A_435 = tpu.memref_slice %arg3[%mul3A_2, %dma_start3A_434] : memref<2560x128xi32, #tpu.memory_space<hbm>> -> memref<80x128xi32, #tpu.memory_space<hbm>>
      tpu.enqueue_dma source(%dma_start3A_435 : memref<80x128xi32, #tpu.memory_space<hbm>>) target(%arg5 : memref<80x128xi32, #tpu.memory_space<vmem>>) target_semaphore(%run_scoped3A_431 : memref<!tpu.dma_semaphore, #tpu.memory_space<semaphore_mem>>)
      %dma_wait3A = arith.constant 0 : i32
      %dma_wait3A_436 = tpu.memref_slice %arg3[%mul3A_2, %dma_wait3A] : memref<2560x128xi32, #tpu.memory_space<hbm>> -> memref<80x128xi32, #tpu.memory_space<hbm>>
      %dma_wait3A_437 = arith.constant 0 : i32
      %dma_wait3A_438 = tpu.memref_slice %arg3[%mul3A_2, %dma_wait3A_437] : memref<2560x128xi32, #tpu.memory_space<hbm>> -> memref<80x128xi32, #tpu.memory_space<hbm>>
      tpu.wait_dma2 semaphore(%run_scoped3A_431 : memref<!tpu.dma_semaphore, #tpu.memory_space<semaphore_mem>>) src(%dma_wait3A_438 : memref<80x128xi32, #tpu.memory_space<hbm>>) dst(%arg5 : memref<80x128xi32, #tpu.memory_space<vmem>>)
      tpu.yield
    }) : () -> ()
    %broadcast_in_dim3A = arith.constant 0.000000e+00 : f32
    %broadcast_in_dim3A_3 = vector.broadcast %broadcast_in_dim3A : f32 to vector<16xf32>
    %scan3A = arith.constant 0 : i32
    %scan3A_4 = arith.constant 0 : i32
    %scan3A_5 = arith.constant 128 : i32
    %scan3A_6 = arith.addi %scan3A_4, %scan3A_5 : i32
    %scan3A_7 = arith.constant 1 : i32
    scf.for %scan3A_431 = %scan3A_4 to %scan3A_6 step %scan3A_7  : i32 {
      %swap3A_432 = arith.constant 0 : i32
      %swap3A_433 = arith.index_cast %swap3A_432 : i32 to index
      %swap3A_434 = arith.index_cast %scan3A_431 : i32 to index
      %swap3A_435 = arith.constant 0 : index
      %swap3A_436 = tpu.vector_load %arg8[%swap3A_433, %swap3A_434, %swap3A_435] {strides = array<i32>} : memref<2x128x128xf32, #tpu.memory_space<vmem>>, vector<1x1x16xf32>,
      %swap3A_437 = vector.shape_cast %swap3A_436 : vector<1x1x16xf32> to vector<16xf32>
      %swap3A_438 = vector.shape_cast %broadcast_in_dim3A_3 : vector<16xf32> to vector<1x1x16xf32>
      tpu.vector_store %arg8[%swap3A_433, %swap3A_434, %swap3A_435], %swap3A_438 {strides = array<i32>} : memref<2x128x128xf32, #tpu.memory_space<vmem>>, vector<1x1x16xf32>,
      %swap3A_439 = arith.constant 0 : i32
      %swap3A_440 = arith.index_cast %swap3A_439 : i32 to index
      %swap3A_441 = arith.index_cast %scan3A_431 : i32 to index
      %swap3A_442 = arith.constant 16 : index
      %swap3A_443 = tpu.vector_load %arg8[%swap3A_440, %swap3A_441, %swap3A_442] {strides = array<i32>} : memref<2x128x128xf32, #tpu.memory_space<vmem>>, vector<1x1x16xf32>,
      %swap3A_444 = vector.shape_cast %swap3A_443 : vector<1x1x16xf32> to vector<16xf32>
      %swap3A_445 = vector.shape_cast %broadcast_in_dim3A_3 : vector<16xf32> to vector<1x1x16xf32>
      tpu.vector_store %arg8[%swap3A_440, %swap3A_441, %swap3A_442], %swap3A_445 {strides = array<i32>} : memref<2x128x128xf32, #tpu.memory_space<vmem>>, vector<1x1x16xf32>,
      %swap3A_446 = arith.constant 0 : i32
      %swap3A_447 = arith.index_cast %swap3A_446 : i32 to index
      %swap3A_448 = arith.index_cast %scan3A_431 : i32 to index
      %swap3A_449 = arith.constant 32 : index
      %swap3A_450 = tpu.vector_load %arg8[%swap3A_447, %swap3A_448, %swap3A_449] {strides = array<i32>} : memref<2x128x128xf32, #tpu.memory_space<vmem>>, vector<1x1x16xf32>,
      %swap3A_451 = vector.shape_cast %swap3A_450 : vector<1x1x16xf32> to vector<16xf32>
      %swap3A_452 = vector.shape_cast %broadcast_in_dim3A_3 : vector<16xf32> to vector<1x1x16xf32>
      tpu.vector_store %arg8[%swap3A_447, %swap3A_448, %swap3A_449], %swap3A_452 {strides = array<i32>} : memref<2x128x128xf32, #tpu.memory_space<vmem>>, vector<1x1x16xf32>,
      %swap3A_453 = arith.constant 0 : i32
      %swap3A_454 = arith.index_cast %swap3A_453 : i32 to index
      %swap3A_455 = arith.index_cast %scan3A_431 : i32 to index
      %swap3A_456 = arith.constant 48 : index
      %swap3A_457 = tpu.vector_load %arg8[%swap3A_454, %swap3A_455, %swap3A_456] {strides = array<i32>} : memref<2x128x128xf32, #tpu.memory_space<vmem>>, vector<1x1x16xf32>,
      %swap3A_458 = vector.shape_cast %swap3A_457 : vector<1x1x16xf32> to vector<16xf32>
      %swap3A_459 = vector.shape_cast %broadcast_in_dim3A_3 : vector<16xf32> to vector<1x1x16xf32>
      tpu.vector_store %arg8[%swap3A_454, %swap3A_455, %swap3A_456], %swap3A_459 {strides = array<i32>} : memref<2x128x128xf32, #tpu.memory_space<vmem>>, vector<1x1x16xf32>,
      %swap3A_460 = arith.constant 0 : i32
      %swap3A_461 = arith.index_cast %swap3A_460 : i32 to index
      %swap3A_462 = arith.index_cast %scan3A_431 : i32 to index
      %swap3A_463 = arith.constant 64 : index
      %swap3A_464 = tpu.vector_load %arg8[%swap3A_461, %swap3A_462, %swap3A_463] {strides = array<i32>} : memref<2x128x128xf32, #tpu.memory_space<vmem>>, vector<1x1x16xf32>,
      %swap3A_465 = vector.shape_cast %swap3A_464 : vector<1x1x16xf32> to vector<16xf32>
      %swap3A_466 = vector.shape_cast %broadcast_in_dim3A_3 : vector<16xf32> to vector<1x1x16xf32>
      tpu.vector_store %arg8[%swap3A_461, %swap3A_462, %swap3A_463], %swap3A_466 {strides = array<i32>} : memref<2x128x128xf32, #tpu.memory_space<vmem>>, vector<1x1x16xf32>,
      %swap3A_467 = arith.constant 0 : i32
      %swap3A_468 = arith.index_cast %swap3A_467 : i32 to index
      %swap3A_469 = arith.index_cast %scan3A_431 : i32 to index
      %swap3A_470 = arith.constant 80 : index
      %swap3A_471 = tpu.vector_load %arg8[%swap3A_468, %swap3A_469, %swap3A_470] {strides = array<i32>} : memref<2x128x128xf32, #tpu.memory_space<vmem>>, vector<1x1x16xf32>,
      %swap3A_472 = vector.shape_cast %swap3A_471 : vector<1x1x16xf32> to vector<16xf32>
      %swap3A_473 = vector.shape_cast %broadcast_in_dim3A_3 : vector<16xf32> to vector<1x1x16xf32>
      tpu.vector_store %arg8[%swap3A_468, %swap3A_469, %swap3A_470], %swap3A_473 {strides = array<i32>} : memref<2x128x128xf32, #tpu.memory_space<vmem>>, vector<1x1x16xf32>,
      %swap3A_474 = arith.constant 0 : i32
      %swap3A_475 = arith.index_cast %swap3A_474 : i32 to index
      %swap3A_476 = arith.index_cast %scan3A_431 : i32 to index
      %swap3A_477 = arith.constant 96 : index
      %swap3A_478 = tpu.vector_load %arg8[%swap3A_475, %swap3A_476, %swap3A_477] {strides = array<i32>} : memref<2x128x128xf32, #tpu.memory_space<vmem>>, vector<1x1x16xf32>,
      %swap3A_479 = vector.shape_cast %swap3A_478 : vector<1x1x16xf32> to vector<16xf32>
      %swap3A_480 = vector.shape_cast %broadcast_in_dim3A_3 : vector<16xf32> to vector<1x1x16xf32>
      tpu.vector_store %arg8[%swap3A_475, %swap3A_476, %swap3A_477], %swap3A_480 {strides = array<i32>} : memref<2x128x128xf32, #tpu.memory_space<vmem>>, vector<1x1x16xf32>,
      %swap3A_481 = arith.constant 0 : i32
      %swap3A_482 = arith.index_cast %swap3A_481 : i32 to index
      %swap3A_483 = arith.index_cast %scan3A_431 : i32 to index
      %swap3A_484 = arith.constant 112 : index
      %swap3A_485 = tpu.vector_load %arg8[%swap3A_482, %swap3A_483, %swap3A_484] {strides = array<i32>} : memref<2x128x128xf32, #tpu.memory_space<vmem>>, vector<1x1x16xf32>,
      %swap3A_486 = vector.shape_cast %swap3A_485 : vector<1x1x16xf32> to vector<16xf32>
      %swap3A_487 = vector.shape_cast %broadcast_in_dim3A_3 : vector<16xf32> to vector<1x1x16xf32>
      tpu.vector_store %arg8[%swap3A_482, %swap3A_483, %swap3A_484], %swap3A_487 {strides = array<i32>} : memref<2x128x128xf32, #tpu.memory_space<vmem>>, vector<1x1x16xf32>,
    }
    %scan3A_8 = arith.constant 128 : i32
    %mul3A_9 = arith.constant 640 : i32
    %mul3A_10 = arith.muli %arg1, %mul3A_9 : i32
    %add3A_11 = arith.constant 0 : i32
    %add3A_12 = arith.addi %mul3A_10, %add3A_11 : i32
    %run_scoped3A = arith.constant 0 : i32
    "tpu.region"() ({
      %run_scoped3A_431 = tpu.sem_alloc : memref<!tpu.dma_semaphore, #tpu.memory_space<semaphore_mem>>
      %dma_start3A_432 = arith.constant 0 : i32
      %dma_start3A_433 = arith.constant 0 : i32
      %dma_start3A_434 = tpu.memref_slice %arg8[%run_scoped3A, %dma_start3A_432, %dma_start3A_433] : memref<2x128x128xf32, #tpu.memory_space<vmem>> -> memref<1x128x128xf32, #tpu.memory_space<vmem>>
      %dma_start3A_435 = tpu.memref_squeeze %dma_start3A_434 : memref<1x128x128xf32, #tpu.memory_space<vmem>> -> memref<128x128xf32, #tpu.memory_space<vmem>>
      %dma_start3A_436 = arith.constant 0 : i32
      %dma_start3A_437 = tpu.memref_slice %arg9[%add3A_12, %dma_start3A_436] : memref<10240x128xf32, #tpu.memory_space<vmem_shared>> -> memref<128x128xf32, #tpu.memory_space<vmem_shared>>
      %dma_start3A_438 = arith.constant 0 : i32
      %dma_start3A_439 = tpu.memref_slice %arg9[%add3A_12, %dma_start3A_438] : memref<10240x128xf32, #tpu.memory_space<vmem_shared>> -> memref<128x128xf32, #tpu.memory_space<vmem_shared>>
      %dma_start3A_440 = arith.constant 0 : i32
      %dma_start3A_441 = arith.constant 0 : i32
      %dma_start3A_442 = tpu.memref_slice %arg8[%run_scoped3A, %dma_start3A_440, %dma_start3A_441] : memref<2x128x128xf32, #tpu.memory_space<vmem>> -> memref<1x128x128xf32, #tpu.memory_space<vmem>>
      %dma_start3A_443 = tpu.memref_squeeze %dma_start3A_442 : memref<1x128x128xf32, #tpu.memory_space<vmem>> -> memref<128x128xf32, #tpu.memory_space<vmem>>
      tpu.enqueue_dma source(%dma_start3A_443 : memref<128x128xf32, #tpu.memory_space<vmem>>) target(%dma_start3A_439 : memref<128x128xf32, #tpu.memory_space<vmem_shared>>) target_semaphore(%run_scoped3A_431 : memref<!tpu.dma_semaphore, #tpu.memory_space<semaphore_mem>>)
      %dma_wait3A = arith.constant 0 : i32
      %dma_wait3A_444 = arith.constant 0 : i32
      %dma_wait3A_445 = tpu.memref_slice %arg8[%run_scoped3A, %dma_wait3A, %dma_wait3A_444] : memref<2x128x128xf32, #tpu.memory_space<vmem>> -> memref<1x128x128xf32, #tpu.memory_space<vmem>>
      %dma_wait3A_446 = tpu.memref_squeeze %dma_wait3A_445 : memref<1x128x128xf32, #tpu.memory_space<vmem>> -> memref<128x128xf32, #tpu.memory_space<vmem>>
      %dma_wait3A_447 = arith.constant 0 : i32
      %dma_wait3A_448 = tpu.memref_slice %arg9[%add3A_12, %dma_wait3A_447] : memref<10240x128xf32, #tpu.memory_space<vmem_shared>> -> memref<128x128xf32, #tpu.memory_space<vmem_shared>>
      %dma_wait3A_449 = arith.constant 0 : i32
      %dma_wait3A_450 = tpu.memref_slice %arg9[%add3A_12, %dma_wait3A_449] : memref<10240x128xf32, #tpu.memory_space<vmem_shared>> -> memref<128x128xf32, #tpu.memory_space<vmem_shared>>
      %dma_wait3A_451 = arith.constant 0 : i32
      %dma_wait3A_452 = arith.constant 0 : i32
      %dma_wait3A_453 = tpu.memref_slice %arg8[%run_scoped3A, %dma_wait3A_451, %dma_wait3A_452] : memref<2x128x128xf32, #tpu.memory_space<vmem>> -> memref<1x128x128xf32, #tpu.memory_space<vmem>>
      %dma_wait3A_454 = tpu.memref_squeeze %dma_wait3A_453 : memref<1x128x128xf32, #tpu.memory_space<vmem>> -> memref<128x128xf32, #tpu.memory_space<vmem>>
      tpu.wait_dma2 semaphore(%run_scoped3A_431 : memref<!tpu.dma_semaphore, #tpu.memory_space<semaphore_mem>>) src(%dma_wait3A_454 : memref<128x128xf32, #tpu.memory_space<vmem>>) dst(%dma_wait3A_450 : memref<128x128xf32, #tpu.memory_space<vmem_shared>>)
      tpu.yield
    }) : () -> ()
    %mul3A_13 = arith.constant 640 : i32
    %mul3A_14 = arith.muli %arg1, %mul3A_13 : i32
    %add3A_15 = arith.constant 128 : i32
    %add3A_16 = arith.addi %mul3A_14, %add3A_15 : i32
    %run_scoped3A_17 = arith.constant 0 : i32
    "tpu.region"() ({
      %run_scoped3A_431 = tpu.sem_alloc : memref<!tpu.dma_semaphore, #tpu.memory_space<semaphore_mem>>
      %dma_start3A_432 = arith.constant 0 : i32
      %dma_start3A_433 = arith.constant 0 : i32
      %dma_start3A_434 = tpu.memref_slice %arg8[%run_scoped3A_17, %dma_start3A_432, %dma_start3A_433] : memref<2x128x128xf32, #tpu.memory_space<vmem>> -> memref<1x128x128xf32, #tpu.memory_space<vmem>>
      %dma_start3A_435 = tpu.memref_squeeze %dma_start3A_434 : memref<1x128x128xf32, #tpu.memory_space<vmem>> -> memref<128x128xf32, #tpu.memory_space<vmem>>
      %dma_start3A_436 = arith.constant 0 : i32
      %dma_start3A_437 = tpu.memref_slice %arg9[%add3A_16, %dma_start3A_436] : memref<10240x128xf32, #tpu.memory_space<vmem_shared>> -> memref<128x128xf32, #tpu.memory_space<vmem_shared>>
      %dma_start3A_438 = arith.constant 0 : i32
      %dma_start3A_439 = tpu.memref_slice %arg9[%add3A_16, %dma_start3A_438] : memref<10240x128xf32, #tpu.memory_space<vmem_shared>> -> memref<128x128xf32, #tpu.memory_space<vmem_shared>>
      %dma_start3A_440 = arith.constant 0 : i32
      %dma_start3A_441 = arith.constant 0 : i32
      %dma_start3A_442 = tpu.memref_slice %arg8[%run_scoped3A_17, %dma_start3A_440, %dma_start3A_441] : memref<2x128x128xf32, #tpu.memory_space<vmem>> -> memref<1x128x128xf32, #tpu.memory_space<vmem>>
      %dma_start3A_443 = tpu.memref_squeeze %dma_start3A_442 : memref<1x128x128xf32, #tpu.memory_space<vmem>> -> memref<128x128xf32, #tpu.memory_space<vmem>>
      tpu.enqueue_dma source(%dma_start3A_443 : memref<128x128xf32, #tpu.memory_space<vmem>>) target(%dma_start3A_439 : memref<128x128xf32, #tpu.memory_space<vmem_shared>>) target_semaphore(%run_scoped3A_431 : memref<!tpu.dma_semaphore, #tpu.memory_space<semaphore_mem>>)
      %dma_wait3A = arith.constant 0 : i32
      %dma_wait3A_444 = arith.constant 0 : i32
      %dma_wait3A_445 = tpu.memref_slice %arg8[%run_scoped3A_17, %dma_wait3A, %dma_wait3A_444] : memref<2x128x128xf32, #tpu.memory_space<vmem>> -> memref<1x128x128xf32, #tpu.memory_space<vmem>>
      %dma_wait3A_446 = tpu.memref_squeeze %dma_wait3A_445 : memref<1x128x128xf32, #tpu.memory_space<vmem>> -> memref<128x128xf32, #tpu.memory_space<vmem>>
      %dma_wait3A_447 = arith.constant 0 : i32
      %dma_wait3A_448 = tpu.memref_slice %arg9[%add3A_16, %dma_wait3A_447] : memref<10240x128xf32, #tpu.memory_space<vmem_shared>> -> memref<128x128xf32, #tpu.memory_space<vmem_shared>>
      %dma_wait3A_449 = arith.constant 0 : i32
      %dma_wait3A_450 = tpu.memref_slice %arg9[%add3A_16, %dma_wait3A_449] : memref<10240x128xf32, #tpu.memory_space<vmem_shared>> -> memref<128x128xf32, #tpu.memory_space<vmem_shared>>
      %dma_wait3A_451 = arith.constant 0 : i32
      %dma_wait3A_452 = arith.constant 0 : i32
      %dma_wait3A_453 = tpu.memref_slice %arg8[%run_scoped3A_17, %dma_wait3A_451, %dma_wait3A_452] : memref<2x128x128xf32, #tpu.memory_space<vmem>> -> memref<1x128x128xf32, #tpu.memory_space<vmem>>
      %dma_wait3A_454 = tpu.memref_squeeze %dma_wait3A_453 : memref<1x128x128xf32, #tpu.memory_space<vmem>> -> memref<128x128xf32, #tpu.memory_space<vmem>>
      tpu.wait_dma2 semaphore(%run_scoped3A_431 : memref<!tpu.dma_semaphore, #tpu.memory_space<semaphore_mem>>) src(%dma_wait3A_454 : memref<128x128xf32, #tpu.memory_space<vmem>>) dst(%dma_wait3A_450 : memref<128x128xf32, #tpu.memory_space<vmem_shared>>)
      tpu.yield
    }) : () -> ()
    %mul3A_18 = arith.constant 640 : i32
    %mul3A_19 = arith.muli %arg1, %mul3A_18 : i32
    %add3A_20 = arith.constant 256 : i32
    %add3A_21 = arith.addi %mul3A_19, %add3A_20 : i32
    %run_scoped3A_22 = arith.constant 0 : i32
    "tpu.region"() ({
      %run_scoped3A_431 = tpu.sem_alloc : memref<!tpu.dma_semaphore, #tpu.memory_space<semaphore_mem>>
      %dma_start3A_432 = arith.constant 0 : i32
      %dma_start3A_433 = arith.constant 0 : i32
      %dma_start3A_434 = tpu.memref_slice %arg8[%run_scoped3A_22, %dma_start3A_432, %dma_start3A_433] : memref<2x128x128xf32, #tpu.memory_space<vmem>> -> memref<1x128x128xf32, #tpu.memory_space<vmem>>
      %dma_start3A_435 = tpu.memref_squeeze %dma_start3A_434 : memref<1x128x128xf32, #tpu.memory_space<vmem>> -> memref<128x128xf32, #tpu.memory_space<vmem>>
      %dma_start3A_436 = arith.constant 0 : i32
      %dma_start3A_437 = tpu.memref_slice %arg9[%add3A_21, %dma_start3A_436] : memref<10240x128xf32, #tpu.memory_space<vmem_shared>> -> memref<128x128xf32, #tpu.memory_space<vmem_shared>>
      %dma_start3A_438 = arith.constant 0 : i32
      %dma_start3A_439 = tpu.memref_slice %arg9[%add3A_21, %dma_start3A_438] : memref<10240x128xf32, #tpu.memory_space<vmem_shared>> -> memref<128x128xf32, #tpu.memory_space<vmem_shared>>
      %dma_start3A_440 = arith.constant 0 : i32
      %dma_start3A_441 = arith.constant 0 : i32
      %dma_start3A_442 = tpu.memref_slice %arg8[%run_scoped3A_22, %dma_start3A_440, %dma_start3A_441] : memref<2x128x128xf32, #tpu.memory_space<vmem>> -> memref<1x128x128xf32, #tpu.memory_space<vmem>>
      %dma_start3A_443 = tpu.memref_squeeze %dma_start3A_442 : memref<1x128x128xf32, #tpu.memory_space<vmem>> -> memref<128x128xf32, #tpu.memory_space<vmem>>
      tpu.enqueue_dma source(%dma_start3A_443 : memref<128x128xf32, #tpu.memory_space<vmem>>) target(%dma_start3A_439 : memref<128x128xf32, #tpu.memory_space<vmem_shared>>) target_semaphore(%run_scoped3A_431 : memref<!tpu.dma_semaphore, #tpu.memory_space<semaphore_mem>>)
      %dma_wait3A = arith.constant 0 : i32
      %dma_wait3A_444 = arith.constant 0 : i32
      %dma_wait3A_445 = tpu.memref_slice %arg8[%run_scoped3A_22, %dma_wait3A, %dma_wait3A_444] : memref<2x128x128xf32, #tpu.memory_space<vmem>> -> memref<1x128x128xf32, #tpu.memory_space<vmem>>
      %dma_wait3A_446 = tpu.memref_squeeze %dma_wait3A_445 : memref<1x128x128xf32, #tpu.memory_space<vmem>> -> memref<128x128xf32, #tpu.memory_space<vmem>>
      %dma_wait3A_447 = arith.constant 0 : i32
      %dma_wait3A_448 = tpu.memref_slice %arg9[%add3A_21, %dma_wait3A_447] : memref<10240x128xf32, #tpu.memory_space<vmem_shared>> -> memref<128x128xf32, #tpu.memory_space<vmem_shared>>
      %dma_wait3A_449 = arith.constant 0 : i32
      %dma_wait3A_450 = tpu.memref_slice %arg9[%add3A_21, %dma_wait3A_449] : memref<10240x128xf32, #tpu.memory_space<vmem_shared>> -> memref<128x128xf32, #tpu.memory_space<vmem_shared>>
      %dma_wait3A_451 = arith.constant 0 : i32
      %dma_wait3A_452 = arith.constant 0 : i32
      %dma_wait3A_453 = tpu.memref_slice %arg8[%run_scoped3A_22, %dma_wait3A_451, %dma_wait3A_452] : memref<2x128x128xf32, #tpu.memory_space<vmem>> -> memref<1x128x128xf32, #tpu.memory_space<vmem>>
      %dma_wait3A_454 = tpu.memref_squeeze %dma_wait3A_453 : memref<1x128x128xf32, #tpu.memory_space<vmem>> -> memref<128x128xf32, #tpu.memory_space<vmem>>
      tpu.wait_dma2 semaphore(%run_scoped3A_431 : memref<!tpu.dma_semaphore, #tpu.memory_space<semaphore_mem>>) src(%dma_wait3A_454 : memref<128x128xf32, #tpu.memory_space<vmem>>) dst(%dma_wait3A_450 : memref<128x128xf32, #tpu.memory_space<vmem_shared>>)
      tpu.yield
    }) : () -> ()
    %mul3A_23 = arith.constant 640 : i32
    %mul3A_24 = arith.muli %arg1, %mul3A_23 : i32
    %add3A_25 = arith.constant 384 : i32
    %add3A_26 = arith.addi %mul3A_24, %add3A_25 : i32
    %run_scoped3A_27 = arith.constant 0 : i32
    "tpu.region"() ({
      %run_scoped3A_431 = tpu.sem_alloc : memref<!tpu.dma_semaphore, #tpu.memory_space<semaphore_mem>>
      %dma_start3A_432 = arith.constant 0 : i32
      %dma_start3A_433 = arith.constant 0 : i32
      %dma_start3A_434 = tpu.memref_slice %arg8[%run_scoped3A_27, %dma_start3A_432, %dma_start3A_433] : memref<2x128x128xf32, #tpu.memory_space<vmem>> -> memref<1x128x128xf32, #tpu.memory_space<vmem>>
      %dma_start3A_435 = tpu.memref_squeeze %dma_start3A_434 : memref<1x128x128xf32, #tpu.memory_space<vmem>> -> memref<128x128xf32, #tpu.memory_space<vmem>>
      %dma_start3A_436 = arith.constant 0 : i32
      %dma_start3A_437 = tpu.memref_slice %arg9[%add3A_26, %dma_start3A_436] : memref<10240x128xf32, #tpu.memory_space<vmem_shared>> -> memref<128x128xf32, #tpu.memory_space<vmem_shared>>
      %dma_start3A_438 = arith.constant 0 : i32
      %dma_start3A_439 = tpu.memref_slice %arg9[%add3A_26, %dma_start3A_438] : memref<10240x128xf32, #tpu.memory_space<vmem_shared>> -> memref<128x128xf32, #tpu.memory_space<vmem_shared>>
      %dma_start3A_440 = arith.constant 0 : i32
      %dma_start3A_441 = arith.constant 0 : i32
      %dma_start3A_442 = tpu.memref_slice %arg8[%run_scoped3A_27, %dma_start3A_440, %dma_start3A_441] : memref<2x128x128xf32, #tpu.memory_space<vmem>> -> memref<1x128x128xf32, #tpu.memory_space<vmem>>
      %dma_start3A_443 = tpu.memref_squeeze %dma_start3A_442 : memref<1x128x128xf32, #tpu.memory_space<vmem>> -> memref<128x128xf32, #tpu.memory_space<vmem>>
      tpu.enqueue_dma source(%dma_start3A_443 : memref<128x128xf32, #tpu.memory_space<vmem>>) target(%dma_start3A_439 : memref<128x128xf32, #tpu.memory_space<vmem_shared>>) target_semaphore(%run_scoped3A_431 : memref<!tpu.dma_semaphore, #tpu.memory_space<semaphore_mem>>)
      %dma_wait3A = arith.constant 0 : i32
      %dma_wait3A_444 = arith.constant 0 : i32
      %dma_wait3A_445 = tpu.memref_slice %arg8[%run_scoped3A_27, %dma_wait3A, %dma_wait3A_444] : memref<2x128x128xf32, #tpu.memory_space<vmem>> -> memref<1x128x128xf32, #tpu.memory_space<vmem>>
      %dma_wait3A_446 = tpu.memref_squeeze %dma_wait3A_445 : memref<1x128x128xf32, #tpu.memory_space<vmem>> -> memref<128x128xf32, #tpu.memory_space<vmem>>
      %dma_wait3A_447 = arith.constant 0 : i32
      %dma_wait3A_448 = tpu.memref_slice %arg9[%add3A_26, %dma_wait3A_447] : memref<10240x128xf32, #tpu.memory_space<vmem_shared>> -> memref<128x128xf32, #tpu.memory_space<vmem_shared>>
      %dma_wait3A_449 = arith.constant 0 : i32
      %dma_wait3A_450 = tpu.memref_slice %arg9[%add3A_26, %dma_wait3A_449] : memref<10240x128xf32, #tpu.memory_space<vmem_shared>> -> memref<128x128xf32, #tpu.memory_space<vmem_shared>>
      %dma_wait3A_451 = arith.constant 0 : i32
      %dma_wait3A_452 = arith.constant 0 : i32
      %dma_wait3A_453 = tpu.memref_slice %arg8[%run_scoped3A_27, %dma_wait3A_451, %dma_wait3A_452] : memref<2x128x128xf32, #tpu.memory_space<vmem>> -> memref<1x128x128xf32, #tpu.memory_space<vmem>>
      %dma_wait3A_454 = tpu.memref_squeeze %dma_wait3A_453 : memref<1x128x128xf32, #tpu.memory_space<vmem>> -> memref<128x128xf32, #tpu.memory_space<vmem>>
      tpu.wait_dma2 semaphore(%run_scoped3A_431 : memref<!tpu.dma_semaphore, #tpu.memory_space<semaphore_mem>>) src(%dma_wait3A_454 : memref<128x128xf32, #tpu.memory_space<vmem>>) dst(%dma_wait3A_450 : memref<128x128xf32, #tpu.memory_space<vmem_shared>>)
      tpu.yield
    }) : () -> ()
    %mul3A_28 = arith.constant 640 : i32
    %mul3A_29 = arith.muli %arg1, %mul3A_28 : i32
    %add3A_30 = arith.constant 512 : i32
    %add3A_31 = arith.addi %mul3A_29, %add3A_30 : i32
    %run_scoped3A_32 = arith.constant 0 : i32
    "tpu.region"() ({
      %run_scoped3A_431 = tpu.sem_alloc : memref<!tpu.dma_semaphore, #tpu.memory_space<semaphore_mem>>
      %dma_start3A_432 = arith.constant 0 : i32
      %dma_start3A_433 = arith.constant 0 : i32
      %dma_start3A_434 = tpu.memref_slice %arg8[%run_scoped3A_32, %dma_start3A_432, %dma_start3A_433] : memref<2x128x128xf32, #tpu.memory_space<vmem>> -> memref<1x128x128xf32, #tpu.memory_space<vmem>>
      %dma_start3A_435 = tpu.memref_squeeze %dma_start3A_434 : memref<1x128x128xf32, #tpu.memory_space<vmem>> -> memref<128x128xf32, #tpu.memory_space<vmem>>
      %dma_start3A_436 = arith.constant 0 : i32
      %dma_start3A_437 = tpu.memref_slice %arg9[%add3A_31, %dma_start3A_436] : memref<10240x128xf32, #tpu.memory_space<vmem_shared>> -> memref<128x128xf32, #tpu.memory_space<vmem_shared>>
      %dma_start3A_438 = arith.constant 0 : i32
      %dma_start3A_439 = tpu.memref_slice %arg9[%add3A_31, %dma_start3A_438] : memref<10240x128xf32, #tpu.memory_space<vmem_shared>> -> memref<128x128xf32, #tpu.memory_space<vmem_shared>>
      %dma_start3A_440 = arith.constant 0 : i32
      %dma_start3A_441 = arith.constant 0 : i32
      %dma_start3A_442 = tpu.memref_slice %arg8[%run_scoped3A_32, %dma_start3A_440, %dma_start3A_441] : memref<2x128x128xf32, #tpu.memory_space<vmem>> -> memref<1x128x128xf32, #tpu.memory_space<vmem>>
      %dma_start3A_443 = tpu.memref_squeeze %dma_start3A_442 : memref<1x128x128xf32, #tpu.memory_space<vmem>> -> memref<128x128xf32, #tpu.memory_space<vmem>>
      tpu.enqueue_dma source(%dma_start3A_443 : memref<128x128xf32, #tpu.memory_space<vmem>>) target(%dma_start3A_439 : memref<128x128xf32, #tpu.memory_space<vmem_shared>>) target_semaphore(%run_scoped3A_431 : memref<!tpu.dma_semaphore, #tpu.memory_space<semaphore_mem>>)
      %dma_wait3A = arith.constant 0 : i32
      %dma_wait3A_444 = arith.constant 0 : i32
      %dma_wait3A_445 = tpu.memref_slice %arg8[%run_scoped3A_32, %dma_wait3A, %dma_wait3A_444] : memref<2x128x128xf32, #tpu.memory_space<vmem>> -> memref<1x128x128xf32, #tpu.memory_space<vmem>>
      %dma_wait3A_446 = tpu.memref_squeeze %dma_wait3A_445 : memref<1x128x128xf32, #tpu.memory_space<vmem>> -> memref<128x128xf32, #tpu.memory_space<vmem>>
      %dma_wait3A_447 = arith.constant 0 : i32
      %dma_wait3A_448 = tpu.memref_slice %arg9[%add3A_31, %dma_wait3A_447] : memref<10240x128xf32, #tpu.memory_space<vmem_shared>> -> memref<128x128xf32, #tpu.memory_space<vmem_shared>>
      %dma_wait3A_449 = arith.constant 0 : i32
      %dma_wait3A_450 = tpu.memref_slice %arg9[%add3A_31, %dma_wait3A_449] : memref<10240x128xf32, #tpu.memory_space<vmem_shared>> -> memref<128x128xf32, #tpu.memory_space<vmem_shared>>
      %dma_wait3A_451 = arith.constant 0 : i32
      %dma_wait3A_452 = arith.constant 0 : i32
      %dma_wait3A_453 = tpu.memref_slice %arg8[%run_scoped3A_32, %dma_wait3A_451, %dma_wait3A_452] : memref<2x128x128xf32, #tpu.memory_space<vmem>> -> memref<1x128x128xf32, #tpu.memory_space<vmem>>
      %dma_wait3A_454 = tpu.memref_squeeze %dma_wait3A_453 : memref<1x128x128xf32, #tpu.memory_space<vmem>> -> memref<128x128xf32, #tpu.memory_space<vmem>>
      tpu.wait_dma2 semaphore(%run_scoped3A_431 : memref<!tpu.dma_semaphore, #tpu.memory_space<semaphore_mem>>) src(%dma_wait3A_454 : memref<128x128xf32, #tpu.memory_space<vmem>>) dst(%dma_wait3A_450 : memref<128x128xf32, #tpu.memory_space<vmem_shared>>)
      tpu.yield
    }) : () -> ()
    %barrier3A = arith.constant 0 : index
    tpu.barrier barrier_id(%barrier3A)
    %get3A = arith.constant 0 : i32
    %get3A_33 = arith.index_cast %get3A : i32 to index
    %get3A_34 = arith.constant 0 : index
    %get3A_35 = tpu.vector_load %arg5[%get3A_33, %get3A_34] {strides = array<i32>} : memref<80x128xi32, #tpu.memory_space<vmem>>, vector<1x16xi32>,
    %get3A_36 = vector.shape_cast %get3A_35 : vector<1x16xi32> to vector<16xi32>
    %and3A = arith.constant 16383 : i32
    %and3A_37 = vector.broadcast %and3A : i32 to vector<16xi32>
    %and3A_38 = arith.andi %get3A_36, %and3A_37 : vector<16xi32>
    %swap3A = arith.constant 0 : i32
    %swap3A_39 = arith.index_cast %swap3A : i32 to index
    %swap3A_40 = arith.constant 0 : index
    %swap3A_41 = tpu.vector_load %arg6[%swap3A_39, %swap3A_40] {strides = array<i32>} : memref<2x128xi32, #tpu.memory_space<vmem>>, vector<1x16xi32>,
    %swap3A_42 = vector.shape_cast %swap3A_41 : vector<1x16xi32> to vector<16xi32>
    %swap3A_43 = vector.shape_cast %and3A_38 : vector<16xi32> to vector<1x16xi32>
    tpu.vector_store %arg6[%swap3A_39, %swap3A_40], %swap3A_43 {strides = array<i32>} : memref<2x128xi32, #tpu.memory_space<vmem>>, vector<1x16xi32>,
    %shift_right_logical3A = arith.constant 14 : i32
    %shift_right_logical3A_44 = vector.broadcast %shift_right_logical3A : i32 to vector<16xi32>
    %shift_right_logical3A_45 = arith.shrui %get3A_36, %shift_right_logical3A_44 : vector<16xi32>
    %swap3A_46 = arith.constant 0 : i32
    %swap3A_47 = arith.index_cast %swap3A_46 : i32 to index
    %swap3A_48 = arith.constant 0 : index
    %swap3A_49 = tpu.vector_load %arg7[%swap3A_47, %swap3A_48] {strides = array<i32>} : memref<2x128xi32, #tpu.memory_space<vmem>>, vector<1x16xi32>,
    %swap3A_50 = vector.shape_cast %swap3A_49 : vector<1x16xi32> to vector<16xi32>
    %swap3A_51 = vector.shape_cast %shift_right_logical3A_45 : vector<16xi32> to vector<1x16xi32>
    tpu.vector_store %arg7[%swap3A_47, %swap3A_48], %swap3A_51 {strides = array<i32>} : memref<2x128xi32, #tpu.memory_space<vmem>>, vector<1x16xi32>,
    %get3A_52 = arith.constant 0 : i32
    %get3A_53 = arith.index_cast %get3A_52 : i32 to index
    %get3A_54 = arith.constant 16 : index
    %get3A_55 = tpu.vector_load %arg5[%get3A_53, %get3A_54] {strides = array<i32>} : memref<80x128xi32, #tpu.memory_space<vmem>>, vector<1x16xi32>,
    %get3A_56 = vector.shape_cast %get3A_55 : vector<1x16xi32> to vector<16xi32>
    %and3A_57 = arith.constant 16383 : i32
    %and3A_58 = vector.broadcast %and3A_57 : i32 to vector<16xi32>
    %and3A_59 = arith.andi %get3A_56, %and3A_58 : vector<16xi32>
    %swap3A_60 = arith.constant 0 : i32
    %swap3A_61 = arith.index_cast %swap3A_60 : i32 to index
    %swap3A_62 = arith.constant 16 : index
    %swap3A_63 = tpu.vector_load %arg6[%swap3A_61, %swap3A_62] {strides = array<i32>} : memref<2x128xi32, #tpu.memory_space<vmem>>, vector<1x16xi32>,
    %swap3A_64 = vector.shape_cast %swap3A_63 : vector<1x16xi32> to vector<16xi32>
    %swap3A_65 = vector.shape_cast %and3A_59 : vector<16xi32> to vector<1x16xi32>
    tpu.vector_store %arg6[%swap3A_61, %swap3A_62], %swap3A_65 {strides = array<i32>} : memref<2x128xi32, #tpu.memory_space<vmem>>, vector<1x16xi32>,
    %shift_right_logical3A_66 = arith.constant 14 : i32
    %shift_right_logical3A_67 = vector.broadcast %shift_right_logical3A_66 : i32 to vector<16xi32>
    %shift_right_logical3A_68 = arith.shrui %get3A_56, %shift_right_logical3A_67 : vector<16xi32>
    %swap3A_69 = arith.constant 0 : i32
    %swap3A_70 = arith.index_cast %swap3A_69 : i32 to index
    %swap3A_71 = arith.constant 16 : index
    %swap3A_72 = tpu.vector_load %arg7[%swap3A_70, %swap3A_71] {strides = array<i32>} : memref<2x128xi32, #tpu.memory_space<vmem>>, vector<1x16xi32>,
    %swap3A_73 = vector.shape_cast %swap3A_72 : vector<1x16xi32> to vector<16xi32>
    %swap3A_74 = vector.shape_cast %shift_right_logical3A_68 : vector<16xi32> to vector<1x16xi32>
    tpu.vector_store %arg7[%swap3A_70, %swap3A_71], %swap3A_74 {strides = array<i32>} : memref<2x128xi32, #tpu.memory_space<vmem>>, vector<1x16xi32>,
    %get3A_75 = arith.constant 0 : i32
    %get3A_76 = arith.index_cast %get3A_75 : i32 to index
    %get3A_77 = arith.constant 32 : index
    %get3A_78 = tpu.vector_load %arg5[%get3A_76, %get3A_77] {strides = array<i32>} : memref<80x128xi32, #tpu.memory_space<vmem>>, vector<1x16xi32>,
    %get3A_79 = vector.shape_cast %get3A_78 : vector<1x16xi32> to vector<16xi32>
    %and3A_80 = arith.constant 16383 : i32
    %and3A_81 = vector.broadcast %and3A_80 : i32 to vector<16xi32>
    %and3A_82 = arith.andi %get3A_79, %and3A_81 : vector<16xi32>
    %swap3A_83 = arith.constant 0 : i32
    %swap3A_84 = arith.index_cast %swap3A_83 : i32 to index
    %swap3A_85 = arith.constant 32 : index
    %swap3A_86 = tpu.vector_load %arg6[%swap3A_84, %swap3A_85] {strides = array<i32>} : memref<2x128xi32, #tpu.memory_space<vmem>>, vector<1x16xi32>,
    %swap3A_87 = vector.shape_cast %swap3A_86 : vector<1x16xi32> to vector<16xi32>
    %swap3A_88 = vector.shape_cast %and3A_82 : vector<16xi32> to vector<1x16xi32>
    tpu.vector_store %arg6[%swap3A_84, %swap3A_85], %swap3A_88 {strides = array<i32>} : memref<2x128xi32, #tpu.memory_space<vmem>>, vector<1x16xi32>,
    %shift_right_logical3A_89 = arith.constant 14 : i32
    %shift_right_logical3A_90 = vector.broadcast %shift_right_logical3A_89 : i32 to vector<16xi32>
    %shift_right_logical3A_91 = arith.shrui %get3A_79, %shift_right_logical3A_90 : vector<16xi32>
    %swap3A_92 = arith.constant 0 : i32
    %swap3A_93 = arith.index_cast %swap3A_92 : i32 to index
    %swap3A_94 = arith.constant 32 : index
    %swap3A_95 = tpu.vector_load %arg7[%swap3A_93, %swap3A_94] {strides = array<i32>} : memref<2x128xi32, #tpu.memory_space<vmem>>, vector<1x16xi32>,
    %swap3A_96 = vector.shape_cast %swap3A_95 : vector<1x16xi32> to vector<16xi32>
    %swap3A_97 = vector.shape_cast %shift_right_logical3A_91 : vector<16xi32> to vector<1x16xi32>
    tpu.vector_store %arg7[%swap3A_93, %swap3A_94], %swap3A_97 {strides = array<i32>} : memref<2x128xi32, #tpu.memory_space<vmem>>, vector<1x16xi32>,
    %get3A_98 = arith.constant 0 : i32
    %get3A_99 = arith.index_cast %get3A_98 : i32 to index
    %get3A_100 = arith.constant 48 : index
    %get3A_101 = tpu.vector_load %arg5[%get3A_99, %get3A_100] {strides = array<i32>} : memref<80x128xi32, #tpu.memory_space<vmem>>, vector<1x16xi32>,
    %get3A_102 = vector.shape_cast %get3A_101 : vector<1x16xi32> to vector<16xi32>
    %and3A_103 = arith.constant 16383 : i32
    %and3A_104 = vector.broadcast %and3A_103 : i32 to vector<16xi32>
    %and3A_105 = arith.andi %get3A_102, %and3A_104 : vector<16xi32>
    %swap3A_106 = arith.constant 0 : i32
    %swap3A_107 = arith.index_cast %swap3A_106 : i32 to index
    %swap3A_108 = arith.constant 48 : index
    %swap3A_109 = tpu.vector_load %arg6[%swap3A_107, %swap3A_108] {strides = array<i32>} : memref<2x128xi32, #tpu.memory_space<vmem>>, vector<1x16xi32>,
    %swap3A_110 = vector.shape_cast %swap3A_109 : vector<1x16xi32> to vector<16xi32>
    %swap3A_111 = vector.shape_cast %and3A_105 : vector<16xi32> to vector<1x16xi32>
    tpu.vector_store %arg6[%swap3A_107, %swap3A_108], %swap3A_111 {strides = array<i32>} : memref<2x128xi32, #tpu.memory_space<vmem>>, vector<1x16xi32>,
    %shift_right_logical3A_112 = arith.constant 14 : i32
    %shift_right_logical3A_113 = vector.broadcast %shift_right_logical3A_112 : i32 to vector<16xi32>
    %shift_right_logical3A_114 = arith.shrui %get3A_102, %shift_right_logical3A_113 : vector<16xi32>
    %swap3A_115 = arith.constant 0 : i32
    %swap3A_116 = arith.index_cast %swap3A_115 : i32 to index
    %swap3A_117 = arith.constant 48 : index
    %swap3A_118 = tpu.vector_load %arg7[%swap3A_116, %swap3A_117] {strides = array<i32>} : memref<2x128xi32, #tpu.memory_space<vmem>>, vector<1x16xi32>,
    %swap3A_119 = vector.shape_cast %swap3A_118 : vector<1x16xi32> to vector<16xi32>
    %swap3A_120 = vector.shape_cast %shift_right_logical3A_114 : vector<16xi32> to vector<1x16xi32>
    tpu.vector_store %arg7[%swap3A_116, %swap3A_117], %swap3A_120 {strides = array<i32>} : memref<2x128xi32, #tpu.memory_space<vmem>>, vector<1x16xi32>,
    %get3A_121 = arith.constant 0 : i32
    %get3A_122 = arith.index_cast %get3A_121 : i32 to index
    %get3A_123 = arith.constant 64 : index
    %get3A_124 = tpu.vector_load %arg5[%get3A_122, %get3A_123] {strides = array<i32>} : memref<80x128xi32, #tpu.memory_space<vmem>>, vector<1x16xi32>,
    %get3A_125 = vector.shape_cast %get3A_124 : vector<1x16xi32> to vector<16xi32>
    %and3A_126 = arith.constant 16383 : i32
    %and3A_127 = vector.broadcast %and3A_126 : i32 to vector<16xi32>
    %and3A_128 = arith.andi %get3A_125, %and3A_127 : vector<16xi32>
    %swap3A_129 = arith.constant 0 : i32
    %swap3A_130 = arith.index_cast %swap3A_129 : i32 to index
    %swap3A_131 = arith.constant 64 : index
    %swap3A_132 = tpu.vector_load %arg6[%swap3A_130, %swap3A_131] {strides = array<i32>} : memref<2x128xi32, #tpu.memory_space<vmem>>, vector<1x16xi32>,
    %swap3A_133 = vector.shape_cast %swap3A_132 : vector<1x16xi32> to vector<16xi32>
    %swap3A_134 = vector.shape_cast %and3A_128 : vector<16xi32> to vector<1x16xi32>
    tpu.vector_store %arg6[%swap3A_130, %swap3A_131], %swap3A_134 {strides = array<i32>} : memref<2x128xi32, #tpu.memory_space<vmem>>, vector<1x16xi32>,
    %shift_right_logical3A_135 = arith.constant 14 : i32
    %shift_right_logical3A_136 = vector.broadcast %shift_right_logical3A_135 : i32 to vector<16xi32>
    %shift_right_logical3A_137 = arith.shrui %get3A_125, %shift_right_logical3A_136 : vector<16xi32>
    %swap3A_138 = arith.constant 0 : i32
    %swap3A_139 = arith.index_cast %swap3A_138 : i32 to index
    %swap3A_140 = arith.constant 64 : index
    %swap3A_141 = tpu.vector_load %arg7[%swap3A_139, %swap3A_140] {strides = array<i32>} : memref<2x128xi32, #tpu.memory_space<vmem>>, vector<1x16xi32>,
    %swap3A_142 = vector.shape_cast %swap3A_141 : vector<1x16xi32> to vector<16xi32>
    %swap3A_143 = vector.shape_cast %shift_right_logical3A_137 : vector<16xi32> to vector<1x16xi32>
    tpu.vector_store %arg7[%swap3A_139, %swap3A_140], %swap3A_143 {strides = array<i32>} : memref<2x128xi32, #tpu.memory_space<vmem>>, vector<1x16xi32>,
    %get3A_144 = arith.constant 0 : i32
    %get3A_145 = arith.index_cast %get3A_144 : i32 to index
    %get3A_146 = arith.constant 80 : index
    %get3A_147 = tpu.vector_load %arg5[%get3A_145, %get3A_146] {strides = array<i32>} : memref<80x128xi32, #tpu.memory_space<vmem>>, vector<1x16xi32>,
    %get3A_148 = vector.shape_cast %get3A_147 : vector<1x16xi32> to vector<16xi32>
    %and3A_149 = arith.constant 16383 : i32
    %and3A_150 = vector.broadcast %and3A_149 : i32 to vector<16xi32>
    %and3A_151 = arith.andi %get3A_148, %and3A_150 : vector<16xi32>
    %swap3A_152 = arith.constant 0 : i32
    %swap3A_153 = arith.index_cast %swap3A_152 : i32 to index
    %swap3A_154 = arith.constant 80 : index
    %swap3A_155 = tpu.vector_load %arg6[%swap3A_153, %swap3A_154] {strides = array<i32>} : memref<2x128xi32, #tpu.memory_space<vmem>>, vector<1x16xi32>,
    %swap3A_156 = vector.shape_cast %swap3A_155 : vector<1x16xi32> to vector<16xi32>
    %swap3A_157 = vector.shape_cast %and3A_151 : vector<16xi32> to vector<1x16xi32>
    tpu.vector_store %arg6[%swap3A_153, %swap3A_154], %swap3A_157 {strides = array<i32>} : memref<2x128xi32, #tpu.memory_space<vmem>>, vector<1x16xi32>,
    %shift_right_logical3A_158 = arith.constant 14 : i32
    %shift_right_logical3A_159 = vector.broadcast %shift_right_logical3A_158 : i32 to vector<16xi32>
    %shift_right_logical3A_160 = arith.shrui %get3A_148, %shift_right_logical3A_159 : vector<16xi32>
    %swap3A_161 = arith.constant 0 : i32
    %swap3A_162 = arith.index_cast %swap3A_161 : i32 to index
    %swap3A_163 = arith.constant 80 : index
    %swap3A_164 = tpu.vector_load %arg7[%swap3A_162, %swap3A_163] {strides = array<i32>} : memref<2x128xi32, #tpu.memory_space<vmem>>, vector<1x16xi32>,
    %swap3A_165 = vector.shape_cast %swap3A_164 : vector<1x16xi32> to vector<16xi32>
    %swap3A_166 = vector.shape_cast %shift_right_logical3A_160 : vector<16xi32> to vector<1x16xi32>
    tpu.vector_store %arg7[%swap3A_162, %swap3A_163], %swap3A_166 {strides = array<i32>} : memref<2x128xi32, #tpu.memory_space<vmem>>, vector<1x16xi32>,
    %get3A_167 = arith.constant 0 : i32
    %get3A_168 = arith.index_cast %get3A_167 : i32 to index
    %get3A_169 = arith.constant 96 : index
    %get3A_170 = tpu.vector_load %arg5[%get3A_168, %get3A_169] {strides = array<i32>} : memref<80x128xi32, #tpu.memory_space<vmem>>, vector<1x16xi32>,
    %get3A_171 = vector.shape_cast %get3A_170 : vector<1x16xi32> to vector<16xi32>
    %and3A_172 = arith.constant 16383 : i32
    %and3A_173 = vector.broadcast %and3A_172 : i32 to vector<16xi32>
    %and3A_174 = arith.andi %get3A_171, %and3A_173 : vector<16xi32>
    %swap3A_175 = arith.constant 0 : i32
    %swap3A_176 = arith.index_cast %swap3A_175 : i32 to index
    %swap3A_177 = arith.constant 96 : index
    %swap3A_178 = tpu.vector_load %arg6[%swap3A_176, %swap3A_177] {strides = array<i32>} : memref<2x128xi32, #tpu.memory_space<vmem>>, vector<1x16xi32>,
    %swap3A_179 = vector.shape_cast %swap3A_178 : vector<1x16xi32> to vector<16xi32>
    %swap3A_180 = vector.shape_cast %and3A_174 : vector<16xi32> to vector<1x16xi32>
    tpu.vector_store %arg6[%swap3A_176, %swap3A_177], %swap3A_180 {strides = array<i32>} : memref<2x128xi32, #tpu.memory_space<vmem>>, vector<1x16xi32>,
    %shift_right_logical3A_181 = arith.constant 14 : i32
    %shift_right_logical3A_182 = vector.broadcast %shift_right_logical3A_181 : i32 to vector<16xi32>
    %shift_right_logical3A_183 = arith.shrui %get3A_171, %shift_right_logical3A_182 : vector<16xi32>
    %swap3A_184 = arith.constant 0 : i32
    %swap3A_185 = arith.index_cast %swap3A_184 : i32 to index
    %swap3A_186 = arith.constant 96 : index
    %swap3A_187 = tpu.vector_load %arg7[%swap3A_185, %swap3A_186] {strides = array<i32>} : memref<2x128xi32, #tpu.memory_space<vmem>>, vector<1x16xi32>,
    %swap3A_188 = vector.shape_cast %swap3A_187 : vector<1x16xi32> to vector<16xi32>
    %swap3A_189 = vector.shape_cast %shift_right_logical3A_183 : vector<16xi32> to vector<1x16xi32>
    tpu.vector_store %arg7[%swap3A_185, %swap3A_186], %swap3A_189 {strides = array<i32>} : memref<2x128xi32, #tpu.memory_space<vmem>>, vector<1x16xi32>,
    %get3A_190 = arith.constant 0 : i32
    %get3A_191 = arith.index_cast %get3A_190 : i32 to index
    %get3A_192 = arith.constant 112 : index
    %get3A_193 = tpu.vector_load %arg5[%get3A_191, %get3A_192] {strides = array<i32>} : memref<80x128xi32, #tpu.memory_space<vmem>>, vector<1x16xi32>,
    %get3A_194 = vector.shape_cast %get3A_193 : vector<1x16xi32> to vector<16xi32>
    %and3A_195 = arith.constant 16383 : i32
    %and3A_196 = vector.broadcast %and3A_195 : i32 to vector<16xi32>
    %and3A_197 = arith.andi %get3A_194, %and3A_196 : vector<16xi32>
    %swap3A_198 = arith.constant 0 : i32
    %swap3A_199 = arith.index_cast %swap3A_198 : i32 to index
    %swap3A_200 = arith.constant 112 : index
    %swap3A_201 = tpu.vector_load %arg6[%swap3A_199, %swap3A_200] {strides = array<i32>} : memref<2x128xi32, #tpu.memory_space<vmem>>, vector<1x16xi32>,
    %swap3A_202 = vector.shape_cast %swap3A_201 : vector<1x16xi32> to vector<16xi32>
    %swap3A_203 = vector.shape_cast %and3A_197 : vector<16xi32> to vector<1x16xi32>
    tpu.vector_store %arg6[%swap3A_199, %swap3A_200], %swap3A_203 {strides = array<i32>} : memref<2x128xi32, #tpu.memory_space<vmem>>, vector<1x16xi32>,
    %shift_right_logical3A_204 = arith.constant 14 : i32
    %shift_right_logical3A_205 = vector.broadcast %shift_right_logical3A_204 : i32 to vector<16xi32>
    %shift_right_logical3A_206 = arith.shrui %get3A_194, %shift_right_logical3A_205 : vector<16xi32>
    %swap3A_207 = arith.constant 0 : i32
    %swap3A_208 = arith.index_cast %swap3A_207 : i32 to index
    %swap3A_209 = arith.constant 112 : index
    %swap3A_210 = tpu.vector_load %arg7[%swap3A_208, %swap3A_209] {strides = array<i32>} : memref<2x128xi32, #tpu.memory_space<vmem>>, vector<1x16xi32>,
    %swap3A_211 = vector.shape_cast %swap3A_210 : vector<1x16xi32> to vector<16xi32>
    %swap3A_212 = vector.shape_cast %shift_right_logical3A_206 : vector<16xi32> to vector<1x16xi32>
    tpu.vector_store %arg7[%swap3A_208, %swap3A_209], %swap3A_212 {strides = array<i32>} : memref<2x128xi32, #tpu.memory_space<vmem>>, vector<1x16xi32>,
    %dma_start3A = arith.constant 0 : i32
    %dma_start3A_213 = arith.constant 0 : i32
    %dma_start3A_214 = arith.constant 0 : i32
    %dma_start3A_215 = arith.constant 0 : i32
    %dma_start3A_216 = tpu.memref_slice %arg8[%dma_start3A_213, %dma_start3A_214, %dma_start3A_215] : memref<2x128x128xf32, #tpu.memory_space<vmem>> -> memref<1x128x128xf32, #tpu.memory_space<vmem>>
    %dma_start3A_217 = tpu.memref_squeeze %dma_start3A_216 : memref<1x128x128xf32, #tpu.memory_space<vmem>> -> memref<128x128xf32, #tpu.memory_space<vmem>>
    %dma_start3A_218 = arith.constant 0 : i32
    %dma_start3A_219 = tpu.memref_slice %arg6[%dma_start3A, %dma_start3A_218] : memref<2x128xi32, #tpu.memory_space<vmem>> -> memref<1x128xi32, #tpu.memory_space<vmem>>
    %dma_start3A_220 = tpu.memref_squeeze %dma_start3A_219 : memref<1x128xi32, #tpu.memory_space<vmem>> -> memref<128xi32, #tpu.memory_space<vmem>>
    %dma_start3A_221 = arith.constant 0 : i32
    %dma_start3A_222 = arith.constant 0 : i32
    %dma_start3A_223 = tpu.memref_slice %arg2[%dma_start3A_221, %dma_start3A_222] : memref<10000x128xf32, #tpu.memory_space<hbm>> -> memref<10000x128xf32, #tpu.memory_space<hbm>>
    tpu.enqueue_indirect_dma source(%dma_start3A_223 : memref<10000x128xf32, #tpu.memory_space<hbm>>) target(%dma_start3A_217 : memref<128x128xf32, #tpu.memory_space<vmem>>) offsets(%dma_start3A_220 : memref<128xi32, #tpu.memory_space<vmem>>) semaphore(%arg10 : memref<!tpu.dma_semaphore, #tpu.memory_space<semaphore_mem>>)
    %get3A_224 = arith.constant 1 : i32
    %get3A_225 = arith.index_cast %get3A_224 : i32 to index
    %get3A_226 = arith.constant 0 : index
    %get3A_227 = tpu.vector_load %arg5[%get3A_225, %get3A_226] {strides = array<i32>} : memref<80x128xi32, #tpu.memory_space<vmem>>, vector<1x16xi32>,
    %get3A_228 = vector.shape_cast %get3A_227 : vector<1x16xi32> to vector<16xi32>
    %and3A_229 = arith.constant 16383 : i32
    %and3A_230 = vector.broadcast %and3A_229 : i32 to vector<16xi32>
    %and3A_231 = arith.andi %get3A_228, %and3A_230 : vector<16xi32>
    %swap3A_232 = arith.constant 1 : i32
    %swap3A_233 = arith.index_cast %swap3A_232 : i32 to index
    %swap3A_234 = arith.constant 0 : index
    %swap3A_235 = tpu.vector_load %arg6[%swap3A_233, %swap3A_234] {strides = array<i32>} : memref<2x128xi32, #tpu.memory_space<vmem>>, vector<1x16xi32>,
    %swap3A_236 = vector.shape_cast %swap3A_235 : vector<1x16xi32> to vector<16xi32>
    %swap3A_237 = vector.shape_cast %and3A_231 : vector<16xi32> to vector<1x16xi32>
    tpu.vector_store %arg6[%swap3A_233, %swap3A_234], %swap3A_237 {strides = array<i32>} : memref<2x128xi32, #tpu.memory_space<vmem>>, vector<1x16xi32>,
    %shift_right_logical3A_238 = arith.constant 14 : i32
    %shift_right_logical3A_239 = vector.broadcast %shift_right_logical3A_238 : i32 to vector<16xi32>
    %shift_right_logical3A_240 = arith.shrui %get3A_228, %shift_right_logical3A_239 : vector<16xi32>
    %swap3A_241 = arith.constant 1 : i32
    %swap3A_242 = arith.index_cast %swap3A_241 : i32 to index
    %swap3A_243 = arith.constant 0 : index
    %swap3A_244 = tpu.vector_load %arg7[%swap3A_242, %swap3A_243] {strides = array<i32>} : memref<2x128xi32, #tpu.memory_space<vmem>>, vector<1x16xi32>,
    %swap3A_245 = vector.shape_cast %swap3A_244 : vector<1x16xi32> to vector<16xi32>
    %swap3A_246 = vector.shape_cast %shift_right_logical3A_240 : vector<16xi32> to vector<1x16xi32>
    tpu.vector_store %arg7[%swap3A_242, %swap3A_243], %swap3A_246 {strides = array<i32>} : memref<2x128xi32, #tpu.memory_space<vmem>>, vector<1x16xi32>,
    %get3A_247 = arith.constant 1 : i32
    %get3A_248 = arith.index_cast %get3A_247 : i32 to index
    %get3A_249 = arith.constant 16 : index
    %get3A_250 = tpu.vector_load %arg5[%get3A_248, %get3A_249] {strides = array<i32>} : memref<80x128xi32, #tpu.memory_space<vmem>>, vector<1x16xi32>,
    %get3A_251 = vector.shape_cast %get3A_250 : vector<1x16xi32> to vector<16xi32>
    %and3A_252 = arith.constant 16383 : i32
    %and3A_253 = vector.broadcast %and3A_252 : i32 to vector<16xi32>
    %and3A_254 = arith.andi %get3A_251, %and3A_253 : vector<16xi32>
    %swap3A_255 = arith.constant 1 : i32
    %swap3A_256 = arith.index_cast %swap3A_255 : i32 to index
    %swap3A_257 = arith.constant 16 : index
    %swap3A_258 = tpu.vector_load %arg6[%swap3A_256, %swap3A_257] {strides = array<i32>} : memref<2x128xi32, #tpu.memory_space<vmem>>, vector<1x16xi32>,
    %swap3A_259 = vector.shape_cast %swap3A_258 : vector<1x16xi32> to vector<16xi32>
    %swap3A_260 = vector.shape_cast %and3A_254 : vector<16xi32> to vector<1x16xi32>
    tpu.vector_store %arg6[%swap3A_256, %swap3A_257], %swap3A_260 {strides = array<i32>} : memref<2x128xi32, #tpu.memory_space<vmem>>, vector<1x16xi32>,
    %shift_right_logical3A_261 = arith.constant 14 : i32
    %shift_right_logical3A_262 = vector.broadcast %shift_right_logical3A_261 : i32 to vector<16xi32>
    %shift_right_logical3A_263 = arith.shrui %get3A_251, %shift_right_logical3A_262 : vector<16xi32>
    %swap3A_264 = arith.constant 1 : i32
    %swap3A_265 = arith.index_cast %swap3A_264 : i32 to index
    %swap3A_266 = arith.constant 16 : index
    %swap3A_267 = tpu.vector_load %arg7[%swap3A_265, %swap3A_266] {strides = array<i32>} : memref<2x128xi32, #tpu.memory_space<vmem>>, vector<1x16xi32>,
    %swap3A_268 = vector.shape_cast %swap3A_267 : vector<1x16xi32> to vector<16xi32>
    %swap3A_269 = vector.shape_cast %shift_right_logical3A_263 : vector<16xi32> to vector<1x16xi32>
    tpu.vector_store %arg7[%swap3A_265, %swap3A_266], %swap3A_269 {strides = array<i32>} : memref<2x128xi32, #tpu.memory_space<vmem>>, vector<1x16xi32>,
    %get3A_270 = arith.constant 1 : i32
    %get3A_271 = arith.index_cast %get3A_270 : i32 to index
    %get3A_272 = arith.constant 32 : index
    %get3A_273 = tpu.vector_load %arg5[%get3A_271, %get3A_272] {strides = array<i32>} : memref<80x128xi32, #tpu.memory_space<vmem>>, vector<1x16xi32>,
    %get3A_274 = vector.shape_cast %get3A_273 : vector<1x16xi32> to vector<16xi32>
    %and3A_275 = arith.constant 16383 : i32
    %and3A_276 = vector.broadcast %and3A_275 : i32 to vector<16xi32>
    %and3A_277 = arith.andi %get3A_274, %and3A_276 : vector<16xi32>
    %swap3A_278 = arith.constant 1 : i32
    %swap3A_279 = arith.index_cast %swap3A_278 : i32 to index
    %swap3A_280 = arith.constant 32 : index
    %swap3A_281 = tpu.vector_load %arg6[%swap3A_279, %swap3A_280] {strides = array<i32>} : memref<2x128xi32, #tpu.memory_space<vmem>>, vector<1x16xi32>,
    %swap3A_282 = vector.shape_cast %swap3A_281 : vector<1x16xi32> to vector<16xi32>
    %swap3A_283 = vector.shape_cast %and3A_277 : vector<16xi32> to vector<1x16xi32>
    tpu.vector_store %arg6[%swap3A_279, %swap3A_280], %swap3A_283 {strides = array<i32>} : memref<2x128xi32, #tpu.memory_space<vmem>>, vector<1x16xi32>,
    %shift_right_logical3A_284 = arith.constant 14 : i32
    %shift_right_logical3A_285 = vector.broadcast %shift_right_logical3A_284 : i32 to vector<16xi32>
    %shift_right_logical3A_286 = arith.shrui %get3A_274, %shift_right_logical3A_285 : vector<16xi32>
    %swap3A_287 = arith.constant 1 : i32
    %swap3A_288 = arith.index_cast %swap3A_287 : i32 to index
    %swap3A_289 = arith.constant 32 : index
    %swap3A_290 = tpu.vector_load %arg7[%swap3A_288, %swap3A_289] {strides = array<i32>} : memref<2x128xi32, #tpu.memory_space<vmem>>, vector<1x16xi32>,
    %swap3A_291 = vector.shape_cast %swap3A_290 : vector<1x16xi32> to vector<16xi32>
    %swap3A_292 = vector.shape_cast %shift_right_logical3A_286 : vector<16xi32> to vector<1x16xi32>
    tpu.vector_store %arg7[%swap3A_288, %swap3A_289], %swap3A_292 {strides = array<i32>} : memref<2x128xi32, #tpu.memory_space<vmem>>, vector<1x16xi32>,
    %get3A_293 = arith.constant 1 : i32
    %get3A_294 = arith.index_cast %get3A_293 : i32 to index
    %get3A_295 = arith.constant 48 : index
    %get3A_296 = tpu.vector_load %arg5[%get3A_294, %get3A_295] {strides = array<i32>} : memref<80x128xi32, #tpu.memory_space<vmem>>, vector<1x16xi32>,
    %get3A_297 = vector.shape_cast %get3A_296 : vector<1x16xi32> to vector<16xi32>
    %and3A_298 = arith.constant 16383 : i32
    %and3A_299 = vector.broadcast %and3A_298 : i32 to vector<16xi32>
    %and3A_300 = arith.andi %get3A_297, %and3A_299 : vector<16xi32>
    %swap3A_301 = arith.constant 1 : i32
    %swap3A_302 = arith.index_cast %swap3A_301 : i32 to index
    %swap3A_303 = arith.constant 48 : index
    %swap3A_304 = tpu.vector_load %arg6[%swap3A_302, %swap3A_303] {strides = array<i32>} : memref<2x128xi32, #tpu.memory_space<vmem>>, vector<1x16xi32>,
    %swap3A_305 = vector.shape_cast %swap3A_304 : vector<1x16xi32> to vector<16xi32>
    %swap3A_306 = vector.shape_cast %and3A_300 : vector<16xi32> to vector<1x16xi32>
    tpu.vector_store %arg6[%swap3A_302, %swap3A_303], %swap3A_306 {strides = array<i32>} : memref<2x128xi32, #tpu.memory_space<vmem>>, vector<1x16xi32>,
    %shift_right_logical3A_307 = arith.constant 14 : i32
    %shift_right_logical3A_308 = vector.broadcast %shift_right_logical3A_307 : i32 to vector<16xi32>
    %shift_right_logical3A_309 = arith.shrui %get3A_297, %shift_right_logical3A_308 : vector<16xi32>
    %swap3A_310 = arith.constant 1 : i32
    %swap3A_311 = arith.index_cast %swap3A_310 : i32 to index
    %swap3A_312 = arith.constant 48 : index
    %swap3A_313 = tpu.vector_load %arg7[%swap3A_311, %swap3A_312] {strides = array<i32>} : memref<2x128xi32, #tpu.memory_space<vmem>>, vector<1x16xi32>,
    %swap3A_314 = vector.shape_cast %swap3A_313 : vector<1x16xi32> to vector<16xi32>
    %swap3A_315 = vector.shape_cast %shift_right_logical3A_309 : vector<16xi32> to vector<1x16xi32>
    tpu.vector_store %arg7[%swap3A_311, %swap3A_312], %swap3A_315 {strides = array<i32>} : memref<2x128xi32, #tpu.memory_space<vmem>>, vector<1x16xi32>,
    %get3A_316 = arith.constant 1 : i32
    %get3A_317 = arith.index_cast %get3A_316 : i32 to index
    %get3A_318 = arith.constant 64 : index
    %get3A_319 = tpu.vector_load %arg5[%get3A_317, %get3A_318] {strides = array<i32>} : memref<80x128xi32, #tpu.memory_space<vmem>>, vector<1x16xi32>,
    %get3A_320 = vector.shape_cast %get3A_319 : vector<1x16xi32> to vector<16xi32>
    %and3A_321 = arith.constant 16383 : i32
    %and3A_322 = vector.broadcast %and3A_321 : i32 to vector<16xi32>
    %and3A_323 = arith.andi %get3A_320, %and3A_322 : vector<16xi32>
    %swap3A_324 = arith.constant 1 : i32
    %swap3A_325 = arith.index_cast %swap3A_324 : i32 to index
    %swap3A_326 = arith.constant 64 : index
    %swap3A_327 = tpu.vector_load %arg6[%swap3A_325, %swap3A_326] {strides = array<i32>} : memref<2x128xi32, #tpu.memory_space<vmem>>, vector<1x16xi32>,
    %swap3A_328 = vector.shape_cast %swap3A_327 : vector<1x16xi32> to vector<16xi32>
    %swap3A_329 = vector.shape_cast %and3A_323 : vector<16xi32> to vector<1x16xi32>
    tpu.vector_store %arg6[%swap3A_325, %swap3A_326], %swap3A_329 {strides = array<i32>} : memref<2x128xi32, #tpu.memory_space<vmem>>, vector<1x16xi32>,
    %shift_right_logical3A_330 = arith.constant 14 : i32
    %shift_right_logical3A_331 = vector.broadcast %shift_right_logical3A_330 : i32 to vector<16xi32>
    %shift_right_logical3A_332 = arith.shrui %get3A_320, %shift_right_logical3A_331 : vector<16xi32>
    %swap3A_333 = arith.constant 1 : i32
    %swap3A_334 = arith.index_cast %swap3A_333 : i32 to index
    %swap3A_335 = arith.constant 64 : index
    %swap3A_336 = tpu.vector_load %arg7[%swap3A_334, %swap3A_335] {strides = array<i32>} : memref<2x128xi32, #tpu.memory_space<vmem>>, vector<1x16xi32>,
    %swap3A_337 = vector.shape_cast %swap3A_336 : vector<1x16xi32> to vector<16xi32>
    %swap3A_338 = vector.shape_cast %shift_right_logical3A_332 : vector<16xi32> to vector<1x16xi32>
    tpu.vector_store %arg7[%swap3A_334, %swap3A_335], %swap3A_338 {strides = array<i32>} : memref<2x128xi32, #tpu.memory_space<vmem>>, vector<1x16xi32>,
    %get3A_339 = arith.constant 1 : i32
    %get3A_340 = arith.index_cast %get3A_339 : i32 to index
    %get3A_341 = arith.constant 80 : index
    %get3A_342 = tpu.vector_load %arg5[%get3A_340, %get3A_341] {strides = array<i32>} : memref<80x128xi32, #tpu.memory_space<vmem>>, vector<1x16xi32>,
    %get3A_343 = vector.shape_cast %get3A_342 : vector<1x16xi32> to vector<16xi32>
    %and3A_344 = arith.constant 16383 : i32
    %and3A_345 = vector.broadcast %and3A_344 : i32 to vector<16xi32>
    %and3A_346 = arith.andi %get3A_343, %and3A_345 : vector<16xi32>
    %swap3A_347 = arith.constant 1 : i32
    %swap3A_348 = arith.index_cast %swap3A_347 : i32 to index
    %swap3A_349 = arith.constant 80 : index
    %swap3A_350 = tpu.vector_load %arg6[%swap3A_348, %swap3A_349] {strides = array<i32>} : memref<2x128xi32, #tpu.memory_space<vmem>>, vector<1x16xi32>,
    %swap3A_351 = vector.shape_cast %swap3A_350 : vector<1x16xi32> to vector<16xi32>
    %swap3A_352 = vector.shape_cast %and3A_346 : vector<16xi32> to vector<1x16xi32>
    tpu.vector_store %arg6[%swap3A_348, %swap3A_349], %swap3A_352 {strides = array<i32>} : memref<2x128xi32, #tpu.memory_space<vmem>>, vector<1x16xi32>,
    %shift_right_logical3A_353 = arith.constant 14 : i32
    %shift_right_logical3A_354 = vector.broadcast %shift_right_logical3A_353 : i32 to vector<16xi32>
    %shift_right_logical3A_355 = arith.shrui %get3A_343, %shift_right_logical3A_354 : vector<16xi32>
    %swap3A_356 = arith.constant 1 : i32
    %swap3A_357 = arith.index_cast %swap3A_356 : i32 to index
    %swap3A_358 = arith.constant 80 : index
    %swap3A_359 = tpu.vector_load %arg7[%swap3A_357, %swap3A_358] {strides = array<i32>} : memref<2x128xi32, #tpu.memory_space<vmem>>, vector<1x16xi32>,
    %swap3A_360 = vector.shape_cast %swap3A_359 : vector<1x16xi32> to vector<16xi32>
    %swap3A_361 = vector.shape_cast %shift_right_logical3A_355 : vector<16xi32> to vector<1x16xi32>
    tpu.vector_store %arg7[%swap3A_357, %swap3A_358], %swap3A_361 {strides = array<i32>} : memref<2x128xi32, #tpu.memory_space<vmem>>, vector<1x16xi32>,
    %get3A_362 = arith.constant 1 : i32
    %get3A_363 = arith.index_cast %get3A_362 : i32 to index
    %get3A_364 = arith.constant 96 : index
    %get3A_365 = tpu.vector_load %arg5[%get3A_363, %get3A_364] {strides = array<i32>} : memref<80x128xi32, #tpu.memory_space<vmem>>, vector<1x16xi32>,
    %get3A_366 = vector.shape_cast %get3A_365 : vector<1x16xi32> to vector<16xi32>
    %and3A_367 = arith.constant 16383 : i32
    %and3A_368 = vector.broadcast %and3A_367 : i32 to vector<16xi32>
    %and3A_369 = arith.andi %get3A_366, %and3A_368 : vector<16xi32>
    %swap3A_370 = arith.constant 1 : i32
    %swap3A_371 = arith.index_cast %swap3A_370 : i32 to index
    %swap3A_372 = arith.constant 96 : index
    %swap3A_373 = tpu.vector_load %arg6[%swap3A_371, %swap3A_372] {strides = array<i32>} : memref<2x128xi32, #tpu.memory_space<vmem>>, vector<1x16xi32>,
    %swap3A_374 = vector.shape_cast %swap3A_373 : vector<1x16xi32> to vector<16xi32>
    %swap3A_375 = vector.shape_cast %and3A_369 : vector<16xi32> to vector<1x16xi32>
    tpu.vector_store %arg6[%swap3A_371, %swap3A_372], %swap3A_375 {strides = array<i32>} : memref<2x128xi32, #tpu.memory_space<vmem>>, vector<1x16xi32>,
    %shift_right_logical3A_376 = arith.constant 14 : i32
    %shift_right_logical3A_377 = vector.broadcast %shift_right_logical3A_376 : i32 to vector<16xi32>
    %shift_right_logical3A_378 = arith.shrui %get3A_366, %shift_right_logical3A_377 : vector<16xi32>
    %swap3A_379 = arith.constant 1 : i32
    %swap3A_380 = arith.index_cast %swap3A_379 : i32 to index
    %swap3A_381 = arith.constant 96 : index
    %swap3A_382 = tpu.vector_load %arg7[%swap3A_380, %swap3A_381] {strides = array<i32>} : memref<2x128xi32, #tpu.memory_space<vmem>>, vector<1x16xi32>,
    %swap3A_383 = vector.shape_cast %swap3A_382 : vector<1x16xi32> to vector<16xi32>
    %swap3A_384 = vector.shape_cast %shift_right_logical3A_378 : vector<16xi32> to vector<1x16xi32>
    tpu.vector_store %arg7[%swap3A_380, %swap3A_381], %swap3A_384 {strides = array<i32>} : memref<2x128xi32, #tpu.memory_space<vmem>>, vector<1x16xi32>,
    %get3A_385 = arith.constant 1 : i32
    %get3A_386 = arith.index_cast %get3A_385 : i32 to index
    %get3A_387 = arith.constant 112 : index
    %get3A_388 = tpu.vector_load %arg5[%get3A_386, %get3A_387] {strides = array<i32>} : memref<80x128xi32, #tpu.memory_space<vmem>>, vector<1x16xi32>,
    %get3A_389 = vector.shape_cast %get3A_388 : vector<1x16xi32> to vector<16xi32>
    %and3A_390 = arith.constant 16383 : i32
    %and3A_391 = vector.broadcast %and3A_390 : i32 to vector<16xi32>
    %and3A_392 = arith.andi %get3A_389, %and3A_391 : vector<16xi32>
    %swap3A_393 = arith.constant 1 : i32
    %swap3A_394 = arith.index_cast %swap3A_393 : i32 to index
    %swap3A_395 = arith.constant 112 : index
    %swap3A_396 = tpu.vector_load %arg6[%swap3A_394, %swap3A_395] {strides = array<i32>} : memref<2x128xi32, #tpu.memory_space<vmem>>, vector<1x16xi32>,
    %swap3A_397 = vector.shape_cast %swap3A_396 : vector<1x16xi32> to vector<16xi32>
    %swap3A_398 = vector.shape_cast %and3A_392 : vector<16xi32> to vector<1x16xi32>
    tpu.vector_store %arg6[%swap3A_394, %swap3A_395], %swap3A_398 {strides = array<i32>} : memref<2x128xi32, #tpu.memory_space<vmem>>, vector<1x16xi32>,
    %shift_right_logical3A_399 = arith.constant 14 : i32
    %shift_right_logical3A_400 = vector.broadcast %shift_right_logical3A_399 : i32 to vector<16xi32>
    %shift_right_logical3A_401 = arith.shrui %get3A_389, %shift_right_logical3A_400 : vector<16xi32>
    %swap3A_402 = arith.constant 1 : i32
    %swap3A_403 = arith.index_cast %swap3A_402 : i32 to index
    %swap3A_404 = arith.constant 112 : index
    %swap3A_405 = tpu.vector_load %arg7[%swap3A_403, %swap3A_404] {strides = array<i32>} : memref<2x128xi32, #tpu.memory_space<vmem>>, vector<1x16xi32>,
    %swap3A_406 = vector.shape_cast %swap3A_405 : vector<1x16xi32> to vector<16xi32>
    %swap3A_407 = vector.shape_cast %shift_right_logical3A_401 : vector<16xi32> to vector<1x16xi32>
    tpu.vector_store %arg7[%swap3A_403, %swap3A_404], %swap3A_407 {strides = array<i32>} : memref<2x128xi32, #tpu.memory_space<vmem>>, vector<1x16xi32>,
    %dma_start3A_408 = arith.constant 1 : i32
    %dma_start3A_409 = arith.constant 1 : i32
    %dma_start3A_410 = arith.constant 0 : i32
    %dma_start3A_411 = arith.constant 0 : i32
    %dma_start3A_412 = tpu.memref_slice %arg8[%dma_start3A_409, %dma_start3A_410, %dma_start3A_411] : memref<2x128x128xf32, #tpu.memory_space<vmem>> -> memref<1x128x128xf32, #tpu.memory_space<vmem>>
    %dma_start3A_413 = tpu.memref_squeeze %dma_start3A_412 : memref<1x128x128xf32, #tpu.memory_space<vmem>> -> memref<128x128xf32, #tpu.memory_space<vmem>>
    %dma_start3A_414 = arith.constant 0 : i32
    %dma_start3A_415 = tpu.memref_slice %arg6[%dma_start3A_408, %dma_start3A_414] : memref<2x128xi32, #tpu.memory_space<vmem>> -> memref<1x128xi32, #tpu.memory_space<vmem>>
    %dma_start3A_416 = tpu.memref_squeeze %dma_start3A_415 : memref<1x128xi32, #tpu.memory_space<vmem>> -> memref<128xi32, #tpu.memory_space<vmem>>
    %dma_start3A_417 = arith.constant 0 : i32
    %dma_start3A_418 = arith.constant 0 : i32
    %dma_start3A_419 = tpu.memref_slice %arg2[%dma_start3A_417, %dma_start3A_418] : memref<10000x128xf32, #tpu.memory_space<hbm>> -> memref<10000x128xf32, #tpu.memory_space<hbm>>
    tpu.enqueue_indirect_dma source(%dma_start3A_419 : memref<10000x128xf32, #tpu.memory_space<hbm>>) target(%dma_start3A_413 : memref<128x128xf32, #tpu.memory_space<vmem>>) offsets(%dma_start3A_416 : memref<128xi32, #tpu.memory_space<vmem>>) semaphore(%arg11 : memref<!tpu.dma_semaphore, #tpu.memory_space<semaphore_mem>>)
    %scan3A_420 = arith.constant 0 : i32
    %scan3A_421 = arith.constant 0 : i32
    %scan3A_422 = arith.constant 40 : i32
    %scan3A_423 = arith.addi %scan3A_421, %scan3A_422 : i32
    %scan3A_424 = arith.constant 1 : i32
    scf.for %scan3A_431 = %scan3A_421 to %scan3A_423 step %scan3A_424  : i32 {
      %mul3A_432 = arith.constant 2 : i32
      %mul3A_433 = arith.muli %scan3A_431, %mul3A_432 : i32
      %add3A_434 = arith.constant 0 : i32
      %add3A_435 = arith.addi %mul3A_433, %add3A_434 : i32
      %dma_wait3A = arith.constant 0 : i32
      %dma_wait3A_436 = arith.constant 0 : i32
      %dma_wait3A_437 = arith.constant 0 : i32
      %dma_wait3A_438 = arith.constant 0 : i32
      %dma_wait3A_439 = tpu.memref_slice %arg8[%dma_wait3A_436, %dma_wait3A_437, %dma_wait3A_438] : memref<2x128x128xf32, #tpu.memory_space<vmem>> -> memref<1x128x128xf32, #tpu.memory_space<vmem>>
      %dma_wait3A_440 = tpu.memref_squeeze %dma_wait3A_439 : memref<1x128x128xf32, #tpu.memory_space<vmem>> -> memref<128x128xf32, #tpu.memory_space<vmem>>
      %dma_wait3A_441 = arith.constant 0 : i32
      %dma_wait3A_442 = tpu.memref_slice %arg6[%dma_wait3A, %dma_wait3A_441] : memref<2x128xi32, #tpu.memory_space<vmem>> -> memref<1x128xi32, #tpu.memory_space<vmem>>
      %dma_wait3A_443 = tpu.memref_squeeze %dma_wait3A_442 : memref<1x128xi32, #tpu.memory_space<vmem>> -> memref<128xi32, #tpu.memory_space<vmem>>
      %dma_wait3A_444 = arith.constant 0 : i32
      %dma_wait3A_445 = arith.constant 0 : i32
      %dma_wait3A_446 = tpu.memref_slice %arg2[%dma_wait3A_444, %dma_wait3A_445] : memref<10000x128xf32, #tpu.memory_space<hbm>> -> memref<10000x128xf32, #tpu.memory_space<hbm>>
      tpu.wait_indirect_dma semaphore(%arg10 : memref<!tpu.dma_semaphore, #tpu.memory_space<semaphore_mem>>) src(%dma_wait3A_446 : memref<10000x128xf32, #tpu.memory_space<hbm>>) dst(%dma_wait3A_440 : memref<128x128xf32, #tpu.memory_space<vmem>>)
      %run_scoped3A_447 = arith.constant 0 : i32
      %run_scoped3A_448 = arith.constant 0 : i32
      "tpu.region"() ({
        %run_scoped3A_478 = tpu.sem_alloc : memref<!tpu.dma_semaphore, #tpu.memory_space<semaphore_mem>>
        %dma_start3A_479 = arith.constant 0 : i32
        %dma_start3A_480 = arith.constant 0 : i32
        %dma_start3A_481 = tpu.memref_slice %arg8[%run_scoped3A_447, %dma_start3A_479, %dma_start3A_480] : memref<2x128x128xf32, #tpu.memory_space<vmem>> -> memref<1x128x128xf32, #tpu.memory_space<vmem>>
        %dma_start3A_482 = tpu.memref_squeeze %dma_start3A_481 : memref<1x128x128xf32, #tpu.memory_space<vmem>> -> memref<128x128xf32, #tpu.memory_space<vmem>>
        %dma_start3A_483 = arith.constant 0 : i32
        %dma_start3A_484 = tpu.memref_slice %arg7[%run_scoped3A_448, %dma_start3A_483] : memref<2x128xi32, #tpu.memory_space<vmem>> -> memref<1x128xi32, #tpu.memory_space<vmem>>
        %dma_start3A_485 = tpu.memref_squeeze %dma_start3A_484 : memref<1x128xi32, #tpu.memory_space<vmem>> -> memref<128xi32, #tpu.memory_space<vmem>>
        %dma_start3A_486 = arith.constant 0 : i32
        %dma_start3A_487 = arith.constant 0 : i32
        %dma_start3A_488 = tpu.memref_slice %arg9[%dma_start3A_486, %dma_start3A_487] : memref<10240x128xf32, #tpu.memory_space<vmem_shared>> -> memref<10240x128xf32, #tpu.memory_space<vmem_shared>>
        tpu.enqueue_indirect_dma source(%dma_start3A_482 : memref<128x128xf32, #tpu.memory_space<vmem>>) target(%dma_start3A_488 : memref<10240x128xf32, #tpu.memory_space<vmem_shared>>) offsets(%dma_start3A_485 : memref<128xi32, #tpu.memory_space<vmem>>) semaphore(%run_scoped3A_478 : memref<!tpu.dma_semaphore, #tpu.memory_space<semaphore_mem>>) {add = true}
        %dma_wait3A_489 = arith.constant 0 : i32
        %dma_wait3A_490 = arith.constant 0 : i32
        %dma_wait3A_491 = tpu.memref_slice %arg8[%run_scoped3A_447, %dma_wait3A_489, %dma_wait3A_490] : memref<2x128x128xf32, #tpu.memory_space<vmem>> -> memref<1x128x128xf32, #tpu.memory_space<vmem>>
        %dma_wait3A_492 = tpu.memref_squeeze %dma_wait3A_491 : memref<1x128x128xf32, #tpu.memory_space<vmem>> -> memref<128x128xf32, #tpu.memory_space<vmem>>
        %dma_wait3A_493 = arith.constant 0 : i32
        %dma_wait3A_494 = tpu.memref_slice %arg7[%run_scoped3A_448, %dma_wait3A_493] : memref<2x128xi32, #tpu.memory_space<vmem>> -> memref<1x128xi32, #tpu.memory_space<vmem>>
        %dma_wait3A_495 = tpu.memref_squeeze %dma_wait3A_494 : memref<1x128xi32, #tpu.memory_space<vmem>> -> memref<128xi32, #tpu.memory_space<vmem>>
        %dma_wait3A_496 = arith.constant 0 : i32
        %dma_wait3A_497 = arith.constant 0 : i32
        %dma_wait3A_498 = tpu.memref_slice %arg9[%dma_wait3A_496, %dma_wait3A_497] : memref<10240x128xf32, #tpu.memory_space<vmem_shared>> -> memref<10240x128xf32, #tpu.memory_space<vmem_shared>>
        tpu.wait_indirect_dma semaphore(%run_scoped3A_478 : memref<!tpu.dma_semaphore, #tpu.memory_space<semaphore_mem>>) src(%dma_wait3A_492 : memref<128x128xf32, #tpu.memory_space<vmem>>) dst(%dma_wait3A_498 : memref<10240x128xf32, #tpu.memory_space<vmem_shared>>)
        tpu.yield
      }) : () -> ()
      %add3A_449 = arith.constant 2 : i32
      %add3A_450 = arith.addi %add3A_435, %add3A_449 : i32
      %lt3A = arith.constant 80 : i32
      %lt3A_451 = arith.cmpi slt, %add3A_450, %lt3A : i32
      %convert_element_type3A = arith.extui %lt3A_451 : i1 to i32
      %cond3A = arith.constant 0 : i32
      %cond3A_452 = arith.cmpi ne, %convert_element_type3A, %cond3A : i32
      scf.if %cond3A_452 {
        %get3A_478 = arith.index_cast %add3A_450 : i32 to index
        %get3A_479 = arith.constant 0 : index
        %get3A_480 = tpu.vector_load %arg5[%get3A_478, %get3A_479] {strides = array<i32>} : memref<80x128xi32, #tpu.memory_space<vmem>>, vector<1x16xi32>,
        %get3A_481 = vector.shape_cast %get3A_480 : vector<1x16xi32> to vector<16xi32>
        %and3A_482 = arith.constant 16383 : i32
        %and3A_483 = vector.broadcast %and3A_482 : i32 to vector<16xi32>
        %and3A_484 = arith.andi %get3A_481, %and3A_483 : vector<16xi32>
        %swap3A_485 = arith.constant 0 : i32
        %swap3A_486 = arith.index_cast %swap3A_485 : i32 to index
        %swap3A_487 = arith.constant 0 : index
        %swap3A_488 = tpu.vector_load %arg6[%swap3A_486, %swap3A_487] {strides = array<i32>} : memref<2x128xi32, #tpu.memory_space<vmem>>, vector<1x16xi32>,
        %swap3A_489 = vector.shape_cast %swap3A_488 : vector<1x16xi32> to vector<16xi32>
        %swap3A_490 = vector.shape_cast %and3A_484 : vector<16xi32> to vector<1x16xi32>
        tpu.vector_store %arg6[%swap3A_486, %swap3A_487], %swap3A_490 {strides = array<i32>} : memref<2x128xi32, #tpu.memory_space<vmem>>, vector<1x16xi32>,
        %shift_right_logical3A_491 = arith.constant 14 : i32
        %shift_right_logical3A_492 = vector.broadcast %shift_right_logical3A_491 : i32 to vector<16xi32>
        %shift_right_logical3A_493 = arith.shrui %get3A_481, %shift_right_logical3A_492 : vector<16xi32>
        %swap3A_494 = arith.constant 0 : i32
        %swap3A_495 = arith.index_cast %swap3A_494 : i32 to index
        %swap3A_496 = arith.constant 0 : index
        %swap3A_497 = tpu.vector_load %arg7[%swap3A_495, %swap3A_496] {strides = array<i32>} : memref<2x128xi32, #tpu.memory_space<vmem>>, vector<1x16xi32>,
        %swap3A_498 = vector.shape_cast %swap3A_497 : vector<1x16xi32> to vector<16xi32>
        %swap3A_499 = vector.shape_cast %shift_right_logical3A_493 : vector<16xi32> to vector<1x16xi32>
        tpu.vector_store %arg7[%swap3A_495, %swap3A_496], %swap3A_499 {strides = array<i32>} : memref<2x128xi32, #tpu.memory_space<vmem>>, vector<1x16xi32>,
        %get3A_500 = arith.index_cast %add3A_450 : i32 to index
        %get3A_501 = arith.constant 16 : index
        %get3A_502 = tpu.vector_load %arg5[%get3A_500, %get3A_501] {strides = array<i32>} : memref<80x128xi32, #tpu.memory_space<vmem>>, vector<1x16xi32>,
        %get3A_503 = vector.shape_cast %get3A_502 : vector<1x16xi32> to vector<16xi32>
        %and3A_504 = arith.constant 16383 : i32
        %and3A_505 = vector.broadcast %and3A_504 : i32 to vector<16xi32>
        %and3A_506 = arith.andi %get3A_503, %and3A_505 : vector<16xi32>
        %swap3A_507 = arith.constant 0 : i32
        %swap3A_508 = arith.index_cast %swap3A_507 : i32 to index
        %swap3A_509 = arith.constant 16 : index
        %swap3A_510 = tpu.vector_load %arg6[%swap3A_508, %swap3A_509] {strides = array<i32>} : memref<2x128xi32, #tpu.memory_space<vmem>>, vector<1x16xi32>,
        %swap3A_511 = vector.shape_cast %swap3A_510 : vector<1x16xi32> to vector<16xi32>
        %swap3A_512 = vector.shape_cast %and3A_506 : vector<16xi32> to vector<1x16xi32>
        tpu.vector_store %arg6[%swap3A_508, %swap3A_509], %swap3A_512 {strides = array<i32>} : memref<2x128xi32, #tpu.memory_space<vmem>>, vector<1x16xi32>,
        %shift_right_logical3A_513 = arith.constant 14 : i32
        %shift_right_logical3A_514 = vector.broadcast %shift_right_logical3A_513 : i32 to vector<16xi32>
        %shift_right_logical3A_515 = arith.shrui %get3A_503, %shift_right_logical3A_514 : vector<16xi32>
        %swap3A_516 = arith.constant 0 : i32
        %swap3A_517 = arith.index_cast %swap3A_516 : i32 to index
        %swap3A_518 = arith.constant 16 : index
        %swap3A_519 = tpu.vector_load %arg7[%swap3A_517, %swap3A_518] {strides = array<i32>} : memref<2x128xi32, #tpu.memory_space<vmem>>, vector<1x16xi32>,
        %swap3A_520 = vector.shape_cast %swap3A_519 : vector<1x16xi32> to vector<16xi32>
        %swap3A_521 = vector.shape_cast %shift_right_logical3A_515 : vector<16xi32> to vector<1x16xi32>
        tpu.vector_store %arg7[%swap3A_517, %swap3A_518], %swap3A_521 {strides = array<i32>} : memref<2x128xi32, #tpu.memory_space<vmem>>, vector<1x16xi32>,
        %get3A_522 = arith.index_cast %add3A_450 : i32 to index
        %get3A_523 = arith.constant 32 : index
        %get3A_524 = tpu.vector_load %arg5[%get3A_522, %get3A_523] {strides = array<i32>} : memref<80x128xi32, #tpu.memory_space<vmem>>, vector<1x16xi32>,
        %get3A_525 = vector.shape_cast %get3A_524 : vector<1x16xi32> to vector<16xi32>
        %and3A_526 = arith.constant 16383 : i32
        %and3A_527 = vector.broadcast %and3A_526 : i32 to vector<16xi32>
        %and3A_528 = arith.andi %get3A_525, %and3A_527 : vector<16xi32>
        %swap3A_529 = arith.constant 0 : i32
        %swap3A_530 = arith.index_cast %swap3A_529 : i32 to index
        %swap3A_531 = arith.constant 32 : index
        %swap3A_532 = tpu.vector_load %arg6[%swap3A_530, %swap3A_531] {strides = array<i32>} : memref<2x128xi32, #tpu.memory_space<vmem>>, vector<1x16xi32>,
        %swap3A_533 = vector.shape_cast %swap3A_532 : vector<1x16xi32> to vector<16xi32>
        %swap3A_534 = vector.shape_cast %and3A_528 : vector<16xi32> to vector<1x16xi32>
        tpu.vector_store %arg6[%swap3A_530, %swap3A_531], %swap3A_534 {strides = array<i32>} : memref<2x128xi32, #tpu.memory_space<vmem>>, vector<1x16xi32>,
        %shift_right_logical3A_535 = arith.constant 14 : i32
        %shift_right_logical3A_536 = vector.broadcast %shift_right_logical3A_535 : i32 to vector<16xi32>
        %shift_right_logical3A_537 = arith.shrui %get3A_525, %shift_right_logical3A_536 : vector<16xi32>
        %swap3A_538 = arith.constant 0 : i32
        %swap3A_539 = arith.index_cast %swap3A_538 : i32 to index
        %swap3A_540 = arith.constant 32 : index
        %swap3A_541 = tpu.vector_load %arg7[%swap3A_539, %swap3A_540] {strides = array<i32>} : memref<2x128xi32, #tpu.memory_space<vmem>>, vector<1x16xi32>,
        %swap3A_542 = vector.shape_cast %swap3A_541 : vector<1x16xi32> to vector<16xi32>
        %swap3A_543 = vector.shape_cast %shift_right_logical3A_537 : vector<16xi32> to vector<1x16xi32>
        tpu.vector_store %arg7[%swap3A_539, %swap3A_540], %swap3A_543 {strides = array<i32>} : memref<2x128xi32, #tpu.memory_space<vmem>>, vector<1x16xi32>,
        %get3A_544 = arith.index_cast %add3A_450 : i32 to index
        %get3A_545 = arith.constant 48 : index
        %get3A_546 = tpu.vector_load %arg5[%get3A_544, %get3A_545] {strides = array<i32>} : memref<80x128xi32, #tpu.memory_space<vmem>>, vector<1x16xi32>,
        %get3A_547 = vector.shape_cast %get3A_546 : vector<1x16xi32> to vector<16xi32>
        %and3A_548 = arith.constant 16383 : i32
        %and3A_549 = vector.broadcast %and3A_548 : i32 to vector<16xi32>
        %and3A_550 = arith.andi %get3A_547, %and3A_549 : vector<16xi32>
        %swap3A_551 = arith.constant 0 : i32
        %swap3A_552 = arith.index_cast %swap3A_551 : i32 to index
        %swap3A_553 = arith.constant 48 : index
        %swap3A_554 = tpu.vector_load %arg6[%swap3A_552, %swap3A_553] {strides = array<i32>} : memref<2x128xi32, #tpu.memory_space<vmem>>, vector<1x16xi32>,
        %swap3A_555 = vector.shape_cast %swap3A_554 : vector<1x16xi32> to vector<16xi32>
        %swap3A_556 = vector.shape_cast %and3A_550 : vector<16xi32> to vector<1x16xi32>
        tpu.vector_store %arg6[%swap3A_552, %swap3A_553], %swap3A_556 {strides = array<i32>} : memref<2x128xi32, #tpu.memory_space<vmem>>, vector<1x16xi32>,
        %shift_right_logical3A_557 = arith.constant 14 : i32
        %shift_right_logical3A_558 = vector.broadcast %shift_right_logical3A_557 : i32 to vector<16xi32>
        %shift_right_logical3A_559 = arith.shrui %get3A_547, %shift_right_logical3A_558 : vector<16xi32>
        %swap3A_560 = arith.constant 0 : i32
        %swap3A_561 = arith.index_cast %swap3A_560 : i32 to index
        %swap3A_562 = arith.constant 48 : index
        %swap3A_563 = tpu.vector_load %arg7[%swap3A_561, %swap3A_562] {strides = array<i32>} : memref<2x128xi32, #tpu.memory_space<vmem>>, vector<1x16xi32>,
        %swap3A_564 = vector.shape_cast %swap3A_563 : vector<1x16xi32> to vector<16xi32>
        %swap3A_565 = vector.shape_cast %shift_right_logical3A_559 : vector<16xi32> to vector<1x16xi32>
        tpu.vector_store %arg7[%swap3A_561, %swap3A_562], %swap3A_565 {strides = array<i32>} : memref<2x128xi32, #tpu.memory_space<vmem>>, vector<1x16xi32>,
        %get3A_566 = arith.index_cast %add3A_450 : i32 to index
        %get3A_567 = arith.constant 64 : index
        %get3A_568 = tpu.vector_load %arg5[%get3A_566, %get3A_567] {strides = array<i32>} : memref<80x128xi32, #tpu.memory_space<vmem>>, vector<1x16xi32>,
        %get3A_569 = vector.shape_cast %get3A_568 : vector<1x16xi32> to vector<16xi32>
        %and3A_570 = arith.constant 16383 : i32
        %and3A_571 = vector.broadcast %and3A_570 : i32 to vector<16xi32>
        %and3A_572 = arith.andi %get3A_569, %and3A_571 : vector<16xi32>
        %swap3A_573 = arith.constant 0 : i32
        %swap3A_574 = arith.index_cast %swap3A_573 : i32 to index
        %swap3A_575 = arith.constant 64 : index
        %swap3A_576 = tpu.vector_load %arg6[%swap3A_574, %swap3A_575] {strides = array<i32>} : memref<2x128xi32, #tpu.memory_space<vmem>>, vector<1x16xi32>,
        %swap3A_577 = vector.shape_cast %swap3A_576 : vector<1x16xi32> to vector<16xi32>
        %swap3A_578 = vector.shape_cast %and3A_572 : vector<16xi32> to vector<1x16xi32>
        tpu.vector_store %arg6[%swap3A_574, %swap3A_575], %swap3A_578 {strides = array<i32>} : memref<2x128xi32, #tpu.memory_space<vmem>>, vector<1x16xi32>,
        %shift_right_logical3A_579 = arith.constant 14 : i32
        %shift_right_logical3A_580 = vector.broadcast %shift_right_logical3A_579 : i32 to vector<16xi32>
        %shift_right_logical3A_581 = arith.shrui %get3A_569, %shift_right_logical3A_580 : vector<16xi32>
        %swap3A_582 = arith.constant 0 : i32
        %swap3A_583 = arith.index_cast %swap3A_582 : i32 to index
        %swap3A_584 = arith.constant 64 : index
        %swap3A_585 = tpu.vector_load %arg7[%swap3A_583, %swap3A_584] {strides = array<i32>} : memref<2x128xi32, #tpu.memory_space<vmem>>, vector<1x16xi32>,
        %swap3A_586 = vector.shape_cast %swap3A_585 : vector<1x16xi32> to vector<16xi32>
        %swap3A_587 = vector.shape_cast %shift_right_logical3A_581 : vector<16xi32> to vector<1x16xi32>
        tpu.vector_store %arg7[%swap3A_583, %swap3A_584], %swap3A_587 {strides = array<i32>} : memref<2x128xi32, #tpu.memory_space<vmem>>, vector<1x16xi32>,
        %get3A_588 = arith.index_cast %add3A_450 : i32 to index
        %get3A_589 = arith.constant 80 : index
        %get3A_590 = tpu.vector_load %arg5[%get3A_588, %get3A_589] {strides = array<i32>} : memref<80x128xi32, #tpu.memory_space<vmem>>, vector<1x16xi32>,
        %get3A_591 = vector.shape_cast %get3A_590 : vector<1x16xi32> to vector<16xi32>
        %and3A_592 = arith.constant 16383 : i32
        %and3A_593 = vector.broadcast %and3A_592 : i32 to vector<16xi32>
        %and3A_594 = arith.andi %get3A_591, %and3A_593 : vector<16xi32>
        %swap3A_595 = arith.constant 0 : i32
        %swap3A_596 = arith.index_cast %swap3A_595 : i32 to index
        %swap3A_597 = arith.constant 80 : index
        %swap3A_598 = tpu.vector_load %arg6[%swap3A_596, %swap3A_597] {strides = array<i32>} : memref<2x128xi32, #tpu.memory_space<vmem>>, vector<1x16xi32>,
        %swap3A_599 = vector.shape_cast %swap3A_598 : vector<1x16xi32> to vector<16xi32>
        %swap3A_600 = vector.shape_cast %and3A_594 : vector<16xi32> to vector<1x16xi32>
        tpu.vector_store %arg6[%swap3A_596, %swap3A_597], %swap3A_600 {strides = array<i32>} : memref<2x128xi32, #tpu.memory_space<vmem>>, vector<1x16xi32>,
        %shift_right_logical3A_601 = arith.constant 14 : i32
        %shift_right_logical3A_602 = vector.broadcast %shift_right_logical3A_601 : i32 to vector<16xi32>
        %shift_right_logical3A_603 = arith.shrui %get3A_591, %shift_right_logical3A_602 : vector<16xi32>
        %swap3A_604 = arith.constant 0 : i32
        %swap3A_605 = arith.index_cast %swap3A_604 : i32 to index
        %swap3A_606 = arith.constant 80 : index
        %swap3A_607 = tpu.vector_load %arg7[%swap3A_605, %swap3A_606] {strides = array<i32>} : memref<2x128xi32, #tpu.memory_space<vmem>>, vector<1x16xi32>,
        %swap3A_608 = vector.shape_cast %swap3A_607 : vector<1x16xi32> to vector<16xi32>
        %swap3A_609 = vector.shape_cast %shift_right_logical3A_603 : vector<16xi32> to vector<1x16xi32>
        tpu.vector_store %arg7[%swap3A_605, %swap3A_606], %swap3A_609 {strides = array<i32>} : memref<2x128xi32, #tpu.memory_space<vmem>>, vector<1x16xi32>,
        %get3A_610 = arith.index_cast %add3A_450 : i32 to index
        %get3A_611 = arith.constant 96 : index
        %get3A_612 = tpu.vector_load %arg5[%get3A_610, %get3A_611] {strides = array<i32>} : memref<80x128xi32, #tpu.memory_space<vmem>>, vector<1x16xi32>,
        %get3A_613 = vector.shape_cast %get3A_612 : vector<1x16xi32> to vector<16xi32>
        %and3A_614 = arith.constant 16383 : i32
        %and3A_615 = vector.broadcast %and3A_614 : i32 to vector<16xi32>
        %and3A_616 = arith.andi %get3A_613, %and3A_615 : vector<16xi32>
        %swap3A_617 = arith.constant 0 : i32
        %swap3A_618 = arith.index_cast %swap3A_617 : i32 to index
        %swap3A_619 = arith.constant 96 : index
        %swap3A_620 = tpu.vector_load %arg6[%swap3A_618, %swap3A_619] {strides = array<i32>} : memref<2x128xi32, #tpu.memory_space<vmem>>, vector<1x16xi32>,
        %swap3A_621 = vector.shape_cast %swap3A_620 : vector<1x16xi32> to vector<16xi32>
        %swap3A_622 = vector.shape_cast %and3A_616 : vector<16xi32> to vector<1x16xi32>
        tpu.vector_store %arg6[%swap3A_618, %swap3A_619], %swap3A_622 {strides = array<i32>} : memref<2x128xi32, #tpu.memory_space<vmem>>, vector<1x16xi32>,
        %shift_right_logical3A_623 = arith.constant 14 : i32
        %shift_right_logical3A_624 = vector.broadcast %shift_right_logical3A_623 : i32 to vector<16xi32>
        %shift_right_logical3A_625 = arith.shrui %get3A_613, %shift_right_logical3A_624 : vector<16xi32>
        %swap3A_626 = arith.constant 0 : i32
        %swap3A_627 = arith.index_cast %swap3A_626 : i32 to index
        %swap3A_628 = arith.constant 96 : index
        %swap3A_629 = tpu.vector_load %arg7[%swap3A_627, %swap3A_628] {strides = array<i32>} : memref<2x128xi32, #tpu.memory_space<vmem>>, vector<1x16xi32>,
        %swap3A_630 = vector.shape_cast %swap3A_629 : vector<1x16xi32> to vector<16xi32>
        %swap3A_631 = vector.shape_cast %shift_right_logical3A_625 : vector<16xi32> to vector<1x16xi32>
        tpu.vector_store %arg7[%swap3A_627, %swap3A_628], %swap3A_631 {strides = array<i32>} : memref<2x128xi32, #tpu.memory_space<vmem>>, vector<1x16xi32>,
        %get3A_632 = arith.index_cast %add3A_450 : i32 to index
        %get3A_633 = arith.constant 112 : index
        %get3A_634 = tpu.vector_load %arg5[%get3A_632, %get3A_633] {strides = array<i32>} : memref<80x128xi32, #tpu.memory_space<vmem>>, vector<1x16xi32>,
        %get3A_635 = vector.shape_cast %get3A_634 : vector<1x16xi32> to vector<16xi32>
        %and3A_636 = arith.constant 16383 : i32
        %and3A_637 = vector.broadcast %and3A_636 : i32 to vector<16xi32>
        %and3A_638 = arith.andi %get3A_635, %and3A_637 : vector<16xi32>
        %swap3A_639 = arith.constant 0 : i32
        %swap3A_640 = arith.index_cast %swap3A_639 : i32 to index
        %swap3A_641 = arith.constant 112 : index
        %swap3A_642 = tpu.vector_load %arg6[%swap3A_640, %swap3A_641] {strides = array<i32>} : memref<2x128xi32, #tpu.memory_space<vmem>>, vector<1x16xi32>,
        %swap3A_643 = vector.shape_cast %swap3A_642 : vector<1x16xi32> to vector<16xi32>
        %swap3A_644 = vector.shape_cast %and3A_638 : vector<16xi32> to vector<1x16xi32>
        tpu.vector_store %arg6[%swap3A_640, %swap3A_641], %swap3A_644 {strides = array<i32>} : memref<2x128xi32, #tpu.memory_space<vmem>>, vector<1x16xi32>,
        %shift_right_logical3A_645 = arith.constant 14 : i32
        %shift_right_logical3A_646 = vector.broadcast %shift_right_logical3A_645 : i32 to vector<16xi32>
        %shift_right_logical3A_647 = arith.shrui %get3A_635, %shift_right_logical3A_646 : vector<16xi32>
        %swap3A_648 = arith.constant 0 : i32
        %swap3A_649 = arith.index_cast %swap3A_648 : i32 to index
        %swap3A_650 = arith.constant 112 : index
        %swap3A_651 = tpu.vector_load %arg7[%swap3A_649, %swap3A_650] {strides = array<i32>} : memref<2x128xi32, #tpu.memory_space<vmem>>, vector<1x16xi32>,
        %swap3A_652 = vector.shape_cast %swap3A_651 : vector<1x16xi32> to vector<16xi32>
        %swap3A_653 = vector.shape_cast %shift_right_logical3A_647 : vector<16xi32> to vector<1x16xi32>
        tpu.vector_store %arg7[%swap3A_649, %swap3A_650], %swap3A_653 {strides = array<i32>} : memref<2x128xi32, #tpu.memory_space<vmem>>, vector<1x16xi32>,
        %dma_start3A_654 = arith.constant 0 : i32
        %dma_start3A_655 = arith.constant 0 : i32
        %dma_start3A_656 = arith.constant 0 : i32
        %dma_start3A_657 = arith.constant 0 : i32
        %dma_start3A_658 = tpu.memref_slice %arg8[%dma_start3A_655, %dma_start3A_656, %dma_start3A_657] : memref<2x128x128xf32, #tpu.memory_space<vmem>> -> memref<1x128x128xf32, #tpu.memory_space<vmem>>
        %dma_start3A_659 = tpu.memref_squeeze %dma_start3A_658 : memref<1x128x128xf32, #tpu.memory_space<vmem>> -> memref<128x128xf32, #tpu.memory_space<vmem>>
        %dma_start3A_660 = arith.constant 0 : i32
        %dma_start3A_661 = tpu.memref_slice %arg6[%dma_start3A_654, %dma_start3A_660] : memref<2x128xi32, #tpu.memory_space<vmem>> -> memref<1x128xi32, #tpu.memory_space<vmem>>
        %dma_start3A_662 = tpu.memref_squeeze %dma_start3A_661 : memref<1x128xi32, #tpu.memory_space<vmem>> -> memref<128xi32, #tpu.memory_space<vmem>>
        %dma_start3A_663 = arith.constant 0 : i32
        %dma_start3A_664 = arith.constant 0 : i32
        %dma_start3A_665 = tpu.memref_slice %arg2[%dma_start3A_663, %dma_start3A_664] : memref<10000x128xf32, #tpu.memory_space<hbm>> -> memref<10000x128xf32, #tpu.memory_space<hbm>>
        tpu.enqueue_indirect_dma source(%dma_start3A_665 : memref<10000x128xf32, #tpu.memory_space<hbm>>) target(%dma_start3A_659 : memref<128x128xf32, #tpu.memory_space<vmem>>) offsets(%dma_start3A_662 : memref<128xi32, #tpu.memory_space<vmem>>) semaphore(%arg10 : memref<!tpu.dma_semaphore, #tpu.memory_space<semaphore_mem>>)
      } else {
      }
      %mul3A_453 = arith.constant 2 : i32
      %mul3A_454 = arith.muli %scan3A_431, %mul3A_453 : i32
      %add3A_455 = arith.constant 1 : i32
      %add3A_456 = arith.addi %mul3A_454, %add3A_455 : i32
      %dma_wait3A_457 = arith.constant 1 : i32
      %dma_wait3A_458 = arith.constant 1 : i32
      %dma_wait3A_459 = arith.constant 0 : i32
      %dma_wait3A_460 = arith.constant 0 : i32
      %dma_wait3A_461 = tpu.memref_slice %arg8[%dma_wait3A_458, %dma_wait3A_459, %dma_wait3A_460] : memref<2x128x128xf32, #tpu.memory_space<vmem>> -> memref<1x128x128xf32, #tpu.memory_space<vmem>>
      %dma_wait3A_462 = tpu.memref_squeeze %dma_wait3A_461 : memref<1x128x128xf32, #tpu.memory_space<vmem>> -> memref<128x128xf32, #tpu.memory_space<vmem>>
      %dma_wait3A_463 = arith.constant 0 : i32
      %dma_wait3A_464 = tpu.memref_slice %arg6[%dma_wait3A_457, %dma_wait3A_463] : memref<2x128xi32, #tpu.memory_space<vmem>> -> memref<1x128xi32, #tpu.memory_space<vmem>>
      %dma_wait3A_465 = tpu.memref_squeeze %dma_wait3A_464 : memref<1x128xi32, #tpu.memory_space<vmem>> -> memref<128xi32, #tpu.memory_space<vmem>>
      %dma_wait3A_466 = arith.constant 0 : i32
      %dma_wait3A_467 = arith.constant 0 : i32
      %dma_wait3A_468 = tpu.memref_slice %arg2[%dma_wait3A_466, %dma_wait3A_467] : memref<10000x128xf32, #tpu.memory_space<hbm>> -> memref<10000x128xf32, #tpu.memory_space<hbm>>
      tpu.wait_indirect_dma semaphore(%arg11 : memref<!tpu.dma_semaphore, #tpu.memory_space<semaphore_mem>>) src(%dma_wait3A_468 : memref<10000x128xf32, #tpu.memory_space<hbm>>) dst(%dma_wait3A_462 : memref<128x128xf32, #tpu.memory_space<vmem>>)
      %run_scoped3A_469 = arith.constant 1 : i32
      %run_scoped3A_470 = arith.constant 1 : i32
      "tpu.region"() ({
        %run_scoped3A_478 = tpu.sem_alloc : memref<!tpu.dma_semaphore, #tpu.memory_space<semaphore_mem>>
        %dma_start3A_479 = arith.constant 0 : i32
        %dma_start3A_480 = arith.constant 0 : i32
        %dma_start3A_481 = tpu.memref_slice %arg8[%run_scoped3A_469, %dma_start3A_479, %dma_start3A_480] : memref<2x128x128xf32, #tpu.memory_space<vmem>> -> memref<1x128x128xf32, #tpu.memory_space<vmem>>
        %dma_start3A_482 = tpu.memref_squeeze %dma_start3A_481 : memref<1x128x128xf32, #tpu.memory_space<vmem>> -> memref<128x128xf32, #tpu.memory_space<vmem>>
        %dma_start3A_483 = arith.constant 0 : i32
        %dma_start3A_484 = tpu.memref_slice %arg7[%run_scoped3A_470, %dma_start3A_483] : memref<2x128xi32, #tpu.memory_space<vmem>> -> memref<1x128xi32, #tpu.memory_space<vmem>>
        %dma_start3A_485 = tpu.memref_squeeze %dma_start3A_484 : memref<1x128xi32, #tpu.memory_space<vmem>> -> memref<128xi32, #tpu.memory_space<vmem>>
        %dma_start3A_486 = arith.constant 0 : i32
        %dma_start3A_487 = arith.constant 0 : i32
        %dma_start3A_488 = tpu.memref_slice %arg9[%dma_start3A_486, %dma_start3A_487] : memref<10240x128xf32, #tpu.memory_space<vmem_shared>> -> memref<10240x128xf32, #tpu.memory_space<vmem_shared>>
        tpu.enqueue_indirect_dma source(%dma_start3A_482 : memref<128x128xf32, #tpu.memory_space<vmem>>) target(%dma_start3A_488 : memref<10240x128xf32, #tpu.memory_space<vmem_shared>>) offsets(%dma_start3A_485 : memref<128xi32, #tpu.memory_space<vmem>>) semaphore(%run_scoped3A_478 : memref<!tpu.dma_semaphore, #tpu.memory_space<semaphore_mem>>) {add = true}
        %dma_wait3A_489 = arith.constant 0 : i32
        %dma_wait3A_490 = arith.constant 0 : i32
        %dma_wait3A_491 = tpu.memref_slice %arg8[%run_scoped3A_469, %dma_wait3A_489, %dma_wait3A_490] : memref<2x128x128xf32, #tpu.memory_space<vmem>> -> memref<1x128x128xf32, #tpu.memory_space<vmem>>
        %dma_wait3A_492 = tpu.memref_squeeze %dma_wait3A_491 : memref<1x128x128xf32, #tpu.memory_space<vmem>> -> memref<128x128xf32, #tpu.memory_space<vmem>>
        %dma_wait3A_493 = arith.constant 0 : i32
        %dma_wait3A_494 = tpu.memref_slice %arg7[%run_scoped3A_470, %dma_wait3A_493] : memref<2x128xi32, #tpu.memory_space<vmem>> -> memref<1x128xi32, #tpu.memory_space<vmem>>
        %dma_wait3A_495 = tpu.memref_squeeze %dma_wait3A_494 : memref<1x128xi32, #tpu.memory_space<vmem>> -> memref<128xi32, #tpu.memory_space<vmem>>
        %dma_wait3A_496 = arith.constant 0 : i32
        %dma_wait3A_497 = arith.constant 0 : i32
        %dma_wait3A_498 = tpu.memref_slice %arg9[%dma_wait3A_496, %dma_wait3A_497] : memref<10240x128xf32, #tpu.memory_space<vmem_shared>> -> memref<10240x128xf32, #tpu.memory_space<vmem_shared>>
        tpu.wait_indirect_dma semaphore(%run_scoped3A_478 : memref<!tpu.dma_semaphore, #tpu.memory_space<semaphore_mem>>) src(%dma_wait3A_492 : memref<128x128xf32, #tpu.memory_space<vmem>>) dst(%dma_wait3A_498 : memref<10240x128xf32, #tpu.memory_space<vmem_shared>>)
        tpu.yield
      }) : () -> ()
      %add3A_471 = arith.constant 2 : i32
      %add3A_472 = arith.addi %add3A_456, %add3A_471 : i32
      %lt3A_473 = arith.constant 80 : i32
      %lt3A_474 = arith.cmpi slt, %add3A_472, %lt3A_473 : i32
      %convert_element_type3A_475 = arith.extui %lt3A_474 : i1 to i32
      %cond3A_476 = arith.constant 0 : i32
      %cond3A_477 = arith.cmpi ne, %convert_element_type3A_475, %cond3A_476 : i32
      scf.if %cond3A_477 {
        %get3A_478 = arith.index_cast %add3A_472 : i32 to index
        %get3A_479 = arith.constant 0 : index
        %get3A_480 = tpu.vector_load %arg5[%get3A_478, %get3A_479] {strides = array<i32>} : memref<80x128xi32, #tpu.memory_space<vmem>>, vector<1x16xi32>,
        %get3A_481 = vector.shape_cast %get3A_480 : vector<1x16xi32> to vector<16xi32>
        %and3A_482 = arith.constant 16383 : i32
        %and3A_483 = vector.broadcast %and3A_482 : i32 to vector<16xi32>
        %and3A_484 = arith.andi %get3A_481, %and3A_483 : vector<16xi32>
        %swap3A_485 = arith.constant 1 : i32
        %swap3A_486 = arith.index_cast %swap3A_485 : i32 to index
        %swap3A_487 = arith.constant 0 : index
        %swap3A_488 = tpu.vector_load %arg6[%swap3A_486, %swap3A_487] {strides = array<i32>} : memref<2x128xi32, #tpu.memory_space<vmem>>, vector<1x16xi32>,
        %swap3A_489 = vector.shape_cast %swap3A_488 : vector<1x16xi32> to vector<16xi32>
        %swap3A_490 = vector.shape_cast %and3A_484 : vector<16xi32> to vector<1x16xi32>
        tpu.vector_store %arg6[%swap3A_486, %swap3A_487], %swap3A_490 {strides = array<i32>} : memref<2x128xi32, #tpu.memory_space<vmem>>, vector<1x16xi32>,
        %shift_right_logical3A_491 = arith.constant 14 : i32
        %shift_right_logical3A_492 = vector.broadcast %shift_right_logical3A_491 : i32 to vector<16xi32>
        %shift_right_logical3A_493 = arith.shrui %get3A_481, %shift_right_logical3A_492 : vector<16xi32>
        %swap3A_494 = arith.constant 1 : i32
        %swap3A_495 = arith.index_cast %swap3A_494 : i32 to index
        %swap3A_496 = arith.constant 0 : index
        %swap3A_497 = tpu.vector_load %arg7[%swap3A_495, %swap3A_496] {strides = array<i32>} : memref<2x128xi32, #tpu.memory_space<vmem>>, vector<1x16xi32>,
        %swap3A_498 = vector.shape_cast %swap3A_497 : vector<1x16xi32> to vector<16xi32>
        %swap3A_499 = vector.shape_cast %shift_right_logical3A_493 : vector<16xi32> to vector<1x16xi32>
        tpu.vector_store %arg7[%swap3A_495, %swap3A_496], %swap3A_499 {strides = array<i32>} : memref<2x128xi32, #tpu.memory_space<vmem>>, vector<1x16xi32>,
        %get3A_500 = arith.index_cast %add3A_472 : i32 to index
        %get3A_501 = arith.constant 16 : index
        %get3A_502 = tpu.vector_load %arg5[%get3A_500, %get3A_501] {strides = array<i32>} : memref<80x128xi32, #tpu.memory_space<vmem>>, vector<1x16xi32>,
        %get3A_503 = vector.shape_cast %get3A_502 : vector<1x16xi32> to vector<16xi32>
        %and3A_504 = arith.constant 16383 : i32
        %and3A_505 = vector.broadcast %and3A_504 : i32 to vector<16xi32>
        %and3A_506 = arith.andi %get3A_503, %and3A_505 : vector<16xi32>
        %swap3A_507 = arith.constant 1 : i32
        %swap3A_508 = arith.index_cast %swap3A_507 : i32 to index
        %swap3A_509 = arith.constant 16 : index
        %swap3A_510 = tpu.vector_load %arg6[%swap3A_508, %swap3A_509] {strides = array<i32>} : memref<2x128xi32, #tpu.memory_space<vmem>>, vector<1x16xi32>,
        %swap3A_511 = vector.shape_cast %swap3A_510 : vector<1x16xi32> to vector<16xi32>
        %swap3A_512 = vector.shape_cast %and3A_506 : vector<16xi32> to vector<1x16xi32>
        tpu.vector_store %arg6[%swap3A_508, %swap3A_509], %swap3A_512 {strides = array<i32>} : memref<2x128xi32, #tpu.memory_space<vmem>>, vector<1x16xi32>,
        %shift_right_logical3A_513 = arith.constant 14 : i32
        %shift_right_logical3A_514 = vector.broadcast %shift_right_logical3A_513 : i32 to vector<16xi32>
        %shift_right_logical3A_515 = arith.shrui %get3A_503, %shift_right_logical3A_514 : vector<16xi32>
        %swap3A_516 = arith.constant 1 : i32
        %swap3A_517 = arith.index_cast %swap3A_516 : i32 to index
        %swap3A_518 = arith.constant 16 : index
        %swap3A_519 = tpu.vector_load %arg7[%swap3A_517, %swap3A_518] {strides = array<i32>} : memref<2x128xi32, #tpu.memory_space<vmem>>, vector<1x16xi32>,
        %swap3A_520 = vector.shape_cast %swap3A_519 : vector<1x16xi32> to vector<16xi32>
        %swap3A_521 = vector.shape_cast %shift_right_logical3A_515 : vector<16xi32> to vector<1x16xi32>
        tpu.vector_store %arg7[%swap3A_517, %swap3A_518], %swap3A_521 {strides = array<i32>} : memref<2x128xi32, #tpu.memory_space<vmem>>, vector<1x16xi32>,
        %get3A_522 = arith.index_cast %add3A_472 : i32 to index
        %get3A_523 = arith.constant 32 : index
        %get3A_524 = tpu.vector_load %arg5[%get3A_522, %get3A_523] {strides = array<i32>} : memref<80x128xi32, #tpu.memory_space<vmem>>, vector<1x16xi32>,
        %get3A_525 = vector.shape_cast %get3A_524 : vector<1x16xi32> to vector<16xi32>
        %and3A_526 = arith.constant 16383 : i32
        %and3A_527 = vector.broadcast %and3A_526 : i32 to vector<16xi32>
        %and3A_528 = arith.andi %get3A_525, %and3A_527 : vector<16xi32>
        %swap3A_529 = arith.constant 1 : i32
        %swap3A_530 = arith.index_cast %swap3A_529 : i32 to index
        %swap3A_531 = arith.constant 32 : index
        %swap3A_532 = tpu.vector_load %arg6[%swap3A_530, %swap3A_531] {strides = array<i32>} : memref<2x128xi32, #tpu.memory_space<vmem>>, vector<1x16xi32>,
        %swap3A_533 = vector.shape_cast %swap3A_532 : vector<1x16xi32> to vector<16xi32>
        %swap3A_534 = vector.shape_cast %and3A_528 : vector<16xi32> to vector<1x16xi32>
        tpu.vector_store %arg6[%swap3A_530, %swap3A_531], %swap3A_534 {strides = array<i32>} : memref<2x128xi32, #tpu.memory_space<vmem>>, vector<1x16xi32>,
        %shift_right_logical3A_535 = arith.constant 14 : i32
        %shift_right_logical3A_536 = vector.broadcast %shift_right_logical3A_535 : i32 to vector<16xi32>
        %shift_right_logical3A_537 = arith.shrui %get3A_525, %shift_right_logical3A_536 : vector<16xi32>
        %swap3A_538 = arith.constant 1 : i32
        %swap3A_539 = arith.index_cast %swap3A_538 : i32 to index
        %swap3A_540 = arith.constant 32 : index
        %swap3A_541 = tpu.vector_load %arg7[%swap3A_539, %swap3A_540] {strides = array<i32>} : memref<2x128xi32, #tpu.memory_space<vmem>>, vector<1x16xi32>,
        %swap3A_542 = vector.shape_cast %swap3A_541 : vector<1x16xi32> to vector<16xi32>
        %swap3A_543 = vector.shape_cast %shift_right_logical3A_537 : vector<16xi32> to vector<1x16xi32>
        tpu.vector_store %arg7[%swap3A_539, %swap3A_540], %swap3A_543 {strides = array<i32>} : memref<2x128xi32, #tpu.memory_space<vmem>>, vector<1x16xi32>,
        %get3A_544 = arith.index_cast %add3A_472 : i32 to index
        %get3A_545 = arith.constant 48 : index
        %get3A_546 = tpu.vector_load %arg5[%get3A_544, %get3A_545] {strides = array<i32>} : memref<80x128xi32, #tpu.memory_space<vmem>>, vector<1x16xi32>,
        %get3A_547 = vector.shape_cast %get3A_546 : vector<1x16xi32> to vector<16xi32>
        %and3A_548 = arith.constant 16383 : i32
        %and3A_549 = vector.broadcast %and3A_548 : i32 to vector<16xi32>
        %and3A_550 = arith.andi %get3A_547, %and3A_549 : vector<16xi32>
        %swap3A_551 = arith.constant 1 : i32
        %swap3A_552 = arith.index_cast %swap3A_551 : i32 to index
        %swap3A_553 = arith.constant 48 : index
        %swap3A_554 = tpu.vector_load %arg6[%swap3A_552, %swap3A_553] {strides = array<i32>} : memref<2x128xi32, #tpu.memory_space<vmem>>, vector<1x16xi32>,
        %swap3A_555 = vector.shape_cast %swap3A_554 : vector<1x16xi32> to vector<16xi32>
        %swap3A_556 = vector.shape_cast %and3A_550 : vector<16xi32> to vector<1x16xi32>
        tpu.vector_store %arg6[%swap3A_552, %swap3A_553], %swap3A_556 {strides = array<i32>} : memref<2x128xi32, #tpu.memory_space<vmem>>, vector<1x16xi32>,
        %shift_right_logical3A_557 = arith.constant 14 : i32
        %shift_right_logical3A_558 = vector.broadcast %shift_right_logical3A_557 : i32 to vector<16xi32>
        %shift_right_logical3A_559 = arith.shrui %get3A_547, %shift_right_logical3A_558 : vector<16xi32>
        %swap3A_560 = arith.constant 1 : i32
        %swap3A_561 = arith.index_cast %swap3A_560 : i32 to index
        %swap3A_562 = arith.constant 48 : index
        %swap3A_563 = tpu.vector_load %arg7[%swap3A_561, %swap3A_562] {strides = array<i32>} : memref<2x128xi32, #tpu.memory_space<vmem>>, vector<1x16xi32>,
        %swap3A_564 = vector.shape_cast %swap3A_563 : vector<1x16xi32> to vector<16xi32>
        %swap3A_565 = vector.shape_cast %shift_right_logical3A_559 : vector<16xi32> to vector<1x16xi32>
        tpu.vector_store %arg7[%swap3A_561, %swap3A_562], %swap3A_565 {strides = array<i32>} : memref<2x128xi32, #tpu.memory_space<vmem>>, vector<1x16xi32>,
        %get3A_566 = arith.index_cast %add3A_472 : i32 to index
        %get3A_567 = arith.constant 64 : index
        %get3A_568 = tpu.vector_load %arg5[%get3A_566, %get3A_567] {strides = array<i32>} : memref<80x128xi32, #tpu.memory_space<vmem>>, vector<1x16xi32>,
        %get3A_569 = vector.shape_cast %get3A_568 : vector<1x16xi32> to vector<16xi32>
        %and3A_570 = arith.constant 16383 : i32
        %and3A_571 = vector.broadcast %and3A_570 : i32 to vector<16xi32>
        %and3A_572 = arith.andi %get3A_569, %and3A_571 : vector<16xi32>
        %swap3A_573 = arith.constant 1 : i32
        %swap3A_574 = arith.index_cast %swap3A_573 : i32 to index
        %swap3A_575 = arith.constant 64 : index
        %swap3A_576 = tpu.vector_load %arg6[%swap3A_574, %swap3A_575] {strides = array<i32>} : memref<2x128xi32, #tpu.memory_space<vmem>>, vector<1x16xi32>,
        %swap3A_577 = vector.shape_cast %swap3A_576 : vector<1x16xi32> to vector<16xi32>
        %swap3A_578 = vector.shape_cast %and3A_572 : vector<16xi32> to vector<1x16xi32>
        tpu.vector_store %arg6[%swap3A_574, %swap3A_575], %swap3A_578 {strides = array<i32>} : memref<2x128xi32, #tpu.memory_space<vmem>>, vector<1x16xi32>,
        %shift_right_logical3A_579 = arith.constant 14 : i32
        %shift_right_logical3A_580 = vector.broadcast %shift_right_logical3A_579 : i32 to vector<16xi32>
        %shift_right_logical3A_581 = arith.shrui %get3A_569, %shift_right_logical3A_580 : vector<16xi32>
        %swap3A_582 = arith.constant 1 : i32
        %swap3A_583 = arith.index_cast %swap3A_582 : i32 to index
        %swap3A_584 = arith.constant 64 : index
        %swap3A_585 = tpu.vector_load %arg7[%swap3A_583, %swap3A_584] {strides = array<i32>} : memref<2x128xi32, #tpu.memory_space<vmem>>, vector<1x16xi32>,
        %swap3A_586 = vector.shape_cast %swap3A_585 : vector<1x16xi32> to vector<16xi32>
        %swap3A_587 = vector.shape_cast %shift_right_logical3A_581 : vector<16xi32> to vector<1x16xi32>
        tpu.vector_store %arg7[%swap3A_583, %swap3A_584], %swap3A_587 {strides = array<i32>} : memref<2x128xi32, #tpu.memory_space<vmem>>, vector<1x16xi32>,
        %get3A_588 = arith.index_cast %add3A_472 : i32 to index
        %get3A_589 = arith.constant 80 : index
        %get3A_590 = tpu.vector_load %arg5[%get3A_588, %get3A_589] {strides = array<i32>} : memref<80x128xi32, #tpu.memory_space<vmem>>, vector<1x16xi32>,
        %get3A_591 = vector.shape_cast %get3A_590 : vector<1x16xi32> to vector<16xi32>
        %and3A_592 = arith.constant 16383 : i32
        %and3A_593 = vector.broadcast %and3A_592 : i32 to vector<16xi32>
        %and3A_594 = arith.andi %get3A_591, %and3A_593 : vector<16xi32>
        %swap3A_595 = arith.constant 1 : i32
        %swap3A_596 = arith.index_cast %swap3A_595 : i32 to index
        %swap3A_597 = arith.constant 80 : index
        %swap3A_598 = tpu.vector_load %arg6[%swap3A_596, %swap3A_597] {strides = array<i32>} : memref<2x128xi32, #tpu.memory_space<vmem>>, vector<1x16xi32>,
        %swap3A_599 = vector.shape_cast %swap3A_598 : vector<1x16xi32> to vector<16xi32>
        %swap3A_600 = vector.shape_cast %and3A_594 : vector<16xi32> to vector<1x16xi32>
        tpu.vector_store %arg6[%swap3A_596, %swap3A_597], %swap3A_600 {strides = array<i32>} : memref<2x128xi32, #tpu.memory_space<vmem>>, vector<1x16xi32>,
        %shift_right_logical3A_601 = arith.constant 14 : i32
        %shift_right_logical3A_602 = vector.broadcast %shift_right_logical3A_601 : i32 to vector<16xi32>
        %shift_right_logical3A_603 = arith.shrui %get3A_591, %shift_right_logical3A_602 : vector<16xi32>
        %swap3A_604 = arith.constant 1 : i32
        %swap3A_605 = arith.index_cast %swap3A_604 : i32 to index
        %swap3A_606 = arith.constant 80 : index
        %swap3A_607 = tpu.vector_load %arg7[%swap3A_605, %swap3A_606] {strides = array<i32>} : memref<2x128xi32, #tpu.memory_space<vmem>>, vector<1x16xi32>,
        %swap3A_608 = vector.shape_cast %swap3A_607 : vector<1x16xi32> to vector<16xi32>
        %swap3A_609 = vector.shape_cast %shift_right_logical3A_603 : vector<16xi32> to vector<1x16xi32>
        tpu.vector_store %arg7[%swap3A_605, %swap3A_606], %swap3A_609 {strides = array<i32>} : memref<2x128xi32, #tpu.memory_space<vmem>>, vector<1x16xi32>,
        %get3A_610 = arith.index_cast %add3A_472 : i32 to index
        %get3A_611 = arith.constant 96 : index
        %get3A_612 = tpu.vector_load %arg5[%get3A_610, %get3A_611] {strides = array<i32>} : memref<80x128xi32, #tpu.memory_space<vmem>>, vector<1x16xi32>,
        %get3A_613 = vector.shape_cast %get3A_612 : vector<1x16xi32> to vector<16xi32>
        %and3A_614 = arith.constant 16383 : i32
        %and3A_615 = vector.broadcast %and3A_614 : i32 to vector<16xi32>
        %and3A_616 = arith.andi %get3A_613, %and3A_615 : vector<16xi32>
        %swap3A_617 = arith.constant 1 : i32
        %swap3A_618 = arith.index_cast %swap3A_617 : i32 to index
        %swap3A_619 = arith.constant 96 : index
        %swap3A_620 = tpu.vector_load %arg6[%swap3A_618, %swap3A_619] {strides = array<i32>} : memref<2x128xi32, #tpu.memory_space<vmem>>, vector<1x16xi32>,
        %swap3A_621 = vector.shape_cast %swap3A_620 : vector<1x16xi32> to vector<16xi32>
        %swap3A_622 = vector.shape_cast %and3A_616 : vector<16xi32> to vector<1x16xi32>
        tpu.vector_store %arg6[%swap3A_618, %swap3A_619], %swap3A_622 {strides = array<i32>} : memref<2x128xi32, #tpu.memory_space<vmem>>, vector<1x16xi32>,
        %shift_right_logical3A_623 = arith.constant 14 : i32
        %shift_right_logical3A_624 = vector.broadcast %shift_right_logical3A_623 : i32 to vector<16xi32>
        %shift_right_logical3A_625 = arith.shrui %get3A_613, %shift_right_logical3A_624 : vector<16xi32>
        %swap3A_626 = arith.constant 1 : i32
        %swap3A_627 = arith.index_cast %swap3A_626 : i32 to index
        %swap3A_628 = arith.constant 96 : index
        %swap3A_629 = tpu.vector_load %arg7[%swap3A_627, %swap3A_628] {strides = array<i32>} : memref<2x128xi32, #tpu.memory_space<vmem>>, vector<1x16xi32>,
        %swap3A_630 = vector.shape_cast %swap3A_629 : vector<1x16xi32> to vector<16xi32>
        %swap3A_631 = vector.shape_cast %shift_right_logical3A_625 : vector<16xi32> to vector<1x16xi32>
        tpu.vector_store %arg7[%swap3A_627, %swap3A_628], %swap3A_631 {strides = array<i32>} : memref<2x128xi32, #tpu.memory_space<vmem>>, vector<1x16xi32>,
        %get3A_632 = arith.index_cast %add3A_472 : i32 to index
        %get3A_633 = arith.constant 112 : index
        %get3A_634 = tpu.vector_load %arg5[%get3A_632, %get3A_633] {strides = array<i32>} : memref<80x128xi32, #tpu.memory_space<vmem>>, vector<1x16xi32>,
        %get3A_635 = vector.shape_cast %get3A_634 : vector<1x16xi32> to vector<16xi32>
        %and3A_636 = arith.constant 16383 : i32
        %and3A_637 = vector.broadcast %and3A_636 : i32 to vector<16xi32>
        %and3A_638 = arith.andi %get3A_635, %and3A_637 : vector<16xi32>
        %swap3A_639 = arith.constant 1 : i32
        %swap3A_640 = arith.index_cast %swap3A_639 : i32 to index
        %swap3A_641 = arith.constant 112 : index
        %swap3A_642 = tpu.vector_load %arg6[%swap3A_640, %swap3A_641] {strides = array<i32>} : memref<2x128xi32, #tpu.memory_space<vmem>>, vector<1x16xi32>,
        %swap3A_643 = vector.shape_cast %swap3A_642 : vector<1x16xi32> to vector<16xi32>
        %swap3A_644 = vector.shape_cast %and3A_638 : vector<16xi32> to vector<1x16xi32>
        tpu.vector_store %arg6[%swap3A_640, %swap3A_641], %swap3A_644 {strides = array<i32>} : memref<2x128xi32, #tpu.memory_space<vmem>>, vector<1x16xi32>,
        %shift_right_logical3A_645 = arith.constant 14 : i32
        %shift_right_logical3A_646 = vector.broadcast %shift_right_logical3A_645 : i32 to vector<16xi32>
        %shift_right_logical3A_647 = arith.shrui %get3A_635, %shift_right_logical3A_646 : vector<16xi32>
        %swap3A_648 = arith.constant 1 : i32
        %swap3A_649 = arith.index_cast %swap3A_648 : i32 to index
        %swap3A_650 = arith.constant 112 : index
        %swap3A_651 = tpu.vector_load %arg7[%swap3A_649, %swap3A_650] {strides = array<i32>} : memref<2x128xi32, #tpu.memory_space<vmem>>, vector<1x16xi32>,
        %swap3A_652 = vector.shape_cast %swap3A_651 : vector<1x16xi32> to vector<16xi32>
        %swap3A_653 = vector.shape_cast %shift_right_logical3A_647 : vector<16xi32> to vector<1x16xi32>
        tpu.vector_store %arg7[%swap3A_649, %swap3A_650], %swap3A_653 {strides = array<i32>} : memref<2x128xi32, #tpu.memory_space<vmem>>, vector<1x16xi32>,
        %dma_start3A_654 = arith.constant 1 : i32
        %dma_start3A_655 = arith.constant 1 : i32
        %dma_start3A_656 = arith.constant 0 : i32
        %dma_start3A_657 = arith.constant 0 : i32
        %dma_start3A_658 = tpu.memref_slice %arg8[%dma_start3A_655, %dma_start3A_656, %dma_start3A_657] : memref<2x128x128xf32, #tpu.memory_space<vmem>> -> memref<1x128x128xf32, #tpu.memory_space<vmem>>
        %dma_start3A_659 = tpu.memref_squeeze %dma_start3A_658 : memref<1x128x128xf32, #tpu.memory_space<vmem>> -> memref<128x128xf32, #tpu.memory_space<vmem>>
        %dma_start3A_660 = arith.constant 0 : i32
        %dma_start3A_661 = tpu.memref_slice %arg6[%dma_start3A_654, %dma_start3A_660] : memref<2x128xi32, #tpu.memory_space<vmem>> -> memref<1x128xi32, #tpu.memory_space<vmem>>
        %dma_start3A_662 = tpu.memref_squeeze %dma_start3A_661 : memref<1x128xi32, #tpu.memory_space<vmem>> -> memref<128xi32, #tpu.memory_space<vmem>>
        %dma_start3A_663 = arith.constant 0 : i32
        %dma_start3A_664 = arith.constant 0 : i32
        %dma_start3A_665 = tpu.memref_slice %arg2[%dma_start3A_663, %dma_start3A_664] : memref<10000x128xf32, #tpu.memory_space<hbm>> -> memref<10000x128xf32, #tpu.memory_space<hbm>>
        tpu.enqueue_indirect_dma source(%dma_start3A_665 : memref<10000x128xf32, #tpu.memory_space<hbm>>) target(%dma_start3A_659 : memref<128x128xf32, #tpu.memory_space<vmem>>) offsets(%dma_start3A_662 : memref<128xi32, #tpu.memory_space<vmem>>) semaphore(%arg11 : memref<!tpu.dma_semaphore, #tpu.memory_space<semaphore_mem>>)
      } else {
      }
    }
    %scan3A_425 = arith.constant 40 : i32
    %barrier3A_426 = arith.constant 0 : index
    tpu.barrier barrier_id(%barrier3A_426)
    %mul3A_427 = arith.constant 640 : i32
    %mul3A_428 = arith.muli %arg1, %mul3A_427 : i32
    %mul3A_429 = arith.constant 640 : i32
    %mul3A_430 = arith.muli %arg1, %mul3A_429 : i32
    "tpu.region"() ({
      %run_scoped3A_431 = tpu.sem_alloc : memref<!tpu.dma_semaphore, #tpu.memory_space<semaphore_mem>>
      %dma_start3A_432 = arith.constant 0 : i32
      %dma_start3A_433 = tpu.memref_slice %arg4[%arg0, %mul3A_430, %dma_start3A_432] : memref<2x10240x128xf32, #tpu.memory_space<hbm>> -> memref<1x640x128xf32, #tpu.memory_space<hbm>>
      %dma_start3A_434 = tpu.memref_squeeze %dma_start3A_433 : memref<1x640x128xf32, #tpu.memory_space<hbm>> -> memref<640x128xf32, #tpu.memory_space<hbm>>
      %dma_start3A_435 = arith.constant 0 : i32
      %dma_start3A_436 = tpu.memref_slice %arg9[%mul3A_428, %dma_start3A_435] : memref<10240x128xf32, #tpu.memory_space<vmem_shared>> -> memref<640x128xf32, #tpu.memory_space<vmem_shared>>
      tpu.enqueue_dma source(%dma_start3A_436 : memref<640x128xf32, #tpu.memory_space<vmem_shared>>) target(%dma_start3A_434 : memref<640x128xf32, #tpu.memory_space<hbm>>) target_semaphore(%run_scoped3A_431 : memref<!tpu.dma_semaphore, #tpu.memory_space<semaphore_mem>>)
      %dma_wait3A = arith.constant 0 : i32
      %dma_wait3A_437 = tpu.memref_slice %arg4[%arg0, %mul3A_430, %dma_wait3A] : memref<2x10240x128xf32, #tpu.memory_space<hbm>> -> memref<1x640x128xf32, #tpu.memory_space<hbm>>
      %dma_wait3A_438 = tpu.memref_squeeze %dma_wait3A_437 : memref<1x640x128xf32, #tpu.memory_space<hbm>> -> memref<640x128xf32, #tpu.memory_space<hbm>>
      %dma_wait3A_439 = arith.constant 0 : i32
      %dma_wait3A_440 = tpu.memref_slice %arg9[%mul3A_428, %dma_wait3A_439] : memref<10240x128xf32, #tpu.memory_space<vmem_shared>> -> memref<640x128xf32, #tpu.memory_space<vmem_shared>>
      tpu.wait_dma2 semaphore(%run_scoped3A_431 : memref<!tpu.dma_semaphore, #tpu.memory_space<semaphore_mem>>) src(%dma_wait3A_440 : memref<640x128xf32, #tpu.memory_space<vmem_shared>>) dst(%dma_wait3A_438 : memref<640x128xf32, #tpu.memory_space<hbm>>)
      tpu.yield
    }) : () -> ()
    return
  }
}

#map = affine_map<(d0, d1) -> (0, 0)>
#map1 = affine_map<(d0, d1) -> (0, 0, 0)>
module attributes {stable_mosaic.version = 14 : i64} {
  func.func @_msg_body(%arg0: i32, %arg1: i32, %arg2: memref<10000x128xf32, #tpu.memory_space<hbm>>, %arg3: memref<2560x128xi32, #tpu.memory_space<hbm>>, %arg4: memref<2x10240x128xf32, #tpu.memory_space<hbm>>, %arg5: memref<80x128xi32, #tpu.memory_space<vmem>>, %arg6: memref<2x128xi32, #tpu.memory_space<vmem>>, %arg7: memref<2x128xi32, #tpu.memory_space<vmem>>, %arg8: memref<2x128x128xf32, #tpu.memory_space<vmem>>, %arg9: memref<10240x128xf32, #tpu.memory_space<vmem_shared>>, %arg10: memref<!tpu.dma_semaphore, #tpu.memory_space<semaphore_mem>>, %arg11: memref<!tpu.dma_semaphore, #tpu.memory_space<semaphore_mem>>) attributes {dimension_semantics = [#tpu.dimension_semantics<core_parallel>, #tpu.dimension_semantics<subcore_parallel>], iteration_bounds = array<i64: 2, 16>, scalar_prefetch = 0 : i64, scratch_operands = 7 : i64, tpu.core_type = #tpu.core_type<sc_vector_subcore>, window_params = [{transform_indices = #map}, {transform_indices = #map}, {transform_indices = #map1}]} {
    %mul3A = arith.constant 16 : i32
    %mul3A_0 = arith.muli %arg0, %mul3A : i32
    %add3A = arith.addi %mul3A_0, %arg1 : i32
    %mul3A_1 = arith.constant 80 : i32
    %mul3A_2 = arith.muli %add3A, %mul3A_1 : i32
    "tpu.region"() ({
      %run_scoped3A_431 = tpu.sem_alloc : memref<!tpu.dma_semaphore, #tpu.memory_space<semaphore_mem>>
      %dma_start3A_432 = arith.constant 0 : i32
      %dma_start3A_433 = tpu.memref_slice %arg3[%mul3A_2, %dma_start3A_432] : memref<2560x128xi32, #tpu.memory_space<hbm>> -> memref<80x128xi32, #tpu.memory_space<hbm>>
      %dma_start3A_434 = arith.constant 0 : i32
      %dma_start3A_435 = tpu.memref_slice %arg3[%mul3A_2, %dma_start3A_434] : memref<2560x128xi32, #tpu.memory_space<hbm>> -> memref<80x128xi32, #tpu.memory_space<hbm>>
      tpu.enqueue_dma source(%dma_start3A_435 : memref<80x128xi32, #tpu.memory_space<hbm>>) target(%arg5 : memref<80x128xi32, #tpu.memory_space<vmem>>) target_semaphore(%run_scoped3A_431 : memref<!tpu.dma_semaphore, #tpu.memory_space<semaphore_mem>>)
      %dma_wait3A = arith.constant 0 : i32
      %dma_wait3A_436 = tpu.memref_slice %arg3[%mul3A_2, %dma_wait3A] : memref<2560x128xi32, #tpu.memory_space<hbm>> -> memref<80x128xi32, #tpu.memory_space<hbm>>
      %dma_wait3A_437 = arith.constant 0 : i32
      %dma_wait3A_438 = tpu.memref_slice %arg3[%mul3A_2, %dma_wait3A_437] : memref<2560x128xi32, #tpu.memory_space<hbm>> -> memref<80x128xi32, #tpu.memory_space<hbm>>
      tpu.wait_dma2 semaphore(%run_scoped3A_431 : memref<!tpu.dma_semaphore, #tpu.memory_space<semaphore_mem>>) src(%dma_wait3A_438 : memref<80x128xi32, #tpu.memory_space<hbm>>) dst(%arg5 : memref<80x128xi32, #tpu.memory_space<vmem>>)
      tpu.yield
    }) : () -> ()
    %broadcast_in_dim3A = arith.constant 0.000000e+00 : f32
    %broadcast_in_dim3A_3 = vector.broadcast %broadcast_in_dim3A : f32 to vector<16xf32>
    %scan3A = arith.constant 0 : i32
    %scan3A_4 = arith.constant 0 : i32
    %scan3A_5 = arith.constant 128 : i32
    %scan3A_6 = arith.addi %scan3A_4, %scan3A_5 : i32
    %scan3A_7 = arith.constant 1 : i32
    scf.for %scan3A_431 = %scan3A_4 to %scan3A_6 step %scan3A_7  : i32 {
      %swap3A_432 = arith.constant 0 : i32
      %swap3A_433 = arith.index_cast %swap3A_432 : i32 to index
      %swap3A_434 = arith.index_cast %scan3A_431 : i32 to index
      %swap3A_435 = arith.constant 0 : index
      %swap3A_436 = tpu.vector_load %arg8[%swap3A_433, %swap3A_434, %swap3A_435] {strides = array<i32>} : memref<2x128x128xf32, #tpu.memory_space<vmem>>, vector<1x1x16xf32>,
      %swap3A_437 = vector.shape_cast %swap3A_436 : vector<1x1x16xf32> to vector<16xf32>
      %swap3A_438 = vector.shape_cast %broadcast_in_dim3A_3 : vector<16xf32> to vector<1x1x16xf32>
      tpu.vector_store %arg8[%swap3A_433, %swap3A_434, %swap3A_435], %swap3A_438 {strides = array<i32>} : memref<2x128x128xf32, #tpu.memory_space<vmem>>, vector<1x1x16xf32>,
      %swap3A_439 = arith.constant 0 : i32
      %swap3A_440 = arith.index_cast %swap3A_439 : i32 to index
      %swap3A_441 = arith.index_cast %scan3A_431 : i32 to index
      %swap3A_442 = arith.constant 16 : index
      %swap3A_443 = tpu.vector_load %arg8[%swap3A_440, %swap3A_441, %swap3A_442] {strides = array<i32>} : memref<2x128x128xf32, #tpu.memory_space<vmem>>, vector<1x1x16xf32>,
      %swap3A_444 = vector.shape_cast %swap3A_443 : vector<1x1x16xf32> to vector<16xf32>
      %swap3A_445 = vector.shape_cast %broadcast_in_dim3A_3 : vector<16xf32> to vector<1x1x16xf32>
      tpu.vector_store %arg8[%swap3A_440, %swap3A_441, %swap3A_442], %swap3A_445 {strides = array<i32>} : memref<2x128x128xf32, #tpu.memory_space<vmem>>, vector<1x1x16xf32>,
      %swap3A_446 = arith.constant 0 : i32
      %swap3A_447 = arith.index_cast %swap3A_446 : i32 to index
      %swap3A_448 = arith.index_cast %scan3A_431 : i32 to index
      %swap3A_449 = arith.constant 32 : index
      %swap3A_450 = tpu.vector_load %arg8[%swap3A_447, %swap3A_448, %swap3A_449] {strides = array<i32>} : memref<2x128x128xf32, #tpu.memory_space<vmem>>, vector<1x1x16xf32>,
      %swap3A_451 = vector.shape_cast %swap3A_450 : vector<1x1x16xf32> to vector<16xf32>
      %swap3A_452 = vector.shape_cast %broadcast_in_dim3A_3 : vector<16xf32> to vector<1x1x16xf32>
      tpu.vector_store %arg8[%swap3A_447, %swap3A_448, %swap3A_449], %swap3A_452 {strides = array<i32>} : memref<2x128x128xf32, #tpu.memory_space<vmem>>, vector<1x1x16xf32>,
      %swap3A_453 = arith.constant 0 : i32
      %swap3A_454 = arith.index_cast %swap3A_453 : i32 to index
      %swap3A_455 = arith.index_cast %scan3A_431 : i32 to index
      %swap3A_456 = arith.constant 48 : index
      %swap3A_457 = tpu.vector_load %arg8[%swap3A_454, %swap3A_455, %swap3A_456] {strides = array<i32>} : memref<2x128x128xf32, #tpu.memory_space<vmem>>, vector<1x1x16xf32>,
      %swap3A_458 = vector.shape_cast %swap3A_457 : vector<1x1x16xf32> to vector<16xf32>
      %swap3A_459 = vector.shape_cast %broadcast_in_dim3A_3 : vector<16xf32> to vector<1x1x16xf32>
      tpu.vector_store %arg8[%swap3A_454, %swap3A_455, %swap3A_456], %swap3A_459 {strides = array<i32>} : memref<2x128x128xf32, #tpu.memory_space<vmem>>, vector<1x1x16xf32>,
      %swap3A_460 = arith.constant 0 : i32
      %swap3A_461 = arith.index_cast %swap3A_460 : i32 to index
      %swap3A_462 = arith.index_cast %scan3A_431 : i32 to index
      %swap3A_463 = arith.constant 64 : index
      %swap3A_464 = tpu.vector_load %arg8[%swap3A_461, %swap3A_462, %swap3A_463] {strides = array<i32>} : memref<2x128x128xf32, #tpu.memory_space<vmem>>, vector<1x1x16xf32>,
      %swap3A_465 = vector.shape_cast %swap3A_464 : vector<1x1x16xf32> to vector<16xf32>
      %swap3A_466 = vector.shape_cast %broadcast_in_dim3A_3 : vector<16xf32> to vector<1x1x16xf32>
      tpu.vector_store %arg8[%swap3A_461, %swap3A_462, %swap3A_463], %swap3A_466 {strides = array<i32>} : memref<2x128x128xf32, #tpu.memory_space<vmem>>, vector<1x1x16xf32>,
      %swap3A_467 = arith.constant 0 : i32
      %swap3A_468 = arith.index_cast %swap3A_467 : i32 to index
      %swap3A_469 = arith.index_cast %scan3A_431 : i32 to index
      %swap3A_470 = arith.constant 80 : index
      %swap3A_471 = tpu.vector_load %arg8[%swap3A_468, %swap3A_469, %swap3A_470] {strides = array<i32>} : memref<2x128x128xf32, #tpu.memory_space<vmem>>, vector<1x1x16xf32>,
      %swap3A_472 = vector.shape_cast %swap3A_471 : vector<1x1x16xf32> to vector<16xf32>
      %swap3A_473 = vector.shape_cast %broadcast_in_dim3A_3 : vector<16xf32> to vector<1x1x16xf32>
      tpu.vector_store %arg8[%swap3A_468, %swap3A_469, %swap3A_470], %swap3A_473 {strides = array<i32>} : memref<2x128x128xf32, #tpu.memory_space<vmem>>, vector<1x1x16xf32>,
      %swap3A_474 = arith.constant 0 : i32
      %swap3A_475 = arith.index_cast %swap3A_474 : i32 to index
      %swap3A_476 = arith.index_cast %scan3A_431 : i32 to index
      %swap3A_477 = arith.constant 96 : index
      %swap3A_478 = tpu.vector_load %arg8[%swap3A_475, %swap3A_476, %swap3A_477] {strides = array<i32>} : memref<2x128x128xf32, #tpu.memory_space<vmem>>, vector<1x1x16xf32>,
      %swap3A_479 = vector.shape_cast %swap3A_478 : vector<1x1x16xf32> to vector<16xf32>
      %swap3A_480 = vector.shape_cast %broadcast_in_dim3A_3 : vector<16xf32> to vector<1x1x16xf32>
      tpu.vector_store %arg8[%swap3A_475, %swap3A_476, %swap3A_477], %swap3A_480 {strides = array<i32>} : memref<2x128x128xf32, #tpu.memory_space<vmem>>, vector<1x1x16xf32>,
      %swap3A_481 = arith.constant 0 : i32
      %swap3A_482 = arith.index_cast %swap3A_481 : i32 to index
      %swap3A_483 = arith.index_cast %scan3A_431 : i32 to index
      %swap3A_484 = arith.constant 112 : index
      %swap3A_485 = tpu.vector_load %arg8[%swap3A_482, %swap3A_483, %swap3A_484] {strides = array<i32>} : memref<2x128x128xf32, #tpu.memory_space<vmem>>, vector<1x1x16xf32>,
      %swap3A_486 = vector.shape_cast %swap3A_485 : vector<1x1x16xf32> to vector<16xf32>
      %swap3A_487 = vector.shape_cast %broadcast_in_dim3A_3 : vector<16xf32> to vector<1x1x16xf32>
      tpu.vector_store %arg8[%swap3A_482, %swap3A_483, %swap3A_484], %swap3A_487 {strides = array<i32>} : memref<2x128x128xf32, #tpu.memory_space<vmem>>, vector<1x1x16xf32>,
    }
    %scan3A_8 = arith.constant 128 : i32
    %mul3A_9 = arith.constant 640 : i32
    %mul3A_10 = arith.muli %arg1, %mul3A_9 : i32
    %add3A_11 = arith.constant 0 : i32
    %add3A_12 = arith.addi %mul3A_10, %add3A_11 : i32
    %run_scoped3A = arith.constant 0 : i32
    "tpu.region"() ({
      %run_scoped3A_431 = tpu.sem_alloc : memref<!tpu.dma_semaphore, #tpu.memory_space<semaphore_mem>>
      %dma_start3A_432 = arith.constant 0 : i32
      %dma_start3A_433 = arith.constant 0 : i32
      %dma_start3A_434 = tpu.memref_slice %arg8[%run_scoped3A, %dma_start3A_432, %dma_start3A_433] : memref<2x128x128xf32, #tpu.memory_space<vmem>> -> memref<1x128x128xf32, #tpu.memory_space<vmem>>
      %dma_start3A_435 = tpu.memref_squeeze %dma_start3A_434 : memref<1x128x128xf32, #tpu.memory_space<vmem>> -> memref<128x128xf32, #tpu.memory_space<vmem>>
      %dma_start3A_436 = arith.constant 0 : i32
      %dma_start3A_437 = tpu.memref_slice %arg9[%add3A_12, %dma_start3A_436] : memref<10240x128xf32, #tpu.memory_space<vmem_shared>> -> memref<128x128xf32, #tpu.memory_space<vmem_shared>>
      %dma_start3A_438 = arith.constant 0 : i32
      %dma_start3A_439 = tpu.memref_slice %arg9[%add3A_12, %dma_start3A_438] : memref<10240x128xf32, #tpu.memory_space<vmem_shared>> -> memref<128x128xf32, #tpu.memory_space<vmem_shared>>
      %dma_start3A_440 = arith.constant 0 : i32
      %dma_start3A_441 = arith.constant 0 : i32
      %dma_start3A_442 = tpu.memref_slice %arg8[%run_scoped3A, %dma_start3A_440, %dma_start3A_441] : memref<2x128x128xf32, #tpu.memory_space<vmem>> -> memref<1x128x128xf32, #tpu.memory_space<vmem>>
      %dma_start3A_443 = tpu.memref_squeeze %dma_start3A_442 : memref<1x128x128xf32, #tpu.memory_space<vmem>> -> memref<128x128xf32, #tpu.memory_space<vmem>>
      tpu.enqueue_dma source(%dma_start3A_443 : memref<128x128xf32, #tpu.memory_space<vmem>>) target(%dma_start3A_439 : memref<128x128xf32, #tpu.memory_space<vmem_shared>>) target_semaphore(%run_scoped3A_431 : memref<!tpu.dma_semaphore, #tpu.memory_space<semaphore_mem>>)
      %dma_wait3A = arith.constant 0 : i32
      %dma_wait3A_444 = arith.constant 0 : i32
      %dma_wait3A_445 = tpu.memref_slice %arg8[%run_scoped3A, %dma_wait3A, %dma_wait3A_444] : memref<2x128x128xf32, #tpu.memory_space<vmem>> -> memref<1x128x128xf32, #tpu.memory_space<vmem>>
      %dma_wait3A_446 = tpu.memref_squeeze %dma_wait3A_445 : memref<1x128x128xf32, #tpu.memory_space<vmem>> -> memref<128x128xf32, #tpu.memory_space<vmem>>
      %dma_wait3A_447 = arith.constant 0 : i32
      %dma_wait3A_448 = tpu.memref_slice %arg9[%add3A_12, %dma_wait3A_447] : memref<10240x128xf32, #tpu.memory_space<vmem_shared>> -> memref<128x128xf32, #tpu.memory_space<vmem_shared>>
      %dma_wait3A_449 = arith.constant 0 : i32
      %dma_wait3A_450 = tpu.memref_slice %arg9[%add3A_12, %dma_wait3A_449] : memref<10240x128xf32, #tpu.memory_space<vmem_shared>> -> memref<128x128xf32, #tpu.memory_space<vmem_shared>>
      %dma_wait3A_451 = arith.constant 0 : i32
      %dma_wait3A_452 = arith.constant 0 : i32
      %dma_wait3A_453 = tpu.memref_slice %arg8[%run_scoped3A, %dma_wait3A_451, %dma_wait3A_452] : memref<2x128x128xf32, #tpu.memory_space<vmem>> -> memref<1x128x128xf32, #tpu.memory_space<vmem>>
      %dma_wait3A_454 = tpu.memref_squeeze %dma_wait3A_453 : memref<1x128x128xf32, #tpu.memory_space<vmem>> -> memref<128x128xf32, #tpu.memory_space<vmem>>
      tpu.wait_dma2 semaphore(%run_scoped3A_431 : memref<!tpu.dma_semaphore, #tpu.memory_space<semaphore_mem>>) src(%dma_wait3A_454 : memref<128x128xf32, #tpu.memory_space<vmem>>) dst(%dma_wait3A_450 : memref<128x128xf32, #tpu.memory_space<vmem_shared>>)
      tpu.yield
    }) : () -> ()
    %mul3A_13 = arith.constant 640 : i32
    %mul3A_14 = arith.muli %arg1, %mul3A_13 : i32
    %add3A_15 = arith.constant 128 : i32
    %add3A_16 = arith.addi %mul3A_14, %add3A_15 : i32
    %run_scoped3A_17 = arith.constant 0 : i32
    "tpu.region"() ({
      %run_scoped3A_431 = tpu.sem_alloc : memref<!tpu.dma_semaphore, #tpu.memory_space<semaphore_mem>>
      %dma_start3A_432 = arith.constant 0 : i32
      %dma_start3A_433 = arith.constant 0 : i32
      %dma_start3A_434 = tpu.memref_slice %arg8[%run_scoped3A_17, %dma_start3A_432, %dma_start3A_433] : memref<2x128x128xf32, #tpu.memory_space<vmem>> -> memref<1x128x128xf32, #tpu.memory_space<vmem>>
      %dma_start3A_435 = tpu.memref_squeeze %dma_start3A_434 : memref<1x128x128xf32, #tpu.memory_space<vmem>> -> memref<128x128xf32, #tpu.memory_space<vmem>>
      %dma_start3A_436 = arith.constant 0 : i32
      %dma_start3A_437 = tpu.memref_slice %arg9[%add3A_16, %dma_start3A_436] : memref<10240x128xf32, #tpu.memory_space<vmem_shared>> -> memref<128x128xf32, #tpu.memory_space<vmem_shared>>
      %dma_start3A_438 = arith.constant 0 : i32
      %dma_start3A_439 = tpu.memref_slice %arg9[%add3A_16, %dma_start3A_438] : memref<10240x128xf32, #tpu.memory_space<vmem_shared>> -> memref<128x128xf32, #tpu.memory_space<vmem_shared>>
      %dma_start3A_440 = arith.constant 0 : i32
      %dma_start3A_441 = arith.constant 0 : i32
      %dma_start3A_442 = tpu.memref_slice %arg8[%run_scoped3A_17, %dma_start3A_440, %dma_start3A_441] : memref<2x128x128xf32, #tpu.memory_space<vmem>> -> memref<1x128x128xf32, #tpu.memory_space<vmem>>
      %dma_start3A_443 = tpu.memref_squeeze %dma_start3A_442 : memref<1x128x128xf32, #tpu.memory_space<vmem>> -> memref<128x128xf32, #tpu.memory_space<vmem>>
      tpu.enqueue_dma source(%dma_start3A_443 : memref<128x128xf32, #tpu.memory_space<vmem>>) target(%dma_start3A_439 : memref<128x128xf32, #tpu.memory_space<vmem_shared>>) target_semaphore(%run_scoped3A_431 : memref<!tpu.dma_semaphore, #tpu.memory_space<semaphore_mem>>)
      %dma_wait3A = arith.constant 0 : i32
      %dma_wait3A_444 = arith.constant 0 : i32
      %dma_wait3A_445 = tpu.memref_slice %arg8[%run_scoped3A_17, %dma_wait3A, %dma_wait3A_444] : memref<2x128x128xf32, #tpu.memory_space<vmem>> -> memref<1x128x128xf32, #tpu.memory_space<vmem>>
      %dma_wait3A_446 = tpu.memref_squeeze %dma_wait3A_445 : memref<1x128x128xf32, #tpu.memory_space<vmem>> -> memref<128x128xf32, #tpu.memory_space<vmem>>
      %dma_wait3A_447 = arith.constant 0 : i32
      %dma_wait3A_448 = tpu.memref_slice %arg9[%add3A_16, %dma_wait3A_447] : memref<10240x128xf32, #tpu.memory_space<vmem_shared>> -> memref<128x128xf32, #tpu.memory_space<vmem_shared>>
      %dma_wait3A_449 = arith.constant 0 : i32
      %dma_wait3A_450 = tpu.memref_slice %arg9[%add3A_16, %dma_wait3A_449] : memref<10240x128xf32, #tpu.memory_space<vmem_shared>> -> memref<128x128xf32, #tpu.memory_space<vmem_shared>>
      %dma_wait3A_451 = arith.constant 0 : i32
      %dma_wait3A_452 = arith.constant 0 : i32
      %dma_wait3A_453 = tpu.memref_slice %arg8[%run_scoped3A_17, %dma_wait3A_451, %dma_wait3A_452] : memref<2x128x128xf32, #tpu.memory_space<vmem>> -> memref<1x128x128xf32, #tpu.memory_space<vmem>>
      %dma_wait3A_454 = tpu.memref_squeeze %dma_wait3A_453 : memref<1x128x128xf32, #tpu.memory_space<vmem>> -> memref<128x128xf32, #tpu.memory_space<vmem>>
      tpu.wait_dma2 semaphore(%run_scoped3A_431 : memref<!tpu.dma_semaphore, #tpu.memory_space<semaphore_mem>>) src(%dma_wait3A_454 : memref<128x128xf32, #tpu.memory_space<vmem>>) dst(%dma_wait3A_450 : memref<128x128xf32, #tpu.memory_space<vmem_shared>>)
      tpu.yield
    }) : () -> ()
    %mul3A_18 = arith.constant 640 : i32
    %mul3A_19 = arith.muli %arg1, %mul3A_18 : i32
    %add3A_20 = arith.constant 256 : i32
    %add3A_21 = arith.addi %mul3A_19, %add3A_20 : i32
    %run_scoped3A_22 = arith.constant 0 : i32
    "tpu.region"() ({
      %run_scoped3A_431 = tpu.sem_alloc : memref<!tpu.dma_semaphore, #tpu.memory_space<semaphore_mem>>
      %dma_start3A_432 = arith.constant 0 : i32
      %dma_start3A_433 = arith.constant 0 : i32
      %dma_start3A_434 = tpu.memref_slice %arg8[%run_scoped3A_22, %dma_start3A_432, %dma_start3A_433] : memref<2x128x128xf32, #tpu.memory_space<vmem>> -> memref<1x128x128xf32, #tpu.memory_space<vmem>>
      %dma_start3A_435 = tpu.memref_squeeze %dma_start3A_434 : memref<1x128x128xf32, #tpu.memory_space<vmem>> -> memref<128x128xf32, #tpu.memory_space<vmem>>
      %dma_start3A_436 = arith.constant 0 : i32
      %dma_start3A_437 = tpu.memref_slice %arg9[%add3A_21, %dma_start3A_436] : memref<10240x128xf32, #tpu.memory_space<vmem_shared>> -> memref<128x128xf32, #tpu.memory_space<vmem_shared>>
      %dma_start3A_438 = arith.constant 0 : i32
      %dma_start3A_439 = tpu.memref_slice %arg9[%add3A_21, %dma_start3A_438] : memref<10240x128xf32, #tpu.memory_space<vmem_shared>> -> memref<128x128xf32, #tpu.memory_space<vmem_shared>>
      %dma_start3A_440 = arith.constant 0 : i32
      %dma_start3A_441 = arith.constant 0 : i32
      %dma_start3A_442 = tpu.memref_slice %arg8[%run_scoped3A_22, %dma_start3A_440, %dma_start3A_441] : memref<2x128x128xf32, #tpu.memory_space<vmem>> -> memref<1x128x128xf32, #tpu.memory_space<vmem>>
      %dma_start3A_443 = tpu.memref_squeeze %dma_start3A_442 : memref<1x128x128xf32, #tpu.memory_space<vmem>> -> memref<128x128xf32, #tpu.memory_space<vmem>>
      tpu.enqueue_dma source(%dma_start3A_443 : memref<128x128xf32, #tpu.memory_space<vmem>>) target(%dma_start3A_439 : memref<128x128xf32, #tpu.memory_space<vmem_shared>>) target_semaphore(%run_scoped3A_431 : memref<!tpu.dma_semaphore, #tpu.memory_space<semaphore_mem>>)
      %dma_wait3A = arith.constant 0 : i32
      %dma_wait3A_444 = arith.constant 0 : i32
      %dma_wait3A_445 = tpu.memref_slice %arg8[%run_scoped3A_22, %dma_wait3A, %dma_wait3A_444] : memref<2x128x128xf32, #tpu.memory_space<vmem>> -> memref<1x128x128xf32, #tpu.memory_space<vmem>>
      %dma_wait3A_446 = tpu.memref_squeeze %dma_wait3A_445 : memref<1x128x128xf32, #tpu.memory_space<vmem>> -> memref<128x128xf32, #tpu.memory_space<vmem>>
      %dma_wait3A_447 = arith.constant 0 : i32
      %dma_wait3A_448 = tpu.memref_slice %arg9[%add3A_21, %dma_wait3A_447] : memref<10240x128xf32, #tpu.memory_space<vmem_shared>> -> memref<128x128xf32, #tpu.memory_space<vmem_shared>>
      %dma_wait3A_449 = arith.constant 0 : i32
      %dma_wait3A_450 = tpu.memref_slice %arg9[%add3A_21, %dma_wait3A_449] : memref<10240x128xf32, #tpu.memory_space<vmem_shared>> -> memref<128x128xf32, #tpu.memory_space<vmem_shared>>
      %dma_wait3A_451 = arith.constant 0 : i32
      %dma_wait3A_452 = arith.constant 0 : i32
      %dma_wait3A_453 = tpu.memref_slice %arg8[%run_scoped3A_22, %dma_wait3A_451, %dma_wait3A_452] : memref<2x128x128xf32, #tpu.memory_space<vmem>> -> memref<1x128x128xf32, #tpu.memory_space<vmem>>
      %dma_wait3A_454 = tpu.memref_squeeze %dma_wait3A_453 : memref<1x128x128xf32, #tpu.memory_space<vmem>> -> memref<128x128xf32, #tpu.memory_space<vmem>>
      tpu.wait_dma2 semaphore(%run_scoped3A_431 : memref<!tpu.dma_semaphore, #tpu.memory_space<semaphore_mem>>) src(%dma_wait3A_454 : memref<128x128xf32, #tpu.memory_space<vmem>>) dst(%dma_wait3A_450 : memref<128x128xf32, #tpu.memory_space<vmem_shared>>)
      tpu.yield
    }) : () -> ()
    %mul3A_23 = arith.constant 640 : i32
    %mul3A_24 = arith.muli %arg1, %mul3A_23 : i32
    %add3A_25 = arith.constant 384 : i32
    %add3A_26 = arith.addi %mul3A_24, %add3A_25 : i32
    %run_scoped3A_27 = arith.constant 0 : i32
    "tpu.region"() ({
      %run_scoped3A_431 = tpu.sem_alloc : memref<!tpu.dma_semaphore, #tpu.memory_space<semaphore_mem>>
      %dma_start3A_432 = arith.constant 0 : i32
      %dma_start3A_433 = arith.constant 0 : i32
      %dma_start3A_434 = tpu.memref_slice %arg8[%run_scoped3A_27, %dma_start3A_432, %dma_start3A_433] : memref<2x128x128xf32, #tpu.memory_space<vmem>> -> memref<1x128x128xf32, #tpu.memory_space<vmem>>
      %dma_start3A_435 = tpu.memref_squeeze %dma_start3A_434 : memref<1x128x128xf32, #tpu.memory_space<vmem>> -> memref<128x128xf32, #tpu.memory_space<vmem>>
      %dma_start3A_436 = arith.constant 0 : i32
      %dma_start3A_437 = tpu.memref_slice %arg9[%add3A_26, %dma_start3A_436] : memref<10240x128xf32, #tpu.memory_space<vmem_shared>> -> memref<128x128xf32, #tpu.memory_space<vmem_shared>>
      %dma_start3A_438 = arith.constant 0 : i32
      %dma_start3A_439 = tpu.memref_slice %arg9[%add3A_26, %dma_start3A_438] : memref<10240x128xf32, #tpu.memory_space<vmem_shared>> -> memref<128x128xf32, #tpu.memory_space<vmem_shared>>
      %dma_start3A_440 = arith.constant 0 : i32
      %dma_start3A_441 = arith.constant 0 : i32
      %dma_start3A_442 = tpu.memref_slice %arg8[%run_scoped3A_27, %dma_start3A_440, %dma_start3A_441] : memref<2x128x128xf32, #tpu.memory_space<vmem>> -> memref<1x128x128xf32, #tpu.memory_space<vmem>>
      %dma_start3A_443 = tpu.memref_squeeze %dma_start3A_442 : memref<1x128x128xf32, #tpu.memory_space<vmem>> -> memref<128x128xf32, #tpu.memory_space<vmem>>
      tpu.enqueue_dma source(%dma_start3A_443 : memref<128x128xf32, #tpu.memory_space<vmem>>) target(%dma_start3A_439 : memref<128x128xf32, #tpu.memory_space<vmem_shared>>) target_semaphore(%run_scoped3A_431 : memref<!tpu.dma_semaphore, #tpu.memory_space<semaphore_mem>>)
      %dma_wait3A = arith.constant 0 : i32
      %dma_wait3A_444 = arith.constant 0 : i32
      %dma_wait3A_445 = tpu.memref_slice %arg8[%run_scoped3A_27, %dma_wait3A, %dma_wait3A_444] : memref<2x128x128xf32, #tpu.memory_space<vmem>> -> memref<1x128x128xf32, #tpu.memory_space<vmem>>
      %dma_wait3A_446 = tpu.memref_squeeze %dma_wait3A_445 : memref<1x128x128xf32, #tpu.memory_space<vmem>> -> memref<128x128xf32, #tpu.memory_space<vmem>>
      %dma_wait3A_447 = arith.constant 0 : i32
      %dma_wait3A_448 = tpu.memref_slice %arg9[%add3A_26, %dma_wait3A_447] : memref<10240x128xf32, #tpu.memory_space<vmem_shared>> -> memref<128x128xf32, #tpu.memory_space<vmem_shared>>
      %dma_wait3A_449 = arith.constant 0 : i32
      %dma_wait3A_450 = tpu.memref_slice %arg9[%add3A_26, %dma_wait3A_449] : memref<10240x128xf32, #tpu.memory_space<vmem_shared>> -> memref<128x128xf32, #tpu.memory_space<vmem_shared>>
      %dma_wait3A_451 = arith.constant 0 : i32
      %dma_wait3A_452 = arith.constant 0 : i32
      %dma_wait3A_453 = tpu.memref_slice %arg8[%run_scoped3A_27, %dma_wait3A_451, %dma_wait3A_452] : memref<2x128x128xf32, #tpu.memory_space<vmem>> -> memref<1x128x128xf32, #tpu.memory_space<vmem>>
      %dma_wait3A_454 = tpu.memref_squeeze %dma_wait3A_453 : memref<1x128x128xf32, #tpu.memory_space<vmem>> -> memref<128x128xf32, #tpu.memory_space<vmem>>
      tpu.wait_dma2 semaphore(%run_scoped3A_431 : memref<!tpu.dma_semaphore, #tpu.memory_space<semaphore_mem>>) src(%dma_wait3A_454 : memref<128x128xf32, #tpu.memory_space<vmem>>) dst(%dma_wait3A_450 : memref<128x128xf32, #tpu.memory_space<vmem_shared>>)
      tpu.yield
    }) : () -> ()
    %mul3A_28 = arith.constant 640 : i32
    %mul3A_29 = arith.muli %arg1, %mul3A_28 : i32
    %add3A_30 = arith.constant 512 : i32
    %add3A_31 = arith.addi %mul3A_29, %add3A_30 : i32
    %run_scoped3A_32 = arith.constant 0 : i32
    "tpu.region"() ({
      %run_scoped3A_431 = tpu.sem_alloc : memref<!tpu.dma_semaphore, #tpu.memory_space<semaphore_mem>>
      %dma_start3A_432 = arith.constant 0 : i32
      %dma_start3A_433 = arith.constant 0 : i32
      %dma_start3A_434 = tpu.memref_slice %arg8[%run_scoped3A_32, %dma_start3A_432, %dma_start3A_433] : memref<2x128x128xf32, #tpu.memory_space<vmem>> -> memref<1x128x128xf32, #tpu.memory_space<vmem>>
      %dma_start3A_435 = tpu.memref_squeeze %dma_start3A_434 : memref<1x128x128xf32, #tpu.memory_space<vmem>> -> memref<128x128xf32, #tpu.memory_space<vmem>>
      %dma_start3A_436 = arith.constant 0 : i32
      %dma_start3A_437 = tpu.memref_slice %arg9[%add3A_31, %dma_start3A_436] : memref<10240x128xf32, #tpu.memory_space<vmem_shared>> -> memref<128x128xf32, #tpu.memory_space<vmem_shared>>
      %dma_start3A_438 = arith.constant 0 : i32
      %dma_start3A_439 = tpu.memref_slice %arg9[%add3A_31, %dma_start3A_438] : memref<10240x128xf32, #tpu.memory_space<vmem_shared>> -> memref<128x128xf32, #tpu.memory_space<vmem_shared>>
      %dma_start3A_440 = arith.constant 0 : i32
      %dma_start3A_441 = arith.constant 0 : i32
      %dma_start3A_442 = tpu.memref_slice %arg8[%run_scoped3A_32, %dma_start3A_440, %dma_start3A_441] : memref<2x128x128xf32, #tpu.memory_space<vmem>> -> memref<1x128x128xf32, #tpu.memory_space<vmem>>
      %dma_start3A_443 = tpu.memref_squeeze %dma_start3A_442 : memref<1x128x128xf32, #tpu.memory_space<vmem>> -> memref<128x128xf32, #tpu.memory_space<vmem>>
      tpu.enqueue_dma source(%dma_start3A_443 : memref<128x128xf32, #tpu.memory_space<vmem>>) target(%dma_start3A_439 : memref<128x128xf32, #tpu.memory_space<vmem_shared>>) target_semaphore(%run_scoped3A_431 : memref<!tpu.dma_semaphore, #tpu.memory_space<semaphore_mem>>)
      %dma_wait3A = arith.constant 0 : i32
      %dma_wait3A_444 = arith.constant 0 : i32
      %dma_wait3A_445 = tpu.memref_slice %arg8[%run_scoped3A_32, %dma_wait3A, %dma_wait3A_444] : memref<2x128x128xf32, #tpu.memory_space<vmem>> -> memref<1x128x128xf32, #tpu.memory_space<vmem>>
      %dma_wait3A_446 = tpu.memref_squeeze %dma_wait3A_445 : memref<1x128x128xf32, #tpu.memory_space<vmem>> -> memref<128x128xf32, #tpu.memory_space<vmem>>
      %dma_wait3A_447 = arith.constant 0 : i32
      %dma_wait3A_448 = tpu.memref_slice %arg9[%add3A_31, %dma_wait3A_447] : memref<10240x128xf32, #tpu.memory_space<vmem_shared>> -> memref<128x128xf32, #tpu.memory_space<vmem_shared>>
      %dma_wait3A_449 = arith.constant 0 : i32
      %dma_wait3A_450 = tpu.memref_slice %arg9[%add3A_31, %dma_wait3A_449] : memref<10240x128xf32, #tpu.memory_space<vmem_shared>> -> memref<128x128xf32, #tpu.memory_space<vmem_shared>>
      %dma_wait3A_451 = arith.constant 0 : i32
      %dma_wait3A_452 = arith.constant 0 : i32
      %dma_wait3A_453 = tpu.memref_slice %arg8[%run_scoped3A_32, %dma_wait3A_451, %dma_wait3A_452] : memref<2x128x128xf32, #tpu.memory_space<vmem>> -> memref<1x128x128xf32, #tpu.memory_space<vmem>>
      %dma_wait3A_454 = tpu.memref_squeeze %dma_wait3A_453 : memref<1x128x128xf32, #tpu.memory_space<vmem>> -> memref<128x128xf32, #tpu.memory_space<vmem>>
      tpu.wait_dma2 semaphore(%run_scoped3A_431 : memref<!tpu.dma_semaphore, #tpu.memory_space<semaphore_mem>>) src(%dma_wait3A_454 : memref<128x128xf32, #tpu.memory_space<vmem>>) dst(%dma_wait3A_450 : memref<128x128xf32, #tpu.memory_space<vmem_shared>>)
      tpu.yield
    }) : () -> ()
    %barrier3A = arith.constant 0 : index
    tpu.barrier barrier_id(%barrier3A)
    %get3A = arith.constant 0 : i32
    %get3A_33 = arith.index_cast %get3A : i32 to index
    %get3A_34 = arith.constant 0 : index
    %get3A_35 = tpu.vector_load %arg5[%get3A_33, %get3A_34] {strides = array<i32>} : memref<80x128xi32, #tpu.memory_space<vmem>>, vector<1x16xi32>,
    %get3A_36 = vector.shape_cast %get3A_35 : vector<1x16xi32> to vector<16xi32>
    %and3A = arith.constant 16383 : i32
    %and3A_37 = vector.broadcast %and3A : i32 to vector<16xi32>
    %and3A_38 = arith.andi %get3A_36, %and3A_37 : vector<16xi32>
    %swap3A = arith.constant 0 : i32
    %swap3A_39 = arith.index_cast %swap3A : i32 to index
    %swap3A_40 = arith.constant 0 : index
    %swap3A_41 = tpu.vector_load %arg6[%swap3A_39, %swap3A_40] {strides = array<i32>} : memref<2x128xi32, #tpu.memory_space<vmem>>, vector<1x16xi32>,
    %swap3A_42 = vector.shape_cast %swap3A_41 : vector<1x16xi32> to vector<16xi32>
    %swap3A_43 = vector.shape_cast %and3A_38 : vector<16xi32> to vector<1x16xi32>
    tpu.vector_store %arg6[%swap3A_39, %swap3A_40], %swap3A_43 {strides = array<i32>} : memref<2x128xi32, #tpu.memory_space<vmem>>, vector<1x16xi32>,
    %shift_right_logical3A = arith.constant 14 : i32
    %shift_right_logical3A_44 = vector.broadcast %shift_right_logical3A : i32 to vector<16xi32>
    %shift_right_logical3A_45 = arith.shrui %get3A_36, %shift_right_logical3A_44 : vector<16xi32>
    %swap3A_46 = arith.constant 0 : i32
    %swap3A_47 = arith.index_cast %swap3A_46 : i32 to index
    %swap3A_48 = arith.constant 0 : index
    %swap3A_49 = tpu.vector_load %arg7[%swap3A_47, %swap3A_48] {strides = array<i32>} : memref<2x128xi32, #tpu.memory_space<vmem>>, vector<1x16xi32>,
    %swap3A_50 = vector.shape_cast %swap3A_49 : vector<1x16xi32> to vector<16xi32>
    %swap3A_51 = vector.shape_cast %shift_right_logical3A_45 : vector<16xi32> to vector<1x16xi32>
    tpu.vector_store %arg7[%swap3A_47, %swap3A_48], %swap3A_51 {strides = array<i32>} : memref<2x128xi32, #tpu.memory_space<vmem>>, vector<1x16xi32>,
    %get3A_52 = arith.constant 0 : i32
    %get3A_53 = arith.index_cast %get3A_52 : i32 to index
    %get3A_54 = arith.constant 16 : index
    %get3A_55 = tpu.vector_load %arg5[%get3A_53, %get3A_54] {strides = array<i32>} : memref<80x128xi32, #tpu.memory_space<vmem>>, vector<1x16xi32>,
    %get3A_56 = vector.shape_cast %get3A_55 : vector<1x16xi32> to vector<16xi32>
    %and3A_57 = arith.constant 16383 : i32
    %and3A_58 = vector.broadcast %and3A_57 : i32 to vector<16xi32>
    %and3A_59 = arith.andi %get3A_56, %and3A_58 : vector<16xi32>
    %swap3A_60 = arith.constant 0 : i32
    %swap3A_61 = arith.index_cast %swap3A_60 : i32 to index
    %swap3A_62 = arith.constant 16 : index
    %swap3A_63 = tpu.vector_load %arg6[%swap3A_61, %swap3A_62] {strides = array<i32>} : memref<2x128xi32, #tpu.memory_space<vmem>>, vector<1x16xi32>,
    %swap3A_64 = vector.shape_cast %swap3A_63 : vector<1x16xi32> to vector<16xi32>
    %swap3A_65 = vector.shape_cast %and3A_59 : vector<16xi32> to vector<1x16xi32>
    tpu.vector_store %arg6[%swap3A_61, %swap3A_62], %swap3A_65 {strides = array<i32>} : memref<2x128xi32, #tpu.memory_space<vmem>>, vector<1x16xi32>,
    %shift_right_logical3A_66 = arith.constant 14 : i32
    %shift_right_logical3A_67 = vector.broadcast %shift_right_logical3A_66 : i32 to vector<16xi32>
    %shift_right_logical3A_68 = arith.shrui %get3A_56, %shift_right_logical3A_67 : vector<16xi32>
    %swap3A_69 = arith.constant 0 : i32
    %swap3A_70 = arith.index_cast %swap3A_69 : i32 to index
    %swap3A_71 = arith.constant 16 : index
    %swap3A_72 = tpu.vector_load %arg7[%swap3A_70, %swap3A_71] {strides = array<i32>} : memref<2x128xi32, #tpu.memory_space<vmem>>, vector<1x16xi32>,
    %swap3A_73 = vector.shape_cast %swap3A_72 : vector<1x16xi32> to vector<16xi32>
    %swap3A_74 = vector.shape_cast %shift_right_logical3A_68 : vector<16xi32> to vector<1x16xi32>
    tpu.vector_store %arg7[%swap3A_70, %swap3A_71], %swap3A_74 {strides = array<i32>} : memref<2x128xi32, #tpu.memory_space<vmem>>, vector<1x16xi32>,
    %get3A_75 = arith.constant 0 : i32
    %get3A_76 = arith.index_cast %get3A_75 : i32 to index
    %get3A_77 = arith.constant 32 : index
    %get3A_78 = tpu.vector_load %arg5[%get3A_76, %get3A_77] {strides = array<i32>} : memref<80x128xi32, #tpu.memory_space<vmem>>, vector<1x16xi32>,
    %get3A_79 = vector.shape_cast %get3A_78 : vector<1x16xi32> to vector<16xi32>
    %and3A_80 = arith.constant 16383 : i32
    %and3A_81 = vector.broadcast %and3A_80 : i32 to vector<16xi32>
    %and3A_82 = arith.andi %get3A_79, %and3A_81 : vector<16xi32>
    %swap3A_83 = arith.constant 0 : i32
    %swap3A_84 = arith.index_cast %swap3A_83 : i32 to index
    %swap3A_85 = arith.constant 32 : index
    %swap3A_86 = tpu.vector_load %arg6[%swap3A_84, %swap3A_85] {strides = array<i32>} : memref<2x128xi32, #tpu.memory_space<vmem>>, vector<1x16xi32>,
    %swap3A_87 = vector.shape_cast %swap3A_86 : vector<1x16xi32> to vector<16xi32>
    %swap3A_88 = vector.shape_cast %and3A_82 : vector<16xi32> to vector<1x16xi32>
    tpu.vector_store %arg6[%swap3A_84, %swap3A_85], %swap3A_88 {strides = array<i32>} : memref<2x128xi32, #tpu.memory_space<vmem>>, vector<1x16xi32>,
    %shift_right_logical3A_89 = arith.constant 14 : i32
    %shift_right_logical3A_90 = vector.broadcast %shift_right_logical3A_89 : i32 to vector<16xi32>
    %shift_right_logical3A_91 = arith.shrui %get3A_79, %shift_right_logical3A_90 : vector<16xi32>
    %swap3A_92 = arith.constant 0 : i32
    %swap3A_93 = arith.index_cast %swap3A_92 : i32 to index
    %swap3A_94 = arith.constant 32 : index
    %swap3A_95 = tpu.vector_load %arg7[%swap3A_93, %swap3A_94] {strides = array<i32>} : memref<2x128xi32, #tpu.memory_space<vmem>>, vector<1x16xi32>,
    %swap3A_96 = vector.shape_cast %swap3A_95 : vector<1x16xi32> to vector<16xi32>
    %swap3A_97 = vector.shape_cast %shift_right_logical3A_91 : vector<16xi32> to vector<1x16xi32>
    tpu.vector_store %arg7[%swap3A_93, %swap3A_94], %swap3A_97 {strides = array<i32>} : memref<2x128xi32, #tpu.memory_space<vmem>>, vector<1x16xi32>,
    %get3A_98 = arith.constant 0 : i32
    %get3A_99 = arith.index_cast %get3A_98 : i32 to index
    %get3A_100 = arith.constant 48 : index
    %get3A_101 = tpu.vector_load %arg5[%get3A_99, %get3A_100] {strides = array<i32>} : memref<80x128xi32, #tpu.memory_space<vmem>>, vector<1x16xi32>,
    %get3A_102 = vector.shape_cast %get3A_101 : vector<1x16xi32> to vector<16xi32>
    %and3A_103 = arith.constant 16383 : i32
    %and3A_104 = vector.broadcast %and3A_103 : i32 to vector<16xi32>
    %and3A_105 = arith.andi %get3A_102, %and3A_104 : vector<16xi32>
    %swap3A_106 = arith.constant 0 : i32
    %swap3A_107 = arith.index_cast %swap3A_106 : i32 to index
    %swap3A_108 = arith.constant 48 : index
    %swap3A_109 = tpu.vector_load %arg6[%swap3A_107, %swap3A_108] {strides = array<i32>} : memref<2x128xi32, #tpu.memory_space<vmem>>, vector<1x16xi32>,
    %swap3A_110 = vector.shape_cast %swap3A_109 : vector<1x16xi32> to vector<16xi32>
    %swap3A_111 = vector.shape_cast %and3A_105 : vector<16xi32> to vector<1x16xi32>
    tpu.vector_store %arg6[%swap3A_107, %swap3A_108], %swap3A_111 {strides = array<i32>} : memref<2x128xi32, #tpu.memory_space<vmem>>, vector<1x16xi32>,
    %shift_right_logical3A_112 = arith.constant 14 : i32
    %shift_right_logical3A_113 = vector.broadcast %shift_right_logical3A_112 : i32 to vector<16xi32>
    %shift_right_logical3A_114 = arith.shrui %get3A_102, %shift_right_logical3A_113 : vector<16xi32>
    %swap3A_115 = arith.constant 0 : i32
    %swap3A_116 = arith.index_cast %swap3A_115 : i32 to index
    %swap3A_117 = arith.constant 48 : index
    %swap3A_118 = tpu.vector_load %arg7[%swap3A_116, %swap3A_117] {strides = array<i32>} : memref<2x128xi32, #tpu.memory_space<vmem>>, vector<1x16xi32>,
    %swap3A_119 = vector.shape_cast %swap3A_118 : vector<1x16xi32> to vector<16xi32>
    %swap3A_120 = vector.shape_cast %shift_right_logical3A_114 : vector<16xi32> to vector<1x16xi32>
    tpu.vector_store %arg7[%swap3A_116, %swap3A_117], %swap3A_120 {strides = array<i32>} : memref<2x128xi32, #tpu.memory_space<vmem>>, vector<1x16xi32>,
    %get3A_121 = arith.constant 0 : i32
    %get3A_122 = arith.index_cast %get3A_121 : i32 to index
    %get3A_123 = arith.constant 64 : index
    %get3A_124 = tpu.vector_load %arg5[%get3A_122, %get3A_123] {strides = array<i32>} : memref<80x128xi32, #tpu.memory_space<vmem>>, vector<1x16xi32>,
    %get3A_125 = vector.shape_cast %get3A_124 : vector<1x16xi32> to vector<16xi32>
    %and3A_126 = arith.constant 16383 : i32
    %and3A_127 = vector.broadcast %and3A_126 : i32 to vector<16xi32>
    %and3A_128 = arith.andi %get3A_125, %and3A_127 : vector<16xi32>
    %swap3A_129 = arith.constant 0 : i32
    %swap3A_130 = arith.index_cast %swap3A_129 : i32 to index
    %swap3A_131 = arith.constant 64 : index
    %swap3A_132 = tpu.vector_load %arg6[%swap3A_130, %swap3A_131] {strides = array<i32>} : memref<2x128xi32, #tpu.memory_space<vmem>>, vector<1x16xi32>,
    %swap3A_133 = vector.shape_cast %swap3A_132 : vector<1x16xi32> to vector<16xi32>
    %swap3A_134 = vector.shape_cast %and3A_128 : vector<16xi32> to vector<1x16xi32>
    tpu.vector_store %arg6[%swap3A_130, %swap3A_131], %swap3A_134 {strides = array<i32>} : memref<2x128xi32, #tpu.memory_space<vmem>>, vector<1x16xi32>,
    %shift_right_logical3A_135 = arith.constant 14 : i32
    %shift_right_logical3A_136 = vector.broadcast %shift_right_logical3A_135 : i32 to vector<16xi32>
    %shift_right_logical3A_137 = arith.shrui %get3A_125, %shift_right_logical3A_136 : vector<16xi32>
    %swap3A_138 = arith.constant 0 : i32
    %swap3A_139 = arith.index_cast %swap3A_138 : i32 to index
    %swap3A_140 = arith.constant 64 : index
    %swap3A_141 = tpu.vector_load %arg7[%swap3A_139, %swap3A_140] {strides = array<i32>} : memref<2x128xi32, #tpu.memory_space<vmem>>, vector<1x16xi32>,
    %swap3A_142 = vector.shape_cast %swap3A_141 : vector<1x16xi32> to vector<16xi32>
    %swap3A_143 = vector.shape_cast %shift_right_logical3A_137 : vector<16xi32> to vector<1x16xi32>
    tpu.vector_store %arg7[%swap3A_139, %swap3A_140], %swap3A_143 {strides = array<i32>} : memref<2x128xi32, #tpu.memory_space<vmem>>, vector<1x16xi32>,
    %get3A_144 = arith.constant 0 : i32
    %get3A_145 = arith.index_cast %get3A_144 : i32 to index
    %get3A_146 = arith.constant 80 : index
    %get3A_147 = tpu.vector_load %arg5[%get3A_145, %get3A_146] {strides = array<i32>} : memref<80x128xi32, #tpu.memory_space<vmem>>, vector<1x16xi32>,
    %get3A_148 = vector.shape_cast %get3A_147 : vector<1x16xi32> to vector<16xi32>
    %and3A_149 = arith.constant 16383 : i32
    %and3A_150 = vector.broadcast %and3A_149 : i32 to vector<16xi32>
    %and3A_151 = arith.andi %get3A_148, %and3A_150 : vector<16xi32>
    %swap3A_152 = arith.constant 0 : i32
    %swap3A_153 = arith.index_cast %swap3A_152 : i32 to index
    %swap3A_154 = arith.constant 80 : index
    %swap3A_155 = tpu.vector_load %arg6[%swap3A_153, %swap3A_154] {strides = array<i32>} : memref<2x128xi32, #tpu.memory_space<vmem>>, vector<1x16xi32>,
    %swap3A_156 = vector.shape_cast %swap3A_155 : vector<1x16xi32> to vector<16xi32>
    %swap3A_157 = vector.shape_cast %and3A_151 : vector<16xi32> to vector<1x16xi32>
    tpu.vector_store %arg6[%swap3A_153, %swap3A_154], %swap3A_157 {strides = array<i32>} : memref<2x128xi32, #tpu.memory_space<vmem>>, vector<1x16xi32>,
    %shift_right_logical3A_158 = arith.constant 14 : i32
    %shift_right_logical3A_159 = vector.broadcast %shift_right_logical3A_158 : i32 to vector<16xi32>
    %shift_right_logical3A_160 = arith.shrui %get3A_148, %shift_right_logical3A_159 : vector<16xi32>
    %swap3A_161 = arith.constant 0 : i32
    %swap3A_162 = arith.index_cast %swap3A_161 : i32 to index
    %swap3A_163 = arith.constant 80 : index
    %swap3A_164 = tpu.vector_load %arg7[%swap3A_162, %swap3A_163] {strides = array<i32>} : memref<2x128xi32, #tpu.memory_space<vmem>>, vector<1x16xi32>,
    %swap3A_165 = vector.shape_cast %swap3A_164 : vector<1x16xi32> to vector<16xi32>
    %swap3A_166 = vector.shape_cast %shift_right_logical3A_160 : vector<16xi32> to vector<1x16xi32>
    tpu.vector_store %arg7[%swap3A_162, %swap3A_163], %swap3A_166 {strides = array<i32>} : memref<2x128xi32, #tpu.memory_space<vmem>>, vector<1x16xi32>,
    %get3A_167 = arith.constant 0 : i32
    %get3A_168 = arith.index_cast %get3A_167 : i32 to index
    %get3A_169 = arith.constant 96 : index
    %get3A_170 = tpu.vector_load %arg5[%get3A_168, %get3A_169] {strides = array<i32>} : memref<80x128xi32, #tpu.memory_space<vmem>>, vector<1x16xi32>,
    %get3A_171 = vector.shape_cast %get3A_170 : vector<1x16xi32> to vector<16xi32>
    %and3A_172 = arith.constant 16383 : i32
    %and3A_173 = vector.broadcast %and3A_172 : i32 to vector<16xi32>
    %and3A_174 = arith.andi %get3A_171, %and3A_173 : vector<16xi32>
    %swap3A_175 = arith.constant 0 : i32
    %swap3A_176 = arith.index_cast %swap3A_175 : i32 to index
    %swap3A_177 = arith.constant 96 : index
    %swap3A_178 = tpu.vector_load %arg6[%swap3A_176, %swap3A_177] {strides = array<i32>} : memref<2x128xi32, #tpu.memory_space<vmem>>, vector<1x16xi32>,
    %swap3A_179 = vector.shape_cast %swap3A_178 : vector<1x16xi32> to vector<16xi32>
    %swap3A_180 = vector.shape_cast %and3A_174 : vector<16xi32> to vector<1x16xi32>
    tpu.vector_store %arg6[%swap3A_176, %swap3A_177], %swap3A_180 {strides = array<i32>} : memref<2x128xi32, #tpu.memory_space<vmem>>, vector<1x16xi32>,
    %shift_right_logical3A_181 = arith.constant 14 : i32
    %shift_right_logical3A_182 = vector.broadcast %shift_right_logical3A_181 : i32 to vector<16xi32>
    %shift_right_logical3A_183 = arith.shrui %get3A_171, %shift_right_logical3A_182 : vector<16xi32>
    %swap3A_184 = arith.constant 0 : i32
    %swap3A_185 = arith.index_cast %swap3A_184 : i32 to index
    %swap3A_186 = arith.constant 96 : index
    %swap3A_187 = tpu.vector_load %arg7[%swap3A_185, %swap3A_186] {strides = array<i32>} : memref<2x128xi32, #tpu.memory_space<vmem>>, vector<1x16xi32>,
    %swap3A_188 = vector.shape_cast %swap3A_187 : vector<1x16xi32> to vector<16xi32>
    %swap3A_189 = vector.shape_cast %shift_right_logical3A_183 : vector<16xi32> to vector<1x16xi32>
    tpu.vector_store %arg7[%swap3A_185, %swap3A_186], %swap3A_189 {strides = array<i32>} : memref<2x128xi32, #tpu.memory_space<vmem>>, vector<1x16xi32>,
    %get3A_190 = arith.constant 0 : i32
    %get3A_191 = arith.index_cast %get3A_190 : i32 to index
    %get3A_192 = arith.constant 112 : index
    %get3A_193 = tpu.vector_load %arg5[%get3A_191, %get3A_192] {strides = array<i32>} : memref<80x128xi32, #tpu.memory_space<vmem>>, vector<1x16xi32>,
    %get3A_194 = vector.shape_cast %get3A_193 : vector<1x16xi32> to vector<16xi32>
    %and3A_195 = arith.constant 16383 : i32
    %and3A_196 = vector.broadcast %and3A_195 : i32 to vector<16xi32>
    %and3A_197 = arith.andi %get3A_194, %and3A_196 : vector<16xi32>
    %swap3A_198 = arith.constant 0 : i32
    %swap3A_199 = arith.index_cast %swap3A_198 : i32 to index
    %swap3A_200 = arith.constant 112 : index
    %swap3A_201 = tpu.vector_load %arg6[%swap3A_199, %swap3A_200] {strides = array<i32>} : memref<2x128xi32, #tpu.memory_space<vmem>>, vector<1x16xi32>,
    %swap3A_202 = vector.shape_cast %swap3A_201 : vector<1x16xi32> to vector<16xi32>
    %swap3A_203 = vector.shape_cast %and3A_197 : vector<16xi32> to vector<1x16xi32>
    tpu.vector_store %arg6[%swap3A_199, %swap3A_200], %swap3A_203 {strides = array<i32>} : memref<2x128xi32, #tpu.memory_space<vmem>>, vector<1x16xi32>,
    %shift_right_logical3A_204 = arith.constant 14 : i32
    %shift_right_logical3A_205 = vector.broadcast %shift_right_logical3A_204 : i32 to vector<16xi32>
    %shift_right_logical3A_206 = arith.shrui %get3A_194, %shift_right_logical3A_205 : vector<16xi32>
    %swap3A_207 = arith.constant 0 : i32
    %swap3A_208 = arith.index_cast %swap3A_207 : i32 to index
    %swap3A_209 = arith.constant 112 : index
    %swap3A_210 = tpu.vector_load %arg7[%swap3A_208, %swap3A_209] {strides = array<i32>} : memref<2x128xi32, #tpu.memory_space<vmem>>, vector<1x16xi32>,
    %swap3A_211 = vector.shape_cast %swap3A_210 : vector<1x16xi32> to vector<16xi32>
    %swap3A_212 = vector.shape_cast %shift_right_logical3A_206 : vector<16xi32> to vector<1x16xi32>
    tpu.vector_store %arg7[%swap3A_208, %swap3A_209], %swap3A_212 {strides = array<i32>} : memref<2x128xi32, #tpu.memory_space<vmem>>, vector<1x16xi32>,
    %dma_start3A = arith.constant 0 : i32
    %dma_start3A_213 = arith.constant 0 : i32
    %dma_start3A_214 = arith.constant 0 : i32
    %dma_start3A_215 = arith.constant 0 : i32
    %dma_start3A_216 = tpu.memref_slice %arg8[%dma_start3A_213, %dma_start3A_214, %dma_start3A_215] : memref<2x128x128xf32, #tpu.memory_space<vmem>> -> memref<1x128x128xf32, #tpu.memory_space<vmem>>
    %dma_start3A_217 = tpu.memref_squeeze %dma_start3A_216 : memref<1x128x128xf32, #tpu.memory_space<vmem>> -> memref<128x128xf32, #tpu.memory_space<vmem>>
    %dma_start3A_218 = arith.constant 0 : i32
    %dma_start3A_219 = tpu.memref_slice %arg6[%dma_start3A, %dma_start3A_218] : memref<2x128xi32, #tpu.memory_space<vmem>> -> memref<1x128xi32, #tpu.memory_space<vmem>>
    %dma_start3A_220 = tpu.memref_squeeze %dma_start3A_219 : memref<1x128xi32, #tpu.memory_space<vmem>> -> memref<128xi32, #tpu.memory_space<vmem>>
    %dma_start3A_221 = arith.constant 0 : i32
    %dma_start3A_222 = arith.constant 0 : i32
    %dma_start3A_223 = tpu.memref_slice %arg2[%dma_start3A_221, %dma_start3A_222] : memref<10000x128xf32, #tpu.memory_space<hbm>> -> memref<10000x128xf32, #tpu.memory_space<hbm>>
    tpu.enqueue_indirect_dma source(%dma_start3A_223 : memref<10000x128xf32, #tpu.memory_space<hbm>>) target(%dma_start3A_217 : memref<128x128xf32, #tpu.memory_space<vmem>>) offsets(%dma_start3A_220 : memref<128xi32, #tpu.memory_space<vmem>>) semaphore(%arg10 : memref<!tpu.dma_semaphore, #tpu.memory_space<semaphore_mem>>)
    %get3A_224 = arith.constant 1 : i32
    %get3A_225 = arith.index_cast %get3A_224 : i32 to index
    %get3A_226 = arith.constant 0 : index
    %get3A_227 = tpu.vector_load %arg5[%get3A_225, %get3A_226] {strides = array<i32>} : memref<80x128xi32, #tpu.memory_space<vmem>>, vector<1x16xi32>,
    %get3A_228 = vector.shape_cast %get3A_227 : vector<1x16xi32> to vector<16xi32>
    %and3A_229 = arith.constant 16383 : i32
    %and3A_230 = vector.broadcast %and3A_229 : i32 to vector<16xi32>
    %and3A_231 = arith.andi %get3A_228, %and3A_230 : vector<16xi32>
    %swap3A_232 = arith.constant 1 : i32
    %swap3A_233 = arith.index_cast %swap3A_232 : i32 to index
    %swap3A_234 = arith.constant 0 : index
    %swap3A_235 = tpu.vector_load %arg6[%swap3A_233, %swap3A_234] {strides = array<i32>} : memref<2x128xi32, #tpu.memory_space<vmem>>, vector<1x16xi32>,
    %swap3A_236 = vector.shape_cast %swap3A_235 : vector<1x16xi32> to vector<16xi32>
    %swap3A_237 = vector.shape_cast %and3A_231 : vector<16xi32> to vector<1x16xi32>
    tpu.vector_store %arg6[%swap3A_233, %swap3A_234], %swap3A_237 {strides = array<i32>} : memref<2x128xi32, #tpu.memory_space<vmem>>, vector<1x16xi32>,
    %shift_right_logical3A_238 = arith.constant 14 : i32
    %shift_right_logical3A_239 = vector.broadcast %shift_right_logical3A_238 : i32 to vector<16xi32>
    %shift_right_logical3A_240 = arith.shrui %get3A_228, %shift_right_logical3A_239 : vector<16xi32>
    %swap3A_241 = arith.constant 1 : i32
    %swap3A_242 = arith.index_cast %swap3A_241 : i32 to index
    %swap3A_243 = arith.constant 0 : index
    %swap3A_244 = tpu.vector_load %arg7[%swap3A_242, %swap3A_243] {strides = array<i32>} : memref<2x128xi32, #tpu.memory_space<vmem>>, vector<1x16xi32>,
    %swap3A_245 = vector.shape_cast %swap3A_244 : vector<1x16xi32> to vector<16xi32>
    %swap3A_246 = vector.shape_cast %shift_right_logical3A_240 : vector<16xi32> to vector<1x16xi32>
    tpu.vector_store %arg7[%swap3A_242, %swap3A_243], %swap3A_246 {strides = array<i32>} : memref<2x128xi32, #tpu.memory_space<vmem>>, vector<1x16xi32>,
    %get3A_247 = arith.constant 1 : i32
    %get3A_248 = arith.index_cast %get3A_247 : i32 to index
    %get3A_249 = arith.constant 16 : index
    %get3A_250 = tpu.vector_load %arg5[%get3A_248, %get3A_249] {strides = array<i32>} : memref<80x128xi32, #tpu.memory_space<vmem>>, vector<1x16xi32>,
    %get3A_251 = vector.shape_cast %get3A_250 : vector<1x16xi32> to vector<16xi32>
    %and3A_252 = arith.constant 16383 : i32
    %and3A_253 = vector.broadcast %and3A_252 : i32 to vector<16xi32>
    %and3A_254 = arith.andi %get3A_251, %and3A_253 : vector<16xi32>
    %swap3A_255 = arith.constant 1 : i32
    %swap3A_256 = arith.index_cast %swap3A_255 : i32 to index
    %swap3A_257 = arith.constant 16 : index
    %swap3A_258 = tpu.vector_load %arg6[%swap3A_256, %swap3A_257] {strides = array<i32>} : memref<2x128xi32, #tpu.memory_space<vmem>>, vector<1x16xi32>,
    %swap3A_259 = vector.shape_cast %swap3A_258 : vector<1x16xi32> to vector<16xi32>
    %swap3A_260 = vector.shape_cast %and3A_254 : vector<16xi32> to vector<1x16xi32>
    tpu.vector_store %arg6[%swap3A_256, %swap3A_257], %swap3A_260 {strides = array<i32>} : memref<2x128xi32, #tpu.memory_space<vmem>>, vector<1x16xi32>,
    %shift_right_logical3A_261 = arith.constant 14 : i32
    %shift_right_logical3A_262 = vector.broadcast %shift_right_logical3A_261 : i32 to vector<16xi32>
    %shift_right_logical3A_263 = arith.shrui %get3A_251, %shift_right_logical3A_262 : vector<16xi32>
    %swap3A_264 = arith.constant 1 : i32
    %swap3A_265 = arith.index_cast %swap3A_264 : i32 to index
    %swap3A_266 = arith.constant 16 : index
    %swap3A_267 = tpu.vector_load %arg7[%swap3A_265, %swap3A_266] {strides = array<i32>} : memref<2x128xi32, #tpu.memory_space<vmem>>, vector<1x16xi32>,
    %swap3A_268 = vector.shape_cast %swap3A_267 : vector<1x16xi32> to vector<16xi32>
    %swap3A_269 = vector.shape_cast %shift_right_logical3A_263 : vector<16xi32> to vector<1x16xi32>
    tpu.vector_store %arg7[%swap3A_265, %swap3A_266], %swap3A_269 {strides = array<i32>} : memref<2x128xi32, #tpu.memory_space<vmem>>, vector<1x16xi32>,
    %get3A_270 = arith.constant 1 : i32
    %get3A_271 = arith.index_cast %get3A_270 : i32 to index
    %get3A_272 = arith.constant 32 : index
    %get3A_273 = tpu.vector_load %arg5[%get3A_271, %get3A_272] {strides = array<i32>} : memref<80x128xi32, #tpu.memory_space<vmem>>, vector<1x16xi32>,
    %get3A_274 = vector.shape_cast %get3A_273 : vector<1x16xi32> to vector<16xi32>
    %and3A_275 = arith.constant 16383 : i32
    %and3A_276 = vector.broadcast %and3A_275 : i32 to vector<16xi32>
    %and3A_277 = arith.andi %get3A_274, %and3A_276 : vector<16xi32>
    %swap3A_278 = arith.constant 1 : i32
    %swap3A_279 = arith.index_cast %swap3A_278 : i32 to index
    %swap3A_280 = arith.constant 32 : index
    %swap3A_281 = tpu.vector_load %arg6[%swap3A_279, %swap3A_280] {strides = array<i32>} : memref<2x128xi32, #tpu.memory_space<vmem>>, vector<1x16xi32>,
    %swap3A_282 = vector.shape_cast %swap3A_281 : vector<1x16xi32> to vector<16xi32>
    %swap3A_283 = vector.shape_cast %and3A_277 : vector<16xi32> to vector<1x16xi32>
    tpu.vector_store %arg6[%swap3A_279, %swap3A_280], %swap3A_283 {strides = array<i32>} : memref<2x128xi32, #tpu.memory_space<vmem>>, vector<1x16xi32>,
    %shift_right_logical3A_284 = arith.constant 14 : i32
    %shift_right_logical3A_285 = vector.broadcast %shift_right_logical3A_284 : i32 to vector<16xi32>
    %shift_right_logical3A_286 = arith.shrui %get3A_274, %shift_right_logical3A_285 : vector<16xi32>
    %swap3A_287 = arith.constant 1 : i32
    %swap3A_288 = arith.index_cast %swap3A_287 : i32 to index
    %swap3A_289 = arith.constant 32 : index
    %swap3A_290 = tpu.vector_load %arg7[%swap3A_288, %swap3A_289] {strides = array<i32>} : memref<2x128xi32, #tpu.memory_space<vmem>>, vector<1x16xi32>,
    %swap3A_291 = vector.shape_cast %swap3A_290 : vector<1x16xi32> to vector<16xi32>
    %swap3A_292 = vector.shape_cast %shift_right_logical3A_286 : vector<16xi32> to vector<1x16xi32>
    tpu.vector_store %arg7[%swap3A_288, %swap3A_289], %swap3A_292 {strides = array<i32>} : memref<2x128xi32, #tpu.memory_space<vmem>>, vector<1x16xi32>,
    %get3A_293 = arith.constant 1 : i32
    %get3A_294 = arith.index_cast %get3A_293 : i32 to index
    %get3A_295 = arith.constant 48 : index
    %get3A_296 = tpu.vector_load %arg5[%get3A_294, %get3A_295] {strides = array<i32>} : memref<80x128xi32, #tpu.memory_space<vmem>>, vector<1x16xi32>,
    %get3A_297 = vector.shape_cast %get3A_296 : vector<1x16xi32> to vector<16xi32>
    %and3A_298 = arith.constant 16383 : i32
    %and3A_299 = vector.broadcast %and3A_298 : i32 to vector<16xi32>
    %and3A_300 = arith.andi %get3A_297, %and3A_299 : vector<16xi32>
    %swap3A_301 = arith.constant 1 : i32
    %swap3A_302 = arith.index_cast %swap3A_301 : i32 to index
    %swap3A_303 = arith.constant 48 : index
    %swap3A_304 = tpu.vector_load %arg6[%swap3A_302, %swap3A_303] {strides = array<i32>} : memref<2x128xi32, #tpu.memory_space<vmem>>, vector<1x16xi32>,
    %swap3A_305 = vector.shape_cast %swap3A_304 : vector<1x16xi32> to vector<16xi32>
    %swap3A_306 = vector.shape_cast %and3A_300 : vector<16xi32> to vector<1x16xi32>
    tpu.vector_store %arg6[%swap3A_302, %swap3A_303], %swap3A_306 {strides = array<i32>} : memref<2x128xi32, #tpu.memory_space<vmem>>, vector<1x16xi32>,
    %shift_right_logical3A_307 = arith.constant 14 : i32
    %shift_right_logical3A_308 = vector.broadcast %shift_right_logical3A_307 : i32 to vector<16xi32>
    %shift_right_logical3A_309 = arith.shrui %get3A_297, %shift_right_logical3A_308 : vector<16xi32>
    %swap3A_310 = arith.constant 1 : i32
    %swap3A_311 = arith.index_cast %swap3A_310 : i32 to index
    %swap3A_312 = arith.constant 48 : index
    %swap3A_313 = tpu.vector_load %arg7[%swap3A_311, %swap3A_312] {strides = array<i32>} : memref<2x128xi32, #tpu.memory_space<vmem>>, vector<1x16xi32>,
    %swap3A_314 = vector.shape_cast %swap3A_313 : vector<1x16xi32> to vector<16xi32>
    %swap3A_315 = vector.shape_cast %shift_right_logical3A_309 : vector<16xi32> to vector<1x16xi32>
    tpu.vector_store %arg7[%swap3A_311, %swap3A_312], %swap3A_315 {strides = array<i32>} : memref<2x128xi32, #tpu.memory_space<vmem>>, vector<1x16xi32>,
    %get3A_316 = arith.constant 1 : i32
    %get3A_317 = arith.index_cast %get3A_316 : i32 to index
    %get3A_318 = arith.constant 64 : index
    %get3A_319 = tpu.vector_load %arg5[%get3A_317, %get3A_318] {strides = array<i32>} : memref<80x128xi32, #tpu.memory_space<vmem>>, vector<1x16xi32>,
    %get3A_320 = vector.shape_cast %get3A_319 : vector<1x16xi32> to vector<16xi32>
    %and3A_321 = arith.constant 16383 : i32
    %and3A_322 = vector.broadcast %and3A_321 : i32 to vector<16xi32>
    %and3A_323 = arith.andi %get3A_320, %and3A_322 : vector<16xi32>
    %swap3A_324 = arith.constant 1 : i32
    %swap3A_325 = arith.index_cast %swap3A_324 : i32 to index
    %swap3A_326 = arith.constant 64 : index
    %swap3A_327 = tpu.vector_load %arg6[%swap3A_325, %swap3A_326] {strides = array<i32>} : memref<2x128xi32, #tpu.memory_space<vmem>>, vector<1x16xi32>,
    %swap3A_328 = vector.shape_cast %swap3A_327 : vector<1x16xi32> to vector<16xi32>
    %swap3A_329 = vector.shape_cast %and3A_323 : vector<16xi32> to vector<1x16xi32>
    tpu.vector_store %arg6[%swap3A_325, %swap3A_326], %swap3A_329 {strides = array<i32>} : memref<2x128xi32, #tpu.memory_space<vmem>>, vector<1x16xi32>,
    %shift_right_logical3A_330 = arith.constant 14 : i32
    %shift_right_logical3A_331 = vector.broadcast %shift_right_logical3A_330 : i32 to vector<16xi32>
    %shift_right_logical3A_332 = arith.shrui %get3A_320, %shift_right_logical3A_331 : vector<16xi32>
    %swap3A_333 = arith.constant 1 : i32
    %swap3A_334 = arith.index_cast %swap3A_333 : i32 to index
    %swap3A_335 = arith.constant 64 : index
    %swap3A_336 = tpu.vector_load %arg7[%swap3A_334, %swap3A_335] {strides = array<i32>} : memref<2x128xi32, #tpu.memory_space<vmem>>, vector<1x16xi32>,
    %swap3A_337 = vector.shape_cast %swap3A_336 : vector<1x16xi32> to vector<16xi32>
    %swap3A_338 = vector.shape_cast %shift_right_logical3A_332 : vector<16xi32> to vector<1x16xi32>
    tpu.vector_store %arg7[%swap3A_334, %swap3A_335], %swap3A_338 {strides = array<i32>} : memref<2x128xi32, #tpu.memory_space<vmem>>, vector<1x16xi32>,
    %get3A_339 = arith.constant 1 : i32
    %get3A_340 = arith.index_cast %get3A_339 : i32 to index
    %get3A_341 = arith.constant 80 : index
    %get3A_342 = tpu.vector_load %arg5[%get3A_340, %get3A_341] {strides = array<i32>} : memref<80x128xi32, #tpu.memory_space<vmem>>, vector<1x16xi32>,
    %get3A_343 = vector.shape_cast %get3A_342 : vector<1x16xi32> to vector<16xi32>
    %and3A_344 = arith.constant 16383 : i32
    %and3A_345 = vector.broadcast %and3A_344 : i32 to vector<16xi32>
    %and3A_346 = arith.andi %get3A_343, %and3A_345 : vector<16xi32>
    %swap3A_347 = arith.constant 1 : i32
    %swap3A_348 = arith.index_cast %swap3A_347 : i32 to index
    %swap3A_349 = arith.constant 80 : index
    %swap3A_350 = tpu.vector_load %arg6[%swap3A_348, %swap3A_349] {strides = array<i32>} : memref<2x128xi32, #tpu.memory_space<vmem>>, vector<1x16xi32>,
    %swap3A_351 = vector.shape_cast %swap3A_350 : vector<1x16xi32> to vector<16xi32>
    %swap3A_352 = vector.shape_cast %and3A_346 : vector<16xi32> to vector<1x16xi32>
    tpu.vector_store %arg6[%swap3A_348, %swap3A_349], %swap3A_352 {strides = array<i32>} : memref<2x128xi32, #tpu.memory_space<vmem>>, vector<1x16xi32>,
    %shift_right_logical3A_353 = arith.constant 14 : i32
    %shift_right_logical3A_354 = vector.broadcast %shift_right_logical3A_353 : i32 to vector<16xi32>
    %shift_right_logical3A_355 = arith.shrui %get3A_343, %shift_right_logical3A_354 : vector<16xi32>
    %swap3A_356 = arith.constant 1 : i32
    %swap3A_357 = arith.index_cast %swap3A_356 : i32 to index
    %swap3A_358 = arith.constant 80 : index
    %swap3A_359 = tpu.vector_load %arg7[%swap3A_357, %swap3A_358] {strides = array<i32>} : memref<2x128xi32, #tpu.memory_space<vmem>>, vector<1x16xi32>,
    %swap3A_360 = vector.shape_cast %swap3A_359 : vector<1x16xi32> to vector<16xi32>
    %swap3A_361 = vector.shape_cast %shift_right_logical3A_355 : vector<16xi32> to vector<1x16xi32>
    tpu.vector_store %arg7[%swap3A_357, %swap3A_358], %swap3A_361 {strides = array<i32>} : memref<2x128xi32, #tpu.memory_space<vmem>>, vector<1x16xi32>,
    %get3A_362 = arith.constant 1 : i32
    %get3A_363 = arith.index_cast %get3A_362 : i32 to index
    %get3A_364 = arith.constant 96 : index
    %get3A_365 = tpu.vector_load %arg5[%get3A_363, %get3A_364] {strides = array<i32>} : memref<80x128xi32, #tpu.memory_space<vmem>>, vector<1x16xi32>,
    %get3A_366 = vector.shape_cast %get3A_365 : vector<1x16xi32> to vector<16xi32>
    %and3A_367 = arith.constant 16383 : i32
    %and3A_368 = vector.broadcast %and3A_367 : i32 to vector<16xi32>
    %and3A_369 = arith.andi %get3A_366, %and3A_368 : vector<16xi32>
    %swap3A_370 = arith.constant 1 : i32
    %swap3A_371 = arith.index_cast %swap3A_370 : i32 to index
    %swap3A_372 = arith.constant 96 : index
    %swap3A_373 = tpu.vector_load %arg6[%swap3A_371, %swap3A_372] {strides = array<i32>} : memref<2x128xi32, #tpu.memory_space<vmem>>, vector<1x16xi32>,
    %swap3A_374 = vector.shape_cast %swap3A_373 : vector<1x16xi32> to vector<16xi32>
    %swap3A_375 = vector.shape_cast %and3A_369 : vector<16xi32> to vector<1x16xi32>
    tpu.vector_store %arg6[%swap3A_371, %swap3A_372], %swap3A_375 {strides = array<i32>} : memref<2x128xi32, #tpu.memory_space<vmem>>, vector<1x16xi32>,
    %shift_right_logical3A_376 = arith.constant 14 : i32
    %shift_right_logical3A_377 = vector.broadcast %shift_right_logical3A_376 : i32 to vector<16xi32>
    %shift_right_logical3A_378 = arith.shrui %get3A_366, %shift_right_logical3A_377 : vector<16xi32>
    %swap3A_379 = arith.constant 1 : i32
    %swap3A_380 = arith.index_cast %swap3A_379 : i32 to index
    %swap3A_381 = arith.constant 96 : index
    %swap3A_382 = tpu.vector_load %arg7[%swap3A_380, %swap3A_381] {strides = array<i32>} : memref<2x128xi32, #tpu.memory_space<vmem>>, vector<1x16xi32>,
    %swap3A_383 = vector.shape_cast %swap3A_382 : vector<1x16xi32> to vector<16xi32>
    %swap3A_384 = vector.shape_cast %shift_right_logical3A_378 : vector<16xi32> to vector<1x16xi32>
    tpu.vector_store %arg7[%swap3A_380, %swap3A_381], %swap3A_384 {strides = array<i32>} : memref<2x128xi32, #tpu.memory_space<vmem>>, vector<1x16xi32>,
    %get3A_385 = arith.constant 1 : i32
    %get3A_386 = arith.index_cast %get3A_385 : i32 to index
    %get3A_387 = arith.constant 112 : index
    %get3A_388 = tpu.vector_load %arg5[%get3A_386, %get3A_387] {strides = array<i32>} : memref<80x128xi32, #tpu.memory_space<vmem>>, vector<1x16xi32>,
    %get3A_389 = vector.shape_cast %get3A_388 : vector<1x16xi32> to vector<16xi32>
    %and3A_390 = arith.constant 16383 : i32
    %and3A_391 = vector.broadcast %and3A_390 : i32 to vector<16xi32>
    %and3A_392 = arith.andi %get3A_389, %and3A_391 : vector<16xi32>
    %swap3A_393 = arith.constant 1 : i32
    %swap3A_394 = arith.index_cast %swap3A_393 : i32 to index
    %swap3A_395 = arith.constant 112 : index
    %swap3A_396 = tpu.vector_load %arg6[%swap3A_394, %swap3A_395] {strides = array<i32>} : memref<2x128xi32, #tpu.memory_space<vmem>>, vector<1x16xi32>,
    %swap3A_397 = vector.shape_cast %swap3A_396 : vector<1x16xi32> to vector<16xi32>
    %swap3A_398 = vector.shape_cast %and3A_392 : vector<16xi32> to vector<1x16xi32>
    tpu.vector_store %arg6[%swap3A_394, %swap3A_395], %swap3A_398 {strides = array<i32>} : memref<2x128xi32, #tpu.memory_space<vmem>>, vector<1x16xi32>,
    %shift_right_logical3A_399 = arith.constant 14 : i32
    %shift_right_logical3A_400 = vector.broadcast %shift_right_logical3A_399 : i32 to vector<16xi32>
    %shift_right_logical3A_401 = arith.shrui %get3A_389, %shift_right_logical3A_400 : vector<16xi32>
    %swap3A_402 = arith.constant 1 : i32
    %swap3A_403 = arith.index_cast %swap3A_402 : i32 to index
    %swap3A_404 = arith.constant 112 : index
    %swap3A_405 = tpu.vector_load %arg7[%swap3A_403, %swap3A_404] {strides = array<i32>} : memref<2x128xi32, #tpu.memory_space<vmem>>, vector<1x16xi32>,
    %swap3A_406 = vector.shape_cast %swap3A_405 : vector<1x16xi32> to vector<16xi32>
    %swap3A_407 = vector.shape_cast %shift_right_logical3A_401 : vector<16xi32> to vector<1x16xi32>
    tpu.vector_store %arg7[%swap3A_403, %swap3A_404], %swap3A_407 {strides = array<i32>} : memref<2x128xi32, #tpu.memory_space<vmem>>, vector<1x16xi32>,
    %dma_start3A_408 = arith.constant 1 : i32
    %dma_start3A_409 = arith.constant 1 : i32
    %dma_start3A_410 = arith.constant 0 : i32
    %dma_start3A_411 = arith.constant 0 : i32
    %dma_start3A_412 = tpu.memref_slice %arg8[%dma_start3A_409, %dma_start3A_410, %dma_start3A_411] : memref<2x128x128xf32, #tpu.memory_space<vmem>> -> memref<1x128x128xf32, #tpu.memory_space<vmem>>
    %dma_start3A_413 = tpu.memref_squeeze %dma_start3A_412 : memref<1x128x128xf32, #tpu.memory_space<vmem>> -> memref<128x128xf32, #tpu.memory_space<vmem>>
    %dma_start3A_414 = arith.constant 0 : i32
    %dma_start3A_415 = tpu.memref_slice %arg6[%dma_start3A_408, %dma_start3A_414] : memref<2x128xi32, #tpu.memory_space<vmem>> -> memref<1x128xi32, #tpu.memory_space<vmem>>
    %dma_start3A_416 = tpu.memref_squeeze %dma_start3A_415 : memref<1x128xi32, #tpu.memory_space<vmem>> -> memref<128xi32, #tpu.memory_space<vmem>>
    %dma_start3A_417 = arith.constant 0 : i32
    %dma_start3A_418 = arith.constant 0 : i32
    %dma_start3A_419 = tpu.memref_slice %arg2[%dma_start3A_417, %dma_start3A_418] : memref<10000x128xf32, #tpu.memory_space<hbm>> -> memref<10000x128xf32, #tpu.memory_space<hbm>>
    tpu.enqueue_indirect_dma source(%dma_start3A_419 : memref<10000x128xf32, #tpu.memory_space<hbm>>) target(%dma_start3A_413 : memref<128x128xf32, #tpu.memory_space<vmem>>) offsets(%dma_start3A_416 : memref<128xi32, #tpu.memory_space<vmem>>) semaphore(%arg11 : memref<!tpu.dma_semaphore, #tpu.memory_space<semaphore_mem>>)
    %scan3A_420 = arith.constant 0 : i32
    %scan3A_421 = arith.constant 0 : i32
    %scan3A_422 = arith.constant 40 : i32
    %scan3A_423 = arith.addi %scan3A_421, %scan3A_422 : i32
    %scan3A_424 = arith.constant 1 : i32
    scf.for %scan3A_431 = %scan3A_421 to %scan3A_423 step %scan3A_424  : i32 {
      %mul3A_432 = arith.constant 2 : i32
      %mul3A_433 = arith.muli %scan3A_431, %mul3A_432 : i32
      %add3A_434 = arith.constant 0 : i32
      %add3A_435 = arith.addi %mul3A_433, %add3A_434 : i32
      %dma_wait3A = arith.constant 0 : i32
      %dma_wait3A_436 = arith.constant 0 : i32
      %dma_wait3A_437 = arith.constant 0 : i32
      %dma_wait3A_438 = arith.constant 0 : i32
      %dma_wait3A_439 = tpu.memref_slice %arg8[%dma_wait3A_436, %dma_wait3A_437, %dma_wait3A_438] : memref<2x128x128xf32, #tpu.memory_space<vmem>> -> memref<1x128x128xf32, #tpu.memory_space<vmem>>
      %dma_wait3A_440 = tpu.memref_squeeze %dma_wait3A_439 : memref<1x128x128xf32, #tpu.memory_space<vmem>> -> memref<128x128xf32, #tpu.memory_space<vmem>>
      %dma_wait3A_441 = arith.constant 0 : i32
      %dma_wait3A_442 = tpu.memref_slice %arg6[%dma_wait3A, %dma_wait3A_441] : memref<2x128xi32, #tpu.memory_space<vmem>> -> memref<1x128xi32, #tpu.memory_space<vmem>>
      %dma_wait3A_443 = tpu.memref_squeeze %dma_wait3A_442 : memref<1x128xi32, #tpu.memory_space<vmem>> -> memref<128xi32, #tpu.memory_space<vmem>>
      %dma_wait3A_444 = arith.constant 0 : i32
      %dma_wait3A_445 = arith.constant 0 : i32
      %dma_wait3A_446 = tpu.memref_slice %arg2[%dma_wait3A_444, %dma_wait3A_445] : memref<10000x128xf32, #tpu.memory_space<hbm>> -> memref<10000x128xf32, #tpu.memory_space<hbm>>
      tpu.wait_indirect_dma semaphore(%arg10 : memref<!tpu.dma_semaphore, #tpu.memory_space<semaphore_mem>>) src(%dma_wait3A_446 : memref<10000x128xf32, #tpu.memory_space<hbm>>) dst(%dma_wait3A_440 : memref<128x128xf32, #tpu.memory_space<vmem>>)
      %run_scoped3A_447 = arith.constant 0 : i32
      %run_scoped3A_448 = arith.constant 0 : i32
      "tpu.region"() ({
        %run_scoped3A_478 = tpu.sem_alloc : memref<!tpu.dma_semaphore, #tpu.memory_space<semaphore_mem>>
        %dma_start3A_479 = arith.constant 0 : i32
        %dma_start3A_480 = arith.constant 0 : i32
        %dma_start3A_481 = tpu.memref_slice %arg8[%run_scoped3A_447, %dma_start3A_479, %dma_start3A_480] : memref<2x128x128xf32, #tpu.memory_space<vmem>> -> memref<1x128x128xf32, #tpu.memory_space<vmem>>
        %dma_start3A_482 = tpu.memref_squeeze %dma_start3A_481 : memref<1x128x128xf32, #tpu.memory_space<vmem>> -> memref<128x128xf32, #tpu.memory_space<vmem>>
        %dma_start3A_483 = arith.constant 0 : i32
        %dma_start3A_484 = tpu.memref_slice %arg7[%run_scoped3A_448, %dma_start3A_483] : memref<2x128xi32, #tpu.memory_space<vmem>> -> memref<1x128xi32, #tpu.memory_space<vmem>>
        %dma_start3A_485 = tpu.memref_squeeze %dma_start3A_484 : memref<1x128xi32, #tpu.memory_space<vmem>> -> memref<128xi32, #tpu.memory_space<vmem>>
        %dma_start3A_486 = arith.constant 0 : i32
        %dma_start3A_487 = arith.constant 0 : i32
        %dma_start3A_488 = tpu.memref_slice %arg9[%dma_start3A_486, %dma_start3A_487] : memref<10240x128xf32, #tpu.memory_space<vmem_shared>> -> memref<10240x128xf32, #tpu.memory_space<vmem_shared>>
        tpu.enqueue_indirect_dma source(%dma_start3A_482 : memref<128x128xf32, #tpu.memory_space<vmem>>) target(%dma_start3A_488 : memref<10240x128xf32, #tpu.memory_space<vmem_shared>>) offsets(%dma_start3A_485 : memref<128xi32, #tpu.memory_space<vmem>>) semaphore(%run_scoped3A_478 : memref<!tpu.dma_semaphore, #tpu.memory_space<semaphore_mem>>) {add = true}
        %dma_wait3A_489 = arith.constant 0 : i32
        %dma_wait3A_490 = arith.constant 0 : i32
        %dma_wait3A_491 = tpu.memref_slice %arg8[%run_scoped3A_447, %dma_wait3A_489, %dma_wait3A_490] : memref<2x128x128xf32, #tpu.memory_space<vmem>> -> memref<1x128x128xf32, #tpu.memory_space<vmem>>
        %dma_wait3A_492 = tpu.memref_squeeze %dma_wait3A_491 : memref<1x128x128xf32, #tpu.memory_space<vmem>> -> memref<128x128xf32, #tpu.memory_space<vmem>>
        %dma_wait3A_493 = arith.constant 0 : i32
        %dma_wait3A_494 = tpu.memref_slice %arg7[%run_scoped3A_448, %dma_wait3A_493] : memref<2x128xi32, #tpu.memory_space<vmem>> -> memref<1x128xi32, #tpu.memory_space<vmem>>
        %dma_wait3A_495 = tpu.memref_squeeze %dma_wait3A_494 : memref<1x128xi32, #tpu.memory_space<vmem>> -> memref<128xi32, #tpu.memory_space<vmem>>
        %dma_wait3A_496 = arith.constant 0 : i32
        %dma_wait3A_497 = arith.constant 0 : i32
        %dma_wait3A_498 = tpu.memref_slice %arg9[%dma_wait3A_496, %dma_wait3A_497] : memref<10240x128xf32, #tpu.memory_space<vmem_shared>> -> memref<10240x128xf32, #tpu.memory_space<vmem_shared>>
        tpu.wait_indirect_dma semaphore(%run_scoped3A_478 : memref<!tpu.dma_semaphore, #tpu.memory_space<semaphore_mem>>) src(%dma_wait3A_492 : memref<128x128xf32, #tpu.memory_space<vmem>>) dst(%dma_wait3A_498 : memref<10240x128xf32, #tpu.memory_space<vmem_shared>>)
        tpu.yield
      }) : () -> ()
      %add3A_449 = arith.constant 2 : i32
      %add3A_450 = arith.addi %add3A_435, %add3A_449 : i32
      %lt3A = arith.constant 80 : i32
      %lt3A_451 = arith.cmpi slt, %add3A_450, %lt3A : i32
      %convert_element_type3A = arith.extui %lt3A_451 : i1 to i32
      %cond3A = arith.constant 0 : i32
      %cond3A_452 = arith.cmpi ne, %convert_element_type3A, %cond3A : i32
      scf.if %cond3A_452 {
        %get3A_478 = arith.index_cast %add3A_450 : i32 to index
        %get3A_479 = arith.constant 0 : index
        %get3A_480 = tpu.vector_load %arg5[%get3A_478, %get3A_479] {strides = array<i32>} : memref<80x128xi32, #tpu.memory_space<vmem>>, vector<1x16xi32>,
        %get3A_481 = vector.shape_cast %get3A_480 : vector<1x16xi32> to vector<16xi32>
        %and3A_482 = arith.constant 16383 : i32
        %and3A_483 = vector.broadcast %and3A_482 : i32 to vector<16xi32>
        %and3A_484 = arith.andi %get3A_481, %and3A_483 : vector<16xi32>
        %swap3A_485 = arith.constant 0 : i32
        %swap3A_486 = arith.index_cast %swap3A_485 : i32 to index
        %swap3A_487 = arith.constant 0 : index
        %swap3A_488 = tpu.vector_load %arg6[%swap3A_486, %swap3A_487] {strides = array<i32>} : memref<2x128xi32, #tpu.memory_space<vmem>>, vector<1x16xi32>,
        %swap3A_489 = vector.shape_cast %swap3A_488 : vector<1x16xi32> to vector<16xi32>
        %swap3A_490 = vector.shape_cast %and3A_484 : vector<16xi32> to vector<1x16xi32>
        tpu.vector_store %arg6[%swap3A_486, %swap3A_487], %swap3A_490 {strides = array<i32>} : memref<2x128xi32, #tpu.memory_space<vmem>>, vector<1x16xi32>,
        %shift_right_logical3A_491 = arith.constant 14 : i32
        %shift_right_logical3A_492 = vector.broadcast %shift_right_logical3A_491 : i32 to vector<16xi32>
        %shift_right_logical3A_493 = arith.shrui %get3A_481, %shift_right_logical3A_492 : vector<16xi32>
        %swap3A_494 = arith.constant 0 : i32
        %swap3A_495 = arith.index_cast %swap3A_494 : i32 to index
        %swap3A_496 = arith.constant 0 : index
        %swap3A_497 = tpu.vector_load %arg7[%swap3A_495, %swap3A_496] {strides = array<i32>} : memref<2x128xi32, #tpu.memory_space<vmem>>, vector<1x16xi32>,
        %swap3A_498 = vector.shape_cast %swap3A_497 : vector<1x16xi32> to vector<16xi32>
        %swap3A_499 = vector.shape_cast %shift_right_logical3A_493 : vector<16xi32> to vector<1x16xi32>
        tpu.vector_store %arg7[%swap3A_495, %swap3A_496], %swap3A_499 {strides = array<i32>} : memref<2x128xi32, #tpu.memory_space<vmem>>, vector<1x16xi32>,
        %get3A_500 = arith.index_cast %add3A_450 : i32 to index
        %get3A_501 = arith.constant 16 : index
        %get3A_502 = tpu.vector_load %arg5[%get3A_500, %get3A_501] {strides = array<i32>} : memref<80x128xi32, #tpu.memory_space<vmem>>, vector<1x16xi32>,
        %get3A_503 = vector.shape_cast %get3A_502 : vector<1x16xi32> to vector<16xi32>
        %and3A_504 = arith.constant 16383 : i32
        %and3A_505 = vector.broadcast %and3A_504 : i32 to vector<16xi32>
        %and3A_506 = arith.andi %get3A_503, %and3A_505 : vector<16xi32>
        %swap3A_507 = arith.constant 0 : i32
        %swap3A_508 = arith.index_cast %swap3A_507 : i32 to index
        %swap3A_509 = arith.constant 16 : index
        %swap3A_510 = tpu.vector_load %arg6[%swap3A_508, %swap3A_509] {strides = array<i32>} : memref<2x128xi32, #tpu.memory_space<vmem>>, vector<1x16xi32>,
        %swap3A_511 = vector.shape_cast %swap3A_510 : vector<1x16xi32> to vector<16xi32>
        %swap3A_512 = vector.shape_cast %and3A_506 : vector<16xi32> to vector<1x16xi32>
        tpu.vector_store %arg6[%swap3A_508, %swap3A_509], %swap3A_512 {strides = array<i32>} : memref<2x128xi32, #tpu.memory_space<vmem>>, vector<1x16xi32>,
        %shift_right_logical3A_513 = arith.constant 14 : i32
        %shift_right_logical3A_514 = vector.broadcast %shift_right_logical3A_513 : i32 to vector<16xi32>
        %shift_right_logical3A_515 = arith.shrui %get3A_503, %shift_right_logical3A_514 : vector<16xi32>
        %swap3A_516 = arith.constant 0 : i32
        %swap3A_517 = arith.index_cast %swap3A_516 : i32 to index
        %swap3A_518 = arith.constant 16 : index
        %swap3A_519 = tpu.vector_load %arg7[%swap3A_517, %swap3A_518] {strides = array<i32>} : memref<2x128xi32, #tpu.memory_space<vmem>>, vector<1x16xi32>,
        %swap3A_520 = vector.shape_cast %swap3A_519 : vector<1x16xi32> to vector<16xi32>
        %swap3A_521 = vector.shape_cast %shift_right_logical3A_515 : vector<16xi32> to vector<1x16xi32>
        tpu.vector_store %arg7[%swap3A_517, %swap3A_518], %swap3A_521 {strides = array<i32>} : memref<2x128xi32, #tpu.memory_space<vmem>>, vector<1x16xi32>,
        %get3A_522 = arith.index_cast %add3A_450 : i32 to index
        %get3A_523 = arith.constant 32 : index
        %get3A_524 = tpu.vector_load %arg5[%get3A_522, %get3A_523] {strides = array<i32>} : memref<80x128xi32, #tpu.memory_space<vmem>>, vector<1x16xi32>,
        %get3A_525 = vector.shape_cast %get3A_524 : vector<1x16xi32> to vector<16xi32>
        %and3A_526 = arith.constant 16383 : i32
        %and3A_527 = vector.broadcast %and3A_526 : i32 to vector<16xi32>
        %and3A_528 = arith.andi %get3A_525, %and3A_527 : vector<16xi32>
        %swap3A_529 = arith.constant 0 : i32
        %swap3A_530 = arith.index_cast %swap3A_529 : i32 to index
        %swap3A_531 = arith.constant 32 : index
        %swap3A_532 = tpu.vector_load %arg6[%swap3A_530, %swap3A_531] {strides = array<i32>} : memref<2x128xi32, #tpu.memory_space<vmem>>, vector<1x16xi32>,
        %swap3A_533 = vector.shape_cast %swap3A_532 : vector<1x16xi32> to vector<16xi32>
        %swap3A_534 = vector.shape_cast %and3A_528 : vector<16xi32> to vector<1x16xi32>
        tpu.vector_store %arg6[%swap3A_530, %swap3A_531], %swap3A_534 {strides = array<i32>} : memref<2x128xi32, #tpu.memory_space<vmem>>, vector<1x16xi32>,
        %shift_right_logical3A_535 = arith.constant 14 : i32
        %shift_right_logical3A_536 = vector.broadcast %shift_right_logical3A_535 : i32 to vector<16xi32>
        %shift_right_logical3A_537 = arith.shrui %get3A_525, %shift_right_logical3A_536 : vector<16xi32>
        %swap3A_538 = arith.constant 0 : i32
        %swap3A_539 = arith.index_cast %swap3A_538 : i32 to index
        %swap3A_540 = arith.constant 32 : index
        %swap3A_541 = tpu.vector_load %arg7[%swap3A_539, %swap3A_540] {strides = array<i32>} : memref<2x128xi32, #tpu.memory_space<vmem>>, vector<1x16xi32>,
        %swap3A_542 = vector.shape_cast %swap3A_541 : vector<1x16xi32> to vector<16xi32>
        %swap3A_543 = vector.shape_cast %shift_right_logical3A_537 : vector<16xi32> to vector<1x16xi32>
        tpu.vector_store %arg7[%swap3A_539, %swap3A_540], %swap3A_543 {strides = array<i32>} : memref<2x128xi32, #tpu.memory_space<vmem>>, vector<1x16xi32>,
        %get3A_544 = arith.index_cast %add3A_450 : i32 to index
        %get3A_545 = arith.constant 48 : index
        %get3A_546 = tpu.vector_load %arg5[%get3A_544, %get3A_545] {strides = array<i32>} : memref<80x128xi32, #tpu.memory_space<vmem>>, vector<1x16xi32>,
        %get3A_547 = vector.shape_cast %get3A_546 : vector<1x16xi32> to vector<16xi32>
        %and3A_548 = arith.constant 16383 : i32
        %and3A_549 = vector.broadcast %and3A_548 : i32 to vector<16xi32>
        %and3A_550 = arith.andi %get3A_547, %and3A_549 : vector<16xi32>
        %swap3A_551 = arith.constant 0 : i32
        %swap3A_552 = arith.index_cast %swap3A_551 : i32 to index
        %swap3A_553 = arith.constant 48 : index
        %swap3A_554 = tpu.vector_load %arg6[%swap3A_552, %swap3A_553] {strides = array<i32>} : memref<2x128xi32, #tpu.memory_space<vmem>>, vector<1x16xi32>,
        %swap3A_555 = vector.shape_cast %swap3A_554 : vector<1x16xi32> to vector<16xi32>
        %swap3A_556 = vector.shape_cast %and3A_550 : vector<16xi32> to vector<1x16xi32>
        tpu.vector_store %arg6[%swap3A_552, %swap3A_553], %swap3A_556 {strides = array<i32>} : memref<2x128xi32, #tpu.memory_space<vmem>>, vector<1x16xi32>,
        %shift_right_logical3A_557 = arith.constant 14 : i32
        %shift_right_logical3A_558 = vector.broadcast %shift_right_logical3A_557 : i32 to vector<16xi32>
        %shift_right_logical3A_559 = arith.shrui %get3A_547, %shift_right_logical3A_558 : vector<16xi32>
        %swap3A_560 = arith.constant 0 : i32
        %swap3A_561 = arith.index_cast %swap3A_560 : i32 to index
        %swap3A_562 = arith.constant 48 : index
        %swap3A_563 = tpu.vector_load %arg7[%swap3A_561, %swap3A_562] {strides = array<i32>} : memref<2x128xi32, #tpu.memory_space<vmem>>, vector<1x16xi32>,
        %swap3A_564 = vector.shape_cast %swap3A_563 : vector<1x16xi32> to vector<16xi32>
        %swap3A_565 = vector.shape_cast %shift_right_logical3A_559 : vector<16xi32> to vector<1x16xi32>
        tpu.vector_store %arg7[%swap3A_561, %swap3A_562], %swap3A_565 {strides = array<i32>} : memref<2x128xi32, #tpu.memory_space<vmem>>, vector<1x16xi32>,
        %get3A_566 = arith.index_cast %add3A_450 : i32 to index
        %get3A_567 = arith.constant 64 : index
        %get3A_568 = tpu.vector_load %arg5[%get3A_566, %get3A_567] {strides = array<i32>} : memref<80x128xi32, #tpu.memory_space<vmem>>, vector<1x16xi32>,
        %get3A_569 = vector.shape_cast %get3A_568 : vector<1x16xi32> to vector<16xi32>
        %and3A_570 = arith.constant 16383 : i32
        %and3A_571 = vector.broadcast %and3A_570 : i32 to vector<16xi32>
        %and3A_572 = arith.andi %get3A_569, %and3A_571 : vector<16xi32>
        %swap3A_573 = arith.constant 0 : i32
        %swap3A_574 = arith.index_cast %swap3A_573 : i32 to index
        %swap3A_575 = arith.constant 64 : index
        %swap3A_576 = tpu.vector_load %arg6[%swap3A_574, %swap3A_575] {strides = array<i32>} : memref<2x128xi32, #tpu.memory_space<vmem>>, vector<1x16xi32>,
        %swap3A_577 = vector.shape_cast %swap3A_576 : vector<1x16xi32> to vector<16xi32>
        %swap3A_578 = vector.shape_cast %and3A_572 : vector<16xi32> to vector<1x16xi32>
        tpu.vector_store %arg6[%swap3A_574, %swap3A_575], %swap3A_578 {strides = array<i32>} : memref<2x128xi32, #tpu.memory_space<vmem>>, vector<1x16xi32>,
        %shift_right_logical3A_579 = arith.constant 14 : i32
        %shift_right_logical3A_580 = vector.broadcast %shift_right_logical3A_579 : i32 to vector<16xi32>
        %shift_right_logical3A_581 = arith.shrui %get3A_569, %shift_right_logical3A_580 : vector<16xi32>
        %swap3A_582 = arith.constant 0 : i32
        %swap3A_583 = arith.index_cast %swap3A_582 : i32 to index
        %swap3A_584 = arith.constant 64 : index
        %swap3A_585 = tpu.vector_load %arg7[%swap3A_583, %swap3A_584] {strides = array<i32>} : memref<2x128xi32, #tpu.memory_space<vmem>>, vector<1x16xi32>,
        %swap3A_586 = vector.shape_cast %swap3A_585 : vector<1x16xi32> to vector<16xi32>
        %swap3A_587 = vector.shape_cast %shift_right_logical3A_581 : vector<16xi32> to vector<1x16xi32>
        tpu.vector_store %arg7[%swap3A_583, %swap3A_584], %swap3A_587 {strides = array<i32>} : memref<2x128xi32, #tpu.memory_space<vmem>>, vector<1x16xi32>,
        %get3A_588 = arith.index_cast %add3A_450 : i32 to index
        %get3A_589 = arith.constant 80 : index
        %get3A_590 = tpu.vector_load %arg5[%get3A_588, %get3A_589] {strides = array<i32>} : memref<80x128xi32, #tpu.memory_space<vmem>>, vector<1x16xi32>,
        %get3A_591 = vector.shape_cast %get3A_590 : vector<1x16xi32> to vector<16xi32>
        %and3A_592 = arith.constant 16383 : i32
        %and3A_593 = vector.broadcast %and3A_592 : i32 to vector<16xi32>
        %and3A_594 = arith.andi %get3A_591, %and3A_593 : vector<16xi32>
        %swap3A_595 = arith.constant 0 : i32
        %swap3A_596 = arith.index_cast %swap3A_595 : i32 to index
        %swap3A_597 = arith.constant 80 : index
        %swap3A_598 = tpu.vector_load %arg6[%swap3A_596, %swap3A_597] {strides = array<i32>} : memref<2x128xi32, #tpu.memory_space<vmem>>, vector<1x16xi32>,
        %swap3A_599 = vector.shape_cast %swap3A_598 : vector<1x16xi32> to vector<16xi32>
        %swap3A_600 = vector.shape_cast %and3A_594 : vector<16xi32> to vector<1x16xi32>
        tpu.vector_store %arg6[%swap3A_596, %swap3A_597], %swap3A_600 {strides = array<i32>} : memref<2x128xi32, #tpu.memory_space<vmem>>, vector<1x16xi32>,
        %shift_right_logical3A_601 = arith.constant 14 : i32
        %shift_right_logical3A_602 = vector.broadcast %shift_right_logical3A_601 : i32 to vector<16xi32>
        %shift_right_logical3A_603 = arith.shrui %get3A_591, %shift_right_logical3A_602 : vector<16xi32>
        %swap3A_604 = arith.constant 0 : i32
        %swap3A_605 = arith.index_cast %swap3A_604 : i32 to index
        %swap3A_606 = arith.constant 80 : index
        %swap3A_607 = tpu.vector_load %arg7[%swap3A_605, %swap3A_606] {strides = array<i32>} : memref<2x128xi32, #tpu.memory_space<vmem>>, vector<1x16xi32>,
        %swap3A_608 = vector.shape_cast %swap3A_607 : vector<1x16xi32> to vector<16xi32>
        %swap3A_609 = vector.shape_cast %shift_right_logical3A_603 : vector<16xi32> to vector<1x16xi32>
        tpu.vector_store %arg7[%swap3A_605, %swap3A_606], %swap3A_609 {strides = array<i32>} : memref<2x128xi32, #tpu.memory_space<vmem>>, vector<1x16xi32>,
        %get3A_610 = arith.index_cast %add3A_450 : i32 to index
        %get3A_611 = arith.constant 96 : index
        %get3A_612 = tpu.vector_load %arg5[%get3A_610, %get3A_611] {strides = array<i32>} : memref<80x128xi32, #tpu.memory_space<vmem>>, vector<1x16xi32>,
        %get3A_613 = vector.shape_cast %get3A_612 : vector<1x16xi32> to vector<16xi32>
        %and3A_614 = arith.constant 16383 : i32
        %and3A_615 = vector.broadcast %and3A_614 : i32 to vector<16xi32>
        %and3A_616 = arith.andi %get3A_613, %and3A_615 : vector<16xi32>
        %swap3A_617 = arith.constant 0 : i32
        %swap3A_618 = arith.index_cast %swap3A_617 : i32 to index
        %swap3A_619 = arith.constant 96 : index
        %swap3A_620 = tpu.vector_load %arg6[%swap3A_618, %swap3A_619] {strides = array<i32>} : memref<2x128xi32, #tpu.memory_space<vmem>>, vector<1x16xi32>,
        %swap3A_621 = vector.shape_cast %swap3A_620 : vector<1x16xi32> to vector<16xi32>
        %swap3A_622 = vector.shape_cast %and3A_616 : vector<16xi32> to vector<1x16xi32>
        tpu.vector_store %arg6[%swap3A_618, %swap3A_619], %swap3A_622 {strides = array<i32>} : memref<2x128xi32, #tpu.memory_space<vmem>>, vector<1x16xi32>,
        %shift_right_logical3A_623 = arith.constant 14 : i32
        %shift_right_logical3A_624 = vector.broadcast %shift_right_logical3A_623 : i32 to vector<16xi32>
        %shift_right_logical3A_625 = arith.shrui %get3A_613, %shift_right_logical3A_624 : vector<16xi32>
        %swap3A_626 = arith.constant 0 : i32
        %swap3A_627 = arith.index_cast %swap3A_626 : i32 to index
        %swap3A_628 = arith.constant 96 : index
        %swap3A_629 = tpu.vector_load %arg7[%swap3A_627, %swap3A_628] {strides = array<i32>} : memref<2x128xi32, #tpu.memory_space<vmem>>, vector<1x16xi32>,
        %swap3A_630 = vector.shape_cast %swap3A_629 : vector<1x16xi32> to vector<16xi32>
        %swap3A_631 = vector.shape_cast %shift_right_logical3A_625 : vector<16xi32> to vector<1x16xi32>
        tpu.vector_store %arg7[%swap3A_627, %swap3A_628], %swap3A_631 {strides = array<i32>} : memref<2x128xi32, #tpu.memory_space<vmem>>, vector<1x16xi32>,
        %get3A_632 = arith.index_cast %add3A_450 : i32 to index
        %get3A_633 = arith.constant 112 : index
        %get3A_634 = tpu.vector_load %arg5[%get3A_632, %get3A_633] {strides = array<i32>} : memref<80x128xi32, #tpu.memory_space<vmem>>, vector<1x16xi32>,
        %get3A_635 = vector.shape_cast %get3A_634 : vector<1x16xi32> to vector<16xi32>
        %and3A_636 = arith.constant 16383 : i32
        %and3A_637 = vector.broadcast %and3A_636 : i32 to vector<16xi32>
        %and3A_638 = arith.andi %get3A_635, %and3A_637 : vector<16xi32>
        %swap3A_639 = arith.constant 0 : i32
        %swap3A_640 = arith.index_cast %swap3A_639 : i32 to index
        %swap3A_641 = arith.constant 112 : index
        %swap3A_642 = tpu.vector_load %arg6[%swap3A_640, %swap3A_641] {strides = array<i32>} : memref<2x128xi32, #tpu.memory_space<vmem>>, vector<1x16xi32>,
        %swap3A_643 = vector.shape_cast %swap3A_642 : vector<1x16xi32> to vector<16xi32>
        %swap3A_644 = vector.shape_cast %and3A_638 : vector<16xi32> to vector<1x16xi32>
        tpu.vector_store %arg6[%swap3A_640, %swap3A_641], %swap3A_644 {strides = array<i32>} : memref<2x128xi32, #tpu.memory_space<vmem>>, vector<1x16xi32>,
        %shift_right_logical3A_645 = arith.constant 14 : i32
        %shift_right_logical3A_646 = vector.broadcast %shift_right_logical3A_645 : i32 to vector<16xi32>
        %shift_right_logical3A_647 = arith.shrui %get3A_635, %shift_right_logical3A_646 : vector<16xi32>
        %swap3A_648 = arith.constant 0 : i32
        %swap3A_649 = arith.index_cast %swap3A_648 : i32 to index
        %swap3A_650 = arith.constant 112 : index
        %swap3A_651 = tpu.vector_load %arg7[%swap3A_649, %swap3A_650] {strides = array<i32>} : memref<2x128xi32, #tpu.memory_space<vmem>>, vector<1x16xi32>,
        %swap3A_652 = vector.shape_cast %swap3A_651 : vector<1x16xi32> to vector<16xi32>
        %swap3A_653 = vector.shape_cast %shift_right_logical3A_647 : vector<16xi32> to vector<1x16xi32>
        tpu.vector_store %arg7[%swap3A_649, %swap3A_650], %swap3A_653 {strides = array<i32>} : memref<2x128xi32, #tpu.memory_space<vmem>>, vector<1x16xi32>,
        %dma_start3A_654 = arith.constant 0 : i32
        %dma_start3A_655 = arith.constant 0 : i32
        %dma_start3A_656 = arith.constant 0 : i32
        %dma_start3A_657 = arith.constant 0 : i32
        %dma_start3A_658 = tpu.memref_slice %arg8[%dma_start3A_655, %dma_start3A_656, %dma_start3A_657] : memref<2x128x128xf32, #tpu.memory_space<vmem>> -> memref<1x128x128xf32, #tpu.memory_space<vmem>>
        %dma_start3A_659 = tpu.memref_squeeze %dma_start3A_658 : memref<1x128x128xf32, #tpu.memory_space<vmem>> -> memref<128x128xf32, #tpu.memory_space<vmem>>
        %dma_start3A_660 = arith.constant 0 : i32
        %dma_start3A_661 = tpu.memref_slice %arg6[%dma_start3A_654, %dma_start3A_660] : memref<2x128xi32, #tpu.memory_space<vmem>> -> memref<1x128xi32, #tpu.memory_space<vmem>>
        %dma_start3A_662 = tpu.memref_squeeze %dma_start3A_661 : memref<1x128xi32, #tpu.memory_space<vmem>> -> memref<128xi32, #tpu.memory_space<vmem>>
        %dma_start3A_663 = arith.constant 0 : i32
        %dma_start3A_664 = arith.constant 0 : i32
        %dma_start3A_665 = tpu.memref_slice %arg2[%dma_start3A_663, %dma_start3A_664] : memref<10000x128xf32, #tpu.memory_space<hbm>> -> memref<10000x128xf32, #tpu.memory_space<hbm>>
        tpu.enqueue_indirect_dma source(%dma_start3A_665 : memref<10000x128xf32, #tpu.memory_space<hbm>>) target(%dma_start3A_659 : memref<128x128xf32, #tpu.memory_space<vmem>>) offsets(%dma_start3A_662 : memref<128xi32, #tpu.memory_space<vmem>>) semaphore(%arg10 : memref<!tpu.dma_semaphore, #tpu.memory_space<semaphore_mem>>)
      } else {
      }
      %mul3A_453 = arith.constant 2 : i32
      %mul3A_454 = arith.muli %scan3A_431, %mul3A_453 : i32
      %add3A_455 = arith.constant 1 : i32
      %add3A_456 = arith.addi %mul3A_454, %add3A_455 : i32
      %dma_wait3A_457 = arith.constant 1 : i32
      %dma_wait3A_458 = arith.constant 1 : i32
      %dma_wait3A_459 = arith.constant 0 : i32
      %dma_wait3A_460 = arith.constant 0 : i32
      %dma_wait3A_461 = tpu.memref_slice %arg8[%dma_wait3A_458, %dma_wait3A_459, %dma_wait3A_460] : memref<2x128x128xf32, #tpu.memory_space<vmem>> -> memref<1x128x128xf32, #tpu.memory_space<vmem>>
      %dma_wait3A_462 = tpu.memref_squeeze %dma_wait3A_461 : memref<1x128x128xf32, #tpu.memory_space<vmem>> -> memref<128x128xf32, #tpu.memory_space<vmem>>
      %dma_wait3A_463 = arith.constant 0 : i32
      %dma_wait3A_464 = tpu.memref_slice %arg6[%dma_wait3A_457, %dma_wait3A_463] : memref<2x128xi32, #tpu.memory_space<vmem>> -> memref<1x128xi32, #tpu.memory_space<vmem>>
      %dma_wait3A_465 = tpu.memref_squeeze %dma_wait3A_464 : memref<1x128xi32, #tpu.memory_space<vmem>> -> memref<128xi32, #tpu.memory_space<vmem>>
      %dma_wait3A_466 = arith.constant 0 : i32
      %dma_wait3A_467 = arith.constant 0 : i32
      %dma_wait3A_468 = tpu.memref_slice %arg2[%dma_wait3A_466, %dma_wait3A_467] : memref<10000x128xf32, #tpu.memory_space<hbm>> -> memref<10000x128xf32, #tpu.memory_space<hbm>>
      tpu.wait_indirect_dma semaphore(%arg11 : memref<!tpu.dma_semaphore, #tpu.memory_space<semaphore_mem>>) src(%dma_wait3A_468 : memref<10000x128xf32, #tpu.memory_space<hbm>>) dst(%dma_wait3A_462 : memref<128x128xf32, #tpu.memory_space<vmem>>)
      %run_scoped3A_469 = arith.constant 1 : i32
      %run_scoped3A_470 = arith.constant 1 : i32
      "tpu.region"() ({
        %run_scoped3A_478 = tpu.sem_alloc : memref<!tpu.dma_semaphore, #tpu.memory_space<semaphore_mem>>
        %dma_start3A_479 = arith.constant 0 : i32
        %dma_start3A_480 = arith.constant 0 : i32
        %dma_start3A_481 = tpu.memref_slice %arg8[%run_scoped3A_469, %dma_start3A_479, %dma_start3A_480] : memref<2x128x128xf32, #tpu.memory_space<vmem>> -> memref<1x128x128xf32, #tpu.memory_space<vmem>>
        %dma_start3A_482 = tpu.memref_squeeze %dma_start3A_481 : memref<1x128x128xf32, #tpu.memory_space<vmem>> -> memref<128x128xf32, #tpu.memory_space<vmem>>
        %dma_start3A_483 = arith.constant 0 : i32
        %dma_start3A_484 = tpu.memref_slice %arg7[%run_scoped3A_470, %dma_start3A_483] : memref<2x128xi32, #tpu.memory_space<vmem>> -> memref<1x128xi32, #tpu.memory_space<vmem>>
        %dma_start3A_485 = tpu.memref_squeeze %dma_start3A_484 : memref<1x128xi32, #tpu.memory_space<vmem>> -> memref<128xi32, #tpu.memory_space<vmem>>
        %dma_start3A_486 = arith.constant 0 : i32
        %dma_start3A_487 = arith.constant 0 : i32
        %dma_start3A_488 = tpu.memref_slice %arg9[%dma_start3A_486, %dma_start3A_487] : memref<10240x128xf32, #tpu.memory_space<vmem_shared>> -> memref<10240x128xf32, #tpu.memory_space<vmem_shared>>
        tpu.enqueue_indirect_dma source(%dma_start3A_482 : memref<128x128xf32, #tpu.memory_space<vmem>>) target(%dma_start3A_488 : memref<10240x128xf32, #tpu.memory_space<vmem_shared>>) offsets(%dma_start3A_485 : memref<128xi32, #tpu.memory_space<vmem>>) semaphore(%run_scoped3A_478 : memref<!tpu.dma_semaphore, #tpu.memory_space<semaphore_mem>>) {add = true}
        %dma_wait3A_489 = arith.constant 0 : i32
        %dma_wait3A_490 = arith.constant 0 : i32
        %dma_wait3A_491 = tpu.memref_slice %arg8[%run_scoped3A_469, %dma_wait3A_489, %dma_wait3A_490] : memref<2x128x128xf32, #tpu.memory_space<vmem>> -> memref<1x128x128xf32, #tpu.memory_space<vmem>>
        %dma_wait3A_492 = tpu.memref_squeeze %dma_wait3A_491 : memref<1x128x128xf32, #tpu.memory_space<vmem>> -> memref<128x128xf32, #tpu.memory_space<vmem>>
        %dma_wait3A_493 = arith.constant 0 : i32
        %dma_wait3A_494 = tpu.memref_slice %arg7[%run_scoped3A_470, %dma_wait3A_493] : memref<2x128xi32, #tpu.memory_space<vmem>> -> memref<1x128xi32, #tpu.memory_space<vmem>>
        %dma_wait3A_495 = tpu.memref_squeeze %dma_wait3A_494 : memref<1x128xi32, #tpu.memory_space<vmem>> -> memref<128xi32, #tpu.memory_space<vmem>>
        %dma_wait3A_496 = arith.constant 0 : i32
        %dma_wait3A_497 = arith.constant 0 : i32
        %dma_wait3A_498 = tpu.memref_slice %arg9[%dma_wait3A_496, %dma_wait3A_497] : memref<10240x128xf32, #tpu.memory_space<vmem_shared>> -> memref<10240x128xf32, #tpu.memory_space<vmem_shared>>
        tpu.wait_indirect_dma semaphore(%run_scoped3A_478 : memref<!tpu.dma_semaphore, #tpu.memory_space<semaphore_mem>>) src(%dma_wait3A_492 : memref<128x128xf32, #tpu.memory_space<vmem>>) dst(%dma_wait3A_498 : memref<10240x128xf32, #tpu.memory_space<vmem_shared>>)
        tpu.yield
      }) : () -> ()
      %add3A_471 = arith.constant 2 : i32
      %add3A_472 = arith.addi %add3A_456, %add3A_471 : i32
      %lt3A_473 = arith.constant 80 : i32
      %lt3A_474 = arith.cmpi slt, %add3A_472, %lt3A_473 : i32
      %convert_element_type3A_475 = arith.extui %lt3A_474 : i1 to i32
      %cond3A_476 = arith.constant 0 : i32
      %cond3A_477 = arith.cmpi ne, %convert_element_type3A_475, %cond3A_476 : i32
      scf.if %cond3A_477 {
        %get3A_478 = arith.index_cast %add3A_472 : i32 to index
        %get3A_479 = arith.constant 0 : index
        %get3A_480 = tpu.vector_load %arg5[%get3A_478, %get3A_479] {strides = array<i32>} : memref<80x128xi32, #tpu.memory_space<vmem>>, vector<1x16xi32>,
        %get3A_481 = vector.shape_cast %get3A_480 : vector<1x16xi32> to vector<16xi32>
        %and3A_482 = arith.constant 16383 : i32
        %and3A_483 = vector.broadcast %and3A_482 : i32 to vector<16xi32>
        %and3A_484 = arith.andi %get3A_481, %and3A_483 : vector<16xi32>
        %swap3A_485 = arith.constant 1 : i32
        %swap3A_486 = arith.index_cast %swap3A_485 : i32 to index
        %swap3A_487 = arith.constant 0 : index
        %swap3A_488 = tpu.vector_load %arg6[%swap3A_486, %swap3A_487] {strides = array<i32>} : memref<2x128xi32, #tpu.memory_space<vmem>>, vector<1x16xi32>,
        %swap3A_489 = vector.shape_cast %swap3A_488 : vector<1x16xi32> to vector<16xi32>
        %swap3A_490 = vector.shape_cast %and3A_484 : vector<16xi32> to vector<1x16xi32>
        tpu.vector_store %arg6[%swap3A_486, %swap3A_487], %swap3A_490 {strides = array<i32>} : memref<2x128xi32, #tpu.memory_space<vmem>>, vector<1x16xi32>,
        %shift_right_logical3A_491 = arith.constant 14 : i32
        %shift_right_logical3A_492 = vector.broadcast %shift_right_logical3A_491 : i32 to vector<16xi32>
        %shift_right_logical3A_493 = arith.shrui %get3A_481, %shift_right_logical3A_492 : vector<16xi32>
        %swap3A_494 = arith.constant 1 : i32
        %swap3A_495 = arith.index_cast %swap3A_494 : i32 to index
        %swap3A_496 = arith.constant 0 : index
        %swap3A_497 = tpu.vector_load %arg7[%swap3A_495, %swap3A_496] {strides = array<i32>} : memref<2x128xi32, #tpu.memory_space<vmem>>, vector<1x16xi32>,
        %swap3A_498 = vector.shape_cast %swap3A_497 : vector<1x16xi32> to vector<16xi32>
        %swap3A_499 = vector.shape_cast %shift_right_logical3A_493 : vector<16xi32> to vector<1x16xi32>
        tpu.vector_store %arg7[%swap3A_495, %swap3A_496], %swap3A_499 {strides = array<i32>} : memref<2x128xi32, #tpu.memory_space<vmem>>, vector<1x16xi32>,
        %get3A_500 = arith.index_cast %add3A_472 : i32 to index
        %get3A_501 = arith.constant 16 : index
        %get3A_502 = tpu.vector_load %arg5[%get3A_500, %get3A_501] {strides = array<i32>} : memref<80x128xi32, #tpu.memory_space<vmem>>, vector<1x16xi32>,
        %get3A_503 = vector.shape_cast %get3A_502 : vector<1x16xi32> to vector<16xi32>
        %and3A_504 = arith.constant 16383 : i32
        %and3A_505 = vector.broadcast %and3A_504 : i32 to vector<16xi32>
        %and3A_506 = arith.andi %get3A_503, %and3A_505 : vector<16xi32>
        %swap3A_507 = arith.constant 1 : i32
        %swap3A_508 = arith.index_cast %swap3A_507 : i32 to index
        %swap3A_509 = arith.constant 16 : index
        %swap3A_510 = tpu.vector_load %arg6[%swap3A_508, %swap3A_509] {strides = array<i32>} : memref<2x128xi32, #tpu.memory_space<vmem>>, vector<1x16xi32>,
        %swap3A_511 = vector.shape_cast %swap3A_510 : vector<1x16xi32> to vector<16xi32>
        %swap3A_512 = vector.shape_cast %and3A_506 : vector<16xi32> to vector<1x16xi32>
        tpu.vector_store %arg6[%swap3A_508, %swap3A_509], %swap3A_512 {strides = array<i32>} : memref<2x128xi32, #tpu.memory_space<vmem>>, vector<1x16xi32>,
        %shift_right_logical3A_513 = arith.constant 14 : i32
        %shift_right_logical3A_514 = vector.broadcast %shift_right_logical3A_513 : i32 to vector<16xi32>
        %shift_right_logical3A_515 = arith.shrui %get3A_503, %shift_right_logical3A_514 : vector<16xi32>
        %swap3A_516 = arith.constant 1 : i32
        %swap3A_517 = arith.index_cast %swap3A_516 : i32 to index
        %swap3A_518 = arith.constant 16 : index
        %swap3A_519 = tpu.vector_load %arg7[%swap3A_517, %swap3A_518] {strides = array<i32>} : memref<2x128xi32, #tpu.memory_space<vmem>>, vector<1x16xi32>,
        %swap3A_520 = vector.shape_cast %swap3A_519 : vector<1x16xi32> to vector<16xi32>
        %swap3A_521 = vector.shape_cast %shift_right_logical3A_515 : vector<16xi32> to vector<1x16xi32>
        tpu.vector_store %arg7[%swap3A_517, %swap3A_518], %swap3A_521 {strides = array<i32>} : memref<2x128xi32, #tpu.memory_space<vmem>>, vector<1x16xi32>,
        %get3A_522 = arith.index_cast %add3A_472 : i32 to index
        %get3A_523 = arith.constant 32 : index
        %get3A_524 = tpu.vector_load %arg5[%get3A_522, %get3A_523] {strides = array<i32>} : memref<80x128xi32, #tpu.memory_space<vmem>>, vector<1x16xi32>,
        %get3A_525 = vector.shape_cast %get3A_524 : vector<1x16xi32> to vector<16xi32>
        %and3A_526 = arith.constant 16383 : i32
        %and3A_527 = vector.broadcast %and3A_526 : i32 to vector<16xi32>
        %and3A_528 = arith.andi %get3A_525, %and3A_527 : vector<16xi32>
        %swap3A_529 = arith.constant 1 : i32
        %swap3A_530 = arith.index_cast %swap3A_529 : i32 to index
        %swap3A_531 = arith.constant 32 : index
        %swap3A_532 = tpu.vector_load %arg6[%swap3A_530, %swap3A_531] {strides = array<i32>} : memref<2x128xi32, #tpu.memory_space<vmem>>, vector<1x16xi32>,
        %swap3A_533 = vector.shape_cast %swap3A_532 : vector<1x16xi32> to vector<16xi32>
        %swap3A_534 = vector.shape_cast %and3A_528 : vector<16xi32> to vector<1x16xi32>
        tpu.vector_store %arg6[%swap3A_530, %swap3A_531], %swap3A_534 {strides = array<i32>} : memref<2x128xi32, #tpu.memory_space<vmem>>, vector<1x16xi32>,
        %shift_right_logical3A_535 = arith.constant 14 : i32
        %shift_right_logical3A_536 = vector.broadcast %shift_right_logical3A_535 : i32 to vector<16xi32>
        %shift_right_logical3A_537 = arith.shrui %get3A_525, %shift_right_logical3A_536 : vector<16xi32>
        %swap3A_538 = arith.constant 1 : i32
        %swap3A_539 = arith.index_cast %swap3A_538 : i32 to index
        %swap3A_540 = arith.constant 32 : index
        %swap3A_541 = tpu.vector_load %arg7[%swap3A_539, %swap3A_540] {strides = array<i32>} : memref<2x128xi32, #tpu.memory_space<vmem>>, vector<1x16xi32>,
        %swap3A_542 = vector.shape_cast %swap3A_541 : vector<1x16xi32> to vector<16xi32>
        %swap3A_543 = vector.shape_cast %shift_right_logical3A_537 : vector<16xi32> to vector<1x16xi32>
        tpu.vector_store %arg7[%swap3A_539, %swap3A_540], %swap3A_543 {strides = array<i32>} : memref<2x128xi32, #tpu.memory_space<vmem>>, vector<1x16xi32>,
        %get3A_544 = arith.index_cast %add3A_472 : i32 to index
        %get3A_545 = arith.constant 48 : index
        %get3A_546 = tpu.vector_load %arg5[%get3A_544, %get3A_545] {strides = array<i32>} : memref<80x128xi32, #tpu.memory_space<vmem>>, vector<1x16xi32>,
        %get3A_547 = vector.shape_cast %get3A_546 : vector<1x16xi32> to vector<16xi32>
        %and3A_548 = arith.constant 16383 : i32
        %and3A_549 = vector.broadcast %and3A_548 : i32 to vector<16xi32>
        %and3A_550 = arith.andi %get3A_547, %and3A_549 : vector<16xi32>
        %swap3A_551 = arith.constant 1 : i32
        %swap3A_552 = arith.index_cast %swap3A_551 : i32 to index
        %swap3A_553 = arith.constant 48 : index
        %swap3A_554 = tpu.vector_load %arg6[%swap3A_552, %swap3A_553] {strides = array<i32>} : memref<2x128xi32, #tpu.memory_space<vmem>>, vector<1x16xi32>,
        %swap3A_555 = vector.shape_cast %swap3A_554 : vector<1x16xi32> to vector<16xi32>
        %swap3A_556 = vector.shape_cast %and3A_550 : vector<16xi32> to vector<1x16xi32>
        tpu.vector_store %arg6[%swap3A_552, %swap3A_553], %swap3A_556 {strides = array<i32>} : memref<2x128xi32, #tpu.memory_space<vmem>>, vector<1x16xi32>,
        %shift_right_logical3A_557 = arith.constant 14 : i32
        %shift_right_logical3A_558 = vector.broadcast %shift_right_logical3A_557 : i32 to vector<16xi32>
        %shift_right_logical3A_559 = arith.shrui %get3A_547, %shift_right_logical3A_558 : vector<16xi32>
        %swap3A_560 = arith.constant 1 : i32
        %swap3A_561 = arith.index_cast %swap3A_560 : i32 to index
        %swap3A_562 = arith.constant 48 : index
        %swap3A_563 = tpu.vector_load %arg7[%swap3A_561, %swap3A_562] {strides = array<i32>} : memref<2x128xi32, #tpu.memory_space<vmem>>, vector<1x16xi32>,
        %swap3A_564 = vector.shape_cast %swap3A_563 : vector<1x16xi32> to vector<16xi32>
        %swap3A_565 = vector.shape_cast %shift_right_logical3A_559 : vector<16xi32> to vector<1x16xi32>
        tpu.vector_store %arg7[%swap3A_561, %swap3A_562], %swap3A_565 {strides = array<i32>} : memref<2x128xi32, #tpu.memory_space<vmem>>, vector<1x16xi32>,
        %get3A_566 = arith.index_cast %add3A_472 : i32 to index
        %get3A_567 = arith.constant 64 : index
        %get3A_568 = tpu.vector_load %arg5[%get3A_566, %get3A_567] {strides = array<i32>} : memref<80x128xi32, #tpu.memory_space<vmem>>, vector<1x16xi32>,
        %get3A_569 = vector.shape_cast %get3A_568 : vector<1x16xi32> to vector<16xi32>
        %and3A_570 = arith.constant 16383 : i32
        %and3A_571 = vector.broadcast %and3A_570 : i32 to vector<16xi32>
        %and3A_572 = arith.andi %get3A_569, %and3A_571 : vector<16xi32>
        %swap3A_573 = arith.constant 1 : i32
        %swap3A_574 = arith.index_cast %swap3A_573 : i32 to index
        %swap3A_575 = arith.constant 64 : index
        %swap3A_576 = tpu.vector_load %arg6[%swap3A_574, %swap3A_575] {strides = array<i32>} : memref<2x128xi32, #tpu.memory_space<vmem>>, vector<1x16xi32>,
        %swap3A_577 = vector.shape_cast %swap3A_576 : vector<1x16xi32> to vector<16xi32>
        %swap3A_578 = vector.shape_cast %and3A_572 : vector<16xi32> to vector<1x16xi32>
        tpu.vector_store %arg6[%swap3A_574, %swap3A_575], %swap3A_578 {strides = array<i32>} : memref<2x128xi32, #tpu.memory_space<vmem>>, vector<1x16xi32>,
        %shift_right_logical3A_579 = arith.constant 14 : i32
        %shift_right_logical3A_580 = vector.broadcast %shift_right_logical3A_579 : i32 to vector<16xi32>
        %shift_right_logical3A_581 = arith.shrui %get3A_569, %shift_right_logical3A_580 : vector<16xi32>
        %swap3A_582 = arith.constant 1 : i32
        %swap3A_583 = arith.index_cast %swap3A_582 : i32 to index
        %swap3A_584 = arith.constant 64 : index
        %swap3A_585 = tpu.vector_load %arg7[%swap3A_583, %swap3A_584] {strides = array<i32>} : memref<2x128xi32, #tpu.memory_space<vmem>>, vector<1x16xi32>,
        %swap3A_586 = vector.shape_cast %swap3A_585 : vector<1x16xi32> to vector<16xi32>
        %swap3A_587 = vector.shape_cast %shift_right_logical3A_581 : vector<16xi32> to vector<1x16xi32>
        tpu.vector_store %arg7[%swap3A_583, %swap3A_584], %swap3A_587 {strides = array<i32>} : memref<2x128xi32, #tpu.memory_space<vmem>>, vector<1x16xi32>,
        %get3A_588 = arith.index_cast %add3A_472 : i32 to index
        %get3A_589 = arith.constant 80 : index
        %get3A_590 = tpu.vector_load %arg5[%get3A_588, %get3A_589] {strides = array<i32>} : memref<80x128xi32, #tpu.memory_space<vmem>>, vector<1x16xi32>,
        %get3A_591 = vector.shape_cast %get3A_590 : vector<1x16xi32> to vector<16xi32>
        %and3A_592 = arith.constant 16383 : i32
        %and3A_593 = vector.broadcast %and3A_592 : i32 to vector<16xi32>
        %and3A_594 = arith.andi %get3A_591, %and3A_593 : vector<16xi32>
        %swap3A_595 = arith.constant 1 : i32
        %swap3A_596 = arith.index_cast %swap3A_595 : i32 to index
        %swap3A_597 = arith.constant 80 : index
        %swap3A_598 = tpu.vector_load %arg6[%swap3A_596, %swap3A_597] {strides = array<i32>} : memref<2x128xi32, #tpu.memory_space<vmem>>, vector<1x16xi32>,
        %swap3A_599 = vector.shape_cast %swap3A_598 : vector<1x16xi32> to vector<16xi32>
        %swap3A_600 = vector.shape_cast %and3A_594 : vector<16xi32> to vector<1x16xi32>
        tpu.vector_store %arg6[%swap3A_596, %swap3A_597], %swap3A_600 {strides = array<i32>} : memref<2x128xi32, #tpu.memory_space<vmem>>, vector<1x16xi32>,
        %shift_right_logical3A_601 = arith.constant 14 : i32
        %shift_right_logical3A_602 = vector.broadcast %shift_right_logical3A_601 : i32 to vector<16xi32>
        %shift_right_logical3A_603 = arith.shrui %get3A_591, %shift_right_logical3A_602 : vector<16xi32>
        %swap3A_604 = arith.constant 1 : i32
        %swap3A_605 = arith.index_cast %swap3A_604 : i32 to index
        %swap3A_606 = arith.constant 80 : index
        %swap3A_607 = tpu.vector_load %arg7[%swap3A_605, %swap3A_606] {strides = array<i32>} : memref<2x128xi32, #tpu.memory_space<vmem>>, vector<1x16xi32>,
        %swap3A_608 = vector.shape_cast %swap3A_607 : vector<1x16xi32> to vector<16xi32>
        %swap3A_609 = vector.shape_cast %shift_right_logical3A_603 : vector<16xi32> to vector<1x16xi32>
        tpu.vector_store %arg7[%swap3A_605, %swap3A_606], %swap3A_609 {strides = array<i32>} : memref<2x128xi32, #tpu.memory_space<vmem>>, vector<1x16xi32>,
        %get3A_610 = arith.index_cast %add3A_472 : i32 to index
        %get3A_611 = arith.constant 96 : index
        %get3A_612 = tpu.vector_load %arg5[%get3A_610, %get3A_611] {strides = array<i32>} : memref<80x128xi32, #tpu.memory_space<vmem>>, vector<1x16xi32>,
        %get3A_613 = vector.shape_cast %get3A_612 : vector<1x16xi32> to vector<16xi32>
        %and3A_614 = arith.constant 16383 : i32
        %and3A_615 = vector.broadcast %and3A_614 : i32 to vector<16xi32>
        %and3A_616 = arith.andi %get3A_613, %and3A_615 : vector<16xi32>
        %swap3A_617 = arith.constant 1 : i32
        %swap3A_618 = arith.index_cast %swap3A_617 : i32 to index
        %swap3A_619 = arith.constant 96 : index
        %swap3A_620 = tpu.vector_load %arg6[%swap3A_618, %swap3A_619] {strides = array<i32>} : memref<2x128xi32, #tpu.memory_space<vmem>>, vector<1x16xi32>,
        %swap3A_621 = vector.shape_cast %swap3A_620 : vector<1x16xi32> to vector<16xi32>
        %swap3A_622 = vector.shape_cast %and3A_616 : vector<16xi32> to vector<1x16xi32>
        tpu.vector_store %arg6[%swap3A_618, %swap3A_619], %swap3A_622 {strides = array<i32>} : memref<2x128xi32, #tpu.memory_space<vmem>>, vector<1x16xi32>,
        %shift_right_logical3A_623 = arith.constant 14 : i32
        %shift_right_logical3A_624 = vector.broadcast %shift_right_logical3A_623 : i32 to vector<16xi32>
        %shift_right_logical3A_625 = arith.shrui %get3A_613, %shift_right_logical3A_624 : vector<16xi32>
        %swap3A_626 = arith.constant 1 : i32
        %swap3A_627 = arith.index_cast %swap3A_626 : i32 to index
        %swap3A_628 = arith.constant 96 : index
        %swap3A_629 = tpu.vector_load %arg7[%swap3A_627, %swap3A_628] {strides = array<i32>} : memref<2x128xi32, #tpu.memory_space<vmem>>, vector<1x16xi32>,
        %swap3A_630 = vector.shape_cast %swap3A_629 : vector<1x16xi32> to vector<16xi32>
        %swap3A_631 = vector.shape_cast %shift_right_logical3A_625 : vector<16xi32> to vector<1x16xi32>
        tpu.vector_store %arg7[%swap3A_627, %swap3A_628], %swap3A_631 {strides = array<i32>} : memref<2x128xi32, #tpu.memory_space<vmem>>, vector<1x16xi32>,
        %get3A_632 = arith.index_cast %add3A_472 : i32 to index
        %get3A_633 = arith.constant 112 : index
        %get3A_634 = tpu.vector_load %arg5[%get3A_632, %get3A_633] {strides = array<i32>} : memref<80x128xi32, #tpu.memory_space<vmem>>, vector<1x16xi32>,
        %get3A_635 = vector.shape_cast %get3A_634 : vector<1x16xi32> to vector<16xi32>
        %and3A_636 = arith.constant 16383 : i32
        %and3A_637 = vector.broadcast %and3A_636 : i32 to vector<16xi32>
        %and3A_638 = arith.andi %get3A_635, %and3A_637 : vector<16xi32>
        %swap3A_639 = arith.constant 1 : i32
        %swap3A_640 = arith.index_cast %swap3A_639 : i32 to index
        %swap3A_641 = arith.constant 112 : index
        %swap3A_642 = tpu.vector_load %arg6[%swap3A_640, %swap3A_641] {strides = array<i32>} : memref<2x128xi32, #tpu.memory_space<vmem>>, vector<1x16xi32>,
        %swap3A_643 = vector.shape_cast %swap3A_642 : vector<1x16xi32> to vector<16xi32>
        %swap3A_644 = vector.shape_cast %and3A_638 : vector<16xi32> to vector<1x16xi32>
        tpu.vector_store %arg6[%swap3A_640, %swap3A_641], %swap3A_644 {strides = array<i32>} : memref<2x128xi32, #tpu.memory_space<vmem>>, vector<1x16xi32>,
        %shift_right_logical3A_645 = arith.constant 14 : i32
        %shift_right_logical3A_646 = vector.broadcast %shift_right_logical3A_645 : i32 to vector<16xi32>
        %shift_right_logical3A_647 = arith.shrui %get3A_635, %shift_right_logical3A_646 : vector<16xi32>
        %swap3A_648 = arith.constant 1 : i32
        %swap3A_649 = arith.index_cast %swap3A_648 : i32 to index
        %swap3A_650 = arith.constant 112 : index
        %swap3A_651 = tpu.vector_load %arg7[%swap3A_649, %swap3A_650] {strides = array<i32>} : memref<2x128xi32, #tpu.memory_space<vmem>>, vector<1x16xi32>,
        %swap3A_652 = vector.shape_cast %swap3A_651 : vector<1x16xi32> to vector<16xi32>
        %swap3A_653 = vector.shape_cast %shift_right_logical3A_647 : vector<16xi32> to vector<1x16xi32>
        tpu.vector_store %arg7[%swap3A_649, %swap3A_650], %swap3A_653 {strides = array<i32>} : memref<2x128xi32, #tpu.memory_space<vmem>>, vector<1x16xi32>,
        %dma_start3A_654 = arith.constant 1 : i32
        %dma_start3A_655 = arith.constant 1 : i32
        %dma_start3A_656 = arith.constant 0 : i32
        %dma_start3A_657 = arith.constant 0 : i32
        %dma_start3A_658 = tpu.memref_slice %arg8[%dma_start3A_655, %dma_start3A_656, %dma_start3A_657] : memref<2x128x128xf32, #tpu.memory_space<vmem>> -> memref<1x128x128xf32, #tpu.memory_space<vmem>>
        %dma_start3A_659 = tpu.memref_squeeze %dma_start3A_658 : memref<1x128x128xf32, #tpu.memory_space<vmem>> -> memref<128x128xf32, #tpu.memory_space<vmem>>
        %dma_start3A_660 = arith.constant 0 : i32
        %dma_start3A_661 = tpu.memref_slice %arg6[%dma_start3A_654, %dma_start3A_660] : memref<2x128xi32, #tpu.memory_space<vmem>> -> memref<1x128xi32, #tpu.memory_space<vmem>>
        %dma_start3A_662 = tpu.memref_squeeze %dma_start3A_661 : memref<1x128xi32, #tpu.memory_space<vmem>> -> memref<128xi32, #tpu.memory_space<vmem>>
        %dma_start3A_663 = arith.constant 0 : i32
        %dma_start3A_664 = arith.constant 0 : i32
        %dma_start3A_665 = tpu.memref_slice %arg2[%dma_start3A_663, %dma_start3A_664] : memref<10000x128xf32, #tpu.memory_space<hbm>> -> memref<10000x128xf32, #tpu.memory_space<hbm>>
        tpu.enqueue_indirect_dma source(%dma_start3A_665 : memref<10000x128xf32, #tpu.memory_space<hbm>>) target(%dma_start3A_659 : memref<128x128xf32, #tpu.memory_space<vmem>>) offsets(%dma_start3A_662 : memref<128xi32, #tpu.memory_space<vmem>>) semaphore(%arg11 : memref<!tpu.dma_semaphore, #tpu.memory_space<semaphore_mem>>)
      } else {
      }
    }
    %scan3A_425 = arith.constant 40 : i32
    %barrier3A_426 = arith.constant 0 : index
    tpu.barrier barrier_id(%barrier3A_426)
    %mul3A_427 = arith.constant 640 : i32
    %mul3A_428 = arith.muli %arg1, %mul3A_427 : i32
    %mul3A_429 = arith.constant 640 : i32
    %mul3A_430 = arith.muli %arg1, %mul3A_429 : i32
    "tpu.region"() ({
      %run_scoped3A_431 = tpu.sem_alloc : memref<!tpu.dma_semaphore, #tpu.memory_space<semaphore_mem>>
      %dma_start3A_432 = arith.constant 0 : i32
      %dma_start3A_433 = tpu.memref_slice %arg4[%arg0, %mul3A_430, %dma_start3A_432] : memref<2x10240x128xf32, #tpu.memory_space<hbm>> -> memref<1x640x128xf32, #tpu.memory_space<hbm>>
      %dma_start3A_434 = tpu.memref_squeeze %dma_start3A_433 : memref<1x640x128xf32, #tpu.memory_space<hbm>> -> memref<640x128xf32, #tpu.memory_space<hbm>>
      %dma_start3A_435 = arith.constant 0 : i32
      %dma_start3A_436 = tpu.memref_slice %arg9[%mul3A_428, %dma_start3A_435] : memref<10240x128xf32, #tpu.memory_space<vmem_shared>> -> memref<640x128xf32, #tpu.memory_space<vmem_shared>>
      tpu.enqueue_dma source(%dma_start3A_436 : memref<640x128xf32, #tpu.memory_space<vmem_shared>>) target(%dma_start3A_434 : memref<640x128xf32, #tpu.memory_space<hbm>>) target_semaphore(%run_scoped3A_431 : memref<!tpu.dma_semaphore, #tpu.memory_space<semaphore_mem>>)
      %dma_wait3A = arith.constant 0 : i32
      %dma_wait3A_437 = tpu.memref_slice %arg4[%arg0, %mul3A_430, %dma_wait3A] : memref<2x10240x128xf32, #tpu.memory_space<hbm>> -> memref<1x640x128xf32, #tpu.memory_space<hbm>>
      %dma_wait3A_438 = tpu.memref_squeeze %dma_wait3A_437 : memref<1x640x128xf32, #tpu.memory_space<hbm>> -> memref<640x128xf32, #tpu.memory_space<hbm>>
      %dma_wait3A_439 = arith.constant 0 : i32
      %dma_wait3A_440 = tpu.memref_slice %arg9[%mul3A_428, %dma_wait3A_439] : memref<10240x128xf32, #tpu.memory_space<vmem_shared>> -> memref<640x128xf32, #tpu.memory_space<vmem_shared>>
      tpu.wait_dma2 semaphore(%run_scoped3A_431 : memref<!tpu.dma_semaphore, #tpu.memory_space<semaphore_mem>>) src(%dma_wait3A_440 : memref<640x128xf32, #tpu.memory_space<vmem_shared>>) dst(%dma_wait3A_438 : memref<640x128xf32, #tpu.memory_space<hbm>>)
      tpu.yield
    }) : () -> ()
    return
  }
}

#map = affine_map<(d0, d1) -> (0, 0)>
#map1 = affine_map<(d0, d1) -> (0, 0, 0)>
module attributes {stable_mosaic.version = 14 : i64} {
  func.func @_msg_body(%arg0: i32, %arg1: i32, %arg2: memref<10000x128xf32, #tpu.memory_space<hbm>>, %arg3: memref<2560x128xi32, #tpu.memory_space<hbm>>, %arg4: memref<2x10240x128xf32, #tpu.memory_space<hbm>>, %arg5: memref<80x128xi32, #tpu.memory_space<vmem>>, %arg6: memref<2x128xi32, #tpu.memory_space<vmem>>, %arg7: memref<2x128xi32, #tpu.memory_space<vmem>>, %arg8: memref<2x128x128xf32, #tpu.memory_space<vmem>>, %arg9: memref<10240x128xf32, #tpu.memory_space<vmem_shared>>, %arg10: memref<!tpu.dma_semaphore, #tpu.memory_space<semaphore_mem>>, %arg11: memref<!tpu.dma_semaphore, #tpu.memory_space<semaphore_mem>>) attributes {dimension_semantics = [#tpu.dimension_semantics<core_parallel>, #tpu.dimension_semantics<subcore_parallel>], iteration_bounds = array<i64: 2, 16>, scalar_prefetch = 0 : i64, scratch_operands = 7 : i64, tpu.core_type = #tpu.core_type<sc_vector_subcore>, window_params = [{transform_indices = #map}, {transform_indices = #map}, {transform_indices = #map1}]} {
    %mul3A = arith.constant 16 : i32
    %mul3A_0 = arith.muli %arg0, %mul3A : i32
    %add3A = arith.addi %mul3A_0, %arg1 : i32
    %mul3A_1 = arith.constant 80 : i32
    %mul3A_2 = arith.muli %add3A, %mul3A_1 : i32
    "tpu.region"() ({
      %run_scoped3A_431 = tpu.sem_alloc : memref<!tpu.dma_semaphore, #tpu.memory_space<semaphore_mem>>
      %dma_start3A_432 = arith.constant 0 : i32
      %dma_start3A_433 = tpu.memref_slice %arg3[%mul3A_2, %dma_start3A_432] : memref<2560x128xi32, #tpu.memory_space<hbm>> -> memref<80x128xi32, #tpu.memory_space<hbm>>
      %dma_start3A_434 = arith.constant 0 : i32
      %dma_start3A_435 = tpu.memref_slice %arg3[%mul3A_2, %dma_start3A_434] : memref<2560x128xi32, #tpu.memory_space<hbm>> -> memref<80x128xi32, #tpu.memory_space<hbm>>
      tpu.enqueue_dma source(%dma_start3A_435 : memref<80x128xi32, #tpu.memory_space<hbm>>) target(%arg5 : memref<80x128xi32, #tpu.memory_space<vmem>>) target_semaphore(%run_scoped3A_431 : memref<!tpu.dma_semaphore, #tpu.memory_space<semaphore_mem>>)
      %dma_wait3A = arith.constant 0 : i32
      %dma_wait3A_436 = tpu.memref_slice %arg3[%mul3A_2, %dma_wait3A] : memref<2560x128xi32, #tpu.memory_space<hbm>> -> memref<80x128xi32, #tpu.memory_space<hbm>>
      %dma_wait3A_437 = arith.constant 0 : i32
      %dma_wait3A_438 = tpu.memref_slice %arg3[%mul3A_2, %dma_wait3A_437] : memref<2560x128xi32, #tpu.memory_space<hbm>> -> memref<80x128xi32, #tpu.memory_space<hbm>>
      tpu.wait_dma2 semaphore(%run_scoped3A_431 : memref<!tpu.dma_semaphore, #tpu.memory_space<semaphore_mem>>) src(%dma_wait3A_438 : memref<80x128xi32, #tpu.memory_space<hbm>>) dst(%arg5 : memref<80x128xi32, #tpu.memory_space<vmem>>)
      tpu.yield
    }) : () -> ()
    %broadcast_in_dim3A = arith.constant 0.000000e+00 : f32
    %broadcast_in_dim3A_3 = vector.broadcast %broadcast_in_dim3A : f32 to vector<16xf32>
    %scan3A = arith.constant 0 : i32
    %scan3A_4 = arith.constant 0 : i32
    %scan3A_5 = arith.constant 128 : i32
    %scan3A_6 = arith.addi %scan3A_4, %scan3A_5 : i32
    %scan3A_7 = arith.constant 1 : i32
    scf.for %scan3A_431 = %scan3A_4 to %scan3A_6 step %scan3A_7  : i32 {
      %swap3A_432 = arith.constant 0 : i32
      %swap3A_433 = arith.index_cast %swap3A_432 : i32 to index
      %swap3A_434 = arith.index_cast %scan3A_431 : i32 to index
      %swap3A_435 = arith.constant 0 : index
      %swap3A_436 = tpu.vector_load %arg8[%swap3A_433, %swap3A_434, %swap3A_435] {strides = array<i32>} : memref<2x128x128xf32, #tpu.memory_space<vmem>>, vector<1x1x16xf32>,
      %swap3A_437 = vector.shape_cast %swap3A_436 : vector<1x1x16xf32> to vector<16xf32>
      %swap3A_438 = vector.shape_cast %broadcast_in_dim3A_3 : vector<16xf32> to vector<1x1x16xf32>
      tpu.vector_store %arg8[%swap3A_433, %swap3A_434, %swap3A_435], %swap3A_438 {strides = array<i32>} : memref<2x128x128xf32, #tpu.memory_space<vmem>>, vector<1x1x16xf32>,
      %swap3A_439 = arith.constant 0 : i32
      %swap3A_440 = arith.index_cast %swap3A_439 : i32 to index
      %swap3A_441 = arith.index_cast %scan3A_431 : i32 to index
      %swap3A_442 = arith.constant 16 : index
      %swap3A_443 = tpu.vector_load %arg8[%swap3A_440, %swap3A_441, %swap3A_442] {strides = array<i32>} : memref<2x128x128xf32, #tpu.memory_space<vmem>>, vector<1x1x16xf32>,
      %swap3A_444 = vector.shape_cast %swap3A_443 : vector<1x1x16xf32> to vector<16xf32>
      %swap3A_445 = vector.shape_cast %broadcast_in_dim3A_3 : vector<16xf32> to vector<1x1x16xf32>
      tpu.vector_store %arg8[%swap3A_440, %swap3A_441, %swap3A_442], %swap3A_445 {strides = array<i32>} : memref<2x128x128xf32, #tpu.memory_space<vmem>>, vector<1x1x16xf32>,
      %swap3A_446 = arith.constant 0 : i32
      %swap3A_447 = arith.index_cast %swap3A_446 : i32 to index
      %swap3A_448 = arith.index_cast %scan3A_431 : i32 to index
      %swap3A_449 = arith.constant 32 : index
      %swap3A_450 = tpu.vector_load %arg8[%swap3A_447, %swap3A_448, %swap3A_449] {strides = array<i32>} : memref<2x128x128xf32, #tpu.memory_space<vmem>>, vector<1x1x16xf32>,
      %swap3A_451 = vector.shape_cast %swap3A_450 : vector<1x1x16xf32> to vector<16xf32>
      %swap3A_452 = vector.shape_cast %broadcast_in_dim3A_3 : vector<16xf32> to vector<1x1x16xf32>
      tpu.vector_store %arg8[%swap3A_447, %swap3A_448, %swap3A_449], %swap3A_452 {strides = array<i32>} : memref<2x128x128xf32, #tpu.memory_space<vmem>>, vector<1x1x16xf32>,
      %swap3A_453 = arith.constant 0 : i32
      %swap3A_454 = arith.index_cast %swap3A_453 : i32 to index
      %swap3A_455 = arith.index_cast %scan3A_431 : i32 to index
      %swap3A_456 = arith.constant 48 : index
      %swap3A_457 = tpu.vector_load %arg8[%swap3A_454, %swap3A_455, %swap3A_456] {strides = array<i32>} : memref<2x128x128xf32, #tpu.memory_space<vmem>>, vector<1x1x16xf32>,
      %swap3A_458 = vector.shape_cast %swap3A_457 : vector<1x1x16xf32> to vector<16xf32>
      %swap3A_459 = vector.shape_cast %broadcast_in_dim3A_3 : vector<16xf32> to vector<1x1x16xf32>
      tpu.vector_store %arg8[%swap3A_454, %swap3A_455, %swap3A_456], %swap3A_459 {strides = array<i32>} : memref<2x128x128xf32, #tpu.memory_space<vmem>>, vector<1x1x16xf32>,
      %swap3A_460 = arith.constant 0 : i32
      %swap3A_461 = arith.index_cast %swap3A_460 : i32 to index
      %swap3A_462 = arith.index_cast %scan3A_431 : i32 to index
      %swap3A_463 = arith.constant 64 : index
      %swap3A_464 = tpu.vector_load %arg8[%swap3A_461, %swap3A_462, %swap3A_463] {strides = array<i32>} : memref<2x128x128xf32, #tpu.memory_space<vmem>>, vector<1x1x16xf32>,
      %swap3A_465 = vector.shape_cast %swap3A_464 : vector<1x1x16xf32> to vector<16xf32>
      %swap3A_466 = vector.shape_cast %broadcast_in_dim3A_3 : vector<16xf32> to vector<1x1x16xf32>
      tpu.vector_store %arg8[%swap3A_461, %swap3A_462, %swap3A_463], %swap3A_466 {strides = array<i32>} : memref<2x128x128xf32, #tpu.memory_space<vmem>>, vector<1x1x16xf32>,
      %swap3A_467 = arith.constant 0 : i32
      %swap3A_468 = arith.index_cast %swap3A_467 : i32 to index
      %swap3A_469 = arith.index_cast %scan3A_431 : i32 to index
      %swap3A_470 = arith.constant 80 : index
      %swap3A_471 = tpu.vector_load %arg8[%swap3A_468, %swap3A_469, %swap3A_470] {strides = array<i32>} : memref<2x128x128xf32, #tpu.memory_space<vmem>>, vector<1x1x16xf32>,
      %swap3A_472 = vector.shape_cast %swap3A_471 : vector<1x1x16xf32> to vector<16xf32>
      %swap3A_473 = vector.shape_cast %broadcast_in_dim3A_3 : vector<16xf32> to vector<1x1x16xf32>
      tpu.vector_store %arg8[%swap3A_468, %swap3A_469, %swap3A_470], %swap3A_473 {strides = array<i32>} : memref<2x128x128xf32, #tpu.memory_space<vmem>>, vector<1x1x16xf32>,
      %swap3A_474 = arith.constant 0 : i32
      %swap3A_475 = arith.index_cast %swap3A_474 : i32 to index
      %swap3A_476 = arith.index_cast %scan3A_431 : i32 to index
      %swap3A_477 = arith.constant 96 : index
      %swap3A_478 = tpu.vector_load %arg8[%swap3A_475, %swap3A_476, %swap3A_477] {strides = array<i32>} : memref<2x128x128xf32, #tpu.memory_space<vmem>>, vector<1x1x16xf32>,
      %swap3A_479 = vector.shape_cast %swap3A_478 : vector<1x1x16xf32> to vector<16xf32>
      %swap3A_480 = vector.shape_cast %broadcast_in_dim3A_3 : vector<16xf32> to vector<1x1x16xf32>
      tpu.vector_store %arg8[%swap3A_475, %swap3A_476, %swap3A_477], %swap3A_480 {strides = array<i32>} : memref<2x128x128xf32, #tpu.memory_space<vmem>>, vector<1x1x16xf32>,
      %swap3A_481 = arith.constant 0 : i32
      %swap3A_482 = arith.index_cast %swap3A_481 : i32 to index
      %swap3A_483 = arith.index_cast %scan3A_431 : i32 to index
      %swap3A_484 = arith.constant 112 : index
      %swap3A_485 = tpu.vector_load %arg8[%swap3A_482, %swap3A_483, %swap3A_484] {strides = array<i32>} : memref<2x128x128xf32, #tpu.memory_space<vmem>>, vector<1x1x16xf32>,
      %swap3A_486 = vector.shape_cast %swap3A_485 : vector<1x1x16xf32> to vector<16xf32>
      %swap3A_487 = vector.shape_cast %broadcast_in_dim3A_3 : vector<16xf32> to vector<1x1x16xf32>
      tpu.vector_store %arg8[%swap3A_482, %swap3A_483, %swap3A_484], %swap3A_487 {strides = array<i32>} : memref<2x128x128xf32, #tpu.memory_space<vmem>>, vector<1x1x16xf32>,
    }
    %scan3A_8 = arith.constant 128 : i32
    %mul3A_9 = arith.constant 640 : i32
    %mul3A_10 = arith.muli %arg1, %mul3A_9 : i32
    %add3A_11 = arith.constant 0 : i32
    %add3A_12 = arith.addi %mul3A_10, %add3A_11 : i32
    %run_scoped3A = arith.constant 0 : i32
    "tpu.region"() ({
      %run_scoped3A_431 = tpu.sem_alloc : memref<!tpu.dma_semaphore, #tpu.memory_space<semaphore_mem>>
      %dma_start3A_432 = arith.constant 0 : i32
      %dma_start3A_433 = arith.constant 0 : i32
      %dma_start3A_434 = tpu.memref_slice %arg8[%run_scoped3A, %dma_start3A_432, %dma_start3A_433] : memref<2x128x128xf32, #tpu.memory_space<vmem>> -> memref<1x128x128xf32, #tpu.memory_space<vmem>>
      %dma_start3A_435 = tpu.memref_squeeze %dma_start3A_434 : memref<1x128x128xf32, #tpu.memory_space<vmem>> -> memref<128x128xf32, #tpu.memory_space<vmem>>
      %dma_start3A_436 = arith.constant 0 : i32
      %dma_start3A_437 = tpu.memref_slice %arg9[%add3A_12, %dma_start3A_436] : memref<10240x128xf32, #tpu.memory_space<vmem_shared>> -> memref<128x128xf32, #tpu.memory_space<vmem_shared>>
      %dma_start3A_438 = arith.constant 0 : i32
      %dma_start3A_439 = tpu.memref_slice %arg9[%add3A_12, %dma_start3A_438] : memref<10240x128xf32, #tpu.memory_space<vmem_shared>> -> memref<128x128xf32, #tpu.memory_space<vmem_shared>>
      %dma_start3A_440 = arith.constant 0 : i32
      %dma_start3A_441 = arith.constant 0 : i32
      %dma_start3A_442 = tpu.memref_slice %arg8[%run_scoped3A, %dma_start3A_440, %dma_start3A_441] : memref<2x128x128xf32, #tpu.memory_space<vmem>> -> memref<1x128x128xf32, #tpu.memory_space<vmem>>
      %dma_start3A_443 = tpu.memref_squeeze %dma_start3A_442 : memref<1x128x128xf32, #tpu.memory_space<vmem>> -> memref<128x128xf32, #tpu.memory_space<vmem>>
      tpu.enqueue_dma source(%dma_start3A_443 : memref<128x128xf32, #tpu.memory_space<vmem>>) target(%dma_start3A_439 : memref<128x128xf32, #tpu.memory_space<vmem_shared>>) target_semaphore(%run_scoped3A_431 : memref<!tpu.dma_semaphore, #tpu.memory_space<semaphore_mem>>)
      %dma_wait3A = arith.constant 0 : i32
      %dma_wait3A_444 = arith.constant 0 : i32
      %dma_wait3A_445 = tpu.memref_slice %arg8[%run_scoped3A, %dma_wait3A, %dma_wait3A_444] : memref<2x128x128xf32, #tpu.memory_space<vmem>> -> memref<1x128x128xf32, #tpu.memory_space<vmem>>
      %dma_wait3A_446 = tpu.memref_squeeze %dma_wait3A_445 : memref<1x128x128xf32, #tpu.memory_space<vmem>> -> memref<128x128xf32, #tpu.memory_space<vmem>>
      %dma_wait3A_447 = arith.constant 0 : i32
      %dma_wait3A_448 = tpu.memref_slice %arg9[%add3A_12, %dma_wait3A_447] : memref<10240x128xf32, #tpu.memory_space<vmem_shared>> -> memref<128x128xf32, #tpu.memory_space<vmem_shared>>
      %dma_wait3A_449 = arith.constant 0 : i32
      %dma_wait3A_450 = tpu.memref_slice %arg9[%add3A_12, %dma_wait3A_449] : memref<10240x128xf32, #tpu.memory_space<vmem_shared>> -> memref<128x128xf32, #tpu.memory_space<vmem_shared>>
      %dma_wait3A_451 = arith.constant 0 : i32
      %dma_wait3A_452 = arith.constant 0 : i32
      %dma_wait3A_453 = tpu.memref_slice %arg8[%run_scoped3A, %dma_wait3A_451, %dma_wait3A_452] : memref<2x128x128xf32, #tpu.memory_space<vmem>> -> memref<1x128x128xf32, #tpu.memory_space<vmem>>
      %dma_wait3A_454 = tpu.memref_squeeze %dma_wait3A_453 : memref<1x128x128xf32, #tpu.memory_space<vmem>> -> memref<128x128xf32, #tpu.memory_space<vmem>>
      tpu.wait_dma2 semaphore(%run_scoped3A_431 : memref<!tpu.dma_semaphore, #tpu.memory_space<semaphore_mem>>) src(%dma_wait3A_454 : memref<128x128xf32, #tpu.memory_space<vmem>>) dst(%dma_wait3A_450 : memref<128x128xf32, #tpu.memory_space<vmem_shared>>)
      tpu.yield
    }) : () -> ()
    %mul3A_13 = arith.constant 640 : i32
    %mul3A_14 = arith.muli %arg1, %mul3A_13 : i32
    %add3A_15 = arith.constant 128 : i32
    %add3A_16 = arith.addi %mul3A_14, %add3A_15 : i32
    %run_scoped3A_17 = arith.constant 0 : i32
    "tpu.region"() ({
      %run_scoped3A_431 = tpu.sem_alloc : memref<!tpu.dma_semaphore, #tpu.memory_space<semaphore_mem>>
      %dma_start3A_432 = arith.constant 0 : i32
      %dma_start3A_433 = arith.constant 0 : i32
      %dma_start3A_434 = tpu.memref_slice %arg8[%run_scoped3A_17, %dma_start3A_432, %dma_start3A_433] : memref<2x128x128xf32, #tpu.memory_space<vmem>> -> memref<1x128x128xf32, #tpu.memory_space<vmem>>
      %dma_start3A_435 = tpu.memref_squeeze %dma_start3A_434 : memref<1x128x128xf32, #tpu.memory_space<vmem>> -> memref<128x128xf32, #tpu.memory_space<vmem>>
      %dma_start3A_436 = arith.constant 0 : i32
      %dma_start3A_437 = tpu.memref_slice %arg9[%add3A_16, %dma_start3A_436] : memref<10240x128xf32, #tpu.memory_space<vmem_shared>> -> memref<128x128xf32, #tpu.memory_space<vmem_shared>>
      %dma_start3A_438 = arith.constant 0 : i32
      %dma_start3A_439 = tpu.memref_slice %arg9[%add3A_16, %dma_start3A_438] : memref<10240x128xf32, #tpu.memory_space<vmem_shared>> -> memref<128x128xf32, #tpu.memory_space<vmem_shared>>
      %dma_start3A_440 = arith.constant 0 : i32
      %dma_start3A_441 = arith.constant 0 : i32
      %dma_start3A_442 = tpu.memref_slice %arg8[%run_scoped3A_17, %dma_start3A_440, %dma_start3A_441] : memref<2x128x128xf32, #tpu.memory_space<vmem>> -> memref<1x128x128xf32, #tpu.memory_space<vmem>>
      %dma_start3A_443 = tpu.memref_squeeze %dma_start3A_442 : memref<1x128x128xf32, #tpu.memory_space<vmem>> -> memref<128x128xf32, #tpu.memory_space<vmem>>
      tpu.enqueue_dma source(%dma_start3A_443 : memref<128x128xf32, #tpu.memory_space<vmem>>) target(%dma_start3A_439 : memref<128x128xf32, #tpu.memory_space<vmem_shared>>) target_semaphore(%run_scoped3A_431 : memref<!tpu.dma_semaphore, #tpu.memory_space<semaphore_mem>>)
      %dma_wait3A = arith.constant 0 : i32
      %dma_wait3A_444 = arith.constant 0 : i32
      %dma_wait3A_445 = tpu.memref_slice %arg8[%run_scoped3A_17, %dma_wait3A, %dma_wait3A_444] : memref<2x128x128xf32, #tpu.memory_space<vmem>> -> memref<1x128x128xf32, #tpu.memory_space<vmem>>
      %dma_wait3A_446 = tpu.memref_squeeze %dma_wait3A_445 : memref<1x128x128xf32, #tpu.memory_space<vmem>> -> memref<128x128xf32, #tpu.memory_space<vmem>>
      %dma_wait3A_447 = arith.constant 0 : i32
      %dma_wait3A_448 = tpu.memref_slice %arg9[%add3A_16, %dma_wait3A_447] : memref<10240x128xf32, #tpu.memory_space<vmem_shared>> -> memref<128x128xf32, #tpu.memory_space<vmem_shared>>
      %dma_wait3A_449 = arith.constant 0 : i32
      %dma_wait3A_450 = tpu.memref_slice %arg9[%add3A_16, %dma_wait3A_449] : memref<10240x128xf32, #tpu.memory_space<vmem_shared>> -> memref<128x128xf32, #tpu.memory_space<vmem_shared>>
      %dma_wait3A_451 = arith.constant 0 : i32
      %dma_wait3A_452 = arith.constant 0 : i32
      %dma_wait3A_453 = tpu.memref_slice %arg8[%run_scoped3A_17, %dma_wait3A_451, %dma_wait3A_452] : memref<2x128x128xf32, #tpu.memory_space<vmem>> -> memref<1x128x128xf32, #tpu.memory_space<vmem>>
      %dma_wait3A_454 = tpu.memref_squeeze %dma_wait3A_453 : memref<1x128x128xf32, #tpu.memory_space<vmem>> -> memref<128x128xf32, #tpu.memory_space<vmem>>
      tpu.wait_dma2 semaphore(%run_scoped3A_431 : memref<!tpu.dma_semaphore, #tpu.memory_space<semaphore_mem>>) src(%dma_wait3A_454 : memref<128x128xf32, #tpu.memory_space<vmem>>) dst(%dma_wait3A_450 : memref<128x128xf32, #tpu.memory_space<vmem_shared>>)
      tpu.yield
    }) : () -> ()
    %mul3A_18 = arith.constant 640 : i32
    %mul3A_19 = arith.muli %arg1, %mul3A_18 : i32
    %add3A_20 = arith.constant 256 : i32
    %add3A_21 = arith.addi %mul3A_19, %add3A_20 : i32
    %run_scoped3A_22 = arith.constant 0 : i32
    "tpu.region"() ({
      %run_scoped3A_431 = tpu.sem_alloc : memref<!tpu.dma_semaphore, #tpu.memory_space<semaphore_mem>>
      %dma_start3A_432 = arith.constant 0 : i32
      %dma_start3A_433 = arith.constant 0 : i32
      %dma_start3A_434 = tpu.memref_slice %arg8[%run_scoped3A_22, %dma_start3A_432, %dma_start3A_433] : memref<2x128x128xf32, #tpu.memory_space<vmem>> -> memref<1x128x128xf32, #tpu.memory_space<vmem>>
      %dma_start3A_435 = tpu.memref_squeeze %dma_start3A_434 : memref<1x128x128xf32, #tpu.memory_space<vmem>> -> memref<128x128xf32, #tpu.memory_space<vmem>>
      %dma_start3A_436 = arith.constant 0 : i32
      %dma_start3A_437 = tpu.memref_slice %arg9[%add3A_21, %dma_start3A_436] : memref<10240x128xf32, #tpu.memory_space<vmem_shared>> -> memref<128x128xf32, #tpu.memory_space<vmem_shared>>
      %dma_start3A_438 = arith.constant 0 : i32
      %dma_start3A_439 = tpu.memref_slice %arg9[%add3A_21, %dma_start3A_438] : memref<10240x128xf32, #tpu.memory_space<vmem_shared>> -> memref<128x128xf32, #tpu.memory_space<vmem_shared>>
      %dma_start3A_440 = arith.constant 0 : i32
      %dma_start3A_441 = arith.constant 0 : i32
      %dma_start3A_442 = tpu.memref_slice %arg8[%run_scoped3A_22, %dma_start3A_440, %dma_start3A_441] : memref<2x128x128xf32, #tpu.memory_space<vmem>> -> memref<1x128x128xf32, #tpu.memory_space<vmem>>
      %dma_start3A_443 = tpu.memref_squeeze %dma_start3A_442 : memref<1x128x128xf32, #tpu.memory_space<vmem>> -> memref<128x128xf32, #tpu.memory_space<vmem>>
      tpu.enqueue_dma source(%dma_start3A_443 : memref<128x128xf32, #tpu.memory_space<vmem>>) target(%dma_start3A_439 : memref<128x128xf32, #tpu.memory_space<vmem_shared>>) target_semaphore(%run_scoped3A_431 : memref<!tpu.dma_semaphore, #tpu.memory_space<semaphore_mem>>)
      %dma_wait3A = arith.constant 0 : i32
      %dma_wait3A_444 = arith.constant 0 : i32
      %dma_wait3A_445 = tpu.memref_slice %arg8[%run_scoped3A_22, %dma_wait3A, %dma_wait3A_444] : memref<2x128x128xf32, #tpu.memory_space<vmem>> -> memref<1x128x128xf32, #tpu.memory_space<vmem>>
      %dma_wait3A_446 = tpu.memref_squeeze %dma_wait3A_445 : memref<1x128x128xf32, #tpu.memory_space<vmem>> -> memref<128x128xf32, #tpu.memory_space<vmem>>
      %dma_wait3A_447 = arith.constant 0 : i32
      %dma_wait3A_448 = tpu.memref_slice %arg9[%add3A_21, %dma_wait3A_447] : memref<10240x128xf32, #tpu.memory_space<vmem_shared>> -> memref<128x128xf32, #tpu.memory_space<vmem_shared>>
      %dma_wait3A_449 = arith.constant 0 : i32
      %dma_wait3A_450 = tpu.memref_slice %arg9[%add3A_21, %dma_wait3A_449] : memref<10240x128xf32, #tpu.memory_space<vmem_shared>> -> memref<128x128xf32, #tpu.memory_space<vmem_shared>>
      %dma_wait3A_451 = arith.constant 0 : i32
      %dma_wait3A_452 = arith.constant 0 : i32
      %dma_wait3A_453 = tpu.memref_slice %arg8[%run_scoped3A_22, %dma_wait3A_451, %dma_wait3A_452] : memref<2x128x128xf32, #tpu.memory_space<vmem>> -> memref<1x128x128xf32, #tpu.memory_space<vmem>>
      %dma_wait3A_454 = tpu.memref_squeeze %dma_wait3A_453 : memref<1x128x128xf32, #tpu.memory_space<vmem>> -> memref<128x128xf32, #tpu.memory_space<vmem>>
      tpu.wait_dma2 semaphore(%run_scoped3A_431 : memref<!tpu.dma_semaphore, #tpu.memory_space<semaphore_mem>>) src(%dma_wait3A_454 : memref<128x128xf32, #tpu.memory_space<vmem>>) dst(%dma_wait3A_450 : memref<128x128xf32, #tpu.memory_space<vmem_shared>>)
      tpu.yield
    }) : () -> ()
    %mul3A_23 = arith.constant 640 : i32
    %mul3A_24 = arith.muli %arg1, %mul3A_23 : i32
    %add3A_25 = arith.constant 384 : i32
    %add3A_26 = arith.addi %mul3A_24, %add3A_25 : i32
    %run_scoped3A_27 = arith.constant 0 : i32
    "tpu.region"() ({
      %run_scoped3A_431 = tpu.sem_alloc : memref<!tpu.dma_semaphore, #tpu.memory_space<semaphore_mem>>
      %dma_start3A_432 = arith.constant 0 : i32
      %dma_start3A_433 = arith.constant 0 : i32
      %dma_start3A_434 = tpu.memref_slice %arg8[%run_scoped3A_27, %dma_start3A_432, %dma_start3A_433] : memref<2x128x128xf32, #tpu.memory_space<vmem>> -> memref<1x128x128xf32, #tpu.memory_space<vmem>>
      %dma_start3A_435 = tpu.memref_squeeze %dma_start3A_434 : memref<1x128x128xf32, #tpu.memory_space<vmem>> -> memref<128x128xf32, #tpu.memory_space<vmem>>
      %dma_start3A_436 = arith.constant 0 : i32
      %dma_start3A_437 = tpu.memref_slice %arg9[%add3A_26, %dma_start3A_436] : memref<10240x128xf32, #tpu.memory_space<vmem_shared>> -> memref<128x128xf32, #tpu.memory_space<vmem_shared>>
      %dma_start3A_438 = arith.constant 0 : i32
      %dma_start3A_439 = tpu.memref_slice %arg9[%add3A_26, %dma_start3A_438] : memref<10240x128xf32, #tpu.memory_space<vmem_shared>> -> memref<128x128xf32, #tpu.memory_space<vmem_shared>>
      %dma_start3A_440 = arith.constant 0 : i32
      %dma_start3A_441 = arith.constant 0 : i32
      %dma_start3A_442 = tpu.memref_slice %arg8[%run_scoped3A_27, %dma_start3A_440, %dma_start3A_441] : memref<2x128x128xf32, #tpu.memory_space<vmem>> -> memref<1x128x128xf32, #tpu.memory_space<vmem>>
      %dma_start3A_443 = tpu.memref_squeeze %dma_start3A_442 : memref<1x128x128xf32, #tpu.memory_space<vmem>> -> memref<128x128xf32, #tpu.memory_space<vmem>>
      tpu.enqueue_dma source(%dma_start3A_443 : memref<128x128xf32, #tpu.memory_space<vmem>>) target(%dma_start3A_439 : memref<128x128xf32, #tpu.memory_space<vmem_shared>>) target_semaphore(%run_scoped3A_431 : memref<!tpu.dma_semaphore, #tpu.memory_space<semaphore_mem>>)
      %dma_wait3A = arith.constant 0 : i32
      %dma_wait3A_444 = arith.constant 0 : i32
      %dma_wait3A_445 = tpu.memref_slice %arg8[%run_scoped3A_27, %dma_wait3A, %dma_wait3A_444] : memref<2x128x128xf32, #tpu.memory_space<vmem>> -> memref<1x128x128xf32, #tpu.memory_space<vmem>>
      %dma_wait3A_446 = tpu.memref_squeeze %dma_wait3A_445 : memref<1x128x128xf32, #tpu.memory_space<vmem>> -> memref<128x128xf32, #tpu.memory_space<vmem>>
      %dma_wait3A_447 = arith.constant 0 : i32
      %dma_wait3A_448 = tpu.memref_slice %arg9[%add3A_26, %dma_wait3A_447] : memref<10240x128xf32, #tpu.memory_space<vmem_shared>> -> memref<128x128xf32, #tpu.memory_space<vmem_shared>>
      %dma_wait3A_449 = arith.constant 0 : i32
      %dma_wait3A_450 = tpu.memref_slice %arg9[%add3A_26, %dma_wait3A_449] : memref<10240x128xf32, #tpu.memory_space<vmem_shared>> -> memref<128x128xf32, #tpu.memory_space<vmem_shared>>
      %dma_wait3A_451 = arith.constant 0 : i32
      %dma_wait3A_452 = arith.constant 0 : i32
      %dma_wait3A_453 = tpu.memref_slice %arg8[%run_scoped3A_27, %dma_wait3A_451, %dma_wait3A_452] : memref<2x128x128xf32, #tpu.memory_space<vmem>> -> memref<1x128x128xf32, #tpu.memory_space<vmem>>
      %dma_wait3A_454 = tpu.memref_squeeze %dma_wait3A_453 : memref<1x128x128xf32, #tpu.memory_space<vmem>> -> memref<128x128xf32, #tpu.memory_space<vmem>>
      tpu.wait_dma2 semaphore(%run_scoped3A_431 : memref<!tpu.dma_semaphore, #tpu.memory_space<semaphore_mem>>) src(%dma_wait3A_454 : memref<128x128xf32, #tpu.memory_space<vmem>>) dst(%dma_wait3A_450 : memref<128x128xf32, #tpu.memory_space<vmem_shared>>)
      tpu.yield
    }) : () -> ()
    %mul3A_28 = arith.constant 640 : i32
    %mul3A_29 = arith.muli %arg1, %mul3A_28 : i32
    %add3A_30 = arith.constant 512 : i32
    %add3A_31 = arith.addi %mul3A_29, %add3A_30 : i32
    %run_scoped3A_32 = arith.constant 0 : i32
    "tpu.region"() ({
      %run_scoped3A_431 = tpu.sem_alloc : memref<!tpu.dma_semaphore, #tpu.memory_space<semaphore_mem>>
      %dma_start3A_432 = arith.constant 0 : i32
      %dma_start3A_433 = arith.constant 0 : i32
      %dma_start3A_434 = tpu.memref_slice %arg8[%run_scoped3A_32, %dma_start3A_432, %dma_start3A_433] : memref<2x128x128xf32, #tpu.memory_space<vmem>> -> memref<1x128x128xf32, #tpu.memory_space<vmem>>
      %dma_start3A_435 = tpu.memref_squeeze %dma_start3A_434 : memref<1x128x128xf32, #tpu.memory_space<vmem>> -> memref<128x128xf32, #tpu.memory_space<vmem>>
      %dma_start3A_436 = arith.constant 0 : i32
      %dma_start3A_437 = tpu.memref_slice %arg9[%add3A_31, %dma_start3A_436] : memref<10240x128xf32, #tpu.memory_space<vmem_shared>> -> memref<128x128xf32, #tpu.memory_space<vmem_shared>>
      %dma_start3A_438 = arith.constant 0 : i32
      %dma_start3A_439 = tpu.memref_slice %arg9[%add3A_31, %dma_start3A_438] : memref<10240x128xf32, #tpu.memory_space<vmem_shared>> -> memref<128x128xf32, #tpu.memory_space<vmem_shared>>
      %dma_start3A_440 = arith.constant 0 : i32
      %dma_start3A_441 = arith.constant 0 : i32
      %dma_start3A_442 = tpu.memref_slice %arg8[%run_scoped3A_32, %dma_start3A_440, %dma_start3A_441] : memref<2x128x128xf32, #tpu.memory_space<vmem>> -> memref<1x128x128xf32, #tpu.memory_space<vmem>>
      %dma_start3A_443 = tpu.memref_squeeze %dma_start3A_442 : memref<1x128x128xf32, #tpu.memory_space<vmem>> -> memref<128x128xf32, #tpu.memory_space<vmem>>
      tpu.enqueue_dma source(%dma_start3A_443 : memref<128x128xf32, #tpu.memory_space<vmem>>) target(%dma_start3A_439 : memref<128x128xf32, #tpu.memory_space<vmem_shared>>) target_semaphore(%run_scoped3A_431 : memref<!tpu.dma_semaphore, #tpu.memory_space<semaphore_mem>>)
      %dma_wait3A = arith.constant 0 : i32
      %dma_wait3A_444 = arith.constant 0 : i32
      %dma_wait3A_445 = tpu.memref_slice %arg8[%run_scoped3A_32, %dma_wait3A, %dma_wait3A_444] : memref<2x128x128xf32, #tpu.memory_space<vmem>> -> memref<1x128x128xf32, #tpu.memory_space<vmem>>
      %dma_wait3A_446 = tpu.memref_squeeze %dma_wait3A_445 : memref<1x128x128xf32, #tpu.memory_space<vmem>> -> memref<128x128xf32, #tpu.memory_space<vmem>>
      %dma_wait3A_447 = arith.constant 0 : i32
      %dma_wait3A_448 = tpu.memref_slice %arg9[%add3A_31, %dma_wait3A_447] : memref<10240x128xf32, #tpu.memory_space<vmem_shared>> -> memref<128x128xf32, #tpu.memory_space<vmem_shared>>
      %dma_wait3A_449 = arith.constant 0 : i32
      %dma_wait3A_450 = tpu.memref_slice %arg9[%add3A_31, %dma_wait3A_449] : memref<10240x128xf32, #tpu.memory_space<vmem_shared>> -> memref<128x128xf32, #tpu.memory_space<vmem_shared>>
      %dma_wait3A_451 = arith.constant 0 : i32
      %dma_wait3A_452 = arith.constant 0 : i32
      %dma_wait3A_453 = tpu.memref_slice %arg8[%run_scoped3A_32, %dma_wait3A_451, %dma_wait3A_452] : memref<2x128x128xf32, #tpu.memory_space<vmem>> -> memref<1x128x128xf32, #tpu.memory_space<vmem>>
      %dma_wait3A_454 = tpu.memref_squeeze %dma_wait3A_453 : memref<1x128x128xf32, #tpu.memory_space<vmem>> -> memref<128x128xf32, #tpu.memory_space<vmem>>
      tpu.wait_dma2 semaphore(%run_scoped3A_431 : memref<!tpu.dma_semaphore, #tpu.memory_space<semaphore_mem>>) src(%dma_wait3A_454 : memref<128x128xf32, #tpu.memory_space<vmem>>) dst(%dma_wait3A_450 : memref<128x128xf32, #tpu.memory_space<vmem_shared>>)
      tpu.yield
    }) : () -> ()
    %barrier3A = arith.constant 0 : index
    tpu.barrier barrier_id(%barrier3A)
    %get3A = arith.constant 0 : i32
    %get3A_33 = arith.index_cast %get3A : i32 to index
    %get3A_34 = arith.constant 0 : index
    %get3A_35 = tpu.vector_load %arg5[%get3A_33, %get3A_34] {strides = array<i32>} : memref<80x128xi32, #tpu.memory_space<vmem>>, vector<1x16xi32>,
    %get3A_36 = vector.shape_cast %get3A_35 : vector<1x16xi32> to vector<16xi32>
    %and3A = arith.constant 16383 : i32
    %and3A_37 = vector.broadcast %and3A : i32 to vector<16xi32>
    %and3A_38 = arith.andi %get3A_36, %and3A_37 : vector<16xi32>
    %swap3A = arith.constant 0 : i32
    %swap3A_39 = arith.index_cast %swap3A : i32 to index
    %swap3A_40 = arith.constant 0 : index
    %swap3A_41 = tpu.vector_load %arg6[%swap3A_39, %swap3A_40] {strides = array<i32>} : memref<2x128xi32, #tpu.memory_space<vmem>>, vector<1x16xi32>,
    %swap3A_42 = vector.shape_cast %swap3A_41 : vector<1x16xi32> to vector<16xi32>
    %swap3A_43 = vector.shape_cast %and3A_38 : vector<16xi32> to vector<1x16xi32>
    tpu.vector_store %arg6[%swap3A_39, %swap3A_40], %swap3A_43 {strides = array<i32>} : memref<2x128xi32, #tpu.memory_space<vmem>>, vector<1x16xi32>,
    %shift_right_logical3A = arith.constant 14 : i32
    %shift_right_logical3A_44 = vector.broadcast %shift_right_logical3A : i32 to vector<16xi32>
    %shift_right_logical3A_45 = arith.shrui %get3A_36, %shift_right_logical3A_44 : vector<16xi32>
    %swap3A_46 = arith.constant 0 : i32
    %swap3A_47 = arith.index_cast %swap3A_46 : i32 to index
    %swap3A_48 = arith.constant 0 : index
    %swap3A_49 = tpu.vector_load %arg7[%swap3A_47, %swap3A_48] {strides = array<i32>} : memref<2x128xi32, #tpu.memory_space<vmem>>, vector<1x16xi32>,
    %swap3A_50 = vector.shape_cast %swap3A_49 : vector<1x16xi32> to vector<16xi32>
    %swap3A_51 = vector.shape_cast %shift_right_logical3A_45 : vector<16xi32> to vector<1x16xi32>
    tpu.vector_store %arg7[%swap3A_47, %swap3A_48], %swap3A_51 {strides = array<i32>} : memref<2x128xi32, #tpu.memory_space<vmem>>, vector<1x16xi32>,
    %get3A_52 = arith.constant 0 : i32
    %get3A_53 = arith.index_cast %get3A_52 : i32 to index
    %get3A_54 = arith.constant 16 : index
    %get3A_55 = tpu.vector_load %arg5[%get3A_53, %get3A_54] {strides = array<i32>} : memref<80x128xi32, #tpu.memory_space<vmem>>, vector<1x16xi32>,
    %get3A_56 = vector.shape_cast %get3A_55 : vector<1x16xi32> to vector<16xi32>
    %and3A_57 = arith.constant 16383 : i32
    %and3A_58 = vector.broadcast %and3A_57 : i32 to vector<16xi32>
    %and3A_59 = arith.andi %get3A_56, %and3A_58 : vector<16xi32>
    %swap3A_60 = arith.constant 0 : i32
    %swap3A_61 = arith.index_cast %swap3A_60 : i32 to index
    %swap3A_62 = arith.constant 16 : index
    %swap3A_63 = tpu.vector_load %arg6[%swap3A_61, %swap3A_62] {strides = array<i32>} : memref<2x128xi32, #tpu.memory_space<vmem>>, vector<1x16xi32>,
    %swap3A_64 = vector.shape_cast %swap3A_63 : vector<1x16xi32> to vector<16xi32>
    %swap3A_65 = vector.shape_cast %and3A_59 : vector<16xi32> to vector<1x16xi32>
    tpu.vector_store %arg6[%swap3A_61, %swap3A_62], %swap3A_65 {strides = array<i32>} : memref<2x128xi32, #tpu.memory_space<vmem>>, vector<1x16xi32>,
    %shift_right_logical3A_66 = arith.constant 14 : i32
    %shift_right_logical3A_67 = vector.broadcast %shift_right_logical3A_66 : i32 to vector<16xi32>
    %shift_right_logical3A_68 = arith.shrui %get3A_56, %shift_right_logical3A_67 : vector<16xi32>
    %swap3A_69 = arith.constant 0 : i32
    %swap3A_70 = arith.index_cast %swap3A_69 : i32 to index
    %swap3A_71 = arith.constant 16 : index
    %swap3A_72 = tpu.vector_load %arg7[%swap3A_70, %swap3A_71] {strides = array<i32>} : memref<2x128xi32, #tpu.memory_space<vmem>>, vector<1x16xi32>,
    %swap3A_73 = vector.shape_cast %swap3A_72 : vector<1x16xi32> to vector<16xi32>
    %swap3A_74 = vector.shape_cast %shift_right_logical3A_68 : vector<16xi32> to vector<1x16xi32>
    tpu.vector_store %arg7[%swap3A_70, %swap3A_71], %swap3A_74 {strides = array<i32>} : memref<2x128xi32, #tpu.memory_space<vmem>>, vector<1x16xi32>,
    %get3A_75 = arith.constant 0 : i32
    %get3A_76 = arith.index_cast %get3A_75 : i32 to index
    %get3A_77 = arith.constant 32 : index
    %get3A_78 = tpu.vector_load %arg5[%get3A_76, %get3A_77] {strides = array<i32>} : memref<80x128xi32, #tpu.memory_space<vmem>>, vector<1x16xi32>,
    %get3A_79 = vector.shape_cast %get3A_78 : vector<1x16xi32> to vector<16xi32>
    %and3A_80 = arith.constant 16383 : i32
    %and3A_81 = vector.broadcast %and3A_80 : i32 to vector<16xi32>
    %and3A_82 = arith.andi %get3A_79, %and3A_81 : vector<16xi32>
    %swap3A_83 = arith.constant 0 : i32
    %swap3A_84 = arith.index_cast %swap3A_83 : i32 to index
    %swap3A_85 = arith.constant 32 : index
    %swap3A_86 = tpu.vector_load %arg6[%swap3A_84, %swap3A_85] {strides = array<i32>} : memref<2x128xi32, #tpu.memory_space<vmem>>, vector<1x16xi32>,
    %swap3A_87 = vector.shape_cast %swap3A_86 : vector<1x16xi32> to vector<16xi32>
    %swap3A_88 = vector.shape_cast %and3A_82 : vector<16xi32> to vector<1x16xi32>
    tpu.vector_store %arg6[%swap3A_84, %swap3A_85], %swap3A_88 {strides = array<i32>} : memref<2x128xi32, #tpu.memory_space<vmem>>, vector<1x16xi32>,
    %shift_right_logical3A_89 = arith.constant 14 : i32
    %shift_right_logical3A_90 = vector.broadcast %shift_right_logical3A_89 : i32 to vector<16xi32>
    %shift_right_logical3A_91 = arith.shrui %get3A_79, %shift_right_logical3A_90 : vector<16xi32>
    %swap3A_92 = arith.constant 0 : i32
    %swap3A_93 = arith.index_cast %swap3A_92 : i32 to index
    %swap3A_94 = arith.constant 32 : index
    %swap3A_95 = tpu.vector_load %arg7[%swap3A_93, %swap3A_94] {strides = array<i32>} : memref<2x128xi32, #tpu.memory_space<vmem>>, vector<1x16xi32>,
    %swap3A_96 = vector.shape_cast %swap3A_95 : vector<1x16xi32> to vector<16xi32>
    %swap3A_97 = vector.shape_cast %shift_right_logical3A_91 : vector<16xi32> to vector<1x16xi32>
    tpu.vector_store %arg7[%swap3A_93, %swap3A_94], %swap3A_97 {strides = array<i32>} : memref<2x128xi32, #tpu.memory_space<vmem>>, vector<1x16xi32>,
    %get3A_98 = arith.constant 0 : i32
    %get3A_99 = arith.index_cast %get3A_98 : i32 to index
    %get3A_100 = arith.constant 48 : index
    %get3A_101 = tpu.vector_load %arg5[%get3A_99, %get3A_100] {strides = array<i32>} : memref<80x128xi32, #tpu.memory_space<vmem>>, vector<1x16xi32>,
    %get3A_102 = vector.shape_cast %get3A_101 : vector<1x16xi32> to vector<16xi32>
    %and3A_103 = arith.constant 16383 : i32
    %and3A_104 = vector.broadcast %and3A_103 : i32 to vector<16xi32>
    %and3A_105 = arith.andi %get3A_102, %and3A_104 : vector<16xi32>
    %swap3A_106 = arith.constant 0 : i32
    %swap3A_107 = arith.index_cast %swap3A_106 : i32 to index
    %swap3A_108 = arith.constant 48 : index
    %swap3A_109 = tpu.vector_load %arg6[%swap3A_107, %swap3A_108] {strides = array<i32>} : memref<2x128xi32, #tpu.memory_space<vmem>>, vector<1x16xi32>,
    %swap3A_110 = vector.shape_cast %swap3A_109 : vector<1x16xi32> to vector<16xi32>
    %swap3A_111 = vector.shape_cast %and3A_105 : vector<16xi32> to vector<1x16xi32>
    tpu.vector_store %arg6[%swap3A_107, %swap3A_108], %swap3A_111 {strides = array<i32>} : memref<2x128xi32, #tpu.memory_space<vmem>>, vector<1x16xi32>,
    %shift_right_logical3A_112 = arith.constant 14 : i32
    %shift_right_logical3A_113 = vector.broadcast %shift_right_logical3A_112 : i32 to vector<16xi32>
    %shift_right_logical3A_114 = arith.shrui %get3A_102, %shift_right_logical3A_113 : vector<16xi32>
    %swap3A_115 = arith.constant 0 : i32
    %swap3A_116 = arith.index_cast %swap3A_115 : i32 to index
    %swap3A_117 = arith.constant 48 : index
    %swap3A_118 = tpu.vector_load %arg7[%swap3A_116, %swap3A_117] {strides = array<i32>} : memref<2x128xi32, #tpu.memory_space<vmem>>, vector<1x16xi32>,
    %swap3A_119 = vector.shape_cast %swap3A_118 : vector<1x16xi32> to vector<16xi32>
    %swap3A_120 = vector.shape_cast %shift_right_logical3A_114 : vector<16xi32> to vector<1x16xi32>
    tpu.vector_store %arg7[%swap3A_116, %swap3A_117], %swap3A_120 {strides = array<i32>} : memref<2x128xi32, #tpu.memory_space<vmem>>, vector<1x16xi32>,
    %get3A_121 = arith.constant 0 : i32
    %get3A_122 = arith.index_cast %get3A_121 : i32 to index
    %get3A_123 = arith.constant 64 : index
    %get3A_124 = tpu.vector_load %arg5[%get3A_122, %get3A_123] {strides = array<i32>} : memref<80x128xi32, #tpu.memory_space<vmem>>, vector<1x16xi32>,
    %get3A_125 = vector.shape_cast %get3A_124 : vector<1x16xi32> to vector<16xi32>
    %and3A_126 = arith.constant 16383 : i32
    %and3A_127 = vector.broadcast %and3A_126 : i32 to vector<16xi32>
    %and3A_128 = arith.andi %get3A_125, %and3A_127 : vector<16xi32>
    %swap3A_129 = arith.constant 0 : i32
    %swap3A_130 = arith.index_cast %swap3A_129 : i32 to index
    %swap3A_131 = arith.constant 64 : index
    %swap3A_132 = tpu.vector_load %arg6[%swap3A_130, %swap3A_131] {strides = array<i32>} : memref<2x128xi32, #tpu.memory_space<vmem>>, vector<1x16xi32>,
    %swap3A_133 = vector.shape_cast %swap3A_132 : vector<1x16xi32> to vector<16xi32>
    %swap3A_134 = vector.shape_cast %and3A_128 : vector<16xi32> to vector<1x16xi32>
    tpu.vector_store %arg6[%swap3A_130, %swap3A_131], %swap3A_134 {strides = array<i32>} : memref<2x128xi32, #tpu.memory_space<vmem>>, vector<1x16xi32>,
    %shift_right_logical3A_135 = arith.constant 14 : i32
    %shift_right_logical3A_136 = vector.broadcast %shift_right_logical3A_135 : i32 to vector<16xi32>
    %shift_right_logical3A_137 = arith.shrui %get3A_125, %shift_right_logical3A_136 : vector<16xi32>
    %swap3A_138 = arith.constant 0 : i32
    %swap3A_139 = arith.index_cast %swap3A_138 : i32 to index
    %swap3A_140 = arith.constant 64 : index
    %swap3A_141 = tpu.vector_load %arg7[%swap3A_139, %swap3A_140] {strides = array<i32>} : memref<2x128xi32, #tpu.memory_space<vmem>>, vector<1x16xi32>,
    %swap3A_142 = vector.shape_cast %swap3A_141 : vector<1x16xi32> to vector<16xi32>
    %swap3A_143 = vector.shape_cast %shift_right_logical3A_137 : vector<16xi32> to vector<1x16xi32>
    tpu.vector_store %arg7[%swap3A_139, %swap3A_140], %swap3A_143 {strides = array<i32>} : memref<2x128xi32, #tpu.memory_space<vmem>>, vector<1x16xi32>,
    %get3A_144 = arith.constant 0 : i32
    %get3A_145 = arith.index_cast %get3A_144 : i32 to index
    %get3A_146 = arith.constant 80 : index
    %get3A_147 = tpu.vector_load %arg5[%get3A_145, %get3A_146] {strides = array<i32>} : memref<80x128xi32, #tpu.memory_space<vmem>>, vector<1x16xi32>,
    %get3A_148 = vector.shape_cast %get3A_147 : vector<1x16xi32> to vector<16xi32>
    %and3A_149 = arith.constant 16383 : i32
    %and3A_150 = vector.broadcast %and3A_149 : i32 to vector<16xi32>
    %and3A_151 = arith.andi %get3A_148, %and3A_150 : vector<16xi32>
    %swap3A_152 = arith.constant 0 : i32
    %swap3A_153 = arith.index_cast %swap3A_152 : i32 to index
    %swap3A_154 = arith.constant 80 : index
    %swap3A_155 = tpu.vector_load %arg6[%swap3A_153, %swap3A_154] {strides = array<i32>} : memref<2x128xi32, #tpu.memory_space<vmem>>, vector<1x16xi32>,
    %swap3A_156 = vector.shape_cast %swap3A_155 : vector<1x16xi32> to vector<16xi32>
    %swap3A_157 = vector.shape_cast %and3A_151 : vector<16xi32> to vector<1x16xi32>
    tpu.vector_store %arg6[%swap3A_153, %swap3A_154], %swap3A_157 {strides = array<i32>} : memref<2x128xi32, #tpu.memory_space<vmem>>, vector<1x16xi32>,
    %shift_right_logical3A_158 = arith.constant 14 : i32
    %shift_right_logical3A_159 = vector.broadcast %shift_right_logical3A_158 : i32 to vector<16xi32>
    %shift_right_logical3A_160 = arith.shrui %get3A_148, %shift_right_logical3A_159 : vector<16xi32>
    %swap3A_161 = arith.constant 0 : i32
    %swap3A_162 = arith.index_cast %swap3A_161 : i32 to index
    %swap3A_163 = arith.constant 80 : index
    %swap3A_164 = tpu.vector_load %arg7[%swap3A_162, %swap3A_163] {strides = array<i32>} : memref<2x128xi32, #tpu.memory_space<vmem>>, vector<1x16xi32>,
    %swap3A_165 = vector.shape_cast %swap3A_164 : vector<1x16xi32> to vector<16xi32>
    %swap3A_166 = vector.shape_cast %shift_right_logical3A_160 : vector<16xi32> to vector<1x16xi32>
    tpu.vector_store %arg7[%swap3A_162, %swap3A_163], %swap3A_166 {strides = array<i32>} : memref<2x128xi32, #tpu.memory_space<vmem>>, vector<1x16xi32>,
    %get3A_167 = arith.constant 0 : i32
    %get3A_168 = arith.index_cast %get3A_167 : i32 to index
    %get3A_169 = arith.constant 96 : index
    %get3A_170 = tpu.vector_load %arg5[%get3A_168, %get3A_169] {strides = array<i32>} : memref<80x128xi32, #tpu.memory_space<vmem>>, vector<1x16xi32>,
    %get3A_171 = vector.shape_cast %get3A_170 : vector<1x16xi32> to vector<16xi32>
    %and3A_172 = arith.constant 16383 : i32
    %and3A_173 = vector.broadcast %and3A_172 : i32 to vector<16xi32>
    %and3A_174 = arith.andi %get3A_171, %and3A_173 : vector<16xi32>
    %swap3A_175 = arith.constant 0 : i32
    %swap3A_176 = arith.index_cast %swap3A_175 : i32 to index
    %swap3A_177 = arith.constant 96 : index
    %swap3A_178 = tpu.vector_load %arg6[%swap3A_176, %swap3A_177] {strides = array<i32>} : memref<2x128xi32, #tpu.memory_space<vmem>>, vector<1x16xi32>,
    %swap3A_179 = vector.shape_cast %swap3A_178 : vector<1x16xi32> to vector<16xi32>
    %swap3A_180 = vector.shape_cast %and3A_174 : vector<16xi32> to vector<1x16xi32>
    tpu.vector_store %arg6[%swap3A_176, %swap3A_177], %swap3A_180 {strides = array<i32>} : memref<2x128xi32, #tpu.memory_space<vmem>>, vector<1x16xi32>,
    %shift_right_logical3A_181 = arith.constant 14 : i32
    %shift_right_logical3A_182 = vector.broadcast %shift_right_logical3A_181 : i32 to vector<16xi32>
    %shift_right_logical3A_183 = arith.shrui %get3A_171, %shift_right_logical3A_182 : vector<16xi32>
    %swap3A_184 = arith.constant 0 : i32
    %swap3A_185 = arith.index_cast %swap3A_184 : i32 to index
    %swap3A_186 = arith.constant 96 : index
    %swap3A_187 = tpu.vector_load %arg7[%swap3A_185, %swap3A_186] {strides = array<i32>} : memref<2x128xi32, #tpu.memory_space<vmem>>, vector<1x16xi32>,
    %swap3A_188 = vector.shape_cast %swap3A_187 : vector<1x16xi32> to vector<16xi32>
    %swap3A_189 = vector.shape_cast %shift_right_logical3A_183 : vector<16xi32> to vector<1x16xi32>
    tpu.vector_store %arg7[%swap3A_185, %swap3A_186], %swap3A_189 {strides = array<i32>} : memref<2x128xi32, #tpu.memory_space<vmem>>, vector<1x16xi32>,
    %get3A_190 = arith.constant 0 : i32
    %get3A_191 = arith.index_cast %get3A_190 : i32 to index
    %get3A_192 = arith.constant 112 : index
    %get3A_193 = tpu.vector_load %arg5[%get3A_191, %get3A_192] {strides = array<i32>} : memref<80x128xi32, #tpu.memory_space<vmem>>, vector<1x16xi32>,
    %get3A_194 = vector.shape_cast %get3A_193 : vector<1x16xi32> to vector<16xi32>
    %and3A_195 = arith.constant 16383 : i32
    %and3A_196 = vector.broadcast %and3A_195 : i32 to vector<16xi32>
    %and3A_197 = arith.andi %get3A_194, %and3A_196 : vector<16xi32>
    %swap3A_198 = arith.constant 0 : i32
    %swap3A_199 = arith.index_cast %swap3A_198 : i32 to index
    %swap3A_200 = arith.constant 112 : index
    %swap3A_201 = tpu.vector_load %arg6[%swap3A_199, %swap3A_200] {strides = array<i32>} : memref<2x128xi32, #tpu.memory_space<vmem>>, vector<1x16xi32>,
    %swap3A_202 = vector.shape_cast %swap3A_201 : vector<1x16xi32> to vector<16xi32>
    %swap3A_203 = vector.shape_cast %and3A_197 : vector<16xi32> to vector<1x16xi32>
    tpu.vector_store %arg6[%swap3A_199, %swap3A_200], %swap3A_203 {strides = array<i32>} : memref<2x128xi32, #tpu.memory_space<vmem>>, vector<1x16xi32>,
    %shift_right_logical3A_204 = arith.constant 14 : i32
    %shift_right_logical3A_205 = vector.broadcast %shift_right_logical3A_204 : i32 to vector<16xi32>
    %shift_right_logical3A_206 = arith.shrui %get3A_194, %shift_right_logical3A_205 : vector<16xi32>
    %swap3A_207 = arith.constant 0 : i32
    %swap3A_208 = arith.index_cast %swap3A_207 : i32 to index
    %swap3A_209 = arith.constant 112 : index
    %swap3A_210 = tpu.vector_load %arg7[%swap3A_208, %swap3A_209] {strides = array<i32>} : memref<2x128xi32, #tpu.memory_space<vmem>>, vector<1x16xi32>,
    %swap3A_211 = vector.shape_cast %swap3A_210 : vector<1x16xi32> to vector<16xi32>
    %swap3A_212 = vector.shape_cast %shift_right_logical3A_206 : vector<16xi32> to vector<1x16xi32>
    tpu.vector_store %arg7[%swap3A_208, %swap3A_209], %swap3A_212 {strides = array<i32>} : memref<2x128xi32, #tpu.memory_space<vmem>>, vector<1x16xi32>,
    %dma_start3A = arith.constant 0 : i32
    %dma_start3A_213 = arith.constant 0 : i32
    %dma_start3A_214 = arith.constant 0 : i32
    %dma_start3A_215 = arith.constant 0 : i32
    %dma_start3A_216 = tpu.memref_slice %arg8[%dma_start3A_213, %dma_start3A_214, %dma_start3A_215] : memref<2x128x128xf32, #tpu.memory_space<vmem>> -> memref<1x128x128xf32, #tpu.memory_space<vmem>>
    %dma_start3A_217 = tpu.memref_squeeze %dma_start3A_216 : memref<1x128x128xf32, #tpu.memory_space<vmem>> -> memref<128x128xf32, #tpu.memory_space<vmem>>
    %dma_start3A_218 = arith.constant 0 : i32
    %dma_start3A_219 = tpu.memref_slice %arg6[%dma_start3A, %dma_start3A_218] : memref<2x128xi32, #tpu.memory_space<vmem>> -> memref<1x128xi32, #tpu.memory_space<vmem>>
    %dma_start3A_220 = tpu.memref_squeeze %dma_start3A_219 : memref<1x128xi32, #tpu.memory_space<vmem>> -> memref<128xi32, #tpu.memory_space<vmem>>
    %dma_start3A_221 = arith.constant 0 : i32
    %dma_start3A_222 = arith.constant 0 : i32
    %dma_start3A_223 = tpu.memref_slice %arg2[%dma_start3A_221, %dma_start3A_222] : memref<10000x128xf32, #tpu.memory_space<hbm>> -> memref<10000x128xf32, #tpu.memory_space<hbm>>
    tpu.enqueue_indirect_dma source(%dma_start3A_223 : memref<10000x128xf32, #tpu.memory_space<hbm>>) target(%dma_start3A_217 : memref<128x128xf32, #tpu.memory_space<vmem>>) offsets(%dma_start3A_220 : memref<128xi32, #tpu.memory_space<vmem>>) semaphore(%arg10 : memref<!tpu.dma_semaphore, #tpu.memory_space<semaphore_mem>>)
    %get3A_224 = arith.constant 1 : i32
    %get3A_225 = arith.index_cast %get3A_224 : i32 to index
    %get3A_226 = arith.constant 0 : index
    %get3A_227 = tpu.vector_load %arg5[%get3A_225, %get3A_226] {strides = array<i32>} : memref<80x128xi32, #tpu.memory_space<vmem>>, vector<1x16xi32>,
    %get3A_228 = vector.shape_cast %get3A_227 : vector<1x16xi32> to vector<16xi32>
    %and3A_229 = arith.constant 16383 : i32
    %and3A_230 = vector.broadcast %and3A_229 : i32 to vector<16xi32>
    %and3A_231 = arith.andi %get3A_228, %and3A_230 : vector<16xi32>
    %swap3A_232 = arith.constant 1 : i32
    %swap3A_233 = arith.index_cast %swap3A_232 : i32 to index
    %swap3A_234 = arith.constant 0 : index
    %swap3A_235 = tpu.vector_load %arg6[%swap3A_233, %swap3A_234] {strides = array<i32>} : memref<2x128xi32, #tpu.memory_space<vmem>>, vector<1x16xi32>,
    %swap3A_236 = vector.shape_cast %swap3A_235 : vector<1x16xi32> to vector<16xi32>
    %swap3A_237 = vector.shape_cast %and3A_231 : vector<16xi32> to vector<1x16xi32>
    tpu.vector_store %arg6[%swap3A_233, %swap3A_234], %swap3A_237 {strides = array<i32>} : memref<2x128xi32, #tpu.memory_space<vmem>>, vector<1x16xi32>,
    %shift_right_logical3A_238 = arith.constant 14 : i32
    %shift_right_logical3A_239 = vector.broadcast %shift_right_logical3A_238 : i32 to vector<16xi32>
    %shift_right_logical3A_240 = arith.shrui %get3A_228, %shift_right_logical3A_239 : vector<16xi32>
    %swap3A_241 = arith.constant 1 : i32
    %swap3A_242 = arith.index_cast %swap3A_241 : i32 to index
    %swap3A_243 = arith.constant 0 : index
    %swap3A_244 = tpu.vector_load %arg7[%swap3A_242, %swap3A_243] {strides = array<i32>} : memref<2x128xi32, #tpu.memory_space<vmem>>, vector<1x16xi32>,
    %swap3A_245 = vector.shape_cast %swap3A_244 : vector<1x16xi32> to vector<16xi32>
    %swap3A_246 = vector.shape_cast %shift_right_logical3A_240 : vector<16xi32> to vector<1x16xi32>
    tpu.vector_store %arg7[%swap3A_242, %swap3A_243], %swap3A_246 {strides = array<i32>} : memref<2x128xi32, #tpu.memory_space<vmem>>, vector<1x16xi32>,
    %get3A_247 = arith.constant 1 : i32
    %get3A_248 = arith.index_cast %get3A_247 : i32 to index
    %get3A_249 = arith.constant 16 : index
    %get3A_250 = tpu.vector_load %arg5[%get3A_248, %get3A_249] {strides = array<i32>} : memref<80x128xi32, #tpu.memory_space<vmem>>, vector<1x16xi32>,
    %get3A_251 = vector.shape_cast %get3A_250 : vector<1x16xi32> to vector<16xi32>
    %and3A_252 = arith.constant 16383 : i32
    %and3A_253 = vector.broadcast %and3A_252 : i32 to vector<16xi32>
    %and3A_254 = arith.andi %get3A_251, %and3A_253 : vector<16xi32>
    %swap3A_255 = arith.constant 1 : i32
    %swap3A_256 = arith.index_cast %swap3A_255 : i32 to index
    %swap3A_257 = arith.constant 16 : index
    %swap3A_258 = tpu.vector_load %arg6[%swap3A_256, %swap3A_257] {strides = array<i32>} : memref<2x128xi32, #tpu.memory_space<vmem>>, vector<1x16xi32>,
    %swap3A_259 = vector.shape_cast %swap3A_258 : vector<1x16xi32> to vector<16xi32>
    %swap3A_260 = vector.shape_cast %and3A_254 : vector<16xi32> to vector<1x16xi32>
    tpu.vector_store %arg6[%swap3A_256, %swap3A_257], %swap3A_260 {strides = array<i32>} : memref<2x128xi32, #tpu.memory_space<vmem>>, vector<1x16xi32>,
    %shift_right_logical3A_261 = arith.constant 14 : i32
    %shift_right_logical3A_262 = vector.broadcast %shift_right_logical3A_261 : i32 to vector<16xi32>
    %shift_right_logical3A_263 = arith.shrui %get3A_251, %shift_right_logical3A_262 : vector<16xi32>
    %swap3A_264 = arith.constant 1 : i32
    %swap3A_265 = arith.index_cast %swap3A_264 : i32 to index
    %swap3A_266 = arith.constant 16 : index
    %swap3A_267 = tpu.vector_load %arg7[%swap3A_265, %swap3A_266] {strides = array<i32>} : memref<2x128xi32, #tpu.memory_space<vmem>>, vector<1x16xi32>,
    %swap3A_268 = vector.shape_cast %swap3A_267 : vector<1x16xi32> to vector<16xi32>
    %swap3A_269 = vector.shape_cast %shift_right_logical3A_263 : vector<16xi32> to vector<1x16xi32>
    tpu.vector_store %arg7[%swap3A_265, %swap3A_266], %swap3A_269 {strides = array<i32>} : memref<2x128xi32, #tpu.memory_space<vmem>>, vector<1x16xi32>,
    %get3A_270 = arith.constant 1 : i32
    %get3A_271 = arith.index_cast %get3A_270 : i32 to index
    %get3A_272 = arith.constant 32 : index
    %get3A_273 = tpu.vector_load %arg5[%get3A_271, %get3A_272] {strides = array<i32>} : memref<80x128xi32, #tpu.memory_space<vmem>>, vector<1x16xi32>,
    %get3A_274 = vector.shape_cast %get3A_273 : vector<1x16xi32> to vector<16xi32>
    %and3A_275 = arith.constant 16383 : i32
    %and3A_276 = vector.broadcast %and3A_275 : i32 to vector<16xi32>
    %and3A_277 = arith.andi %get3A_274, %and3A_276 : vector<16xi32>
    %swap3A_278 = arith.constant 1 : i32
    %swap3A_279 = arith.index_cast %swap3A_278 : i32 to index
    %swap3A_280 = arith.constant 32 : index
    %swap3A_281 = tpu.vector_load %arg6[%swap3A_279, %swap3A_280] {strides = array<i32>} : memref<2x128xi32, #tpu.memory_space<vmem>>, vector<1x16xi32>,
    %swap3A_282 = vector.shape_cast %swap3A_281 : vector<1x16xi32> to vector<16xi32>
    %swap3A_283 = vector.shape_cast %and3A_277 : vector<16xi32> to vector<1x16xi32>
    tpu.vector_store %arg6[%swap3A_279, %swap3A_280], %swap3A_283 {strides = array<i32>} : memref<2x128xi32, #tpu.memory_space<vmem>>, vector<1x16xi32>,
    %shift_right_logical3A_284 = arith.constant 14 : i32
    %shift_right_logical3A_285 = vector.broadcast %shift_right_logical3A_284 : i32 to vector<16xi32>
    %shift_right_logical3A_286 = arith.shrui %get3A_274, %shift_right_logical3A_285 : vector<16xi32>
    %swap3A_287 = arith.constant 1 : i32
    %swap3A_288 = arith.index_cast %swap3A_287 : i32 to index
    %swap3A_289 = arith.constant 32 : index
    %swap3A_290 = tpu.vector_load %arg7[%swap3A_288, %swap3A_289] {strides = array<i32>} : memref<2x128xi32, #tpu.memory_space<vmem>>, vector<1x16xi32>,
    %swap3A_291 = vector.shape_cast %swap3A_290 : vector<1x16xi32> to vector<16xi32>
    %swap3A_292 = vector.shape_cast %shift_right_logical3A_286 : vector<16xi32> to vector<1x16xi32>
    tpu.vector_store %arg7[%swap3A_288, %swap3A_289], %swap3A_292 {strides = array<i32>} : memref<2x128xi32, #tpu.memory_space<vmem>>, vector<1x16xi32>,
    %get3A_293 = arith.constant 1 : i32
    %get3A_294 = arith.index_cast %get3A_293 : i32 to index
    %get3A_295 = arith.constant 48 : index
    %get3A_296 = tpu.vector_load %arg5[%get3A_294, %get3A_295] {strides = array<i32>} : memref<80x128xi32, #tpu.memory_space<vmem>>, vector<1x16xi32>,
    %get3A_297 = vector.shape_cast %get3A_296 : vector<1x16xi32> to vector<16xi32>
    %and3A_298 = arith.constant 16383 : i32
    %and3A_299 = vector.broadcast %and3A_298 : i32 to vector<16xi32>
    %and3A_300 = arith.andi %get3A_297, %and3A_299 : vector<16xi32>
    %swap3A_301 = arith.constant 1 : i32
    %swap3A_302 = arith.index_cast %swap3A_301 : i32 to index
    %swap3A_303 = arith.constant 48 : index
    %swap3A_304 = tpu.vector_load %arg6[%swap3A_302, %swap3A_303] {strides = array<i32>} : memref<2x128xi32, #tpu.memory_space<vmem>>, vector<1x16xi32>,
    %swap3A_305 = vector.shape_cast %swap3A_304 : vector<1x16xi32> to vector<16xi32>
    %swap3A_306 = vector.shape_cast %and3A_300 : vector<16xi32> to vector<1x16xi32>
    tpu.vector_store %arg6[%swap3A_302, %swap3A_303], %swap3A_306 {strides = array<i32>} : memref<2x128xi32, #tpu.memory_space<vmem>>, vector<1x16xi32>,
    %shift_right_logical3A_307 = arith.constant 14 : i32
    %shift_right_logical3A_308 = vector.broadcast %shift_right_logical3A_307 : i32 to vector<16xi32>
    %shift_right_logical3A_309 = arith.shrui %get3A_297, %shift_right_logical3A_308 : vector<16xi32>
    %swap3A_310 = arith.constant 1 : i32
    %swap3A_311 = arith.index_cast %swap3A_310 : i32 to index
    %swap3A_312 = arith.constant 48 : index
    %swap3A_313 = tpu.vector_load %arg7[%swap3A_311, %swap3A_312] {strides = array<i32>} : memref<2x128xi32, #tpu.memory_space<vmem>>, vector<1x16xi32>,
    %swap3A_314 = vector.shape_cast %swap3A_313 : vector<1x16xi32> to vector<16xi32>
    %swap3A_315 = vector.shape_cast %shift_right_logical3A_309 : vector<16xi32> to vector<1x16xi32>
    tpu.vector_store %arg7[%swap3A_311, %swap3A_312], %swap3A_315 {strides = array<i32>} : memref<2x128xi32, #tpu.memory_space<vmem>>, vector<1x16xi32>,
    %get3A_316 = arith.constant 1 : i32
    %get3A_317 = arith.index_cast %get3A_316 : i32 to index
    %get3A_318 = arith.constant 64 : index
    %get3A_319 = tpu.vector_load %arg5[%get3A_317, %get3A_318] {strides = array<i32>} : memref<80x128xi32, #tpu.memory_space<vmem>>, vector<1x16xi32>,
    %get3A_320 = vector.shape_cast %get3A_319 : vector<1x16xi32> to vector<16xi32>
    %and3A_321 = arith.constant 16383 : i32
    %and3A_322 = vector.broadcast %and3A_321 : i32 to vector<16xi32>
    %and3A_323 = arith.andi %get3A_320, %and3A_322 : vector<16xi32>
    %swap3A_324 = arith.constant 1 : i32
    %swap3A_325 = arith.index_cast %swap3A_324 : i32 to index
    %swap3A_326 = arith.constant 64 : index
    %swap3A_327 = tpu.vector_load %arg6[%swap3A_325, %swap3A_326] {strides = array<i32>} : memref<2x128xi32, #tpu.memory_space<vmem>>, vector<1x16xi32>,
    %swap3A_328 = vector.shape_cast %swap3A_327 : vector<1x16xi32> to vector<16xi32>
    %swap3A_329 = vector.shape_cast %and3A_323 : vector<16xi32> to vector<1x16xi32>
    tpu.vector_store %arg6[%swap3A_325, %swap3A_326], %swap3A_329 {strides = array<i32>} : memref<2x128xi32, #tpu.memory_space<vmem>>, vector<1x16xi32>,
    %shift_right_logical3A_330 = arith.constant 14 : i32
    %shift_right_logical3A_331 = vector.broadcast %shift_right_logical3A_330 : i32 to vector<16xi32>
    %shift_right_logical3A_332 = arith.shrui %get3A_320, %shift_right_logical3A_331 : vector<16xi32>
    %swap3A_333 = arith.constant 1 : i32
    %swap3A_334 = arith.index_cast %swap3A_333 : i32 to index
    %swap3A_335 = arith.constant 64 : index
    %swap3A_336 = tpu.vector_load %arg7[%swap3A_334, %swap3A_335] {strides = array<i32>} : memref<2x128xi32, #tpu.memory_space<vmem>>, vector<1x16xi32>,
    %swap3A_337 = vector.shape_cast %swap3A_336 : vector<1x16xi32> to vector<16xi32>
    %swap3A_338 = vector.shape_cast %shift_right_logical3A_332 : vector<16xi32> to vector<1x16xi32>
    tpu.vector_store %arg7[%swap3A_334, %swap3A_335], %swap3A_338 {strides = array<i32>} : memref<2x128xi32, #tpu.memory_space<vmem>>, vector<1x16xi32>,
    %get3A_339 = arith.constant 1 : i32
    %get3A_340 = arith.index_cast %get3A_339 : i32 to index
    %get3A_341 = arith.constant 80 : index
    %get3A_342 = tpu.vector_load %arg5[%get3A_340, %get3A_341] {strides = array<i32>} : memref<80x128xi32, #tpu.memory_space<vmem>>, vector<1x16xi32>,
    %get3A_343 = vector.shape_cast %get3A_342 : vector<1x16xi32> to vector<16xi32>
    %and3A_344 = arith.constant 16383 : i32
    %and3A_345 = vector.broadcast %and3A_344 : i32 to vector<16xi32>
    %and3A_346 = arith.andi %get3A_343, %and3A_345 : vector<16xi32>
    %swap3A_347 = arith.constant 1 : i32
    %swap3A_348 = arith.index_cast %swap3A_347 : i32 to index
    %swap3A_349 = arith.constant 80 : index
    %swap3A_350 = tpu.vector_load %arg6[%swap3A_348, %swap3A_349] {strides = array<i32>} : memref<2x128xi32, #tpu.memory_space<vmem>>, vector<1x16xi32>,
    %swap3A_351 = vector.shape_cast %swap3A_350 : vector<1x16xi32> to vector<16xi32>
    %swap3A_352 = vector.shape_cast %and3A_346 : vector<16xi32> to vector<1x16xi32>
    tpu.vector_store %arg6[%swap3A_348, %swap3A_349], %swap3A_352 {strides = array<i32>} : memref<2x128xi32, #tpu.memory_space<vmem>>, vector<1x16xi32>,
    %shift_right_logical3A_353 = arith.constant 14 : i32
    %shift_right_logical3A_354 = vector.broadcast %shift_right_logical3A_353 : i32 to vector<16xi32>
    %shift_right_logical3A_355 = arith.shrui %get3A_343, %shift_right_logical3A_354 : vector<16xi32>
    %swap3A_356 = arith.constant 1 : i32
    %swap3A_357 = arith.index_cast %swap3A_356 : i32 to index
    %swap3A_358 = arith.constant 80 : index
    %swap3A_359 = tpu.vector_load %arg7[%swap3A_357, %swap3A_358] {strides = array<i32>} : memref<2x128xi32, #tpu.memory_space<vmem>>, vector<1x16xi32>,
    %swap3A_360 = vector.shape_cast %swap3A_359 : vector<1x16xi32> to vector<16xi32>
    %swap3A_361 = vector.shape_cast %shift_right_logical3A_355 : vector<16xi32> to vector<1x16xi32>
    tpu.vector_store %arg7[%swap3A_357, %swap3A_358], %swap3A_361 {strides = array<i32>} : memref<2x128xi32, #tpu.memory_space<vmem>>, vector<1x16xi32>,
    %get3A_362 = arith.constant 1 : i32
    %get3A_363 = arith.index_cast %get3A_362 : i32 to index
    %get3A_364 = arith.constant 96 : index
    %get3A_365 = tpu.vector_load %arg5[%get3A_363, %get3A_364] {strides = array<i32>} : memref<80x128xi32, #tpu.memory_space<vmem>>, vector<1x16xi32>,
    %get3A_366 = vector.shape_cast %get3A_365 : vector<1x16xi32> to vector<16xi32>
    %and3A_367 = arith.constant 16383 : i32
    %and3A_368 = vector.broadcast %and3A_367 : i32 to vector<16xi32>
    %and3A_369 = arith.andi %get3A_366, %and3A_368 : vector<16xi32>
    %swap3A_370 = arith.constant 1 : i32
    %swap3A_371 = arith.index_cast %swap3A_370 : i32 to index
    %swap3A_372 = arith.constant 96 : index
    %swap3A_373 = tpu.vector_load %arg6[%swap3A_371, %swap3A_372] {strides = array<i32>} : memref<2x128xi32, #tpu.memory_space<vmem>>, vector<1x16xi32>,
    %swap3A_374 = vector.shape_cast %swap3A_373 : vector<1x16xi32> to vector<16xi32>
    %swap3A_375 = vector.shape_cast %and3A_369 : vector<16xi32> to vector<1x16xi32>
    tpu.vector_store %arg6[%swap3A_371, %swap3A_372], %swap3A_375 {strides = array<i32>} : memref<2x128xi32, #tpu.memory_space<vmem>>, vector<1x16xi32>,
    %shift_right_logical3A_376 = arith.constant 14 : i32
    %shift_right_logical3A_377 = vector.broadcast %shift_right_logical3A_376 : i32 to vector<16xi32>
    %shift_right_logical3A_378 = arith.shrui %get3A_366, %shift_right_logical3A_377 : vector<16xi32>
    %swap3A_379 = arith.constant 1 : i32
    %swap3A_380 = arith.index_cast %swap3A_379 : i32 to index
    %swap3A_381 = arith.constant 96 : index
    %swap3A_382 = tpu.vector_load %arg7[%swap3A_380, %swap3A_381] {strides = array<i32>} : memref<2x128xi32, #tpu.memory_space<vmem>>, vector<1x16xi32>,
    %swap3A_383 = vector.shape_cast %swap3A_382 : vector<1x16xi32> to vector<16xi32>
    %swap3A_384 = vector.shape_cast %shift_right_logical3A_378 : vector<16xi32> to vector<1x16xi32>
    tpu.vector_store %arg7[%swap3A_380, %swap3A_381], %swap3A_384 {strides = array<i32>} : memref<2x128xi32, #tpu.memory_space<vmem>>, vector<1x16xi32>,
    %get3A_385 = arith.constant 1 : i32
    %get3A_386 = arith.index_cast %get3A_385 : i32 to index
    %get3A_387 = arith.constant 112 : index
    %get3A_388 = tpu.vector_load %arg5[%get3A_386, %get3A_387] {strides = array<i32>} : memref<80x128xi32, #tpu.memory_space<vmem>>, vector<1x16xi32>,
    %get3A_389 = vector.shape_cast %get3A_388 : vector<1x16xi32> to vector<16xi32>
    %and3A_390 = arith.constant 16383 : i32
    %and3A_391 = vector.broadcast %and3A_390 : i32 to vector<16xi32>
    %and3A_392 = arith.andi %get3A_389, %and3A_391 : vector<16xi32>
    %swap3A_393 = arith.constant 1 : i32
    %swap3A_394 = arith.index_cast %swap3A_393 : i32 to index
    %swap3A_395 = arith.constant 112 : index
    %swap3A_396 = tpu.vector_load %arg6[%swap3A_394, %swap3A_395] {strides = array<i32>} : memref<2x128xi32, #tpu.memory_space<vmem>>, vector<1x16xi32>,
    %swap3A_397 = vector.shape_cast %swap3A_396 : vector<1x16xi32> to vector<16xi32>
    %swap3A_398 = vector.shape_cast %and3A_392 : vector<16xi32> to vector<1x16xi32>
    tpu.vector_store %arg6[%swap3A_394, %swap3A_395], %swap3A_398 {strides = array<i32>} : memref<2x128xi32, #tpu.memory_space<vmem>>, vector<1x16xi32>,
    %shift_right_logical3A_399 = arith.constant 14 : i32
    %shift_right_logical3A_400 = vector.broadcast %shift_right_logical3A_399 : i32 to vector<16xi32>
    %shift_right_logical3A_401 = arith.shrui %get3A_389, %shift_right_logical3A_400 : vector<16xi32>
    %swap3A_402 = arith.constant 1 : i32
    %swap3A_403 = arith.index_cast %swap3A_402 : i32 to index
    %swap3A_404 = arith.constant 112 : index
    %swap3A_405 = tpu.vector_load %arg7[%swap3A_403, %swap3A_404] {strides = array<i32>} : memref<2x128xi32, #tpu.memory_space<vmem>>, vector<1x16xi32>,
    %swap3A_406 = vector.shape_cast %swap3A_405 : vector<1x16xi32> to vector<16xi32>
    %swap3A_407 = vector.shape_cast %shift_right_logical3A_401 : vector<16xi32> to vector<1x16xi32>
    tpu.vector_store %arg7[%swap3A_403, %swap3A_404], %swap3A_407 {strides = array<i32>} : memref<2x128xi32, #tpu.memory_space<vmem>>, vector<1x16xi32>,
    %dma_start3A_408 = arith.constant 1 : i32
    %dma_start3A_409 = arith.constant 1 : i32
    %dma_start3A_410 = arith.constant 0 : i32
    %dma_start3A_411 = arith.constant 0 : i32
    %dma_start3A_412 = tpu.memref_slice %arg8[%dma_start3A_409, %dma_start3A_410, %dma_start3A_411] : memref<2x128x128xf32, #tpu.memory_space<vmem>> -> memref<1x128x128xf32, #tpu.memory_space<vmem>>
    %dma_start3A_413 = tpu.memref_squeeze %dma_start3A_412 : memref<1x128x128xf32, #tpu.memory_space<vmem>> -> memref<128x128xf32, #tpu.memory_space<vmem>>
    %dma_start3A_414 = arith.constant 0 : i32
    %dma_start3A_415 = tpu.memref_slice %arg6[%dma_start3A_408, %dma_start3A_414] : memref<2x128xi32, #tpu.memory_space<vmem>> -> memref<1x128xi32, #tpu.memory_space<vmem>>
    %dma_start3A_416 = tpu.memref_squeeze %dma_start3A_415 : memref<1x128xi32, #tpu.memory_space<vmem>> -> memref<128xi32, #tpu.memory_space<vmem>>
    %dma_start3A_417 = arith.constant 0 : i32
    %dma_start3A_418 = arith.constant 0 : i32
    %dma_start3A_419 = tpu.memref_slice %arg2[%dma_start3A_417, %dma_start3A_418] : memref<10000x128xf32, #tpu.memory_space<hbm>> -> memref<10000x128xf32, #tpu.memory_space<hbm>>
    tpu.enqueue_indirect_dma source(%dma_start3A_419 : memref<10000x128xf32, #tpu.memory_space<hbm>>) target(%dma_start3A_413 : memref<128x128xf32, #tpu.memory_space<vmem>>) offsets(%dma_start3A_416 : memref<128xi32, #tpu.memory_space<vmem>>) semaphore(%arg11 : memref<!tpu.dma_semaphore, #tpu.memory_space<semaphore_mem>>)
    %scan3A_420 = arith.constant 0 : i32
    %scan3A_421 = arith.constant 0 : i32
    %scan3A_422 = arith.constant 40 : i32
    %scan3A_423 = arith.addi %scan3A_421, %scan3A_422 : i32
    %scan3A_424 = arith.constant 1 : i32
    scf.for %scan3A_431 = %scan3A_421 to %scan3A_423 step %scan3A_424  : i32 {
      %mul3A_432 = arith.constant 2 : i32
      %mul3A_433 = arith.muli %scan3A_431, %mul3A_432 : i32
      %add3A_434 = arith.constant 0 : i32
      %add3A_435 = arith.addi %mul3A_433, %add3A_434 : i32
      %dma_wait3A = arith.constant 0 : i32
      %dma_wait3A_436 = arith.constant 0 : i32
      %dma_wait3A_437 = arith.constant 0 : i32
      %dma_wait3A_438 = arith.constant 0 : i32
      %dma_wait3A_439 = tpu.memref_slice %arg8[%dma_wait3A_436, %dma_wait3A_437, %dma_wait3A_438] : memref<2x128x128xf32, #tpu.memory_space<vmem>> -> memref<1x128x128xf32, #tpu.memory_space<vmem>>
      %dma_wait3A_440 = tpu.memref_squeeze %dma_wait3A_439 : memref<1x128x128xf32, #tpu.memory_space<vmem>> -> memref<128x128xf32, #tpu.memory_space<vmem>>
      %dma_wait3A_441 = arith.constant 0 : i32
      %dma_wait3A_442 = tpu.memref_slice %arg6[%dma_wait3A, %dma_wait3A_441] : memref<2x128xi32, #tpu.memory_space<vmem>> -> memref<1x128xi32, #tpu.memory_space<vmem>>
      %dma_wait3A_443 = tpu.memref_squeeze %dma_wait3A_442 : memref<1x128xi32, #tpu.memory_space<vmem>> -> memref<128xi32, #tpu.memory_space<vmem>>
      %dma_wait3A_444 = arith.constant 0 : i32
      %dma_wait3A_445 = arith.constant 0 : i32
      %dma_wait3A_446 = tpu.memref_slice %arg2[%dma_wait3A_444, %dma_wait3A_445] : memref<10000x128xf32, #tpu.memory_space<hbm>> -> memref<10000x128xf32, #tpu.memory_space<hbm>>
      tpu.wait_indirect_dma semaphore(%arg10 : memref<!tpu.dma_semaphore, #tpu.memory_space<semaphore_mem>>) src(%dma_wait3A_446 : memref<10000x128xf32, #tpu.memory_space<hbm>>) dst(%dma_wait3A_440 : memref<128x128xf32, #tpu.memory_space<vmem>>)
      %run_scoped3A_447 = arith.constant 0 : i32
      %run_scoped3A_448 = arith.constant 0 : i32
      "tpu.region"() ({
        %run_scoped3A_478 = tpu.sem_alloc : memref<!tpu.dma_semaphore, #tpu.memory_space<semaphore_mem>>
        %dma_start3A_479 = arith.constant 0 : i32
        %dma_start3A_480 = arith.constant 0 : i32
        %dma_start3A_481 = tpu.memref_slice %arg8[%run_scoped3A_447, %dma_start3A_479, %dma_start3A_480] : memref<2x128x128xf32, #tpu.memory_space<vmem>> -> memref<1x128x128xf32, #tpu.memory_space<vmem>>
        %dma_start3A_482 = tpu.memref_squeeze %dma_start3A_481 : memref<1x128x128xf32, #tpu.memory_space<vmem>> -> memref<128x128xf32, #tpu.memory_space<vmem>>
        %dma_start3A_483 = arith.constant 0 : i32
        %dma_start3A_484 = tpu.memref_slice %arg7[%run_scoped3A_448, %dma_start3A_483] : memref<2x128xi32, #tpu.memory_space<vmem>> -> memref<1x128xi32, #tpu.memory_space<vmem>>
        %dma_start3A_485 = tpu.memref_squeeze %dma_start3A_484 : memref<1x128xi32, #tpu.memory_space<vmem>> -> memref<128xi32, #tpu.memory_space<vmem>>
        %dma_start3A_486 = arith.constant 0 : i32
        %dma_start3A_487 = arith.constant 0 : i32
        %dma_start3A_488 = tpu.memref_slice %arg9[%dma_start3A_486, %dma_start3A_487] : memref<10240x128xf32, #tpu.memory_space<vmem_shared>> -> memref<10240x128xf32, #tpu.memory_space<vmem_shared>>
        tpu.enqueue_indirect_dma source(%dma_start3A_482 : memref<128x128xf32, #tpu.memory_space<vmem>>) target(%dma_start3A_488 : memref<10240x128xf32, #tpu.memory_space<vmem_shared>>) offsets(%dma_start3A_485 : memref<128xi32, #tpu.memory_space<vmem>>) semaphore(%run_scoped3A_478 : memref<!tpu.dma_semaphore, #tpu.memory_space<semaphore_mem>>) {add = true}
        %dma_wait3A_489 = arith.constant 0 : i32
        %dma_wait3A_490 = arith.constant 0 : i32
        %dma_wait3A_491 = tpu.memref_slice %arg8[%run_scoped3A_447, %dma_wait3A_489, %dma_wait3A_490] : memref<2x128x128xf32, #tpu.memory_space<vmem>> -> memref<1x128x128xf32, #tpu.memory_space<vmem>>
        %dma_wait3A_492 = tpu.memref_squeeze %dma_wait3A_491 : memref<1x128x128xf32, #tpu.memory_space<vmem>> -> memref<128x128xf32, #tpu.memory_space<vmem>>
        %dma_wait3A_493 = arith.constant 0 : i32
        %dma_wait3A_494 = tpu.memref_slice %arg7[%run_scoped3A_448, %dma_wait3A_493] : memref<2x128xi32, #tpu.memory_space<vmem>> -> memref<1x128xi32, #tpu.memory_space<vmem>>
        %dma_wait3A_495 = tpu.memref_squeeze %dma_wait3A_494 : memref<1x128xi32, #tpu.memory_space<vmem>> -> memref<128xi32, #tpu.memory_space<vmem>>
        %dma_wait3A_496 = arith.constant 0 : i32
        %dma_wait3A_497 = arith.constant 0 : i32
        %dma_wait3A_498 = tpu.memref_slice %arg9[%dma_wait3A_496, %dma_wait3A_497] : memref<10240x128xf32, #tpu.memory_space<vmem_shared>> -> memref<10240x128xf32, #tpu.memory_space<vmem_shared>>
        tpu.wait_indirect_dma semaphore(%run_scoped3A_478 : memref<!tpu.dma_semaphore, #tpu.memory_space<semaphore_mem>>) src(%dma_wait3A_492 : memref<128x128xf32, #tpu.memory_space<vmem>>) dst(%dma_wait3A_498 : memref<10240x128xf32, #tpu.memory_space<vmem_shared>>)
        tpu.yield
      }) : () -> ()
      %add3A_449 = arith.constant 2 : i32
      %add3A_450 = arith.addi %add3A_435, %add3A_449 : i32
      %lt3A = arith.constant 80 : i32
      %lt3A_451 = arith.cmpi slt, %add3A_450, %lt3A : i32
      %convert_element_type3A = arith.extui %lt3A_451 : i1 to i32
      %cond3A = arith.constant 0 : i32
      %cond3A_452 = arith.cmpi ne, %convert_element_type3A, %cond3A : i32
      scf.if %cond3A_452 {
        %get3A_478 = arith.index_cast %add3A_450 : i32 to index
        %get3A_479 = arith.constant 0 : index
        %get3A_480 = tpu.vector_load %arg5[%get3A_478, %get3A_479] {strides = array<i32>} : memref<80x128xi32, #tpu.memory_space<vmem>>, vector<1x16xi32>,
        %get3A_481 = vector.shape_cast %get3A_480 : vector<1x16xi32> to vector<16xi32>
        %and3A_482 = arith.constant 16383 : i32
        %and3A_483 = vector.broadcast %and3A_482 : i32 to vector<16xi32>
        %and3A_484 = arith.andi %get3A_481, %and3A_483 : vector<16xi32>
        %swap3A_485 = arith.constant 0 : i32
        %swap3A_486 = arith.index_cast %swap3A_485 : i32 to index
        %swap3A_487 = arith.constant 0 : index
        %swap3A_488 = tpu.vector_load %arg6[%swap3A_486, %swap3A_487] {strides = array<i32>} : memref<2x128xi32, #tpu.memory_space<vmem>>, vector<1x16xi32>,
        %swap3A_489 = vector.shape_cast %swap3A_488 : vector<1x16xi32> to vector<16xi32>
        %swap3A_490 = vector.shape_cast %and3A_484 : vector<16xi32> to vector<1x16xi32>
        tpu.vector_store %arg6[%swap3A_486, %swap3A_487], %swap3A_490 {strides = array<i32>} : memref<2x128xi32, #tpu.memory_space<vmem>>, vector<1x16xi32>,
        %shift_right_logical3A_491 = arith.constant 14 : i32
        %shift_right_logical3A_492 = vector.broadcast %shift_right_logical3A_491 : i32 to vector<16xi32>
        %shift_right_logical3A_493 = arith.shrui %get3A_481, %shift_right_logical3A_492 : vector<16xi32>
        %swap3A_494 = arith.constant 0 : i32
        %swap3A_495 = arith.index_cast %swap3A_494 : i32 to index
        %swap3A_496 = arith.constant 0 : index
        %swap3A_497 = tpu.vector_load %arg7[%swap3A_495, %swap3A_496] {strides = array<i32>} : memref<2x128xi32, #tpu.memory_space<vmem>>, vector<1x16xi32>,
        %swap3A_498 = vector.shape_cast %swap3A_497 : vector<1x16xi32> to vector<16xi32>
        %swap3A_499 = vector.shape_cast %shift_right_logical3A_493 : vector<16xi32> to vector<1x16xi32>
        tpu.vector_store %arg7[%swap3A_495, %swap3A_496], %swap3A_499 {strides = array<i32>} : memref<2x128xi32, #tpu.memory_space<vmem>>, vector<1x16xi32>,
        %get3A_500 = arith.index_cast %add3A_450 : i32 to index
        %get3A_501 = arith.constant 16 : index
        %get3A_502 = tpu.vector_load %arg5[%get3A_500, %get3A_501] {strides = array<i32>} : memref<80x128xi32, #tpu.memory_space<vmem>>, vector<1x16xi32>,
        %get3A_503 = vector.shape_cast %get3A_502 : vector<1x16xi32> to vector<16xi32>
        %and3A_504 = arith.constant 16383 : i32
        %and3A_505 = vector.broadcast %and3A_504 : i32 to vector<16xi32>
        %and3A_506 = arith.andi %get3A_503, %and3A_505 : vector<16xi32>
        %swap3A_507 = arith.constant 0 : i32
        %swap3A_508 = arith.index_cast %swap3A_507 : i32 to index
        %swap3A_509 = arith.constant 16 : index
        %swap3A_510 = tpu.vector_load %arg6[%swap3A_508, %swap3A_509] {strides = array<i32>} : memref<2x128xi32, #tpu.memory_space<vmem>>, vector<1x16xi32>,
        %swap3A_511 = vector.shape_cast %swap3A_510 : vector<1x16xi32> to vector<16xi32>
        %swap3A_512 = vector.shape_cast %and3A_506 : vector<16xi32> to vector<1x16xi32>
        tpu.vector_store %arg6[%swap3A_508, %swap3A_509], %swap3A_512 {strides = array<i32>} : memref<2x128xi32, #tpu.memory_space<vmem>>, vector<1x16xi32>,
        %shift_right_logical3A_513 = arith.constant 14 : i32
        %shift_right_logical3A_514 = vector.broadcast %shift_right_logical3A_513 : i32 to vector<16xi32>
        %shift_right_logical3A_515 = arith.shrui %get3A_503, %shift_right_logical3A_514 : vector<16xi32>
        %swap3A_516 = arith.constant 0 : i32
        %swap3A_517 = arith.index_cast %swap3A_516 : i32 to index
        %swap3A_518 = arith.constant 16 : index
        %swap3A_519 = tpu.vector_load %arg7[%swap3A_517, %swap3A_518] {strides = array<i32>} : memref<2x128xi32, #tpu.memory_space<vmem>>, vector<1x16xi32>,
        %swap3A_520 = vector.shape_cast %swap3A_519 : vector<1x16xi32> to vector<16xi32>
        %swap3A_521 = vector.shape_cast %shift_right_logical3A_515 : vector<16xi32> to vector<1x16xi32>
        tpu.vector_store %arg7[%swap3A_517, %swap3A_518], %swap3A_521 {strides = array<i32>} : memref<2x128xi32, #tpu.memory_space<vmem>>, vector<1x16xi32>,
        %get3A_522 = arith.index_cast %add3A_450 : i32 to index
        %get3A_523 = arith.constant 32 : index
        %get3A_524 = tpu.vector_load %arg5[%get3A_522, %get3A_523] {strides = array<i32>} : memref<80x128xi32, #tpu.memory_space<vmem>>, vector<1x16xi32>,
        %get3A_525 = vector.shape_cast %get3A_524 : vector<1x16xi32> to vector<16xi32>
        %and3A_526 = arith.constant 16383 : i32
        %and3A_527 = vector.broadcast %and3A_526 : i32 to vector<16xi32>
        %and3A_528 = arith.andi %get3A_525, %and3A_527 : vector<16xi32>
        %swap3A_529 = arith.constant 0 : i32
        %swap3A_530 = arith.index_cast %swap3A_529 : i32 to index
        %swap3A_531 = arith.constant 32 : index
        %swap3A_532 = tpu.vector_load %arg6[%swap3A_530, %swap3A_531] {strides = array<i32>} : memref<2x128xi32, #tpu.memory_space<vmem>>, vector<1x16xi32>,
        %swap3A_533 = vector.shape_cast %swap3A_532 : vector<1x16xi32> to vector<16xi32>
        %swap3A_534 = vector.shape_cast %and3A_528 : vector<16xi32> to vector<1x16xi32>
        tpu.vector_store %arg6[%swap3A_530, %swap3A_531], %swap3A_534 {strides = array<i32>} : memref<2x128xi32, #tpu.memory_space<vmem>>, vector<1x16xi32>,
        %shift_right_logical3A_535 = arith.constant 14 : i32
        %shift_right_logical3A_536 = vector.broadcast %shift_right_logical3A_535 : i32 to vector<16xi32>
        %shift_right_logical3A_537 = arith.shrui %get3A_525, %shift_right_logical3A_536 : vector<16xi32>
        %swap3A_538 = arith.constant 0 : i32
        %swap3A_539 = arith.index_cast %swap3A_538 : i32 to index
        %swap3A_540 = arith.constant 32 : index
        %swap3A_541 = tpu.vector_load %arg7[%swap3A_539, %swap3A_540] {strides = array<i32>} : memref<2x128xi32, #tpu.memory_space<vmem>>, vector<1x16xi32>,
        %swap3A_542 = vector.shape_cast %swap3A_541 : vector<1x16xi32> to vector<16xi32>
        %swap3A_543 = vector.shape_cast %shift_right_logical3A_537 : vector<16xi32> to vector<1x16xi32>
        tpu.vector_store %arg7[%swap3A_539, %swap3A_540], %swap3A_543 {strides = array<i32>} : memref<2x128xi32, #tpu.memory_space<vmem>>, vector<1x16xi32>,
        %get3A_544 = arith.index_cast %add3A_450 : i32 to index
        %get3A_545 = arith.constant 48 : index
        %get3A_546 = tpu.vector_load %arg5[%get3A_544, %get3A_545] {strides = array<i32>} : memref<80x128xi32, #tpu.memory_space<vmem>>, vector<1x16xi32>,
        %get3A_547 = vector.shape_cast %get3A_546 : vector<1x16xi32> to vector<16xi32>
        %and3A_548 = arith.constant 16383 : i32
        %and3A_549 = vector.broadcast %and3A_548 : i32 to vector<16xi32>
        %and3A_550 = arith.andi %get3A_547, %and3A_549 : vector<16xi32>
        %swap3A_551 = arith.constant 0 : i32
        %swap3A_552 = arith.index_cast %swap3A_551 : i32 to index
        %swap3A_553 = arith.constant 48 : index
        %swap3A_554 = tpu.vector_load %arg6[%swap3A_552, %swap3A_553] {strides = array<i32>} : memref<2x128xi32, #tpu.memory_space<vmem>>, vector<1x16xi32>,
        %swap3A_555 = vector.shape_cast %swap3A_554 : vector<1x16xi32> to vector<16xi32>
        %swap3A_556 = vector.shape_cast %and3A_550 : vector<16xi32> to vector<1x16xi32>
        tpu.vector_store %arg6[%swap3A_552, %swap3A_553], %swap3A_556 {strides = array<i32>} : memref<2x128xi32, #tpu.memory_space<vmem>>, vector<1x16xi32>,
        %shift_right_logical3A_557 = arith.constant 14 : i32
        %shift_right_logical3A_558 = vector.broadcast %shift_right_logical3A_557 : i32 to vector<16xi32>
        %shift_right_logical3A_559 = arith.shrui %get3A_547, %shift_right_logical3A_558 : vector<16xi32>
        %swap3A_560 = arith.constant 0 : i32
        %swap3A_561 = arith.index_cast %swap3A_560 : i32 to index
        %swap3A_562 = arith.constant 48 : index
        %swap3A_563 = tpu.vector_load %arg7[%swap3A_561, %swap3A_562] {strides = array<i32>} : memref<2x128xi32, #tpu.memory_space<vmem>>, vector<1x16xi32>,
        %swap3A_564 = vector.shape_cast %swap3A_563 : vector<1x16xi32> to vector<16xi32>
        %swap3A_565 = vector.shape_cast %shift_right_logical3A_559 : vector<16xi32> to vector<1x16xi32>
        tpu.vector_store %arg7[%swap3A_561, %swap3A_562], %swap3A_565 {strides = array<i32>} : memref<2x128xi32, #tpu.memory_space<vmem>>, vector<1x16xi32>,
        %get3A_566 = arith.index_cast %add3A_450 : i32 to index
        %get3A_567 = arith.constant 64 : index
        %get3A_568 = tpu.vector_load %arg5[%get3A_566, %get3A_567] {strides = array<i32>} : memref<80x128xi32, #tpu.memory_space<vmem>>, vector<1x16xi32>,
        %get3A_569 = vector.shape_cast %get3A_568 : vector<1x16xi32> to vector<16xi32>
        %and3A_570 = arith.constant 16383 : i32
        %and3A_571 = vector.broadcast %and3A_570 : i32 to vector<16xi32>
        %and3A_572 = arith.andi %get3A_569, %and3A_571 : vector<16xi32>
        %swap3A_573 = arith.constant 0 : i32
        %swap3A_574 = arith.index_cast %swap3A_573 : i32 to index
        %swap3A_575 = arith.constant 64 : index
        %swap3A_576 = tpu.vector_load %arg6[%swap3A_574, %swap3A_575] {strides = array<i32>} : memref<2x128xi32, #tpu.memory_space<vmem>>, vector<1x16xi32>,
        %swap3A_577 = vector.shape_cast %swap3A_576 : vector<1x16xi32> to vector<16xi32>
        %swap3A_578 = vector.shape_cast %and3A_572 : vector<16xi32> to vector<1x16xi32>
        tpu.vector_store %arg6[%swap3A_574, %swap3A_575], %swap3A_578 {strides = array<i32>} : memref<2x128xi32, #tpu.memory_space<vmem>>, vector<1x16xi32>,
        %shift_right_logical3A_579 = arith.constant 14 : i32
        %shift_right_logical3A_580 = vector.broadcast %shift_right_logical3A_579 : i32 to vector<16xi32>
        %shift_right_logical3A_581 = arith.shrui %get3A_569, %shift_right_logical3A_580 : vector<16xi32>
        %swap3A_582 = arith.constant 0 : i32
        %swap3A_583 = arith.index_cast %swap3A_582 : i32 to index
        %swap3A_584 = arith.constant 64 : index
        %swap3A_585 = tpu.vector_load %arg7[%swap3A_583, %swap3A_584] {strides = array<i32>} : memref<2x128xi32, #tpu.memory_space<vmem>>, vector<1x16xi32>,
        %swap3A_586 = vector.shape_cast %swap3A_585 : vector<1x16xi32> to vector<16xi32>
        %swap3A_587 = vector.shape_cast %shift_right_logical3A_581 : vector<16xi32> to vector<1x16xi32>
        tpu.vector_store %arg7[%swap3A_583, %swap3A_584], %swap3A_587 {strides = array<i32>} : memref<2x128xi32, #tpu.memory_space<vmem>>, vector<1x16xi32>,
        %get3A_588 = arith.index_cast %add3A_450 : i32 to index
        %get3A_589 = arith.constant 80 : index
        %get3A_590 = tpu.vector_load %arg5[%get3A_588, %get3A_589] {strides = array<i32>} : memref<80x128xi32, #tpu.memory_space<vmem>>, vector<1x16xi32>,
        %get3A_591 = vector.shape_cast %get3A_590 : vector<1x16xi32> to vector<16xi32>
        %and3A_592 = arith.constant 16383 : i32
        %and3A_593 = vector.broadcast %and3A_592 : i32 to vector<16xi32>
        %and3A_594 = arith.andi %get3A_591, %and3A_593 : vector<16xi32>
        %swap3A_595 = arith.constant 0 : i32
        %swap3A_596 = arith.index_cast %swap3A_595 : i32 to index
        %swap3A_597 = arith.constant 80 : index
        %swap3A_598 = tpu.vector_load %arg6[%swap3A_596, %swap3A_597] {strides = array<i32>} : memref<2x128xi32, #tpu.memory_space<vmem>>, vector<1x16xi32>,
        %swap3A_599 = vector.shape_cast %swap3A_598 : vector<1x16xi32> to vector<16xi32>
        %swap3A_600 = vector.shape_cast %and3A_594 : vector<16xi32> to vector<1x16xi32>
        tpu.vector_store %arg6[%swap3A_596, %swap3A_597], %swap3A_600 {strides = array<i32>} : memref<2x128xi32, #tpu.memory_space<vmem>>, vector<1x16xi32>,
        %shift_right_logical3A_601 = arith.constant 14 : i32
        %shift_right_logical3A_602 = vector.broadcast %shift_right_logical3A_601 : i32 to vector<16xi32>
        %shift_right_logical3A_603 = arith.shrui %get3A_591, %shift_right_logical3A_602 : vector<16xi32>
        %swap3A_604 = arith.constant 0 : i32
        %swap3A_605 = arith.index_cast %swap3A_604 : i32 to index
        %swap3A_606 = arith.constant 80 : index
        %swap3A_607 = tpu.vector_load %arg7[%swap3A_605, %swap3A_606] {strides = array<i32>} : memref<2x128xi32, #tpu.memory_space<vmem>>, vector<1x16xi32>,
        %swap3A_608 = vector.shape_cast %swap3A_607 : vector<1x16xi32> to vector<16xi32>
        %swap3A_609 = vector.shape_cast %shift_right_logical3A_603 : vector<16xi32> to vector<1x16xi32>
        tpu.vector_store %arg7[%swap3A_605, %swap3A_606], %swap3A_609 {strides = array<i32>} : memref<2x128xi32, #tpu.memory_space<vmem>>, vector<1x16xi32>,
        %get3A_610 = arith.index_cast %add3A_450 : i32 to index
        %get3A_611 = arith.constant 96 : index
        %get3A_612 = tpu.vector_load %arg5[%get3A_610, %get3A_611] {strides = array<i32>} : memref<80x128xi32, #tpu.memory_space<vmem>>, vector<1x16xi32>,
        %get3A_613 = vector.shape_cast %get3A_612 : vector<1x16xi32> to vector<16xi32>
        %and3A_614 = arith.constant 16383 : i32
        %and3A_615 = vector.broadcast %and3A_614 : i32 to vector<16xi32>
        %and3A_616 = arith.andi %get3A_613, %and3A_615 : vector<16xi32>
        %swap3A_617 = arith.constant 0 : i32
        %swap3A_618 = arith.index_cast %swap3A_617 : i32 to index
        %swap3A_619 = arith.constant 96 : index
        %swap3A_620 = tpu.vector_load %arg6[%swap3A_618, %swap3A_619] {strides = array<i32>} : memref<2x128xi32, #tpu.memory_space<vmem>>, vector<1x16xi32>,
        %swap3A_621 = vector.shape_cast %swap3A_620 : vector<1x16xi32> to vector<16xi32>
        %swap3A_622 = vector.shape_cast %and3A_616 : vector<16xi32> to vector<1x16xi32>
        tpu.vector_store %arg6[%swap3A_618, %swap3A_619], %swap3A_622 {strides = array<i32>} : memref<2x128xi32, #tpu.memory_space<vmem>>, vector<1x16xi32>,
        %shift_right_logical3A_623 = arith.constant 14 : i32
        %shift_right_logical3A_624 = vector.broadcast %shift_right_logical3A_623 : i32 to vector<16xi32>
        %shift_right_logical3A_625 = arith.shrui %get3A_613, %shift_right_logical3A_624 : vector<16xi32>
        %swap3A_626 = arith.constant 0 : i32
        %swap3A_627 = arith.index_cast %swap3A_626 : i32 to index
        %swap3A_628 = arith.constant 96 : index
        %swap3A_629 = tpu.vector_load %arg7[%swap3A_627, %swap3A_628] {strides = array<i32>} : memref<2x128xi32, #tpu.memory_space<vmem>>, vector<1x16xi32>,
        %swap3A_630 = vector.shape_cast %swap3A_629 : vector<1x16xi32> to vector<16xi32>
        %swap3A_631 = vector.shape_cast %shift_right_logical3A_625 : vector<16xi32> to vector<1x16xi32>
        tpu.vector_store %arg7[%swap3A_627, %swap3A_628], %swap3A_631 {strides = array<i32>} : memref<2x128xi32, #tpu.memory_space<vmem>>, vector<1x16xi32>,
        %get3A_632 = arith.index_cast %add3A_450 : i32 to index
        %get3A_633 = arith.constant 112 : index
        %get3A_634 = tpu.vector_load %arg5[%get3A_632, %get3A_633] {strides = array<i32>} : memref<80x128xi32, #tpu.memory_space<vmem>>, vector<1x16xi32>,
        %get3A_635 = vector.shape_cast %get3A_634 : vector<1x16xi32> to vector<16xi32>
        %and3A_636 = arith.constant 16383 : i32
        %and3A_637 = vector.broadcast %and3A_636 : i32 to vector<16xi32>
        %and3A_638 = arith.andi %get3A_635, %and3A_637 : vector<16xi32>
        %swap3A_639 = arith.constant 0 : i32
        %swap3A_640 = arith.index_cast %swap3A_639 : i32 to index
        %swap3A_641 = arith.constant 112 : index
        %swap3A_642 = tpu.vector_load %arg6[%swap3A_640, %swap3A_641] {strides = array<i32>} : memref<2x128xi32, #tpu.memory_space<vmem>>, vector<1x16xi32>,
        %swap3A_643 = vector.shape_cast %swap3A_642 : vector<1x16xi32> to vector<16xi32>
        %swap3A_644 = vector.shape_cast %and3A_638 : vector<16xi32> to vector<1x16xi32>
        tpu.vector_store %arg6[%swap3A_640, %swap3A_641], %swap3A_644 {strides = array<i32>} : memref<2x128xi32, #tpu.memory_space<vmem>>, vector<1x16xi32>,
        %shift_right_logical3A_645 = arith.constant 14 : i32
        %shift_right_logical3A_646 = vector.broadcast %shift_right_logical3A_645 : i32 to vector<16xi32>
        %shift_right_logical3A_647 = arith.shrui %get3A_635, %shift_right_logical3A_646 : vector<16xi32>
        %swap3A_648 = arith.constant 0 : i32
        %swap3A_649 = arith.index_cast %swap3A_648 : i32 to index
        %swap3A_650 = arith.constant 112 : index
        %swap3A_651 = tpu.vector_load %arg7[%swap3A_649, %swap3A_650] {strides = array<i32>} : memref<2x128xi32, #tpu.memory_space<vmem>>, vector<1x16xi32>,
        %swap3A_652 = vector.shape_cast %swap3A_651 : vector<1x16xi32> to vector<16xi32>
        %swap3A_653 = vector.shape_cast %shift_right_logical3A_647 : vector<16xi32> to vector<1x16xi32>
        tpu.vector_store %arg7[%swap3A_649, %swap3A_650], %swap3A_653 {strides = array<i32>} : memref<2x128xi32, #tpu.memory_space<vmem>>, vector<1x16xi32>,
        %dma_start3A_654 = arith.constant 0 : i32
        %dma_start3A_655 = arith.constant 0 : i32
        %dma_start3A_656 = arith.constant 0 : i32
        %dma_start3A_657 = arith.constant 0 : i32
        %dma_start3A_658 = tpu.memref_slice %arg8[%dma_start3A_655, %dma_start3A_656, %dma_start3A_657] : memref<2x128x128xf32, #tpu.memory_space<vmem>> -> memref<1x128x128xf32, #tpu.memory_space<vmem>>
        %dma_start3A_659 = tpu.memref_squeeze %dma_start3A_658 : memref<1x128x128xf32, #tpu.memory_space<vmem>> -> memref<128x128xf32, #tpu.memory_space<vmem>>
        %dma_start3A_660 = arith.constant 0 : i32
        %dma_start3A_661 = tpu.memref_slice %arg6[%dma_start3A_654, %dma_start3A_660] : memref<2x128xi32, #tpu.memory_space<vmem>> -> memref<1x128xi32, #tpu.memory_space<vmem>>
        %dma_start3A_662 = tpu.memref_squeeze %dma_start3A_661 : memref<1x128xi32, #tpu.memory_space<vmem>> -> memref<128xi32, #tpu.memory_space<vmem>>
        %dma_start3A_663 = arith.constant 0 : i32
        %dma_start3A_664 = arith.constant 0 : i32
        %dma_start3A_665 = tpu.memref_slice %arg2[%dma_start3A_663, %dma_start3A_664] : memref<10000x128xf32, #tpu.memory_space<hbm>> -> memref<10000x128xf32, #tpu.memory_space<hbm>>
        tpu.enqueue_indirect_dma source(%dma_start3A_665 : memref<10000x128xf32, #tpu.memory_space<hbm>>) target(%dma_start3A_659 : memref<128x128xf32, #tpu.memory_space<vmem>>) offsets(%dma_start3A_662 : memref<128xi32, #tpu.memory_space<vmem>>) semaphore(%arg10 : memref<!tpu.dma_semaphore, #tpu.memory_space<semaphore_mem>>)
      } else {
      }
      %mul3A_453 = arith.constant 2 : i32
      %mul3A_454 = arith.muli %scan3A_431, %mul3A_453 : i32
      %add3A_455 = arith.constant 1 : i32
      %add3A_456 = arith.addi %mul3A_454, %add3A_455 : i32
      %dma_wait3A_457 = arith.constant 1 : i32
      %dma_wait3A_458 = arith.constant 1 : i32
      %dma_wait3A_459 = arith.constant 0 : i32
      %dma_wait3A_460 = arith.constant 0 : i32
      %dma_wait3A_461 = tpu.memref_slice %arg8[%dma_wait3A_458, %dma_wait3A_459, %dma_wait3A_460] : memref<2x128x128xf32, #tpu.memory_space<vmem>> -> memref<1x128x128xf32, #tpu.memory_space<vmem>>
      %dma_wait3A_462 = tpu.memref_squeeze %dma_wait3A_461 : memref<1x128x128xf32, #tpu.memory_space<vmem>> -> memref<128x128xf32, #tpu.memory_space<vmem>>
      %dma_wait3A_463 = arith.constant 0 : i32
      %dma_wait3A_464 = tpu.memref_slice %arg6[%dma_wait3A_457, %dma_wait3A_463] : memref<2x128xi32, #tpu.memory_space<vmem>> -> memref<1x128xi32, #tpu.memory_space<vmem>>
      %dma_wait3A_465 = tpu.memref_squeeze %dma_wait3A_464 : memref<1x128xi32, #tpu.memory_space<vmem>> -> memref<128xi32, #tpu.memory_space<vmem>>
      %dma_wait3A_466 = arith.constant 0 : i32
      %dma_wait3A_467 = arith.constant 0 : i32
      %dma_wait3A_468 = tpu.memref_slice %arg2[%dma_wait3A_466, %dma_wait3A_467] : memref<10000x128xf32, #tpu.memory_space<hbm>> -> memref<10000x128xf32, #tpu.memory_space<hbm>>
      tpu.wait_indirect_dma semaphore(%arg11 : memref<!tpu.dma_semaphore, #tpu.memory_space<semaphore_mem>>) src(%dma_wait3A_468 : memref<10000x128xf32, #tpu.memory_space<hbm>>) dst(%dma_wait3A_462 : memref<128x128xf32, #tpu.memory_space<vmem>>)
      %run_scoped3A_469 = arith.constant 1 : i32
      %run_scoped3A_470 = arith.constant 1 : i32
      "tpu.region"() ({
        %run_scoped3A_478 = tpu.sem_alloc : memref<!tpu.dma_semaphore, #tpu.memory_space<semaphore_mem>>
        %dma_start3A_479 = arith.constant 0 : i32
        %dma_start3A_480 = arith.constant 0 : i32
        %dma_start3A_481 = tpu.memref_slice %arg8[%run_scoped3A_469, %dma_start3A_479, %dma_start3A_480] : memref<2x128x128xf32, #tpu.memory_space<vmem>> -> memref<1x128x128xf32, #tpu.memory_space<vmem>>
        %dma_start3A_482 = tpu.memref_squeeze %dma_start3A_481 : memref<1x128x128xf32, #tpu.memory_space<vmem>> -> memref<128x128xf32, #tpu.memory_space<vmem>>
        %dma_start3A_483 = arith.constant 0 : i32
        %dma_start3A_484 = tpu.memref_slice %arg7[%run_scoped3A_470, %dma_start3A_483] : memref<2x128xi32, #tpu.memory_space<vmem>> -> memref<1x128xi32, #tpu.memory_space<vmem>>
        %dma_start3A_485 = tpu.memref_squeeze %dma_start3A_484 : memref<1x128xi32, #tpu.memory_space<vmem>> -> memref<128xi32, #tpu.memory_space<vmem>>
        %dma_start3A_486 = arith.constant 0 : i32
        %dma_start3A_487 = arith.constant 0 : i32
        %dma_start3A_488 = tpu.memref_slice %arg9[%dma_start3A_486, %dma_start3A_487] : memref<10240x128xf32, #tpu.memory_space<vmem_shared>> -> memref<10240x128xf32, #tpu.memory_space<vmem_shared>>
        tpu.enqueue_indirect_dma source(%dma_start3A_482 : memref<128x128xf32, #tpu.memory_space<vmem>>) target(%dma_start3A_488 : memref<10240x128xf32, #tpu.memory_space<vmem_shared>>) offsets(%dma_start3A_485 : memref<128xi32, #tpu.memory_space<vmem>>) semaphore(%run_scoped3A_478 : memref<!tpu.dma_semaphore, #tpu.memory_space<semaphore_mem>>) {add = true}
        %dma_wait3A_489 = arith.constant 0 : i32
        %dma_wait3A_490 = arith.constant 0 : i32
        %dma_wait3A_491 = tpu.memref_slice %arg8[%run_scoped3A_469, %dma_wait3A_489, %dma_wait3A_490] : memref<2x128x128xf32, #tpu.memory_space<vmem>> -> memref<1x128x128xf32, #tpu.memory_space<vmem>>
        %dma_wait3A_492 = tpu.memref_squeeze %dma_wait3A_491 : memref<1x128x128xf32, #tpu.memory_space<vmem>> -> memref<128x128xf32, #tpu.memory_space<vmem>>
        %dma_wait3A_493 = arith.constant 0 : i32
        %dma_wait3A_494 = tpu.memref_slice %arg7[%run_scoped3A_470, %dma_wait3A_493] : memref<2x128xi32, #tpu.memory_space<vmem>> -> memref<1x128xi32, #tpu.memory_space<vmem>>
        %dma_wait3A_495 = tpu.memref_squeeze %dma_wait3A_494 : memref<1x128xi32, #tpu.memory_space<vmem>> -> memref<128xi32, #tpu.memory_space<vmem>>
        %dma_wait3A_496 = arith.constant 0 : i32
        %dma_wait3A_497 = arith.constant 0 : i32
        %dma_wait3A_498 = tpu.memref_slice %arg9[%dma_wait3A_496, %dma_wait3A_497] : memref<10240x128xf32, #tpu.memory_space<vmem_shared>> -> memref<10240x128xf32, #tpu.memory_space<vmem_shared>>
        tpu.wait_indirect_dma semaphore(%run_scoped3A_478 : memref<!tpu.dma_semaphore, #tpu.memory_space<semaphore_mem>>) src(%dma_wait3A_492 : memref<128x128xf32, #tpu.memory_space<vmem>>) dst(%dma_wait3A_498 : memref<10240x128xf32, #tpu.memory_space<vmem_shared>>)
        tpu.yield
      }) : () -> ()
      %add3A_471 = arith.constant 2 : i32
      %add3A_472 = arith.addi %add3A_456, %add3A_471 : i32
      %lt3A_473 = arith.constant 80 : i32
      %lt3A_474 = arith.cmpi slt, %add3A_472, %lt3A_473 : i32
      %convert_element_type3A_475 = arith.extui %lt3A_474 : i1 to i32
      %cond3A_476 = arith.constant 0 : i32
      %cond3A_477 = arith.cmpi ne, %convert_element_type3A_475, %cond3A_476 : i32
      scf.if %cond3A_477 {
        %get3A_478 = arith.index_cast %add3A_472 : i32 to index
        %get3A_479 = arith.constant 0 : index
        %get3A_480 = tpu.vector_load %arg5[%get3A_478, %get3A_479] {strides = array<i32>} : memref<80x128xi32, #tpu.memory_space<vmem>>, vector<1x16xi32>,
        %get3A_481 = vector.shape_cast %get3A_480 : vector<1x16xi32> to vector<16xi32>
        %and3A_482 = arith.constant 16383 : i32
        %and3A_483 = vector.broadcast %and3A_482 : i32 to vector<16xi32>
        %and3A_484 = arith.andi %get3A_481, %and3A_483 : vector<16xi32>
        %swap3A_485 = arith.constant 1 : i32
        %swap3A_486 = arith.index_cast %swap3A_485 : i32 to index
        %swap3A_487 = arith.constant 0 : index
        %swap3A_488 = tpu.vector_load %arg6[%swap3A_486, %swap3A_487] {strides = array<i32>} : memref<2x128xi32, #tpu.memory_space<vmem>>, vector<1x16xi32>,
        %swap3A_489 = vector.shape_cast %swap3A_488 : vector<1x16xi32> to vector<16xi32>
        %swap3A_490 = vector.shape_cast %and3A_484 : vector<16xi32> to vector<1x16xi32>
        tpu.vector_store %arg6[%swap3A_486, %swap3A_487], %swap3A_490 {strides = array<i32>} : memref<2x128xi32, #tpu.memory_space<vmem>>, vector<1x16xi32>,
        %shift_right_logical3A_491 = arith.constant 14 : i32
        %shift_right_logical3A_492 = vector.broadcast %shift_right_logical3A_491 : i32 to vector<16xi32>
        %shift_right_logical3A_493 = arith.shrui %get3A_481, %shift_right_logical3A_492 : vector<16xi32>
        %swap3A_494 = arith.constant 1 : i32
        %swap3A_495 = arith.index_cast %swap3A_494 : i32 to index
        %swap3A_496 = arith.constant 0 : index
        %swap3A_497 = tpu.vector_load %arg7[%swap3A_495, %swap3A_496] {strides = array<i32>} : memref<2x128xi32, #tpu.memory_space<vmem>>, vector<1x16xi32>,
        %swap3A_498 = vector.shape_cast %swap3A_497 : vector<1x16xi32> to vector<16xi32>
        %swap3A_499 = vector.shape_cast %shift_right_logical3A_493 : vector<16xi32> to vector<1x16xi32>
        tpu.vector_store %arg7[%swap3A_495, %swap3A_496], %swap3A_499 {strides = array<i32>} : memref<2x128xi32, #tpu.memory_space<vmem>>, vector<1x16xi32>,
        %get3A_500 = arith.index_cast %add3A_472 : i32 to index
        %get3A_501 = arith.constant 16 : index
        %get3A_502 = tpu.vector_load %arg5[%get3A_500, %get3A_501] {strides = array<i32>} : memref<80x128xi32, #tpu.memory_space<vmem>>, vector<1x16xi32>,
        %get3A_503 = vector.shape_cast %get3A_502 : vector<1x16xi32> to vector<16xi32>
        %and3A_504 = arith.constant 16383 : i32
        %and3A_505 = vector.broadcast %and3A_504 : i32 to vector<16xi32>
        %and3A_506 = arith.andi %get3A_503, %and3A_505 : vector<16xi32>
        %swap3A_507 = arith.constant 1 : i32
        %swap3A_508 = arith.index_cast %swap3A_507 : i32 to index
        %swap3A_509 = arith.constant 16 : index
        %swap3A_510 = tpu.vector_load %arg6[%swap3A_508, %swap3A_509] {strides = array<i32>} : memref<2x128xi32, #tpu.memory_space<vmem>>, vector<1x16xi32>,
        %swap3A_511 = vector.shape_cast %swap3A_510 : vector<1x16xi32> to vector<16xi32>
        %swap3A_512 = vector.shape_cast %and3A_506 : vector<16xi32> to vector<1x16xi32>
        tpu.vector_store %arg6[%swap3A_508, %swap3A_509], %swap3A_512 {strides = array<i32>} : memref<2x128xi32, #tpu.memory_space<vmem>>, vector<1x16xi32>,
        %shift_right_logical3A_513 = arith.constant 14 : i32
        %shift_right_logical3A_514 = vector.broadcast %shift_right_logical3A_513 : i32 to vector<16xi32>
        %shift_right_logical3A_515 = arith.shrui %get3A_503, %shift_right_logical3A_514 : vector<16xi32>
        %swap3A_516 = arith.constant 1 : i32
        %swap3A_517 = arith.index_cast %swap3A_516 : i32 to index
        %swap3A_518 = arith.constant 16 : index
        %swap3A_519 = tpu.vector_load %arg7[%swap3A_517, %swap3A_518] {strides = array<i32>} : memref<2x128xi32, #tpu.memory_space<vmem>>, vector<1x16xi32>,
        %swap3A_520 = vector.shape_cast %swap3A_519 : vector<1x16xi32> to vector<16xi32>
        %swap3A_521 = vector.shape_cast %shift_right_logical3A_515 : vector<16xi32> to vector<1x16xi32>
        tpu.vector_store %arg7[%swap3A_517, %swap3A_518], %swap3A_521 {strides = array<i32>} : memref<2x128xi32, #tpu.memory_space<vmem>>, vector<1x16xi32>,
        %get3A_522 = arith.index_cast %add3A_472 : i32 to index
        %get3A_523 = arith.constant 32 : index
        %get3A_524 = tpu.vector_load %arg5[%get3A_522, %get3A_523] {strides = array<i32>} : memref<80x128xi32, #tpu.memory_space<vmem>>, vector<1x16xi32>,
        %get3A_525 = vector.shape_cast %get3A_524 : vector<1x16xi32> to vector<16xi32>
        %and3A_526 = arith.constant 16383 : i32
        %and3A_527 = vector.broadcast %and3A_526 : i32 to vector<16xi32>
        %and3A_528 = arith.andi %get3A_525, %and3A_527 : vector<16xi32>
        %swap3A_529 = arith.constant 1 : i32
        %swap3A_530 = arith.index_cast %swap3A_529 : i32 to index
        %swap3A_531 = arith.constant 32 : index
        %swap3A_532 = tpu.vector_load %arg6[%swap3A_530, %swap3A_531] {strides = array<i32>} : memref<2x128xi32, #tpu.memory_space<vmem>>, vector<1x16xi32>,
        %swap3A_533 = vector.shape_cast %swap3A_532 : vector<1x16xi32> to vector<16xi32>
        %swap3A_534 = vector.shape_cast %and3A_528 : vector<16xi32> to vector<1x16xi32>
        tpu.vector_store %arg6[%swap3A_530, %swap3A_531], %swap3A_534 {strides = array<i32>} : memref<2x128xi32, #tpu.memory_space<vmem>>, vector<1x16xi32>,
        %shift_right_logical3A_535 = arith.constant 14 : i32
        %shift_right_logical3A_536 = vector.broadcast %shift_right_logical3A_535 : i32 to vector<16xi32>
        %shift_right_logical3A_537 = arith.shrui %get3A_525, %shift_right_logical3A_536 : vector<16xi32>
        %swap3A_538 = arith.constant 1 : i32
        %swap3A_539 = arith.index_cast %swap3A_538 : i32 to index
        %swap3A_540 = arith.constant 32 : index
        %swap3A_541 = tpu.vector_load %arg7[%swap3A_539, %swap3A_540] {strides = array<i32>} : memref<2x128xi32, #tpu.memory_space<vmem>>, vector<1x16xi32>,
        %swap3A_542 = vector.shape_cast %swap3A_541 : vector<1x16xi32> to vector<16xi32>
        %swap3A_543 = vector.shape_cast %shift_right_logical3A_537 : vector<16xi32> to vector<1x16xi32>
        tpu.vector_store %arg7[%swap3A_539, %swap3A_540], %swap3A_543 {strides = array<i32>} : memref<2x128xi32, #tpu.memory_space<vmem>>, vector<1x16xi32>,
        %get3A_544 = arith.index_cast %add3A_472 : i32 to index
        %get3A_545 = arith.constant 48 : index
        %get3A_546 = tpu.vector_load %arg5[%get3A_544, %get3A_545] {strides = array<i32>} : memref<80x128xi32, #tpu.memory_space<vmem>>, vector<1x16xi32>,
        %get3A_547 = vector.shape_cast %get3A_546 : vector<1x16xi32> to vector<16xi32>
        %and3A_548 = arith.constant 16383 : i32
        %and3A_549 = vector.broadcast %and3A_548 : i32 to vector<16xi32>
        %and3A_550 = arith.andi %get3A_547, %and3A_549 : vector<16xi32>
        %swap3A_551 = arith.constant 1 : i32
        %swap3A_552 = arith.index_cast %swap3A_551 : i32 to index
        %swap3A_553 = arith.constant 48 : index
        %swap3A_554 = tpu.vector_load %arg6[%swap3A_552, %swap3A_553] {strides = array<i32>} : memref<2x128xi32, #tpu.memory_space<vmem>>, vector<1x16xi32>,
        %swap3A_555 = vector.shape_cast %swap3A_554 : vector<1x16xi32> to vector<16xi32>
        %swap3A_556 = vector.shape_cast %and3A_550 : vector<16xi32> to vector<1x16xi32>
        tpu.vector_store %arg6[%swap3A_552, %swap3A_553], %swap3A_556 {strides = array<i32>} : memref<2x128xi32, #tpu.memory_space<vmem>>, vector<1x16xi32>,
        %shift_right_logical3A_557 = arith.constant 14 : i32
        %shift_right_logical3A_558 = vector.broadcast %shift_right_logical3A_557 : i32 to vector<16xi32>
        %shift_right_logical3A_559 = arith.shrui %get3A_547, %shift_right_logical3A_558 : vector<16xi32>
        %swap3A_560 = arith.constant 1 : i32
        %swap3A_561 = arith.index_cast %swap3A_560 : i32 to index
        %swap3A_562 = arith.constant 48 : index
        %swap3A_563 = tpu.vector_load %arg7[%swap3A_561, %swap3A_562] {strides = array<i32>} : memref<2x128xi32, #tpu.memory_space<vmem>>, vector<1x16xi32>,
        %swap3A_564 = vector.shape_cast %swap3A_563 : vector<1x16xi32> to vector<16xi32>
        %swap3A_565 = vector.shape_cast %shift_right_logical3A_559 : vector<16xi32> to vector<1x16xi32>
        tpu.vector_store %arg7[%swap3A_561, %swap3A_562], %swap3A_565 {strides = array<i32>} : memref<2x128xi32, #tpu.memory_space<vmem>>, vector<1x16xi32>,
        %get3A_566 = arith.index_cast %add3A_472 : i32 to index
        %get3A_567 = arith.constant 64 : index
        %get3A_568 = tpu.vector_load %arg5[%get3A_566, %get3A_567] {strides = array<i32>} : memref<80x128xi32, #tpu.memory_space<vmem>>, vector<1x16xi32>,
        %get3A_569 = vector.shape_cast %get3A_568 : vector<1x16xi32> to vector<16xi32>
        %and3A_570 = arith.constant 16383 : i32
        %and3A_571 = vector.broadcast %and3A_570 : i32 to vector<16xi32>
        %and3A_572 = arith.andi %get3A_569, %and3A_571 : vector<16xi32>
        %swap3A_573 = arith.constant 1 : i32
        %swap3A_574 = arith.index_cast %swap3A_573 : i32 to index
        %swap3A_575 = arith.constant 64 : index
        %swap3A_576 = tpu.vector_load %arg6[%swap3A_574, %swap3A_575] {strides = array<i32>} : memref<2x128xi32, #tpu.memory_space<vmem>>, vector<1x16xi32>,
        %swap3A_577 = vector.shape_cast %swap3A_576 : vector<1x16xi32> to vector<16xi32>
        %swap3A_578 = vector.shape_cast %and3A_572 : vector<16xi32> to vector<1x16xi32>
        tpu.vector_store %arg6[%swap3A_574, %swap3A_575], %swap3A_578 {strides = array<i32>} : memref<2x128xi32, #tpu.memory_space<vmem>>, vector<1x16xi32>,
        %shift_right_logical3A_579 = arith.constant 14 : i32
        %shift_right_logical3A_580 = vector.broadcast %shift_right_logical3A_579 : i32 to vector<16xi32>
        %shift_right_logical3A_581 = arith.shrui %get3A_569, %shift_right_logical3A_580 : vector<16xi32>
        %swap3A_582 = arith.constant 1 : i32
        %swap3A_583 = arith.index_cast %swap3A_582 : i32 to index
        %swap3A_584 = arith.constant 64 : index
        %swap3A_585 = tpu.vector_load %arg7[%swap3A_583, %swap3A_584] {strides = array<i32>} : memref<2x128xi32, #tpu.memory_space<vmem>>, vector<1x16xi32>,
        %swap3A_586 = vector.shape_cast %swap3A_585 : vector<1x16xi32> to vector<16xi32>
        %swap3A_587 = vector.shape_cast %shift_right_logical3A_581 : vector<16xi32> to vector<1x16xi32>
        tpu.vector_store %arg7[%swap3A_583, %swap3A_584], %swap3A_587 {strides = array<i32>} : memref<2x128xi32, #tpu.memory_space<vmem>>, vector<1x16xi32>,
        %get3A_588 = arith.index_cast %add3A_472 : i32 to index
        %get3A_589 = arith.constant 80 : index
        %get3A_590 = tpu.vector_load %arg5[%get3A_588, %get3A_589] {strides = array<i32>} : memref<80x128xi32, #tpu.memory_space<vmem>>, vector<1x16xi32>,
        %get3A_591 = vector.shape_cast %get3A_590 : vector<1x16xi32> to vector<16xi32>
        %and3A_592 = arith.constant 16383 : i32
        %and3A_593 = vector.broadcast %and3A_592 : i32 to vector<16xi32>
        %and3A_594 = arith.andi %get3A_591, %and3A_593 : vector<16xi32>
        %swap3A_595 = arith.constant 1 : i32
        %swap3A_596 = arith.index_cast %swap3A_595 : i32 to index
        %swap3A_597 = arith.constant 80 : index
        %swap3A_598 = tpu.vector_load %arg6[%swap3A_596, %swap3A_597] {strides = array<i32>} : memref<2x128xi32, #tpu.memory_space<vmem>>, vector<1x16xi32>,
        %swap3A_599 = vector.shape_cast %swap3A_598 : vector<1x16xi32> to vector<16xi32>
        %swap3A_600 = vector.shape_cast %and3A_594 : vector<16xi32> to vector<1x16xi32>
        tpu.vector_store %arg6[%swap3A_596, %swap3A_597], %swap3A_600 {strides = array<i32>} : memref<2x128xi32, #tpu.memory_space<vmem>>, vector<1x16xi32>,
        %shift_right_logical3A_601 = arith.constant 14 : i32
        %shift_right_logical3A_602 = vector.broadcast %shift_right_logical3A_601 : i32 to vector<16xi32>
        %shift_right_logical3A_603 = arith.shrui %get3A_591, %shift_right_logical3A_602 : vector<16xi32>
        %swap3A_604 = arith.constant 1 : i32
        %swap3A_605 = arith.index_cast %swap3A_604 : i32 to index
        %swap3A_606 = arith.constant 80 : index
        %swap3A_607 = tpu.vector_load %arg7[%swap3A_605, %swap3A_606] {strides = array<i32>} : memref<2x128xi32, #tpu.memory_space<vmem>>, vector<1x16xi32>,
        %swap3A_608 = vector.shape_cast %swap3A_607 : vector<1x16xi32> to vector<16xi32>
        %swap3A_609 = vector.shape_cast %shift_right_logical3A_603 : vector<16xi32> to vector<1x16xi32>
        tpu.vector_store %arg7[%swap3A_605, %swap3A_606], %swap3A_609 {strides = array<i32>} : memref<2x128xi32, #tpu.memory_space<vmem>>, vector<1x16xi32>,
        %get3A_610 = arith.index_cast %add3A_472 : i32 to index
        %get3A_611 = arith.constant 96 : index
        %get3A_612 = tpu.vector_load %arg5[%get3A_610, %get3A_611] {strides = array<i32>} : memref<80x128xi32, #tpu.memory_space<vmem>>, vector<1x16xi32>,
        %get3A_613 = vector.shape_cast %get3A_612 : vector<1x16xi32> to vector<16xi32>
        %and3A_614 = arith.constant 16383 : i32
        %and3A_615 = vector.broadcast %and3A_614 : i32 to vector<16xi32>
        %and3A_616 = arith.andi %get3A_613, %and3A_615 : vector<16xi32>
        %swap3A_617 = arith.constant 1 : i32
        %swap3A_618 = arith.index_cast %swap3A_617 : i32 to index
        %swap3A_619 = arith.constant 96 : index
        %swap3A_620 = tpu.vector_load %arg6[%swap3A_618, %swap3A_619] {strides = array<i32>} : memref<2x128xi32, #tpu.memory_space<vmem>>, vector<1x16xi32>,
        %swap3A_621 = vector.shape_cast %swap3A_620 : vector<1x16xi32> to vector<16xi32>
        %swap3A_622 = vector.shape_cast %and3A_616 : vector<16xi32> to vector<1x16xi32>
        tpu.vector_store %arg6[%swap3A_618, %swap3A_619], %swap3A_622 {strides = array<i32>} : memref<2x128xi32, #tpu.memory_space<vmem>>, vector<1x16xi32>,
        %shift_right_logical3A_623 = arith.constant 14 : i32
        %shift_right_logical3A_624 = vector.broadcast %shift_right_logical3A_623 : i32 to vector<16xi32>
        %shift_right_logical3A_625 = arith.shrui %get3A_613, %shift_right_logical3A_624 : vector<16xi32>
        %swap3A_626 = arith.constant 1 : i32
        %swap3A_627 = arith.index_cast %swap3A_626 : i32 to index
        %swap3A_628 = arith.constant 96 : index
        %swap3A_629 = tpu.vector_load %arg7[%swap3A_627, %swap3A_628] {strides = array<i32>} : memref<2x128xi32, #tpu.memory_space<vmem>>, vector<1x16xi32>,
        %swap3A_630 = vector.shape_cast %swap3A_629 : vector<1x16xi32> to vector<16xi32>
        %swap3A_631 = vector.shape_cast %shift_right_logical3A_625 : vector<16xi32> to vector<1x16xi32>
        tpu.vector_store %arg7[%swap3A_627, %swap3A_628], %swap3A_631 {strides = array<i32>} : memref<2x128xi32, #tpu.memory_space<vmem>>, vector<1x16xi32>,
        %get3A_632 = arith.index_cast %add3A_472 : i32 to index
        %get3A_633 = arith.constant 112 : index
        %get3A_634 = tpu.vector_load %arg5[%get3A_632, %get3A_633] {strides = array<i32>} : memref<80x128xi32, #tpu.memory_space<vmem>>, vector<1x16xi32>,
        %get3A_635 = vector.shape_cast %get3A_634 : vector<1x16xi32> to vector<16xi32>
        %and3A_636 = arith.constant 16383 : i32
        %and3A_637 = vector.broadcast %and3A_636 : i32 to vector<16xi32>
        %and3A_638 = arith.andi %get3A_635, %and3A_637 : vector<16xi32>
        %swap3A_639 = arith.constant 1 : i32
        %swap3A_640 = arith.index_cast %swap3A_639 : i32 to index
        %swap3A_641 = arith.constant 112 : index
        %swap3A_642 = tpu.vector_load %arg6[%swap3A_640, %swap3A_641] {strides = array<i32>} : memref<2x128xi32, #tpu.memory_space<vmem>>, vector<1x16xi32>,
        %swap3A_643 = vector.shape_cast %swap3A_642 : vector<1x16xi32> to vector<16xi32>
        %swap3A_644 = vector.shape_cast %and3A_638 : vector<16xi32> to vector<1x16xi32>
        tpu.vector_store %arg6[%swap3A_640, %swap3A_641], %swap3A_644 {strides = array<i32>} : memref<2x128xi32, #tpu.memory_space<vmem>>, vector<1x16xi32>,
        %shift_right_logical3A_645 = arith.constant 14 : i32
        %shift_right_logical3A_646 = vector.broadcast %shift_right_logical3A_645 : i32 to vector<16xi32>
        %shift_right_logical3A_647 = arith.shrui %get3A_635, %shift_right_logical3A_646 : vector<16xi32>
        %swap3A_648 = arith.constant 1 : i32
        %swap3A_649 = arith.index_cast %swap3A_648 : i32 to index
        %swap3A_650 = arith.constant 112 : index
        %swap3A_651 = tpu.vector_load %arg7[%swap3A_649, %swap3A_650] {strides = array<i32>} : memref<2x128xi32, #tpu.memory_space<vmem>>, vector<1x16xi32>,
        %swap3A_652 = vector.shape_cast %swap3A_651 : vector<1x16xi32> to vector<16xi32>
        %swap3A_653 = vector.shape_cast %shift_right_logical3A_647 : vector<16xi32> to vector<1x16xi32>
        tpu.vector_store %arg7[%swap3A_649, %swap3A_650], %swap3A_653 {strides = array<i32>} : memref<2x128xi32, #tpu.memory_space<vmem>>, vector<1x16xi32>,
        %dma_start3A_654 = arith.constant 1 : i32
        %dma_start3A_655 = arith.constant 1 : i32
        %dma_start3A_656 = arith.constant 0 : i32
        %dma_start3A_657 = arith.constant 0 : i32
        %dma_start3A_658 = tpu.memref_slice %arg8[%dma_start3A_655, %dma_start3A_656, %dma_start3A_657] : memref<2x128x128xf32, #tpu.memory_space<vmem>> -> memref<1x128x128xf32, #tpu.memory_space<vmem>>
        %dma_start3A_659 = tpu.memref_squeeze %dma_start3A_658 : memref<1x128x128xf32, #tpu.memory_space<vmem>> -> memref<128x128xf32, #tpu.memory_space<vmem>>
        %dma_start3A_660 = arith.constant 0 : i32
        %dma_start3A_661 = tpu.memref_slice %arg6[%dma_start3A_654, %dma_start3A_660] : memref<2x128xi32, #tpu.memory_space<vmem>> -> memref<1x128xi32, #tpu.memory_space<vmem>>
        %dma_start3A_662 = tpu.memref_squeeze %dma_start3A_661 : memref<1x128xi32, #tpu.memory_space<vmem>> -> memref<128xi32, #tpu.memory_space<vmem>>
        %dma_start3A_663 = arith.constant 0 : i32
        %dma_start3A_664 = arith.constant 0 : i32
        %dma_start3A_665 = tpu.memref_slice %arg2[%dma_start3A_663, %dma_start3A_664] : memref<10000x128xf32, #tpu.memory_space<hbm>> -> memref<10000x128xf32, #tpu.memory_space<hbm>>
        tpu.enqueue_indirect_dma source(%dma_start3A_665 : memref<10000x128xf32, #tpu.memory_space<hbm>>) target(%dma_start3A_659 : memref<128x128xf32, #tpu.memory_space<vmem>>) offsets(%dma_start3A_662 : memref<128xi32, #tpu.memory_space<vmem>>) semaphore(%arg11 : memref<!tpu.dma_semaphore, #tpu.memory_space<semaphore_mem>>)
      } else {
      }
    }
    %scan3A_425 = arith.constant 40 : i32
    %barrier3A_426 = arith.constant 0 : index
    tpu.barrier barrier_id(%barrier3A_426)
    %mul3A_427 = arith.constant 640 : i32
    %mul3A_428 = arith.muli %arg1, %mul3A_427 : i32
    %mul3A_429 = arith.constant 640 : i32
    %mul3A_430 = arith.muli %arg1, %mul3A_429 : i32
    "tpu.region"() ({
      %run_scoped3A_431 = tpu.sem_alloc : memref<!tpu.dma_semaphore, #tpu.memory_space<semaphore_mem>>
      %dma_start3A_432 = arith.constant 0 : i32
      %dma_start3A_433 = tpu.memref_slice %arg4[%arg0, %mul3A_430, %dma_start3A_432] : memref<2x10240x128xf32, #tpu.memory_space<hbm>> -> memref<1x640x128xf32, #tpu.memory_space<hbm>>
      %dma_start3A_434 = tpu.memref_squeeze %dma_start3A_433 : memref<1x640x128xf32, #tpu.memory_space<hbm>> -> memref<640x128xf32, #tpu.memory_space<hbm>>
      %dma_start3A_435 = arith.constant 0 : i32
      %dma_start3A_436 = tpu.memref_slice %arg9[%mul3A_428, %dma_start3A_435] : memref<10240x128xf32, #tpu.memory_space<vmem_shared>> -> memref<640x128xf32, #tpu.memory_space<vmem_shared>>
      tpu.enqueue_dma source(%dma_start3A_436 : memref<640x128xf32, #tpu.memory_space<vmem_shared>>) target(%dma_start3A_434 : memref<640x128xf32, #tpu.memory_space<hbm>>) target_semaphore(%run_scoped3A_431 : memref<!tpu.dma_semaphore, #tpu.memory_space<semaphore_mem>>)
      %dma_wait3A = arith.constant 0 : i32
      %dma_wait3A_437 = tpu.memref_slice %arg4[%arg0, %mul3A_430, %dma_wait3A] : memref<2x10240x128xf32, #tpu.memory_space<hbm>> -> memref<1x640x128xf32, #tpu.memory_space<hbm>>
      %dma_wait3A_438 = tpu.memref_squeeze %dma_wait3A_437 : memref<1x640x128xf32, #tpu.memory_space<hbm>> -> memref<640x128xf32, #tpu.memory_space<hbm>>
      %dma_wait3A_439 = arith.constant 0 : i32
      %dma_wait3A_440 = tpu.memref_slice %arg9[%mul3A_428, %dma_wait3A_439] : memref<10240x128xf32, #tpu.memory_space<vmem_shared>> -> memref<640x128xf32, #tpu.memory_space<vmem_shared>>
      tpu.wait_dma2 semaphore(%run_scoped3A_431 : memref<!tpu.dma_semaphore, #tpu.memory_space<semaphore_mem>>) src(%dma_wait3A_440 : memref<640x128xf32, #tpu.memory_space<vmem_shared>>) dst(%dma_wait3A_438 : memref<640x128xf32, #tpu.memory_space<hbm>>)
      tpu.yield
    }) : () -> ()
    return
  }
}

module attributes {stable_mosaic.version = 14 : i64} {
  func.func @_encoder_body(%arg0: memref<10000x128xf32, #tpu.memory_space<vmem>>, %arg1: memref<128x128xf32, #tpu.memory_space<vmem>>, %arg2: memref<1x128xf32, #tpu.memory_space<vmem>>, %arg3: memref<128x128xf32, #tpu.memory_space<vmem>>, %arg4: memref<1x128xf32, #tpu.memory_space<vmem>>, %arg5: memref<10000x128xf32, #tpu.memory_space<vmem>>) attributes {dimension_semantics = [], scalar_prefetch = 0 : i64, scratch_operands = 0 : i64, tpu.core_type = #tpu.core_type<tc>} {
    %get3A = arith.constant 0 : index
    %get3A_0 = arith.constant 0 : index
    %get3A_1 = vector.load %arg0[%get3A, %get3A_0] : memref<10000x128xf32, #tpu.memory_space<vmem>>, vector<10000x128xf32>
    %get3A_2 = arith.constant 0 : index
    %get3A_3 = arith.constant 0 : index
    %get3A_4 = vector.load %arg1[%get3A_2, %get3A_3] : memref<128x128xf32, #tpu.memory_space<vmem>>, vector<128x128xf32>
    %dot_general3A = arith.constant dense<0.000000e+00> : vector<10000x128xf32>
    %dot_general3A_5 = tpu.matmul %get3A_1, %get3A_4, %dot_general3A {dimension_numbers = #tpu.dot_dimension_numbers<[1], [0], [0], [1], [0, 0, 1, 1], [], []>, transpose_lhs_hint = false} : vector<10000x128xf32>, vector<128x128xf32>, vector<10000x128xf32> -> vector<10000x128xf32>
    %get3A_6 = arith.constant 0 : index
    %get3A_7 = arith.constant 0 : index
    %get3A_8 = vector.load %arg2[%get3A_6, %get3A_7] : memref<1x128xf32, #tpu.memory_space<vmem>>, vector<1x128xf32>
    %add3A = vector.broadcast %get3A_8 : vector<1x128xf32> to vector<10000x128xf32>
    %add3A_9 = arith.addf %dot_general3A_5, %add3A : vector<10000x128xf32>
    %max3A = arith.constant 0.000000e+00 : f32
    %max3A_10 = vector.broadcast %max3A : f32 to vector<10000x128xf32>
    %max3A_11 = arith.maximumf %add3A_9, %max3A_10 : vector<10000x128xf32>
    %get3A_12 = arith.constant 0 : index
    %get3A_13 = arith.constant 0 : index
    %get3A_14 = vector.load %arg3[%get3A_12, %get3A_13] : memref<128x128xf32, #tpu.memory_space<vmem>>, vector<128x128xf32>
    %dot_general3A_15 = arith.constant dense<0.000000e+00> : vector<10000x128xf32>
    %dot_general3A_16 = tpu.matmul %max3A_11, %get3A_14, %dot_general3A_15 {dimension_numbers = #tpu.dot_dimension_numbers<[1], [0], [0], [1], [0, 0, 1, 1], [], []>, transpose_lhs_hint = false} : vector<10000x128xf32>, vector<128x128xf32>, vector<10000x128xf32> -> vector<10000x128xf32>
    %get3A_17 = arith.constant 0 : index
    %get3A_18 = arith.constant 0 : index
    %get3A_19 = vector.load %arg4[%get3A_17, %get3A_18] : memref<1x128xf32, #tpu.memory_space<vmem>>, vector<1x128xf32>
    %add3A_20 = vector.broadcast %get3A_19 : vector<1x128xf32> to vector<10000x128xf32>
    %add3A_21 = arith.addf %dot_general3A_16, %add3A_20 : vector<10000x128xf32>
    %max3A_22 = arith.constant 0.000000e+00 : f32
    %max3A_23 = vector.broadcast %max3A_22 : f32 to vector<10000x128xf32>
    %max3A_24 = arith.maximumf %add3A_21, %max3A_23 : vector<10000x128xf32>
    %swap3A = arith.constant 0 : index
    %swap3A_25 = arith.constant 0 : index
    %swap3A_26 = vector.load %arg5[%swap3A, %swap3A_25] : memref<10000x128xf32, #tpu.memory_space<vmem>>, vector<10000x128xf32>
    tpu.vector_store %arg5[%swap3A, %swap3A_25], %max3A_24 {strides = array<i32>} : memref<10000x128xf32, #tpu.memory_space<vmem>>, vector<10000x128xf32>,
    return
  }
}

module attributes {stable_mosaic.version = 14 : i64} {
  func.func @_conv_body(%arg0: memref<2x10240x128xf32, #tpu.memory_space<vmem>>, %arg1: memref<2x10240x128xf32, #tpu.memory_space<vmem>>, %arg2: memref<10000x128xf32, #tpu.memory_space<vmem>>, %arg3: memref<128x128xf32, #tpu.memory_space<vmem>>, %arg4: memref<1x128xf32, #tpu.memory_space<vmem>>, %arg5: memref<10000x128xf32, #tpu.memory_space<vmem>>) attributes {dimension_semantics = [], scalar_prefetch = 0 : i64, scratch_operands = 0 : i64, tpu.core_type = #tpu.core_type<tc>} {
    %get3A = arith.constant 0 : index
    %get3A_0 = arith.constant 0 : index
    %get3A_1 = arith.constant 0 : index
    %get3A_2 = vector.load %arg1[%get3A, %get3A_0, %get3A_1] : memref<2x10240x128xf32, #tpu.memory_space<vmem>>, vector<2x10240x128xf32>
    %slice3A = vector.extract_strided_slice %get3A_2 {offsets = [0, 0, 0], sizes = [1, 10000, 1], strides = [1, 1, 1]} : vector<2x10240x128xf32> to vector<1x10000x1xf32>
    %squeeze3A = vector.shape_cast %slice3A : vector<1x10000x1xf32> to vector<10000xf32>
    %slice3A_3 = vector.extract_strided_slice %get3A_2 {offsets = [1, 0, 0], sizes = [1, 10000, 1], strides = [1, 1, 1]} : vector<2x10240x128xf32> to vector<1x10000x1xf32>
    %squeeze3A_4 = vector.shape_cast %slice3A_3 : vector<1x10000x1xf32> to vector<10000xf32>
    %add3A = arith.addf %squeeze3A, %squeeze3A_4 : vector<10000xf32>
    %max3A = arith.constant 1.000000e+00 : f32
    %max3A_5 = vector.broadcast %max3A : f32 to vector<10000xf32>
    %max3A_6 = arith.maximumf %add3A, %max3A_5 : vector<10000xf32>
    %div3A = arith.constant 1.000000e+00 : f32
    %div3A_7 = vector.broadcast %div3A : f32 to vector<10000xf32>
    %div3A_8 = arith.divf %div3A_7, %max3A_6 : vector<10000xf32>
    %get3A_9 = arith.constant 0 : index
    %get3A_10 = arith.constant 0 : index
    %get3A_11 = arith.constant 0 : index
    %get3A_12 = vector.load %arg0[%get3A_9, %get3A_10, %get3A_11] : memref<2x10240x128xf32, #tpu.memory_space<vmem>>, vector<1x10000x128xf32>
    %get3A_13 = vector.shape_cast %get3A_12 : vector<1x10000x128xf32> to vector<10000x128xf32>
    %get3A_14 = arith.constant 1 : index
    %get3A_15 = arith.constant 0 : index
    %get3A_16 = arith.constant 0 : index
    %get3A_17 = vector.load %arg0[%get3A_14, %get3A_15, %get3A_16] : memref<2x10240x128xf32, #tpu.memory_space<vmem>>, vector<1x10000x128xf32>
    %get3A_18 = vector.shape_cast %get3A_17 : vector<1x10000x128xf32> to vector<10000x128xf32>
    %add3A_19 = arith.addf %get3A_13, %get3A_18 : vector<10000x128xf32>
    %broadcast_in_dim3A = vector.shape_cast %div3A_8 : vector<10000xf32> to vector<10000x1xf32>
    %mul3A = vector.broadcast %broadcast_in_dim3A : vector<10000x1xf32> to vector<10000x128xf32>
    %mul3A_20 = arith.mulf %add3A_19, %mul3A : vector<10000x128xf32>
    %get3A_21 = arith.constant 0 : index
    %get3A_22 = arith.constant 0 : index
    %get3A_23 = vector.load %arg3[%get3A_21, %get3A_22] : memref<128x128xf32, #tpu.memory_space<vmem>>, vector<128x128xf32>
    %dot_general3A = arith.constant dense<0.000000e+00> : vector<10000x128xf32>
    %dot_general3A_24 = tpu.matmul %mul3A_20, %get3A_23, %dot_general3A {dimension_numbers = #tpu.dot_dimension_numbers<[1], [0], [0], [1], [0, 0, 1, 1], [], []>, transpose_lhs_hint = false} : vector<10000x128xf32>, vector<128x128xf32>, vector<10000x128xf32> -> vector<10000x128xf32>
    %get3A_25 = arith.constant 0 : index
    %get3A_26 = arith.constant 0 : index
    %get3A_27 = vector.load %arg4[%get3A_25, %get3A_26] : memref<1x128xf32, #tpu.memory_space<vmem>>, vector<1x128xf32>
    %add3A_28 = vector.broadcast %get3A_27 : vector<1x128xf32> to vector<10000x128xf32>
    %add3A_29 = arith.addf %dot_general3A_24, %add3A_28 : vector<10000x128xf32>
    %get3A_30 = arith.constant 0 : index
    %get3A_31 = arith.constant 0 : index
    %get3A_32 = vector.load %arg2[%get3A_30, %get3A_31] : memref<10000x128xf32, #tpu.memory_space<vmem>>, vector<10000x128xf32>
    %add3A_33 = arith.addf %add3A_29, %get3A_32 : vector<10000x128xf32>
    %max3A_34 = arith.constant 0.000000e+00 : f32
    %max3A_35 = vector.broadcast %max3A_34 : f32 to vector<10000x128xf32>
    %max3A_36 = arith.maximumf %add3A_33, %max3A_35 : vector<10000x128xf32>
    %swap3A = arith.constant 0 : index
    %swap3A_37 = arith.constant 0 : index
    %swap3A_38 = vector.load %arg5[%swap3A, %swap3A_37] : memref<10000x128xf32, #tpu.memory_space<vmem>>, vector<10000x128xf32>
    tpu.vector_store %arg5[%swap3A, %swap3A_37], %max3A_36 {strides = array<i32>} : memref<10000x128xf32, #tpu.memory_space<vmem>>, vector<10000x128xf32>,
    return
  }
}

module attributes {stable_mosaic.version = 14 : i64} {
  func.func @_conv_pred_body(%arg0: memref<2x10240x128xf32, #tpu.memory_space<vmem>>, %arg1: memref<2x10240x128xf32, #tpu.memory_space<vmem>>, %arg2: memref<10000x128xf32, #tpu.memory_space<vmem>>, %arg3: memref<128x128xf32, #tpu.memory_space<vmem>>, %arg4: memref<1x128xf32, #tpu.memory_space<vmem>>, %arg5: memref<128x128xf32, #tpu.memory_space<vmem>>, %arg6: memref<1x128xf32, #tpu.memory_space<vmem>>, %arg7: memref<128x1xf32, #tpu.memory_space<vmem>>, %arg8: memref<1x1xf32, #tpu.memory_space<vmem>>, %arg9: memref<1x1xf32, #tpu.memory_space<vmem>>) attributes {dimension_semantics = [], scalar_prefetch = 0 : i64, scratch_operands = 0 : i64, tpu.core_type = #tpu.core_type<tc>} {
    %get3A = arith.constant 0 : index
    %get3A_0 = arith.constant 0 : index
    %get3A_1 = arith.constant 0 : index
    %get3A_2 = vector.load %arg1[%get3A, %get3A_0, %get3A_1] : memref<2x10240x128xf32, #tpu.memory_space<vmem>>, vector<2x10240x128xf32>
    %slice3A = vector.extract_strided_slice %get3A_2 {offsets = [0, 0, 0], sizes = [1, 10000, 1], strides = [1, 1, 1]} : vector<2x10240x128xf32> to vector<1x10000x1xf32>
    %squeeze3A = vector.shape_cast %slice3A : vector<1x10000x1xf32> to vector<10000xf32>
    %slice3A_3 = vector.extract_strided_slice %get3A_2 {offsets = [1, 0, 0], sizes = [1, 10000, 1], strides = [1, 1, 1]} : vector<2x10240x128xf32> to vector<1x10000x1xf32>
    %squeeze3A_4 = vector.shape_cast %slice3A_3 : vector<1x10000x1xf32> to vector<10000xf32>
    %add3A = arith.addf %squeeze3A, %squeeze3A_4 : vector<10000xf32>
    %max3A = arith.constant 1.000000e+00 : f32
    %max3A_5 = vector.broadcast %max3A : f32 to vector<10000xf32>
    %max3A_6 = arith.maximumf %add3A, %max3A_5 : vector<10000xf32>
    %div3A = arith.constant 1.000000e+00 : f32
    %div3A_7 = vector.broadcast %div3A : f32 to vector<10000xf32>
    %div3A_8 = arith.divf %div3A_7, %max3A_6 : vector<10000xf32>
    %get3A_9 = arith.constant 0 : index
    %get3A_10 = arith.constant 0 : index
    %get3A_11 = arith.constant 0 : index
    %get3A_12 = vector.load %arg0[%get3A_9, %get3A_10, %get3A_11] : memref<2x10240x128xf32, #tpu.memory_space<vmem>>, vector<1x10000x128xf32>
    %get3A_13 = vector.shape_cast %get3A_12 : vector<1x10000x128xf32> to vector<10000x128xf32>
    %get3A_14 = arith.constant 1 : index
    %get3A_15 = arith.constant 0 : index
    %get3A_16 = arith.constant 0 : index
    %get3A_17 = vector.load %arg0[%get3A_14, %get3A_15, %get3A_16] : memref<2x10240x128xf32, #tpu.memory_space<vmem>>, vector<1x10000x128xf32>
    %get3A_18 = vector.shape_cast %get3A_17 : vector<1x10000x128xf32> to vector<10000x128xf32>
    %add3A_19 = arith.addf %get3A_13, %get3A_18 : vector<10000x128xf32>
    %broadcast_in_dim3A = vector.shape_cast %div3A_8 : vector<10000xf32> to vector<10000x1xf32>
    %mul3A = vector.broadcast %broadcast_in_dim3A : vector<10000x1xf32> to vector<10000x128xf32>
    %mul3A_20 = arith.mulf %add3A_19, %mul3A : vector<10000x128xf32>
    %get3A_21 = arith.constant 0 : index
    %get3A_22 = arith.constant 0 : index
    %get3A_23 = vector.load %arg3[%get3A_21, %get3A_22] : memref<128x128xf32, #tpu.memory_space<vmem>>, vector<128x128xf32>
    %dot_general3A = arith.constant dense<0.000000e+00> : vector<10000x128xf32>
    %dot_general3A_24 = tpu.matmul %mul3A_20, %get3A_23, %dot_general3A {dimension_numbers = #tpu.dot_dimension_numbers<[1], [0], [0], [1], [0, 0, 1, 1], [], []>, transpose_lhs_hint = false} : vector<10000x128xf32>, vector<128x128xf32>, vector<10000x128xf32> -> vector<10000x128xf32>
    %get3A_25 = arith.constant 0 : index
    %get3A_26 = arith.constant 0 : index
    %get3A_27 = vector.load %arg4[%get3A_25, %get3A_26] : memref<1x128xf32, #tpu.memory_space<vmem>>, vector<1x128xf32>
    %add3A_28 = vector.broadcast %get3A_27 : vector<1x128xf32> to vector<10000x128xf32>
    %add3A_29 = arith.addf %dot_general3A_24, %add3A_28 : vector<10000x128xf32>
    %get3A_30 = arith.constant 0 : index
    %get3A_31 = arith.constant 0 : index
    %get3A_32 = vector.load %arg2[%get3A_30, %get3A_31] : memref<10000x128xf32, #tpu.memory_space<vmem>>, vector<10000x128xf32>
    %add3A_33 = arith.addf %add3A_29, %get3A_32 : vector<10000x128xf32>
    %max3A_34 = arith.constant 0.000000e+00 : f32
    %max3A_35 = vector.broadcast %max3A_34 : f32 to vector<10000x128xf32>
    %max3A_36 = arith.maximumf %add3A_33, %max3A_35 : vector<10000x128xf32>
    %reduce_sum3A = arith.constant dense<0.000000e+00> : vector<128xf32>
    %reduce_sum3A_37 = vector.multi_reduction <add>, %max3A_36, %reduce_sum3A [0] : vector<10000x128xf32> to vector<128xf32>
    %broadcast_in_dim3A_38 = vector.shape_cast %reduce_sum3A_37 : vector<128xf32> to vector<1x128xf32>
    %div3A_39 = arith.constant 1.000000e+04 : f32
    %div3A_40 = vector.broadcast %div3A_39 : f32 to vector<1x128xf32>
    %div3A_41 = arith.divf %broadcast_in_dim3A_38, %div3A_40 : vector<1x128xf32>
    %get3A_42 = arith.constant 0 : index
    %get3A_43 = arith.constant 0 : index
    %get3A_44 = vector.load %arg5[%get3A_42, %get3A_43] : memref<128x128xf32, #tpu.memory_space<vmem>>, vector<128x128xf32>
    %dot_general3A_45 = arith.constant dense<0.000000e+00> : vector<1x128xf32>
    %dot_general3A_46 = tpu.matmul %div3A_41, %get3A_44, %dot_general3A_45 {dimension_numbers = #tpu.dot_dimension_numbers<[1], [0], [0], [1], [0, 0, 1, 1], [], []>, transpose_lhs_hint = false} : vector<1x128xf32>, vector<128x128xf32>, vector<1x128xf32> -> vector<1x128xf32>
    %get3A_47 = arith.constant 0 : index
    %get3A_48 = arith.constant 0 : index
    %get3A_49 = vector.load %arg6[%get3A_47, %get3A_48] : memref<1x128xf32, #tpu.memory_space<vmem>>, vector<1x128xf32>
    %add3A_50 = arith.addf %dot_general3A_46, %get3A_49 : vector<1x128xf32>
    %max3A_51 = arith.constant 0.000000e+00 : f32
    %max3A_52 = vector.broadcast %max3A_51 : f32 to vector<1x128xf32>
    %max3A_53 = arith.maximumf %add3A_50, %max3A_52 : vector<1x128xf32>
    %get3A_54 = arith.constant 0 : index
    %get3A_55 = arith.constant 0 : index
    %get3A_56 = vector.load %arg7[%get3A_54, %get3A_55] : memref<128x1xf32, #tpu.memory_space<vmem>>, vector<128x1xf32>
    %dot_general3A_57 = arith.constant dense<0.000000e+00> : vector<1x1xf32>
    %dot_general3A_58 = tpu.matmul %max3A_53, %get3A_56, %dot_general3A_57 {dimension_numbers = #tpu.dot_dimension_numbers<[1], [0], [0], [1], [0, 0, 1, 1], [], []>, transpose_lhs_hint = false} : vector<1x128xf32>, vector<128x1xf32>, vector<1x1xf32> -> vector<1x1xf32>
    %get3A_59 = arith.constant 0 : index
    %get3A_60 = arith.constant 0 : index
    %get3A_61 = vector.load %arg8[%get3A_59, %get3A_60] : memref<1x1xf32, #tpu.memory_space<vmem>>, vector<1x1xf32>
    %add3A_62 = arith.addf %dot_general3A_58, %get3A_61 : vector<1x1xf32>
    %swap3A = arith.constant 0 : index
    %swap3A_63 = arith.constant 0 : index
    %swap3A_64 = vector.load %arg9[%swap3A, %swap3A_63] : memref<1x1xf32, #tpu.memory_space<vmem>>, vector<1x1xf32>
    tpu.vector_store %arg9[%swap3A, %swap3A_63], %add3A_62 {strides = array<i32>} : memref<1x1xf32, #tpu.memory_space<vmem>>, vector<1x1xf32>,
    return
  }
}

</mosaic_0001>

<sc_bundles>
// kernel: kernel.10.cloned.1.call-start
scs
__scs_entry_jumppad:
0x0: {  	(pc) =	sbr.rel $0x88, $3  }
0x1: {  	(tag) =	ssettag $0x0;
	lr =	simm.s32 $0x1  }
0x2: {  	[smem:$0x3F91] =	sst lr;
	_ =	strace $0xD0000000  }
0x3: {  	_ = 	snop  }
0x4: {  	_ = 	snop  }
0x5: {  	_ = 	snop  }
0x6: {  	_ = 	snop  }
0x7: {  	_ = 	snop  }
__scs_overlays_trampoline_lowered:
0x8: {  	[smem:$0x3FA0] =	sst s0  }
0x9: {  	[smem:$0x3FA1] =	sst s1  }
0xa: {  	[smem:$0x3FA2] =	sst s2  }
0xb: {  	[smem:$0x3FA3] =	sst s3  }
0xc: {  	[smem:$0x3FA4] =	sst s4  }
0xd: {  	[smem:$0x3FA5] =	sst s5  }
0xe: {  	[smem:$0x3FA6] =	sst s6  }
0xf: {  	[smem:$0x3FA7] =	sst s7  }
0x10: {  	[smem:$0x3FA8] =	sst s8  }
0x11: {  	[smem:$0x3FA9] =	sst s9;
	s0 =	simm.s32 @!p0 $0x0  }
0x12: {  	s1 =	sld [smem:$0x3F8F];
	s0 =	simm.s32 @p0 $0x1  }
0x13: {  	[smem:$0x3FAA] =	sst s0;
	s0 =	simm.s32 @!p1 $0x0  }
0x14: {  	s2 =	sld [smem:$0x3F8E];
	s0 =	simm.s32 @p1 $0x1  }
0x15: {  	[smem:$0x3FAB] =	sst s0;
	s0 =	simm.s32 @!p2 $0x0  }
0x16: {  	s3 =	sld [smem:$0x3FDB];
	s0 =	simm.s32 @p2 $0x1  }
0x17: {  	s4 =	simm.s32 $0x1BF5;
	[smem:$0x3FAD] =	sst s0  }
0x18: {  	s0 =	sld [smem:$0x3F90];
	_ =	swait.ge [sflag:s4], $0x0  }
0x19: {  	s7 =	sld [smem:$0x3F91]  }
0x1a: {  	s8 =	sadd.s32 $0xFFFFE003, lr  }
0x1b: {  	s9 =	sadd.s32 $0xFFFFFEF7, lr;
	s5 =	simm.s32 $0xFFFFFFFF;
	p2 =	slt.u32 s8, $0xFFFFF086  }
0x1c: {  	p1 =	slt.u32 s9, $0xF7A;
	s5 =	simm.s32 @!p2 $0x0  }
0x1d: {  	s5 =	simm.s32 @p1 $0x1;
	p0 =	seq.s32 s7, s2  }
0x1e: {  	s7 =	smul.u32 @!p0 $0xF7A, s2;
	p2 =	seq.s32 @!p0 s5, $0x0  }
0x1f: {  	s9 =	smul.u32 $0xF7A, s1;
	s8 =	simm.s32 @!p0 $0x1BF5;
	p2 =	por !p2, p0  }
0x20: {  	[sflag:s8] =	ssyncset.s32 @!p0 $0xFFFFF086;
	s6 =	sadd.s32 @!p0 s3, s7;
	s7 =	simm.s32 @!p0 $0x108  }
0x21: {  	s3 =	sadd.s32 s3, s9;
	s6 =	sadd.s32 @!p0 $0x88, s6;
	s7 =	simm.s32 @p2 $0x1082  }
0x22: {  	[simem:s7], [sflag:s8] =	dma.local @!p0 [hbm:s6], $0xF7A  }
0x23: {  	s9 =	sor.u32 $0xD0000000, s2;
	s6 =	simm.s32 $0x108;
	_ =	swait.ge @!p0 [sflag:s8], $0x0  }
0x24: {  	s3 =	sadd.s32 $0x88, s3;
	s6 =	simm.s32 @!p1 $0x1082;
	[sflag:s4] =	ssyncset.s32 $0xFFFFF086  }
0x25: {  	[simem:s6], [sflag:s4] =	dma.local [hbm:s3], $0xF7A  }
0x26: {  	[smem:$0x3F91] =	sst s1;
	(tag) =	ssettag s2;
	_ =	strace s9  }
0x27: {  	s1 =	sld [smem:$0x3FA1]  }
0x28: {  	s2 =	sld [smem:$0x3FA2]  }
0x29: {  	s4 =	sld [smem:$0x3FA4]  }
0x2a: {  	p0 =	seq.s32 s5, $0x0;
	s5 =	sld [smem:$0x3FA5]  }
0x2b: {  	s6 =	sld [smem:$0x3FA6]  }
0x2c: {  	s7 =	sld [smem:$0x3FA7]  }
0x2d: {  	s3 =	simm.s32 $0x108;
	s8 =	sld [smem:$0x3FA8]  }
0x2e: {  	s3 =	simm.s32 @!p0 $0x1082;
	s9 =	sld [smem:$0x3FA9]  }
0x2f: {  	lr =	sadd.s32 s0, s3;
	s0 =	sld [smem:$0x3FA0]  }
0x30: {  	s3 =	sld [smem:$0x3FA3]  }
0x31: {  	[smem:$0x3FAC] =	sst s10  }
0x32: {  	s10 =	sld [smem:$0x3FAA];
	_ =	sdelay $0x3  }
0x33: {  	p0 =	seq.s32 s10, $0x1;
	s10 =	sld [smem:$0x3FAC];
	_ =	sdelay $0x3  }
0x34: {  	[smem:$0x3FAC] =	sst s10  }
0x35: {  	s10 =	sld [smem:$0x3FAB];
	_ =	sdelay $0x3  }
0x36: {  	p1 =	seq.s32 s10, $0x1;
	s10 =	sld [smem:$0x3FAC];
	_ =	sdelay $0x3  }
0x37: {  	[smem:$0x3FAC] =	sst s10  }
0x38: {  	s10 =	sld [smem:$0x3FAD]  }
0x39: {  	_ = 	snop;
	(pc) =	sbr.ind lr, $3  }
0x3a: {  	_ = 	snop  }
0x3b: {  	_ = 	snop  }
0x3c: {  	p2 =	seq.s32 s10, $0x1;
	s10 =	sld [smem:$0x3FAC]  }
0x3d: {  	_ =	shalt  }
0x3e: {  	_ =	shalt  }
0x3f: {  	_ =	shalt  }
0x40: {  	_ =	shalt  }
0x41: {  	_ =	shalt  }
0x42: {  	_ =	shalt  }
0x43: {  	_ =	shalt  }
0x44: {  	_ =	shalt  }
0x45: {  	_ =	shalt  }
0x46: {  	_ =	shalt  }
0x47: {  	_ =	shalt  }
0x48: {  	_ =	shalt  }
0x49: {  	_ =	shalt  }
0x4a: {  	_ =	shalt  }
0x4b: {  	_ =	shalt  }
0x4c: {  	_ =	shalt  }
0x4d: {  	_ =	shalt  }
0x4e: {  	_ =	shalt  }
0x4f: {  	_ =	shalt  }
0x50: {  	_ =	shalt  }
0x51: {  	_ =	shalt  }
0x52: {  	_ =	shalt  }
0x53: {  	_ =	shalt  }
0x54: {  	_ =	shalt  }
0x55: {  	_ =	shalt  }
0x56: {  	_ =	shalt  }
0x57: {  	_ =	shalt  }
0x58: {  	_ =	shalt  }
0x59: {  	_ =	shalt  }
0x5a: {  	_ =	shalt  }
0x5b: {  	_ =	shalt  }
0x5c: {  	_ =	shalt  }
0x5d: {  	_ =	shalt  }
0x5e: {  	_ =	shalt  }
0x5f: {  	_ =	shalt  }
0x60: {  	_ =	shalt  }
0x61: {  	_ =	shalt  }
0x62: {  	_ =	shalt  }
0x63: {  	_ =	shalt  }
0x64: {  	_ =	shalt  }
0x65: {  	_ =	shalt  }
0x66: {  	_ =	shalt  }
0x67: {  	_ =	shalt  }
0x68: {  	_ =	shalt  }
0x69: {  	_ =	shalt  }
0x6a: {  	_ =	shalt  }
0x6b: {  	_ =	shalt  }
0x6c: {  	_ =	shalt  }
0x6d: {  	_ =	shalt  }
0x6e: {  	_ =	shalt  }
0x6f: {  	_ =	shalt  }
0x70: {  	_ =	shalt  }
0x71: {  	_ =	shalt  }
0x72: {  	_ =	shalt  }
0x73: {  	_ =	shalt  }
0x74: {  	_ =	shalt  }
0x75: {  	_ =	shalt  }
0x76: {  	_ =	shalt  }
0x77: {  	_ =	shalt  }
0x78: {  	_ =	shalt  }
0x79: {  	_ =	shalt  }
0x7a: {  	_ =	shalt  }
0x7b: {  	_ =	shalt  }
0x7c: {  	_ =	shalt  }
0x7d: {  	_ =	shalt  }
0x7e: {  	_ =	shalt  }
0x7f: {  	_ =	shalt  }
0x80: {  	_ =	shalt  }
0x81: {  	_ =	shalt  }
0x82: {  	_ =	shalt  }
0x83: {  	_ =	shalt  }
0x84: {  	_ =	shalt  }
0x85: {  	_ =	shalt  }
0x86: {  	_ =	shalt  }
0x87: {  	_ =	shalt  }
.Lfunc_end0:
.L_simem_size_0:
called_computation_lowered:
.L_overlay_start_0:
0x88: {  	s2 =	sld [smem:$0x3FD9]  }
0x89: {  	s3 =	sld [smem:$0x3FFE];
	_ =	sdelay $0x1  }
0x8a: {  	s1 =	srdreg.scid  }
0x8b: {  	s0 =	sand.u32 $0x1, s1  }
0x8c: {  	s16 =	sshll.u32 s0, $0xA;
	s2 =	sadd.s32 s3, s2  }
0x8d: {  	s2 =	sadd.s32 s2, s16  }
0x8e: {  	[smem:$0x3FB8] =	sst s2  }
0x8f: {  	_ = 	snop  }
0x90: {  	(tm) =	ssettm $0x1  }
0x91: {  	s17 =	sld [smem:$0x3FFB];
	_ =	sdelay $0x3  }
0x92: {  	_ =	strace s17  }
0x93: {  	s2 =	sld [smem:$0x3FFC];
	_ =	sdelay $0x3  }
0x94: {  	_ =	strace s2  }
0x95: {  	s2 =	sld [smem:$0x3FFD];
	_ =	sdelay $0x3  }
0x96: {  	_ =	strace s2  }
0x97: {  	_ =	strace $0x8FFFFFFF  }
0x98: {  	s18 =	sld [smem:$0x3FDB];
	_ =	sdelay $0x1  }
0x99: {  	s19 =	simm.s32 $_scs_section_size  }
0x9a: {  	s4 =	simm.s32 $_size__tile_overlayer_lowered;
	s5 =	simm.s32 $_tile_overlayer_lowered  }
0x9b: {  	s22 =	simm.s32 $0x1BFF;
	s21 =	sshll.u32 s5, $0x1;
	s2 =	sadd.s32 s19, s18  }
0x9c: {  	s6 =	simm.s32 $0x0;
	s20 =	sshll.u32 s4, $0x1;
	s4 =	sadd.s32 s21, s2  }
0x9d: {  	[timem:s6], [sflag:s22] =	dma.local [hbm:s4], s20  }
0x9e: {  	_ =	swait.ge [sflag:s22], s20  }
0x9f: {  	s3 =	ssub.s32 $0x0, s20;
	[sflag:s22] =	ssyncset.done $0x0  }
0xa0: {  	[sflag:s22] =	ssyncadd.s32 s3;
	_ =	sdelay $0x1  }
0xa1: {  	s23 =	simm.s32 $0x1B8B  }
0xa2: {  	_ =	swait.ge [sflag:s23], $0x1  }
0xa3: {  	[sflag:s23] =	ssyncset.done $0x0  }
0xa4: {  	s25 =	simm.s32 $0x1B8E;
	s24 =	sld [smem:$0x3FFE];
	[sflag:s23] =	ssyncadd.s32 $0xFFFFFFFF  }
0xa5: {  	s26 =	simm.s32 $execute0_lowered;
	[smem:$0x3FD2] =	sst s25  }
0xa6: {  	s4 =	sshll.u32 s26, $0x1;
	_ =	strace $0x80000046;
	[dreg:$0x1] =	wrdreg $0xFFFFFFFF  }
0xa7: {  	s28 =	simm.s32 $_size_execute0_lowered;
	s2 =	sadd.s32 s2, s4;
	[dreg:$0x0] =	wrdreg $0x0  }
0xa8: {  	s4 =	sshll.u32 s28, $0x1;
	[dreg:$0x2] =	wrdreg s2  }
0xa9: {  	[dreg:$0x3] =	wrdreg s4  }
0xaa: {  	[dreg:$0x4] =	wrdreg $0xC0  }
0xab: {  	_ =	task [dreg:s6], $0x5FFFF  }
0xac: {  	[dreg:$0x1] =	wrdreg $0xFFFFFFFF  }
0xad: {  	[dreg:$0x0] =	wrdreg $0x60  }
0xae: {  	[dreg:$0x2] =	wrdreg s24  }
0xaf: {  	[dreg:$0x3] =	wrdreg $0xA8000  }
0xb0: {  	[dreg:$0x4] =	wrdreg $0x9  }
0xb1: {  	_ =	task.clear_ibuf [dreg:s6], $0x5FFFF;
	_ =	strace $0x90000046  }
0xb2: {  	s29 =	simm.s32 $0x9;
	_ =	strace $0x80000048  }
0xb3: {  	_ =	swait.ge [sflag:s29], $0x1  }
0xb4: {  	[sflag:s29] =	ssyncadd.s32 $0xFFFFFFFF  }
0xb5: {  	_ =	strace $0x90000048  }
0xb6: {  	_ =	sfence  }
0xb7: {  	s30 =	sld [smem:$0x0];
	_ =	sdelay $0x2  }
0xb8: {  	s31 =	sshll.u32 s1, $0xD;
	s1 =	sshrl.u32 s1, $0x2  }
0xb9: {  	s3 =	sand.u32 $0x4000, s31;
	s1 =	sadd.s32 s1, s30  }
0xba: {  	s0 =	sor.u32 s3, s0;
	s1 =	sshll.u32 s1, $0x11  }
0xbb: {  	s0 =	sor.u32 s1, s0  }
0xbc: {  	s0 =	sadd.s32 $0x8F2B, s0  }
0xbd: {  	[sflag:s0] =	ssyncadd.remote.s32 $0x1  }
0xbe: {  	_ =	sfence.sel $0xFFFF  }
0xbf: {  	[dreg:$0x0] =	wrdreg $0xFFFFFFFF;
	(pc) =	sbr.abs _section_cstart, $3  }
0xc0: {  	[dreg:$0x1] =	wrdreg $0xFFFFFFFF  }
0xc1: {  	_ =	task.clear_ibuf [dreg:s6], $0x2FFFF;
	_ =	strace $0x9FFFFFFF  }
0xc2: {  	(tm) =	ssettm $0x7FFFFFFF  }
0xc3: {  	_ =	shalt  }
tec
execute0_lowered:
.L_overlay_start_1:
0x0: {  	(tag) =	ssettag $0x1  }
0x1: {  	s5 =	rddreg [dreg:$0x0]  }
0x2: {  	s0 =	srdreg.scid;
	s2 =	rddreg [dreg:$0x1]  }
0x3: {  	s3 =	simm.s32 $0x0;
	s12 =	simm.s32 $0x1;
	s13 =	simm.s32 $0x6800  }
0x4: {  	s14 =	simm.s32 $0x80;
	s15 =	simm.s32 $0x2800;
	s4 =	sand.u32 $0x1, s0  }
0x5: {  	s18 =	simm.s32 $0x0;
	s0 =	stileid.u32;
	s7 =	smul.u32 $0x140000, s4  }
0x6: {  	[smem:$0x7FF] =	sst s3;
	s1 =	sshll.u32 s4, $0x4;
	s8 =	smul.u32 $0x14000, s0  }
0x7: {  	s9 =	smul.u32 $0x50000, s0;
	s4 =	ssub.s32 $0x2, s4;
	s16 =	sshll.u32 s0, $0x6  }
0x8: {  	s1 =	sor.u32 s0, s1;
	s31 =	sshrl.u32 s4, $0x1;
	s16 =	sor.u32 $0x1C01, s16  }
0x9: {  	s6 =	smul.u32 $0x500, s1;
	s1 =	rddreg [dreg:$0x2];
	_ =	strace $0x80000047  }
0xa: {  	s7 =	sadd.s32 s8, s7;
	s9 =	sshrl.u32 s9, $0x2;
	s11 =	ssub.s32 s4, s31  }
0xb: {  	s7 =	sshrl.u32 s7, $0x3;
	s4 =	sadd.s32 s9, s2;
	s11 =	smax.u32 s11, $0x1  }
0xc: {  	s6 =	sadd.s32 s6, s5;
	s10 =	sadd.s32 s7, s5;
	s7 =	sadd.s32 $0x8000, s4  }
0xd: {  	s8 =	sadd.s32 $0xC000, s4;
	s9 =	sadd.s32 $0x10000, s4;
	s17 =	sshrl.u32 s4, $0x3  }
0xe: {  	v0 =	vimm.f32 $1.000000000e+00;
	v1 =	vimm.f32 $0.0e+00;
	s5 =	sadd.s32 $0x3C00, s6;
	s6 =	sadd.s32 $0x4000, s4;
	s10 =	sadd.s32 $0xDC00, s10  }
.LBB2_1:
0xf: {  	[tilespmem:s3], [sflag:$0x1] =	stream.linear.gather [hbm4b:s5+s3], $0x2800, $0x38;
	[tilespmem:$0x1E800] =	vst v63  }
0x10: {  	s19 =	sand.u32 $0xFE00, s3;
	_ =	swait.ge [sflag:s12], $0x2800  }
0x11: {  	s20 =	sand.u32 $0x70, s3;
	s19 =	sshrl.u32 s19, $0x2;
	[sflag:s12] =	ssyncset.done $0x0  }
0x12: {  	s19 =	sor.u32 s20, s19;
	[sflag:s12] =	ssyncadd.s32 $0xFFFFD800  }
0x13: {  	v2 =	vld [tilespmem:s19+$0x0];
	_ =	sdelay $0x2  }
0x14: {  	s21 =	simm.s32 $0x40  }
0x15: {  	s22 =	sand.u32 $0xFE00, s21;
	s21 =	simm.s32 $0x80;
	s20 =	simm.s32 $0x10  }
.LBB2_2:
0x16: {  	p0 =	sne.s32 s21, $0x9FC0;
	s23 =	sand.u32 $0x70, s20;
	s22 =	sshrl.u32 s22, $0x2;
	v2 =	vshrl.u32 v2, $0xE  }
0x17: {  	[tilespmem:s19+$0x0] =	vst v2;
	s19 =	sor.u32 s23, s22  }
.Ltmp0:
0x18: {  	v2 =	vld [tilespmem:s19+$0x0];
	(pc) =	sbr.rel @p0 .LBB2_2-.Ltmp0, $2  }
0x19: {  	_ =	sdelay $0x2  }
0x1a: {  	s20 =	sadd.s32 $0x10, s20;
	s22 =	sand.u32 $0xFE00, s21;
	s21 =	sadd.s32 $0x40, s21  }
0x1b: {  	s20 =	sand.u32 $0x70, s20;
	s21 =	sshrl.u32 s22, $0x2;
	v2 =	vshrl.u32 v2, $0xE  }
0x1c: {  	s20 =	sor.u32 s20, s21;
	[tilespmem:s19+$0x0] =	vst v2  }
0x1d: {  	v2 =	vld [tilespmem:s20+$0x0];
	_ =	sdelay $0x4  }
0x1e: {  	v2 =	vshrl.u32 v2, $0xE  }
0x1f: {  	s19 =	simm.s32 $0x0;
	[tilespmem:s20+$0x0] =	vst v2;
	s20 =	simm.s32 $0x200  }
.LBB2_4:
0x20: {  	p0 =	sne.s32 s20, $0xFE00;
	[tilespmem:s19+$0x6870] =	vst v1  }
0x21: {  	[tilespmem:s19+$0x2800] =	vst v0  }
0x22: {  	[tilespmem:s19+$0x6800] =	vst v1  }
0x23: {  	[tilespmem:s19+$0x2810] =	vst v0  }
0x24: {  	[tilespmem:s19+$0x6810] =	vst v1  }
0x25: {  	[tilespmem:s19+$0x2820] =	vst v0  }
0x26: {  	[tilespmem:s19+$0x6820] =	vst v1  }
0x27: {  	[tilespmem:s19+$0x2830] =	vst v0  }
0x28: {  	[tilespmem:s19+$0x6830] =	vst v1  }
0x29: {  	[tilespmem:s19+$0x2840] =	vst v0  }
0x2a: {  	[tilespmem:s19+$0x6840] =	vst v1  }
.Ltmp1:
0x2b: {  	[tilespmem:s19+$0x2850] =	vst v0;
	(pc) =	sbr.rel @p0 .LBB2_4-.Ltmp1, $4  }
0x2c: {  	[tilespmem:s19+$0x6850] =	vst v1  }
0x2d: {  	[tilespmem:s19+$0x2860] =	vst v0  }
0x2e: {  	[tilespmem:s19+$0x6860] =	vst v1  }
0x2f: {  	[tilespmem:s19+$0x2870] =	vst v0;
	s19 =	sshra.s32 s20, $0x2;
	s20 =	sadd.s32 $0x200, s20  }
0x30: {  	[tilespmem:s19+$0x6870] =	vst v1  }
0x31: {  	[tilespmem:s19+$0x2800] =	vst v0  }
0x32: {  	[tilespmem:s19+$0x6800] =	vst v1  }
0x33: {  	[tilespmem:s19+$0x2810] =	vst v0  }
0x34: {  	[tilespmem:s19+$0x6810] =	vst v1  }
0x35: {  	[tilespmem:s19+$0x2820] =	vst v0  }
0x36: {  	[tilespmem:s19+$0x6820] =	vst v1  }
0x37: {  	[tilespmem:s19+$0x2830] =	vst v0  }
0x38: {  	[tilespmem:s19+$0x6830] =	vst v1  }
0x39: {  	[tilespmem:s19+$0x2840] =	vst v0  }
0x3a: {  	[tilespmem:s19+$0x6840] =	vst v1  }
0x3b: {  	[tilespmem:s19+$0x2850] =	vst v0  }
0x3c: {  	[tilespmem:s19+$0x6850] =	vst v1  }
0x3d: {  	[tilespmem:s19+$0x2860] =	vst v0  }
0x3e: {  	[tilespmem:s19+$0x6860] =	vst v1  }
0x3f: {  	[tilespmem:s19+$0x2870] =	vst v0  }
0x40: {  	[spmem:s4] =	stream.linear.scatter [tilespmem:s13], [sflag:$0x1], $0x4000, $0x38;
	[tilespmem:$0x1E800] =	vst v63  }
0x41: {  	_ =	swait.ge [sflag:s12], $0x4000  }
0x42: {  	[sflag:s12] =	ssyncset.done $0x0  }
0x43: {  	[sflag:s12] =	ssyncadd.s32 $0xFFFFC000  }
0x44: {  	[spmem:s6] =	stream.linear.scatter [tilespmem:s13], [sflag:$0x1], $0x4000, $0x38;
	[tilespmem:$0x1E800] =	vst v63  }
0x45: {  	_ =	swait.ge [sflag:s12], $0x4000  }
0x46: {  	[sflag:s12] =	ssyncset.done $0x0  }
0x47: {  	[sflag:s12] =	ssyncadd.s32 $0xFFFFC000  }
0x48: {  	[spmem:s7] =	stream.linear.scatter [tilespmem:s13], [sflag:$0x1], $0x4000, $0x38;
	[tilespmem:$0x1E800] =	vst v63  }
0x49: {  	_ =	swait.ge [sflag:s12], $0x4000  }
0x4a: {  	[sflag:s12] =	ssyncset.done $0x0  }
0x4b: {  	[sflag:s12] =	ssyncadd.s32 $0xFFFFC000  }
0x4c: {  	[spmem:s8] =	stream.linear.scatter [tilespmem:s13], [sflag:$0x1], $0x4000, $0x38;
	[tilespmem:$0x1E800] =	vst v63  }
0x4d: {  	_ =	swait.ge [sflag:s12], $0x4000  }
0x4e: {  	[sflag:s12] =	ssyncset.done $0x0  }
0x4f: {  	[sflag:s12] =	ssyncadd.s32 $0xFFFFC000  }
0x50: {  	[spmem:s9] =	stream.linear.scatter [tilespmem:s13], [sflag:$0x1], $0x4000, $0x38;
	[tilespmem:$0x1E800] =	vst v63  }
0x51: {  	_ =	swait.ge [sflag:s12], $0x4000  }
0x52: {  	[sflag:s12] =	ssyncset.done $0x0  }
0x53: {  	[sflag:s12] =	ssyncadd.s32 $0xFFFFC000  }
0x54: {  	s31 =	simm.s32 $0x0;
	[bflag:$0x0] =	sbarrier.arrive $0xFFFF  }
0x55: {  	[spmem:s2] =	stream.indirect.scatter.add.f32 [tilespmem:s15], [sflag:$0x1], $0x80, s31, s14, $0xb8;
	[tilespmem:$0x1E800] =	vst v63  }
0x56: {  	_ =	swait.ge [sflag:s12], $0x4000  }
0x57: {  	s19 =	simm.s32 $0x200;
	[sflag:s12] =	ssyncset.done $0x0  }
.LBB2_6:
0x58: {  	s20 =	sshra.s32 s19, $0x2;
	[sflag:s12] =	ssyncadd.s32 $0xFFFFC000;
	p0 =	sne.s32 s19, $0x9E00  }
0x59: {  	[spmem:s2] =	stream.indirect.scatter.add.f32 [tilespmem:s15], [sflag:$0x1], $0x80, s20, s14, $0xb8;
	[tilespmem:$0x1E800] =	vst v63  }
.Ltmp2:
0x5a: {  	_ = 	snop;
	(pc) =	sbr.rel @p0 .LBB2_6-.Ltmp2, $4  }
0x5b: {  	_ = 	snop  }
0x5c: {  	s19 =	sadd.s32 $0x200, s19  }
0x5d: {  	_ =	swait.ge [sflag:s12], $0x4000  }
0x5e: {  	[sflag:s12] =	ssyncset.done $0x0  }
0x5f: {  	s18 =	sadd.s32 $0x1, s18  }
0x60: {  	[sflag:s12] =	ssyncadd.s32 $0xFFFFC000;
	p0 =	sne.s32 s18, s11  }
.Ltmp3:
0x61: {  	[bflag:$0x0] =	sbarrier.arrive $0xFFFF;
	(pc) =	sbr.rel @p0 .LBB2_1-.Ltmp3, $4  }
0x62: {  	[hbm:s10], [sflag:s16] =	dma.local [spmem:s17], $0x2800  }
0x63: {  	_ =	swait.ge [sflag:s12], $0x2800  }
0x64: {  	[sflag:s12] =	ssyncset.done $0x0  }
0x65: {  	[sflag:s12] =	ssyncadd.s32 $0xFFFFD800  }
0x66: {  	_ =	sfence.sel $0x180000  }
0x67: {  	[bflag:$0x0] =	sbarrier.arrive $0xFFFF  }
0x68: {  	p0 =	sne.s32 s0, $0x0;
	_ =	strace $0x90000047  }
0x69: {  	s0 =	sadd.s32 @!p0 $0x100000, s1;
	[bflag:$0x2] =	sbarrier.arrive $0xFFFF  }
0x6a: {  	[sflag:s0] =	ssyncadd.tile.s32 @!p0 $0x1;
	_ =	shalt  }
.Lfunc_end2:
_tile_overlayer_lowered:
.L_overlay_start_2:
0x6b: {  	(tag) =	ssettag $0x2  }
0x6c: {  	s0 =	rddreg [dreg:$0x0];
	s2 =	stileid.u32  }
0x6d: {  	s1 =	rddreg [dreg:$0x1];
	p0 =	sne.s32 s2, $0x0  }
0x6e: {  	s3 =	rddreg [dreg:$0x2];
	[bflag:$0x3] =	sbarrier.arrive $0xFFFF;
	s2 =	simm.s32 @!p0 $0x1C01  }
0x6f: {  	[timem:s3], [sflag:s2] =	dma.local @!p0 [hbm:s0], s1  }
0x70: {  	s0 =	simm.s32 @!p0 $0x1  }
0x71: {  	_ =	swait.ge @!p0 [sflag:s0], s1  }
0x72: {  	s1 =	ssub.s32 @!p0 $0x0, s1;
	[sflag:s0] =	ssyncset.done @!p0 $0x0  }
0x73: {  	[sflag:s0] =	ssyncadd.s32 @!p0 s1  }
0x74: {  	[bflag:$0x3] =	sbarrier.arrive $0xFFFF  }
0x75: {  	_ =	shalt  }

// kernel: kernel.13.cloned.1.call-start
scs
__scs_entry_jumppad:
0x0: {  	(pc) =	sbr.rel $0x88, $3  }
0x1: {  	(tag) =	ssettag $0x0;
	lr =	simm.s32 $0x1  }
0x2: {  	[smem:$0x3F91] =	sst lr;
	_ =	strace $0xD0000000  }
0x3: {  	_ = 	snop  }
0x4: {  	_ = 	snop  }
0x5: {  	_ = 	snop  }
0x6: {  	_ = 	snop  }
0x7: {  	_ = 	snop  }
__scs_overlays_trampoline_lowered:
0x8: {  	[smem:$0x3FA0] =	sst s0  }
0x9: {  	[smem:$0x3FA1] =	sst s1  }
0xa: {  	[smem:$0x3FA2] =	sst s2  }
0xb: {  	[smem:$0x3FA3] =	sst s3  }
0xc: {  	[smem:$0x3FA4] =	sst s4  }
0xd: {  	[smem:$0x3FA5] =	sst s5  }
0xe: {  	[smem:$0x3FA6] =	sst s6  }
0xf: {  	[smem:$0x3FA7] =	sst s7  }
0x10: {  	[smem:$0x3FA8] =	sst s8  }
0x11: {  	[smem:$0x3FA9] =	sst s9;
	s0 =	simm.s32 @!p0 $0x0  }
0x12: {  	s1 =	sld [smem:$0x3F8F];
	s0 =	simm.s32 @p0 $0x1  }
0x13: {  	[smem:$0x3FAA] =	sst s0;
	s0 =	simm.s32 @!p1 $0x0  }
0x14: {  	s2 =	sld [smem:$0x3F8E];
	s0 =	simm.s32 @p1 $0x1  }
0x15: {  	[smem:$0x3FAB] =	sst s0;
	s0 =	simm.s32 @!p2 $0x0  }
0x16: {  	s3 =	sld [smem:$0x3FDB];
	s0 =	simm.s32 @p2 $0x1  }
0x17: {  	s4 =	simm.s32 $0x1BF5;
	[smem:$0x3FAD] =	sst s0  }
0x18: {  	s0 =	sld [smem:$0x3F90];
	_ =	swait.ge [sflag:s4], $0x0  }
0x19: {  	s7 =	sld [smem:$0x3F91]  }
0x1a: {  	s8 =	sadd.s32 $0xFFFFE003, lr  }
0x1b: {  	s9 =	sadd.s32 $0xFFFFFEF7, lr;
	s5 =	simm.s32 $0xFFFFFFFF;
	p2 =	slt.u32 s8, $0xFFFFF086  }
0x1c: {  	p1 =	slt.u32 s9, $0xF7A;
	s5 =	simm.s32 @!p2 $0x0  }
0x1d: {  	s5 =	simm.s32 @p1 $0x1;
	p0 =	seq.s32 s7, s2  }
0x1e: {  	s7 =	smul.u32 @!p0 $0xF7A, s2;
	p2 =	seq.s32 @!p0 s5, $0x0  }
0x1f: {  	s9 =	smul.u32 $0xF7A, s1;
	s8 =	simm.s32 @!p0 $0x1BF5;
	p2 =	por !p2, p0  }
0x20: {  	[sflag:s8] =	ssyncset.s32 @!p0 $0xFFFFF086;
	s6 =	sadd.s32 @!p0 s3, s7;
	s7 =	simm.s32 @!p0 $0x108  }
0x21: {  	s3 =	sadd.s32 s3, s9;
	s6 =	sadd.s32 @!p0 $0x88, s6;
	s7 =	simm.s32 @p2 $0x1082  }
0x22: {  	[simem:s7], [sflag:s8] =	dma.local @!p0 [hbm:s6], $0xF7A  }
0x23: {  	s9 =	sor.u32 $0xD0000000, s2;
	s6 =	simm.s32 $0x108;
	_ =	swait.ge @!p0 [sflag:s8], $0x0  }
0x24: {  	s3 =	sadd.s32 $0x88, s3;
	s6 =	simm.s32 @!p1 $0x1082;
	[sflag:s4] =	ssyncset.s32 $0xFFFFF086  }
0x25: {  	[simem:s6], [sflag:s4] =	dma.local [hbm:s3], $0xF7A  }
0x26: {  	[smem:$0x3F91] =	sst s1;
	(tag) =	ssettag s2;
	_ =	strace s9  }
0x27: {  	s1 =	sld [smem:$0x3FA1]  }
0x28: {  	s2 =	sld [smem:$0x3FA2]  }
0x29: {  	s4 =	sld [smem:$0x3FA4]  }
0x2a: {  	p0 =	seq.s32 s5, $0x0;
	s5 =	sld [smem:$0x3FA5]  }
0x2b: {  	s6 =	sld [smem:$0x3FA6]  }
0x2c: {  	s7 =	sld [smem:$0x3FA7]  }
0x2d: {  	s3 =	simm.s32 $0x108;
	s8 =	sld [smem:$0x3FA8]  }
0x2e: {  	s3 =	simm.s32 @!p0 $0x1082;
	s9 =	sld [smem:$0x3FA9]  }
0x2f: {  	lr =	sadd.s32 s0, s3;
	s0 =	sld [smem:$0x3FA0]  }
0x30: {  	s3 =	sld [smem:$0x3FA3]  }
0x31: {  	[smem:$0x3FAC] =	sst s10  }
0x32: {  	s10 =	sld [smem:$0x3FAA];
	_ =	sdelay $0x3  }
0x33: {  	p0 =	seq.s32 s10, $0x1;
	s10 =	sld [smem:$0x3FAC];
	_ =	sdelay $0x3  }
0x34: {  	[smem:$0x3FAC] =	sst s10  }
0x35: {  	s10 =	sld [smem:$0x3FAB];
	_ =	sdelay $0x3  }
0x36: {  	p1 =	seq.s32 s10, $0x1;
	s10 =	sld [smem:$0x3FAC];
	_ =	sdelay $0x3  }
0x37: {  	[smem:$0x3FAC] =	sst s10  }
0x38: {  	s10 =	sld [smem:$0x3FAD]  }
0x39: {  	_ = 	snop;
	(pc) =	sbr.ind lr, $3  }
0x3a: {  	_ = 	snop  }
0x3b: {  	_ = 	snop  }
0x3c: {  	p2 =	seq.s32 s10, $0x1;
	s10 =	sld [smem:$0x3FAC]  }
0x3d: {  	_ =	shalt  }
0x3e: {  	_ =	shalt  }
0x3f: {  	_ =	shalt  }
0x40: {  	_ =	shalt  }
0x41: {  	_ =	shalt  }
0x42: {  	_ =	shalt  }
0x43: {  	_ =	shalt  }
0x44: {  	_ =	shalt  }
0x45: {  	_ =	shalt  }
0x46: {  	_ =	shalt  }
0x47: {  	_ =	shalt  }
0x48: {  	_ =	shalt  }
0x49: {  	_ =	shalt  }
0x4a: {  	_ =	shalt  }
0x4b: {  	_ =	shalt  }
0x4c: {  	_ =	shalt  }
0x4d: {  	_ =	shalt  }
0x4e: {  	_ =	shalt  }
0x4f: {  	_ =	shalt  }
0x50: {  	_ =	shalt  }
0x51: {  	_ =	shalt  }
0x52: {  	_ =	shalt  }
0x53: {  	_ =	shalt  }
0x54: {  	_ =	shalt  }
0x55: {  	_ =	shalt  }
0x56: {  	_ =	shalt  }
0x57: {  	_ =	shalt  }
0x58: {  	_ =	shalt  }
0x59: {  	_ =	shalt  }
0x5a: {  	_ =	shalt  }
0x5b: {  	_ =	shalt  }
0x5c: {  	_ =	shalt  }
0x5d: {  	_ =	shalt  }
0x5e: {  	_ =	shalt  }
0x5f: {  	_ =	shalt  }
0x60: {  	_ =	shalt  }
0x61: {  	_ =	shalt  }
0x62: {  	_ =	shalt  }
0x63: {  	_ =	shalt  }
0x64: {  	_ =	shalt  }
0x65: {  	_ =	shalt  }
0x66: {  	_ =	shalt  }
0x67: {  	_ =	shalt  }
0x68: {  	_ =	shalt  }
0x69: {  	_ =	shalt  }
0x6a: {  	_ =	shalt  }
0x6b: {  	_ =	shalt  }
0x6c: {  	_ =	shalt  }
0x6d: {  	_ =	shalt  }
0x6e: {  	_ =	shalt  }
0x6f: {  	_ =	shalt  }
0x70: {  	_ =	shalt  }
0x71: {  	_ =	shalt  }
0x72: {  	_ =	shalt  }
0x73: {  	_ =	shalt  }
0x74: {  	_ =	shalt  }
0x75: {  	_ =	shalt  }
0x76: {  	_ =	shalt  }
0x77: {  	_ =	shalt  }
0x78: {  	_ =	shalt  }
0x79: {  	_ =	shalt  }
0x7a: {  	_ =	shalt  }
0x7b: {  	_ =	shalt  }
0x7c: {  	_ =	shalt  }
0x7d: {  	_ =	shalt  }
0x7e: {  	_ =	shalt  }
0x7f: {  	_ =	shalt  }
0x80: {  	_ =	shalt  }
0x81: {  	_ =	shalt  }
0x82: {  	_ =	shalt  }
0x83: {  	_ =	shalt  }
0x84: {  	_ =	shalt  }
0x85: {  	_ =	shalt  }
0x86: {  	_ =	shalt  }
0x87: {  	_ =	shalt  }
.Lfunc_end0:
.L_simem_size_0:
called_computation.1_lowered:
.L_overlay_start_0:
0x88: {  	s2 =	sld [smem:$0x3FD9]  }
0x89: {  	s3 =	sld [smem:$0x3FFE];
	_ =	sdelay $0x1  }
0x8a: {  	s1 =	srdreg.scid  }
0x8b: {  	s0 =	sand.u32 $0x1, s1  }
0x8c: {  	s17 =	sshll.u32 s0, $0xA;
	s2 =	sadd.s32 s3, s2  }
0x8d: {  	s2 =	sadd.s32 s2, s17  }
0x8e: {  	[smem:$0x3FB8] =	sst s2  }
0x8f: {  	_ = 	snop  }
0x90: {  	(tm) =	ssettm $0x1  }
0x91: {  	s18 =	sld [smem:$0x3FFB];
	_ =	sdelay $0x3  }
0x92: {  	_ =	strace s18  }
0x93: {  	s2 =	sld [smem:$0x3FFC];
	_ =	sdelay $0x3  }
0x94: {  	_ =	strace s2  }
0x95: {  	s2 =	sld [smem:$0x3FFD];
	_ =	sdelay $0x3  }
0x96: {  	_ =	strace s2  }
0x97: {  	_ =	strace $0x8FFFFFFF  }
0x98: {  	s19 =	sld [smem:$0x3FDB];
	_ =	sdelay $0x1  }
0x99: {  	s20 =	simm.s32 $_scs_section_size  }
0x9a: {  	s4 =	simm.s32 $_size__tile_overlayer_lowered;
	s5 =	simm.s32 $_tile_overlayer_lowered  }
0x9b: {  	s6 =	simm.s32 $0x1BFF;
	s21 =	sshll.u32 s5, $0x1;
	s3 =	sadd.s32 s20, s19  }
0x9c: {  	s22 =	simm.s32 $0x0;
	s4 =	sshll.u32 s4, $0x1;
	s5 =	sadd.s32 s21, s3  }
0x9d: {  	[timem:s22], [sflag:s6] =	dma.local [hbm:s5], s4  }
0x9e: {  	_ =	swait.ge [sflag:s6], s4  }
0x9f: {  	s4 =	ssub.s32 $0x0, s4;
	[sflag:s6] =	ssyncset.done $0x0  }
0xa0: {  	[sflag:s6] =	ssyncadd.s32 s4;
	_ =	sdelay $0x1  }
0xa1: {  	s23 =	simm.s32 $0x1B8B  }
0xa2: {  	_ =	swait.ge [sflag:s23], $0x1  }
0xa3: {  	[sflag:s23] =	ssyncset.done $0x0  }
0xa4: {  	[sflag:s23] =	ssyncadd.s32 $0xFFFFFFFF  }
0xa5: {  	s4 =	sld [smem:$0x0]  }
0xa6: {  	s5 =	sand.u32 $0xFFFFFFFE, s1  }
0xa7: {  	p0 =	sne.s32 s1, s5  }
0xa8: {  	s5 =	sshll.u32 @p0 s5, $0xE  }
0xa9: {  	s5 =	sadd.s32 @p0 $0x11B8D, s5;
	s6 =	sshll.u32 @p0 s4, $0x11  }
0xaa: {  	s5 =	sor.u32 @p0 s6, s5  }
0xab: {  	[sflag:s5] =	ssyncadd.remote.s32 @p0 $0x1;
	_ =	sdelay $0x1  }
0xac: {  	s5 =	simm.s32 @p0 $0x1B8D  }
0xad: {  	_ =	swait.eq @p0 [sflag:s5], $0x1  }
0xae: {  	[sflag:s5] =	ssyncadd.s32 @p0 $0xFFFFFFFF  }
0xaf: {  	s6 =	sshll.u32 @!p0 s1, $0xE  }
0xb0: {  	s6 =	sor.u32 @!p0 $0x4000, s6;
	s5 =	simm.s32 @!p0 $0x1B8D  }
0xb1: {  	s4 =	sshll.u32 @!p0 s4, $0x11;
	s6 =	sadd.s32 @!p0 $0x11B8D, s6;
	_ =	swait.eq @!p0 [sflag:s5], $0x1  }
0xb2: {  	s4 =	sor.u32 @!p0 s4, s6;
	[sflag:s5] =	ssyncadd.s32 @!p0 $0xFFFFFFFF  }
0xb3: {  	s25 =	simm.s32 $0x1B8E;
	s24 =	sld [smem:$0x3FFE];
	[sflag:s4] =	ssyncadd.remote.s32 @!p0 $0x1  }
0xb4: {  	s26 =	simm.s32 $execute0_lowered;
	[smem:$0x3FD2] =	sst s25  }
0xb5: {  	s5 =	sshll.u32 s26, $0x1;
	_ =	strace $0x80000049;
	[dreg:$0x1] =	wrdreg $0xFFFFFFFF  }
0xb6: {  	s28 =	simm.s32 $_size_execute0_lowered;
	s3 =	sadd.s32 s3, s5;
	[dreg:$0x0] =	wrdreg $0x0  }
0xb7: {  	s5 =	sshll.u32 s28, $0x1;
	[dreg:$0x2] =	wrdreg s3  }
0xb8: {  	[dreg:$0x3] =	wrdreg s5  }
0xb9: {  	[dreg:$0x4] =	wrdreg $0xC0  }
0xba: {  	_ =	task [dreg:s22], $0x5FFFF  }
0xbb: {  	[dreg:$0x1] =	wrdreg $0xFFFFFFFF  }
0xbc: {  	[dreg:$0x0] =	wrdreg $0x60  }
0xbd: {  	[dreg:$0x2] =	wrdreg s24  }
0xbe: {  	[dreg:$0x3] =	wrdreg $0xAA000  }
0xbf: {  	[dreg:$0x4] =	wrdreg $0xA  }
0xc0: {  	_ =	task.clear_ibuf [dreg:s22], $0x5FFFF;
	_ =	strace $0x90000049  }
0xc1: {  	s29 =	simm.s32 $0xA;
	_ =	strace $0x8000004B  }
0xc2: {  	_ =	swait.ge [sflag:s29], $0x1  }
0xc3: {  	[sflag:s29] =	ssyncadd.s32 $0xFFFFFFFF  }
0xc4: {  	_ =	strace $0x9000004B  }
0xc5: {  	_ =	sfence  }
0xc6: {  	s30 =	sld [smem:$0x0];
	_ =	sdelay $0x2  }
0xc7: {  	s31 =	sshll.u32 s1, $0xD;
	s1 =	sshrl.u32 s1, $0x2  }
0xc8: {  	s4 =	sand.u32 $0x4000, s31;
	s1 =	sadd.s32 s1, s30  }
0xc9: {  	s0 =	sor.u32 s4, s0;
	s1 =	sshll.u32 s1, $0x11  }
0xca: {  	s0 =	sor.u32 s1, s0  }
0xcb: {  	s0 =	sadd.s32 $0x8F2B, s0  }
0xcc: {  	[sflag:s0] =	ssyncadd.remote.s32 $0x1  }
0xcd: {  	_ =	sfence.sel $0xFFFF  }
0xce: {  	[dreg:$0x0] =	wrdreg $0xFFFFFFFF;
	(pc) =	sbr.abs _section_cstart, $3  }
0xcf: {  	[dreg:$0x1] =	wrdreg $0xFFFFFFFF  }
0xd0: {  	_ =	task.clear_ibuf [dreg:s22], $0x2FFFF;
	_ =	strace $0x9FFFFFFF  }
0xd1: {  	(tm) =	ssettm $0x7FFFFFFF  }
tec
execute0_lowered:
.L_overlay_start_1:
0x0: {  	(tag) =	ssettag $0x1  }
0x1: {  	s6 =	rddreg [dreg:$0x0]  }
0x2: {  	s0 =	srdreg.scid;
	s2 =	rddreg [dreg:$0x1]  }
0x3: {  	s3 =	simm.s32 $0x0;
	s13 =	simm.s32 $0x3;
	s14 =	simm.s32 $0x2A00  }
0x4: {  	s15 =	simm.s32 $0x80;
	s16 =	simm.s32 $0x2800;
	s17 =	simm.s32 $0x2880  }
0x5: {  	s18 =	simm.s32 $0x6A00;
	s19 =	simm.s32 $0x1;
	s20 =	simm.s32 $0x2900  }
0x6: {  	s21 =	simm.s32 $0x2;
	s22 =	simm.s32 $0x2980;
	s5 =	sand.u32 $0x1, s0  }
0x7: {  	s24 =	simm.s32 $0x0;
	s0 =	stileid.u32;
	s8 =	smul.u32 $0x140000, s5  }
0x8: {  	[smem:$0x7FF] =	sst s3;
	s4 =	sadd.s32 $0x5DC00, s6;
	s9 =	smul.u32 $0x14000, s0  }
0x9: {  	s1 =	sshll.u32 s5, $0x4;
	s10 =	smul.u32 $0x50000, s0;
	s29 =	ssub.s32 $0x2, s5  }
0xa: {  	s23 =	sshll.u32 s0, $0x6;
	s1 =	sor.u32 s0, s1;
	s31 =	sshrl.u32 s29, $0x1  }
0xb: {  	s23 =	sor.u32 $0x1C03, s23;
	s7 =	smul.u32 $0x500, s1;
	s1 =	rddreg [dreg:$0x2]  }
0xc: {  	_ =	strace $0x8000004A;
	s8 =	sadd.s32 s9, s8;
	s30 =	sshrl.u32 s10, $0x2  }
0xd: {  	s12 =	ssub.s32 s29, s31;
	s8 =	sshrl.u32 s8, $0x3;
	s5 =	sadd.s32 s30, s2  }
0xe: {  	s12 =	smax.u32 s12, $0x1;
	s7 =	sadd.s32 s7, s6;
	s11 =	sadd.s32 s8, s6  }
0xf: {  	s8 =	sadd.s32 $0x8000, s5;
	s9 =	sadd.s32 $0xC000, s5;
	s10 =	sadd.s32 $0x10000, s5  }
0x10: {  	v0 =	vimm.f32 $0.0e+00;
	s6 =	sadd.s32 $0x3C00, s7;
	s7 =	sadd.s32 $0x4000, s5;
	s11 =	sadd.s32 $0x84E00, s11  }
.LBB2_1:
0x11: {  	[tilespmem:s3], [sflag:$0x3] =	stream.linear.gather [hbm4b:s6+s3], $0x2800, $0x38;
	[tilespmem:$0x1EA00] =	vst v63  }
0x12: {  	_ =	swait.ge [sflag:s13], $0x2800  }
0x13: {  	[sflag:s13] =	ssyncset.done $0x0  }
0x14: {  	s25 =	simm.s32 $0x0;
	s26 =	simm.s32 $0x200;
	[sflag:s13] =	ssyncadd.s32 $0xFFFFD800  }
.LBB2_2:
0x15: {  	p0 =	sne.s32 s26, $0xFE00;
	[tilespmem:s25+$0x2A70] =	vst v0  }
0x16: {  	[tilespmem:s25+$0x2A00] =	vst v0  }
0x17: {  	[tilespmem:s25+$0x2A10] =	vst v0  }
.Ltmp0:
0x18: {  	[tilespmem:s25+$0x2A20] =	vst v0;
	(pc) =	sbr.rel @p0 .LBB2_2-.Ltmp0, $4  }
0x19: {  	[tilespmem:s25+$0x2A30] =	vst v0  }
0x1a: {  	[tilespmem:s25+$0x2A40] =	vst v0  }
0x1b: {  	[tilespmem:s25+$0x2A50] =	vst v0  }
0x1c: {  	[tilespmem:s25+$0x2A60] =	vst v0;
	s25 =	sshra.s32 s26, $0x2;
	s26 =	sadd.s32 $0x200, s26  }
0x1d: {  	[tilespmem:s25+$0x2A70] =	vst v0  }
0x1e: {  	[tilespmem:s25+$0x2A00] =	vst v0  }
0x1f: {  	[tilespmem:s25+$0x2A10] =	vst v0  }
0x20: {  	[tilespmem:s25+$0x2A20] =	vst v0  }
0x21: {  	[tilespmem:s25+$0x2A30] =	vst v0  }
0x22: {  	[tilespmem:s25+$0x2A40] =	vst v0  }
0x23: {  	[tilespmem:s25+$0x2A50] =	vst v0  }
0x24: {  	[tilespmem:s25+$0x2A60] =	vst v0  }
0x25: {  	[spmem:s5] =	stream.linear.scatter [tilespmem:s14], [sflag:$0x3], $0x4000, $0x38;
	[tilespmem:$0x1EA00] =	vst v63  }
0x26: {  	_ =	swait.ge [sflag:s13], $0x4000  }
0x27: {  	[sflag:s13] =	ssyncset.done $0x0  }
0x28: {  	[sflag:s13] =	ssyncadd.s32 $0xFFFFC000  }
0x29: {  	[spmem:s7] =	stream.linear.scatter [tilespmem:s14], [sflag:$0x3], $0x4000, $0x38;
	[tilespmem:$0x1EA00] =	vst v63  }
0x2a: {  	_ =	swait.ge [sflag:s13], $0x4000  }
0x2b: {  	[sflag:s13] =	ssyncset.done $0x0  }
0x2c: {  	[sflag:s13] =	ssyncadd.s32 $0xFFFFC000  }
0x2d: {  	[spmem:s8] =	stream.linear.scatter [tilespmem:s14], [sflag:$0x3], $0x4000, $0x38;
	[tilespmem:$0x1EA00] =	vst v63  }
0x2e: {  	_ =	swait.ge [sflag:s13], $0x4000  }
0x2f: {  	[sflag:s13] =	ssyncset.done $0x0  }
0x30: {  	[sflag:s13] =	ssyncadd.s32 $0xFFFFC000  }
0x31: {  	[spmem:s9] =	stream.linear.scatter [tilespmem:s14], [sflag:$0x3], $0x4000, $0x38;
	[tilespmem:$0x1EA00] =	vst v63  }
0x32: {  	_ =	swait.ge [sflag:s13], $0x4000  }
0x33: {  	[sflag:s13] =	ssyncset.done $0x0  }
0x34: {  	[sflag:s13] =	ssyncadd.s32 $0xFFFFC000  }
0x35: {  	[spmem:s10] =	stream.linear.scatter [tilespmem:s14], [sflag:$0x3], $0x4000, $0x38;
	[tilespmem:$0x1EA00] =	vst v63  }
0x36: {  	_ =	swait.ge [sflag:s13], $0x4000  }
0x37: {  	[sflag:s13] =	ssyncset.done $0x0  }
0x38: {  	[sflag:s13] =	ssyncadd.s32 $0xFFFFC000  }
0x39: {  	[bflag:$0x0] =	sbarrier.arrive $0xFFFF  }
0x3a: {  	v1 =	vld [tilespmem:$0x0];
	_ =	sdelay $0x1  }
0x3b: {  	v2 =	vld [tilespmem:$0x10];
	_ =	sdelay $0x1  }
0x3c: {  	v3 =	vld [tilespmem:$0x20]  }
0x3d: {  	v4 =	vand.u32 $0x3FFF, v1  }
0x3e: {  	v59 =	vld [tilespmem:$0x30];
	v1 =	vshrl.u32 v1, $0xE;
	[tilespmem:$0x2800] =	vst v4  }
0x3f: {  	[tilespmem:$0x2900] =	vst v1;
	v1 =	vand.u32 $0x3FFF, v2  }
0x40: {  	[tilespmem:$0x2810] =	vst v1;
	v1 =	vshrl.u32 v2, $0xE;
	v2 =	vld [tilespmem:$0x40]  }
0x41: {  	[tilespmem:$0x2910] =	vst v1;
	v1 =	vand.u32 $0x3FFF, v3  }
0x42: {  	[tilespmem:$0x2820] =	vst v1;
	v1 =	vshrl.u32 v3, $0xE;
	v3 =	vld [tilespmem:$0x50]  }
0x43: {  	[tilespmem:$0x2920] =	vst v1;
	v1 =	vand.u32 $0x3FFF, v59  }
0x44: {  	v60 =	vld [tilespmem:$0x60];
	[tilespmem:$0x2830] =	vst v1;
	v1 =	vshrl.u32 v59, $0xE  }
0x45: {  	[tilespmem:$0x2930] =	vst v1;
	v1 =	vand.u32 $0x3FFF, v2  }
0x46: {  	[tilespmem:$0x2840] =	vst v1;
	v1 =	vshrl.u32 v2, $0xE;
	v2 =	vld [tilespmem:$0x70]  }
0x47: {  	[tilespmem:$0x2940] =	vst v1;
	v1 =	vand.u32 $0x3FFF, v3  }
0x48: {  	[tilespmem:$0x2850] =	vst v1;
	v1 =	vshrl.u32 v3, $0xE  }
0x49: {  	[tilespmem:$0x2950] =	vst v1;
	v1 =	vand.u32 $0x3FFF, v60  }
0x4a: {  	[tilespmem:$0x2860] =	vst v1;
	v1 =	vshrl.u32 v60, $0xE  }
0x4b: {  	[tilespmem:$0x2960] =	vst v1;
	v1 =	vand.u32 $0x3FFF, v2  }
0x4c: {  	[tilespmem:$0x2870] =	vst v1;
	v1 =	vshrl.u32 v2, $0xE  }
0x4d: {  	[tilespmem:$0x2970] =	vst v1  }
0x4e: {  	[tilespmem:s14], [sflag:$0x1] =	stream.indirect.gather [hbm4b:s4+s15], $0x80, s16, s15, $0xb8;
	[tilespmem:$0x1EA00] =	vst v63  }
0x4f: {  	v1 =	vld [tilespmem:$0x80];
	_ =	sdelay $0x1  }
0x50: {  	v2 =	vld [tilespmem:$0x90];
	_ =	sdelay $0x1  }
0x51: {  	v3 =	vld [tilespmem:$0xA0]  }
0x52: {  	v61 =	vand.u32 $0x3FFF, v1  }
0x53: {  	v62 =	vld [tilespmem:$0xB0];
	v1 =	vshrl.u32 v1, $0xE;
	[tilespmem:$0x2880] =	vst v61  }
0x54: {  	[tilespmem:$0x2980] =	vst v1;
	v1 =	vand.u32 $0x3FFF, v2  }
0x55: {  	[tilespmem:$0x2890] =	vst v1;
	v1 =	vshrl.u32 v2, $0xE;
	v2 =	vld [tilespmem:$0xC0]  }
0x56: {  	[tilespmem:$0x2990] =	vst v1;
	v1 =	vand.u32 $0x3FFF, v3  }
0x57: {  	[tilespmem:$0x28A0] =	vst v1;
	v1 =	vshrl.u32 v3, $0xE;
	v3 =	vld [tilespmem:$0xD0]  }
0x58: {  	[tilespmem:$0x29A0] =	vst v1;
	v1 =	vand.u32 $0x3FFF, v62  }
0x59: {  	v63 =	vld [tilespmem:$0xE0];
	[tilespmem:$0x28B0] =	vst v1;
	v1 =	vshrl.u32 v62, $0xE  }
0x5a: {  	[tilespmem:$0x29B0] =	vst v1;
	v1 =	vand.u32 $0x3FFF, v2  }
0x5b: {  	[tilespmem:$0x28C0] =	vst v1;
	v1 =	vshrl.u32 v2, $0xE;
	v2 =	vld [tilespmem:$0xF0]  }
0x5c: {  	[tilespmem:$0x29C0] =	vst v1;
	v1 =	vand.u32 $0x3FFF, v3  }
0x5d: {  	[tilespmem:$0x28D0] =	vst v1;
	v1 =	vshrl.u32 v3, $0xE  }
0x5e: {  	[tilespmem:$0x29D0] =	vst v1;
	v1 =	vand.u32 $0x3FFF, v63  }
0x5f: {  	[tilespmem:$0x28E0] =	vst v1;
	v1 =	vshrl.u32 v63, $0xE  }
0x60: {  	[tilespmem:$0x29E0] =	vst v1;
	v1 =	vand.u32 $0x3FFF, v2  }
0x61: {  	[tilespmem:$0x28F0] =	vst v1;
	v1 =	vshrl.u32 v2, $0xE  }
0x62: {  	[tilespmem:$0x29F0] =	vst v1  }
0x63: {  	[tilespmem:s18], [sflag:$0x2] =	stream.indirect.gather [hbm4b:s4+s15], $0x80, s17, s15, $0xb8;
	[tilespmem:$0x1EA00] =	vst v63  }
0x64: {  	_ =	swait.ge [sflag:s19], $0x4000  }
0x65: {  	[sflag:s19] =	ssyncset.done $0x0  }
0x66: {  	[sflag:s19] =	ssyncadd.s32 $0xFFFFC000  }
0x67: {  	[spmem:s2] =	stream.indirect.scatter.add.f32 [tilespmem:s14], [sflag:$0x3], $0x80, s20, s15, $0xb8;
	[tilespmem:$0x1EA00] =	vst v63  }
0x68: {  	_ =	swait.ge [sflag:s13], $0x4000  }
0x69: {  	[sflag:s13] =	ssyncset.done $0x0  }
0x6a: {  	s25 =	simm.s32 $0x1F0;
	[sflag:s13] =	ssyncadd.s32 $0xFFFFC000  }
0x6b: {  	v1 =	vld [tilespmem:s25+$0xFFFFFF10];
	_ =	sdelay $0x4  }
0x6c: {  	v2 =	vand.u32 $0x3FFF, v1  }
0x6d: {  	v1 =	vshrl.u32 v1, $0xE;
	[tilespmem:$0x2800] =	vst v2  }
0x6e: {  	[tilespmem:$0x2900] =	vst v1  }
0x6f: {  	v1 =	vld [tilespmem:s25+$0xFFFFFF20];
	_ =	sdelay $0x4  }
0x70: {  	v2 =	vand.u32 $0x3FFF, v1  }
0x71: {  	v1 =	vshrl.u32 v1, $0xE;
	[tilespmem:$0x2810] =	vst v2  }
0x72: {  	[tilespmem:$0x2910] =	vst v1  }
0x73: {  	v1 =	vld [tilespmem:s25+$0xFFFFFF30];
	_ =	sdelay $0x4  }
0x74: {  	v2 =	vand.u32 $0x3FFF, v1  }
0x75: {  	v1 =	vshrl.u32 v1, $0xE;
	[tilespmem:$0x2820] =	vst v2  }
0x76: {  	[tilespmem:$0x2920] =	vst v1  }
0x77: {  	v1 =	vld [tilespmem:s25+$0xFFFFFF40];
	_ =	sdelay $0x4  }
0x78: {  	v2 =	vand.u32 $0x3FFF, v1  }
0x79: {  	v1 =	vshrl.u32 v1, $0xE;
	[tilespmem:$0x2830] =	vst v2  }
0x7a: {  	[tilespmem:$0x2930] =	vst v1  }
0x7b: {  	v1 =	vld [tilespmem:s25+$0xFFFFFF50];
	_ =	sdelay $0x4  }
0x7c: {  	v2 =	vand.u32 $0x3FFF, v1  }
0x7d: {  	v1 =	vshrl.u32 v1, $0xE;
	[tilespmem:$0x2840] =	vst v2  }
0x7e: {  	[tilespmem:$0x2940] =	vst v1  }
0x7f: {  	v1 =	vld [tilespmem:s25+$0xFFFFFF60];
	_ =	sdelay $0x4  }
0x80: {  	v2 =	vand.u32 $0x3FFF, v1  }
0x81: {  	v1 =	vshrl.u32 v1, $0xE;
	[tilespmem:$0x2850] =	vst v2  }
0x82: {  	[tilespmem:$0x2950] =	vst v1  }
0x83: {  	v1 =	vld [tilespmem:s25+$0xFFFFFF70];
	_ =	sdelay $0x4  }
0x84: {  	v2 =	vand.u32 $0x3FFF, v1  }
0x85: {  	v1 =	vshrl.u32 v1, $0xE;
	[tilespmem:$0x2860] =	vst v2  }
0x86: {  	[tilespmem:$0x2960] =	vst v1  }
0x87: {  	v1 =	vld [tilespmem:s25+$0xFFFFFF80];
	_ =	sdelay $0x4  }
0x88: {  	v2 =	vand.u32 $0x3FFF, v1  }
0x89: {  	v1 =	vshrl.u32 v1, $0xE;
	[tilespmem:$0x2870] =	vst v2  }
0x8a: {  	[tilespmem:$0x2970] =	vst v1  }
0x8b: {  	[tilespmem:s14], [sflag:$0x1] =	stream.indirect.gather [hbm4b:s4+s15], $0x80, s16, s15, $0xb8;
	[tilespmem:$0x1EA00] =	vst v63  }
0x8c: {  	_ =	swait.ge [sflag:s21], $0x4000  }
0x8d: {  	[sflag:s21] =	ssyncset.done $0x0  }
0x8e: {  	[sflag:s21] =	ssyncadd.s32 $0xFFFFC000  }
0x8f: {  	[spmem:s2] =	stream.indirect.scatter.add.f32 [tilespmem:s18], [sflag:$0x3], $0x80, s22, s15, $0xb8;
	[tilespmem:$0x1EA00] =	vst v63  }
0x90: {  	_ =	swait.ge [sflag:s13], $0x4000  }
0x91: {  	[sflag:s13] =	ssyncset.done $0x0  }
0x92: {  	[sflag:s13] =	ssyncadd.s32 $0xFFFFC000  }
0x93: {  	v1 =	vld [tilespmem:s25+$0xFFFFFF90];
	_ =	sdelay $0x4  }
0x94: {  	v2 =	vand.u32 $0x3FFF, v1  }
0x95: {  	v1 =	vshrl.u32 v1, $0xE;
	[tilespmem:$0x2880] =	vst v2  }
0x96: {  	[tilespmem:$0x2980] =	vst v1  }
0x97: {  	v1 =	vld [tilespmem:s25+$0xFFFFFFA0];
	_ =	sdelay $0x4  }
0x98: {  	v2 =	vand.u32 $0x3FFF, v1  }
0x99: {  	v1 =	vshrl.u32 v1, $0xE;
	[tilespmem:$0x2890] =	vst v2  }
0x9a: {  	[tilespmem:$0x2990] =	vst v1  }
0x9b: {  	v1 =	vld [tilespmem:s25+$0xFFFFFFB0];
	_ =	sdelay $0x4  }
0x9c: {  	v2 =	vand.u32 $0x3FFF, v1  }
0x9d: {  	v1 =	vshrl.u32 v1, $0xE;
	[tilespmem:$0x28A0] =	vst v2  }
0x9e: {  	[tilespmem:$0x29A0] =	vst v1  }
0x9f: {  	v1 =	vld [tilespmem:s25+$0xFFFFFFC0];
	_ =	sdelay $0x4  }
0xa0: {  	v2 =	vand.u32 $0x3FFF, v1  }
0xa1: {  	v1 =	vshrl.u32 v1, $0xE;
	[tilespmem:$0x28B0] =	vst v2  }
0xa2: {  	[tilespmem:$0x29B0] =	vst v1  }
0xa3: {  	v1 =	vld [tilespmem:s25+$0xFFFFFFD0];
	_ =	sdelay $0x4  }
0xa4: {  	v2 =	vand.u32 $0x3FFF, v1  }
0xa5: {  	v1 =	vshrl.u32 v1, $0xE;
	[tilespmem:$0x28C0] =	vst v2  }
0xa6: {  	[tilespmem:$0x29C0] =	vst v1  }
0xa7: {  	v1 =	vld [tilespmem:s25+$0xFFFFFFE0];
	_ =	sdelay $0x4  }
0xa8: {  	v2 =	vand.u32 $0x3FFF, v1  }
0xa9: {  	v1 =	vshrl.u32 v1, $0xE;
	[tilespmem:$0x28D0] =	vst v2  }
0xaa: {  	[tilespmem:$0x29D0] =	vst v1  }
0xab: {  	v1 =	vld [tilespmem:s25+$0xFFFFFFF0];
	_ =	sdelay $0x4  }
0xac: {  	v2 =	vand.u32 $0x3FFF, v1  }
0xad: {  	s26 =	simm.s32 $0xBC0;
	v1 =	vshrl.u32 v1, $0xE;
	[tilespmem:$0x28E0] =	vst v2  }
.LBB2_4:
0xae: {  	p0 =	sne.s32 s26, $0x9FC0;
	[tilespmem:$0x29E0] =	vst v1;
	s28 =	smov.u32 s26;
	s26 =	sadd.s32 $0x400, s26  }
0xaf: {  	v1 =	vld [tilespmem:s25+$0x0];
	_ =	sdelay $0x4  }
0xb0: {  	v2 =	vand.u32 $0x3FFF, v1;
	v1 =	vshrl.u32 v1, $0xE  }
0xb1: {  	[tilespmem:$0x28F0] =	vst v2  }
0xb2: {  	[tilespmem:$0x29F0] =	vst v1  }
0xb3: {  	[tilespmem:s18], [sflag:$0x2] =	stream.indirect.gather [hbm4b:s4+s15], $0x80, s17, s15, $0xb8;
	[tilespmem:$0x1EA00] =	vst v63  }
0xb4: {  	_ =	swait.ge [sflag:s19], $0x4000  }
0xb5: {  	[sflag:s19] =	ssyncset.done $0x0  }
0xb6: {  	[sflag:s19] =	ssyncadd.s32 $0xFFFFC000  }
0xb7: {  	[spmem:s2] =	stream.indirect.scatter.add.f32 [tilespmem:s14], [sflag:$0x3], $0x80, s20, s15, $0xb8;
	[tilespmem:$0x1EA00] =	vst v63  }
0xb8: {  	_ =	swait.ge [sflag:s13], $0x4000  }
0xb9: {  	[sflag:s13] =	ssyncset.done $0x0  }
0xba: {  	s25 =	sshra.s32 s28, $0x2;
	[sflag:s13] =	ssyncadd.s32 $0xFFFFC000  }
0xbb: {  	v1 =	vld [tilespmem:s25+$0xFFFFFF10];
	_ =	sdelay $0x4  }
0xbc: {  	v2 =	vand.u32 $0x3FFF, v1;
	v1 =	vshrl.u32 v1, $0xE  }
0xbd: {  	[tilespmem:$0x2800] =	vst v2  }
0xbe: {  	[tilespmem:$0x2900] =	vst v1  }
0xbf: {  	v1 =	vld [tilespmem:s25+$0xFFFFFF20];
	_ =	sdelay $0x4  }
0xc0: {  	v2 =	vand.u32 $0x3FFF, v1;
	v1 =	vshrl.u32 v1, $0xE  }
0xc1: {  	[tilespmem:$0x2810] =	vst v2  }
0xc2: {  	[tilespmem:$0x2910] =	vst v1  }
0xc3: {  	v1 =	vld [tilespmem:s25+$0xFFFFFF30];
	_ =	sdelay $0x4  }
0xc4: {  	v2 =	vand.u32 $0x3FFF, v1;
	v1 =	vshrl.u32 v1, $0xE  }
0xc5: {  	[tilespmem:$0x2820] =	vst v2  }
0xc6: {  	[tilespmem:$0x2920] =	vst v1  }
0xc7: {  	v1 =	vld [tilespmem:s25+$0xFFFFFF40];
	_ =	sdelay $0x4  }
0xc8: {  	v2 =	vand.u32 $0x3FFF, v1;
	v1 =	vshrl.u32 v1, $0xE  }
0xc9: {  	[tilespmem:$0x2830] =	vst v2  }
0xca: {  	[tilespmem:$0x2930] =	vst v1  }
0xcb: {  	v1 =	vld [tilespmem:s25+$0xFFFFFF50];
	_ =	sdelay $0x4  }
0xcc: {  	v2 =	vand.u32 $0x3FFF, v1;
	v1 =	vshrl.u32 v1, $0xE  }
0xcd: {  	[tilespmem:$0x2840] =	vst v2  }
0xce: {  	[tilespmem:$0x2940] =	vst v1  }
0xcf: {  	v1 =	vld [tilespmem:s25+$0xFFFFFF60];
	_ =	sdelay $0x4  }
0xd0: {  	v2 =	vand.u32 $0x3FFF, v1;
	v1 =	vshrl.u32 v1, $0xE  }
0xd1: {  	[tilespmem:$0x2850] =	vst v2  }
0xd2: {  	[tilespmem:$0x2950] =	vst v1  }
0xd3: {  	v1 =	vld [tilespmem:s25+$0xFFFFFF70];
	_ =	sdelay $0x4  }
0xd4: {  	v2 =	vand.u32 $0x3FFF, v1;
	v1 =	vshrl.u32 v1, $0xE  }
0xd5: {  	[tilespmem:$0x2860] =	vst v2  }
0xd6: {  	[tilespmem:$0x2960] =	vst v1  }
0xd7: {  	v1 =	vld [tilespmem:s25+$0xFFFFFF80];
	_ =	sdelay $0x4  }
0xd8: {  	v2 =	vand.u32 $0x3FFF, v1;
	v1 =	vshrl.u32 v1, $0xE  }
0xd9: {  	[tilespmem:$0x2870] =	vst v2  }
0xda: {  	[tilespmem:$0x2970] =	vst v1  }
0xdb: {  	[tilespmem:s14], [sflag:$0x1] =	stream.indirect.gather [hbm4b:s4+s15], $0x80, s16, s15, $0xb8;
	[tilespmem:$0x1EA00] =	vst v63  }
0xdc: {  	_ =	swait.ge [sflag:s21], $0x4000  }
0xdd: {  	[sflag:s21] =	ssyncset.done $0x0  }
0xde: {  	[sflag:s21] =	ssyncadd.s32 $0xFFFFC000  }
0xdf: {  	[spmem:s2] =	stream.indirect.scatter.add.f32 [tilespmem:s18], [sflag:$0x3], $0x80, s22, s15, $0xb8;
	[tilespmem:$0x1EA00] =	vst v63  }
0xe0: {  	_ =	swait.ge [sflag:s13], $0x4000  }
0xe1: {  	[sflag:s13] =	ssyncset.done $0x0  }
0xe2: {  	[sflag:s13] =	ssyncadd.s32 $0xFFFFC000  }
0xe3: {  	v1 =	vld [tilespmem:s25+$0xFFFFFF90];
	_ =	sdelay $0x4  }
0xe4: {  	v2 =	vand.u32 $0x3FFF, v1;
	v1 =	vshrl.u32 v1, $0xE  }
0xe5: {  	[tilespmem:$0x2880] =	vst v2  }
0xe6: {  	[tilespmem:$0x2980] =	vst v1  }
0xe7: {  	v1 =	vld [tilespmem:s25+$0xFFFFFFA0];
	_ =	sdelay $0x4  }
0xe8: {  	v2 =	vand.u32 $0x3FFF, v1;
	v1 =	vshrl.u32 v1, $0xE  }
0xe9: {  	[tilespmem:$0x2890] =	vst v2  }
0xea: {  	[tilespmem:$0x2990] =	vst v1  }
0xeb: {  	v1 =	vld [tilespmem:s25+$0xFFFFFFB0];
	_ =	sdelay $0x4  }
0xec: {  	v2 =	vand.u32 $0x3FFF, v1;
	v1 =	vshrl.u32 v1, $0xE  }
0xed: {  	[tilespmem:$0x28A0] =	vst v2  }
0xee: {  	[tilespmem:$0x29A0] =	vst v1  }
0xef: {  	v1 =	vld [tilespmem:s25+$0xFFFFFFC0];
	_ =	sdelay $0x4  }
0xf0: {  	v2 =	vand.u32 $0x3FFF, v1;
	v1 =	vshrl.u32 v1, $0xE  }
0xf1: {  	[tilespmem:$0x28B0] =	vst v2  }
0xf2: {  	[tilespmem:$0x29B0] =	vst v1  }
0xf3: {  	v1 =	vld [tilespmem:s25+$0xFFFFFFD0];
	_ =	sdelay $0x4  }
0xf4: {  	v2 =	vand.u32 $0x3FFF, v1;
	v1 =	vshrl.u32 v1, $0xE  }
0xf5: {  	[tilespmem:$0x28C0] =	vst v2  }
0xf6: {  	[tilespmem:$0x29C0] =	vst v1  }
0xf7: {  	v1 =	vld [tilespmem:s25+$0xFFFFFFE0];
	_ =	sdelay $0x4  }
0xf8: {  	v2 =	vand.u32 $0x3FFF, v1;
	v1 =	vshrl.u32 v1, $0xE  }
0xf9: {  	[tilespmem:$0x28D0] =	vst v2  }
0xfa: {  	[tilespmem:$0x29D0] =	vst v1  }
0xfb: {  	v1 =	vld [tilespmem:s25+$0xFFFFFFF0];
	_ =	sdelay $0x1  }
.Ltmp1:
0xfc: {  	(pc) =	sbr.rel @p0 .LBB2_4-.Ltmp1, $3  }
0xfd: {  	_ =	sdelay $0x1  }
0xfe: {  	v2 =	vand.u32 $0x3FFF, v1;
	v1 =	vshrl.u32 v1, $0xE  }
0xff: {  	[tilespmem:$0x28E0] =	vst v2  }
0x100: {  	[tilespmem:$0x29E0] =	vst v1  }
0x101: {  	v1 =	vld [tilespmem:s25+$0x0];
	_ =	sdelay $0x4  }
0x102: {  	v2 =	vand.u32 $0x3FFF, v1  }
0x103: {  	v1 =	vshrl.u32 v1, $0xE;
	[tilespmem:$0x28F0] =	vst v2  }
0x104: {  	[tilespmem:$0x29F0] =	vst v1  }
0x105: {  	[tilespmem:s18], [sflag:$0x2] =	stream.indirect.gather [hbm4b:s4+s15], $0x80, s17, s15, $0xb8;
	[tilespmem:$0x1EA00] =	vst v63  }
0x106: {  	_ =	swait.ge [sflag:s19], $0x4000  }
0x107: {  	[sflag:s19] =	ssyncset.done $0x0  }
0x108: {  	[sflag:s19] =	ssyncadd.s32 $0xFFFFC000  }
0x109: {  	[spmem:s2] =	stream.indirect.scatter.add.f32 [tilespmem:s14], [sflag:$0x3], $0x80, s20, s15, $0xb8;
	[tilespmem:$0x1EA00] =	vst v63  }
0x10a: {  	_ =	swait.ge [sflag:s13], $0x4000  }
0x10b: {  	[sflag:s13] =	ssyncset.done $0x0  }
0x10c: {  	[sflag:s13] =	ssyncadd.s32 $0xFFFFC000  }
0x10d: {  	_ =	swait.ge [sflag:s21], $0x4000  }
0x10e: {  	[sflag:s21] =	ssyncset.done $0x0  }
0x10f: {  	[sflag:s21] =	ssyncadd.s32 $0xFFFFC000  }
0x110: {  	[spmem:s2] =	stream.indirect.scatter.add.f32 [tilespmem:s18], [sflag:$0x3], $0x80, s22, s15, $0xb8;
	[tilespmem:$0x1EA00] =	vst v63  }
0x111: {  	_ =	swait.ge [sflag:s13], $0x4000  }
0x112: {  	s24 =	sadd.s32 $0x1, s24;
	[sflag:s13] =	ssyncset.done $0x0  }
0x113: {  	p0 =	sne.s32 s24, s12;
	[sflag:s13] =	ssyncadd.s32 $0xFFFFC000  }
.Ltmp2:
0x114: {  	s31 =	sshrl.u32 s5, $0x3;
	[bflag:$0x0] =	sbarrier.arrive $0xFFFF;
	(pc) =	sbr.rel @p0 .LBB2_1-.Ltmp2, $4  }
0x115: {  	[hbm:s11], [sflag:s23] =	dma.local [spmem:s31], $0x2800  }
0x116: {  	_ =	swait.ge [sflag:s13], $0x2800  }
0x117: {  	[sflag:s13] =	ssyncset.done $0x0  }
0x118: {  	[sflag:s13] =	ssyncadd.s32 $0xFFFFD800  }
0x119: {  	_ =	sfence.sel $0x180000  }
0x11a: {  	[bflag:$0x0] =	sbarrier.arrive $0xFFFF  }
0x11b: {  	p0 =	sne.s32 s0, $0x0;
	_ =	strace $0x9000004A  }
0x11c: {  	s0 =	sadd.s32 @!p0 $0x100000, s1;
	[bflag:$0x2] =	sbarrier.arrive $0xFFFF  }
0x11d: {  	[sflag:s0] =	ssyncadd.tile.s32 @!p0 $0x1;
	_ =	shalt  }
.Lfunc_end2:
_tile_overlayer_lowered:
.L_overlay_start_2:
0x11e: {  	(tag) =	ssettag $0x2  }
0x11f: {  	s0 =	rddreg [dreg:$0x0];
	s2 =	stileid.u32  }
0x120: {  	s1 =	rddreg [dreg:$0x1];
	p0 =	sne.s32 s2, $0x0  }
0x121: {  	s3 =	rddreg [dreg:$0x2];
	[bflag:$0x3] =	sbarrier.arrive $0xFFFF;
	s2 =	simm.s32 @!p0 $0x1C03  }
0x122: {  	[timem:s3], [sflag:s2] =	dma.local @!p0 [hbm:s0], s1  }
0x123: {  	s0 =	simm.s32 @!p0 $0x3  }
0x124: {  	_ =	swait.ge @!p0 [sflag:s0], s1  }
0x125: {  	s1 =	ssub.s32 @!p0 $0x0, s1;
	[sflag:s0] =	ssyncset.done @!p0 $0x0  }
0x126: {  	[sflag:s0] =	ssyncadd.s32 @!p0 s1  }
0x127: {  	[bflag:$0x3] =	sbarrier.arrive $0xFFFF  }
0x128: {  	_ =	shalt  }

// kernel: kernel.16.cloned.1.call-start
scs
__scs_entry_jumppad:
0x0: {  	(pc) =	sbr.rel $0x88, $3  }
0x1: {  	(tag) =	ssettag $0x0;
	lr =	simm.s32 $0x1  }
0x2: {  	[smem:$0x3F91] =	sst lr;
	_ =	strace $0xD0000000  }
0x3: {  	_ = 	snop  }
0x4: {  	_ = 	snop  }
0x5: {  	_ = 	snop  }
0x6: {  	_ = 	snop  }
0x7: {  	_ = 	snop  }
__scs_overlays_trampoline_lowered:
0x8: {  	[smem:$0x3FA0] =	sst s0  }
0x9: {  	[smem:$0x3FA1] =	sst s1  }
0xa: {  	[smem:$0x3FA2] =	sst s2  }
0xb: {  	[smem:$0x3FA3] =	sst s3  }
0xc: {  	[smem:$0x3FA4] =	sst s4  }
0xd: {  	[smem:$0x3FA5] =	sst s5  }
0xe: {  	[smem:$0x3FA6] =	sst s6  }
0xf: {  	[smem:$0x3FA7] =	sst s7  }
0x10: {  	[smem:$0x3FA8] =	sst s8  }
0x11: {  	[smem:$0x3FA9] =	sst s9;
	s0 =	simm.s32 @!p0 $0x0  }
0x12: {  	s1 =	sld [smem:$0x3F8F];
	s0 =	simm.s32 @p0 $0x1  }
0x13: {  	[smem:$0x3FAA] =	sst s0;
	s0 =	simm.s32 @!p1 $0x0  }
0x14: {  	s2 =	sld [smem:$0x3F8E];
	s0 =	simm.s32 @p1 $0x1  }
0x15: {  	[smem:$0x3FAB] =	sst s0;
	s0 =	simm.s32 @!p2 $0x0  }
0x16: {  	s3 =	sld [smem:$0x3FDB];
	s0 =	simm.s32 @p2 $0x1  }
0x17: {  	s4 =	simm.s32 $0x1BF5;
	[smem:$0x3FAD] =	sst s0  }
0x18: {  	s0 =	sld [smem:$0x3F90];
	_ =	swait.ge [sflag:s4], $0x0  }
0x19: {  	s7 =	sld [smem:$0x3F91]  }
0x1a: {  	s8 =	sadd.s32 $0xFFFFE003, lr  }
0x1b: {  	s9 =	sadd.s32 $0xFFFFFEF7, lr;
	s5 =	simm.s32 $0xFFFFFFFF;
	p2 =	slt.u32 s8, $0xFFFFF086  }
0x1c: {  	p1 =	slt.u32 s9, $0xF7A;
	s5 =	simm.s32 @!p2 $0x0  }
0x1d: {  	s5 =	simm.s32 @p1 $0x1;
	p0 =	seq.s32 s7, s2  }
0x1e: {  	s7 =	smul.u32 @!p0 $0xF7A, s2;
	p2 =	seq.s32 @!p0 s5, $0x0  }
0x1f: {  	s9 =	smul.u32 $0xF7A, s1;
	s8 =	simm.s32 @!p0 $0x1BF5;
	p2 =	por !p2, p0  }
0x20: {  	[sflag:s8] =	ssyncset.s32 @!p0 $0xFFFFF086;
	s6 =	sadd.s32 @!p0 s3, s7;
	s7 =	simm.s32 @!p0 $0x108  }
0x21: {  	s3 =	sadd.s32 s3, s9;
	s6 =	sadd.s32 @!p0 $0x88, s6;
	s7 =	simm.s32 @p2 $0x1082  }
0x22: {  	[simem:s7], [sflag:s8] =	dma.local @!p0 [hbm:s6], $0xF7A  }
0x23: {  	s9 =	sor.u32 $0xD0000000, s2;
	s6 =	simm.s32 $0x108;
	_ =	swait.ge @!p0 [sflag:s8], $0x0  }
0x24: {  	s3 =	sadd.s32 $0x88, s3;
	s6 =	simm.s32 @!p1 $0x1082;
	[sflag:s4] =	ssyncset.s32 $0xFFFFF086  }
0x25: {  	[simem:s6], [sflag:s4] =	dma.local [hbm:s3], $0xF7A  }
0x26: {  	[smem:$0x3F91] =	sst s1;
	(tag) =	ssettag s2;
	_ =	strace s9  }
0x27: {  	s1 =	sld [smem:$0x3FA1]  }
0x28: {  	s2 =	sld [smem:$0x3FA2]  }
0x29: {  	s4 =	sld [smem:$0x3FA4]  }
0x2a: {  	p0 =	seq.s32 s5, $0x0;
	s5 =	sld [smem:$0x3FA5]  }
0x2b: {  	s6 =	sld [smem:$0x3FA6]  }
0x2c: {  	s7 =	sld [smem:$0x3FA7]  }
0x2d: {  	s3 =	simm.s32 $0x108;
	s8 =	sld [smem:$0x3FA8]  }
0x2e: {  	s3 =	simm.s32 @!p0 $0x1082;
	s9 =	sld [smem:$0x3FA9]  }
0x2f: {  	lr =	sadd.s32 s0, s3;
	s0 =	sld [smem:$0x3FA0]  }
0x30: {  	s3 =	sld [smem:$0x3FA3]  }
0x31: {  	[smem:$0x3FAC] =	sst s10  }
0x32: {  	s10 =	sld [smem:$0x3FAA];
	_ =	sdelay $0x3  }
0x33: {  	p0 =	seq.s32 s10, $0x1;
	s10 =	sld [smem:$0x3FAC];
	_ =	sdelay $0x3  }
0x34: {  	[smem:$0x3FAC] =	sst s10  }
0x35: {  	s10 =	sld [smem:$0x3FAB];
	_ =	sdelay $0x3  }
0x36: {  	p1 =	seq.s32 s10, $0x1;
	s10 =	sld [smem:$0x3FAC];
	_ =	sdelay $0x3  }
0x37: {  	[smem:$0x3FAC] =	sst s10  }
0x38: {  	s10 =	sld [smem:$0x3FAD]  }
0x39: {  	_ = 	snop;
	(pc) =	sbr.ind lr, $3  }
0x3a: {  	_ = 	snop  }
0x3b: {  	_ = 	snop  }
0x3c: {  	p2 =	seq.s32 s10, $0x1;
	s10 =	sld [smem:$0x3FAC]  }
0x3d: {  	_ =	shalt  }
0x3e: {  	_ =	shalt  }
0x3f: {  	_ =	shalt  }
0x40: {  	_ =	shalt  }
0x41: {  	_ =	shalt  }
0x42: {  	_ =	shalt  }
0x43: {  	_ =	shalt  }
0x44: {  	_ =	shalt  }
0x45: {  	_ =	shalt  }
0x46: {  	_ =	shalt  }
0x47: {  	_ =	shalt  }
0x48: {  	_ =	shalt  }
0x49: {  	_ =	shalt  }
0x4a: {  	_ =	shalt  }
0x4b: {  	_ =	shalt  }
0x4c: {  	_ =	shalt  }
0x4d: {  	_ =	shalt  }
0x4e: {  	_ =	shalt  }
0x4f: {  	_ =	shalt  }
0x50: {  	_ =	shalt  }
0x51: {  	_ =	shalt  }
0x52: {  	_ =	shalt  }
0x53: {  	_ =	shalt  }
0x54: {  	_ =	shalt  }
0x55: {  	_ =	shalt  }
0x56: {  	_ =	shalt  }
0x57: {  	_ =	shalt  }
0x58: {  	_ =	shalt  }
0x59: {  	_ =	shalt  }
0x5a: {  	_ =	shalt  }
0x5b: {  	_ =	shalt  }
0x5c: {  	_ =	shalt  }
0x5d: {  	_ =	shalt  }
0x5e: {  	_ =	shalt  }
0x5f: {  	_ =	shalt  }
0x60: {  	_ =	shalt  }
0x61: {  	_ =	shalt  }
0x62: {  	_ =	shalt  }
0x63: {  	_ =	shalt  }
0x64: {  	_ =	shalt  }
0x65: {  	_ =	shalt  }
0x66: {  	_ =	shalt  }
0x67: {  	_ =	shalt  }
0x68: {  	_ =	shalt  }
0x69: {  	_ =	shalt  }
0x6a: {  	_ =	shalt  }
0x6b: {  	_ =	shalt  }
0x6c: {  	_ =	shalt  }
0x6d: {  	_ =	shalt  }
0x6e: {  	_ =	shalt  }
0x6f: {  	_ =	shalt  }
0x70: {  	_ =	shalt  }
0x71: {  	_ =	shalt  }
0x72: {  	_ =	shalt  }
0x73: {  	_ =	shalt  }
0x74: {  	_ =	shalt  }
0x75: {  	_ =	shalt  }
0x76: {  	_ =	shalt  }
0x77: {  	_ =	shalt  }
0x78: {  	_ =	shalt  }
0x79: {  	_ =	shalt  }
0x7a: {  	_ =	shalt  }
0x7b: {  	_ =	shalt  }
0x7c: {  	_ =	shalt  }
0x7d: {  	_ =	shalt  }
0x7e: {  	_ =	shalt  }
0x7f: {  	_ =	shalt  }
0x80: {  	_ =	shalt  }
0x81: {  	_ =	shalt  }
0x82: {  	_ =	shalt  }
0x83: {  	_ =	shalt  }
0x84: {  	_ =	shalt  }
0x85: {  	_ =	shalt  }
0x86: {  	_ =	shalt  }
0x87: {  	_ =	shalt  }
.Lfunc_end0:
.L_simem_size_0:
called_computation.2_lowered:
.L_overlay_start_0:
0x88: {  	s2 =	sld [smem:$0x3FD9]  }
0x89: {  	s3 =	sld [smem:$0x3FFE];
	_ =	sdelay $0x1  }
0x8a: {  	s1 =	srdreg.scid  }
0x8b: {  	s0 =	sand.u32 $0x1, s1  }
0x8c: {  	s16 =	sshll.u32 s0, $0xA;
	s2 =	sadd.s32 s3, s2  }
0x8d: {  	s2 =	sadd.s32 s2, s16  }
0x8e: {  	[smem:$0x3FB8] =	sst s2  }
0x8f: {  	_ = 	snop  }
0x90: {  	(tm) =	ssettm $0x1  }
0x91: {  	s17 =	sld [smem:$0x3FFB];
	_ =	sdelay $0x3  }
0x92: {  	_ =	strace s17  }
0x93: {  	s2 =	sld [smem:$0x3FFC];
	_ =	sdelay $0x3  }
0x94: {  	_ =	strace s2  }
0x95: {  	s2 =	sld [smem:$0x3FFD];
	_ =	sdelay $0x3  }
0x96: {  	_ =	strace s2  }
0x97: {  	_ =	strace $0x8FFFFFFF  }
0x98: {  	s18 =	sld [smem:$0x3FDB];
	_ =	sdelay $0x1  }
0x99: {  	s19 =	simm.s32 $_scs_section_size  }
0x9a: {  	s4 =	simm.s32 $_size__tile_overlayer_lowered;
	s5 =	simm.s32 $_tile_overlayer_lowered  }
0x9b: {  	s22 =	simm.s32 $0x1BFF;
	s21 =	sshll.u32 s5, $0x1;
	s2 =	sadd.s32 s19, s18  }
0x9c: {  	s6 =	simm.s32 $0x0;
	s20 =	sshll.u32 s4, $0x1;
	s4 =	sadd.s32 s21, s2  }
0x9d: {  	[timem:s6], [sflag:s22] =	dma.local [hbm:s4], s20  }
0x9e: {  	_ =	swait.ge [sflag:s22], s20  }
0x9f: {  	s3 =	ssub.s32 $0x0, s20;
	[sflag:s22] =	ssyncset.done $0x0  }
0xa0: {  	[sflag:s22] =	ssyncadd.s32 s3;
	_ =	sdelay $0x1  }
0xa1: {  	s23 =	simm.s32 $0x1B8B  }
0xa2: {  	_ =	swait.ge [sflag:s23], $0x1  }
0xa3: {  	[sflag:s23] =	ssyncset.done $0x0  }
0xa4: {  	s25 =	simm.s32 $0x1B8E;
	s24 =	sld [smem:$0x3FFE];
	[sflag:s23] =	ssyncadd.s32 $0xFFFFFFFF  }
0xa5: {  	s26 =	simm.s32 $execute0_lowered;
	[smem:$0x3FD2] =	sst s25  }
0xa6: {  	s4 =	sshll.u32 s26, $0x1;
	_ =	strace $0x8000004C;
	[dreg:$0x1] =	wrdreg $0xFFFFFFFF  }
0xa7: {  	s28 =	simm.s32 $_size_execute0_lowered;
	s2 =	sadd.s32 s2, s4;
	[dreg:$0x0] =	wrdreg $0x0  }
0xa8: {  	s4 =	sshll.u32 s28, $0x1;
	[dreg:$0x2] =	wrdreg s2  }
0xa9: {  	[dreg:$0x3] =	wrdreg s4  }
0xaa: {  	[dreg:$0x4] =	wrdreg $0xC0  }
0xab: {  	_ =	task [dreg:s6], $0x5FFFF  }
0xac: {  	[dreg:$0x1] =	wrdreg $0xFFFFFFFF  }
0xad: {  	[dreg:$0x0] =	wrdreg $0x60  }
0xae: {  	[dreg:$0x2] =	wrdreg s24  }
0xaf: {  	[dreg:$0x3] =	wrdreg $0xAA000  }
0xb0: {  	[dreg:$0x4] =	wrdreg $0x9  }
0xb1: {  	_ =	task.clear_ibuf [dreg:s6], $0x5FFFF;
	_ =	strace $0x9000004C  }
0xb2: {  	s29 =	simm.s32 $0x9;
	_ =	strace $0x8000004E  }
0xb3: {  	_ =	swait.ge [sflag:s29], $0x1  }
0xb4: {  	[sflag:s29] =	ssyncadd.s32 $0xFFFFFFFF  }
0xb5: {  	_ =	strace $0x9000004E  }
0xb6: {  	_ =	sfence  }
0xb7: {  	s30 =	sld [smem:$0x0];
	_ =	sdelay $0x2  }
0xb8: {  	s31 =	sshll.u32 s1, $0xD;
	s1 =	sshrl.u32 s1, $0x2  }
0xb9: {  	s3 =	sand.u32 $0x4000, s31;
	s1 =	sadd.s32 s1, s30  }
0xba: {  	s0 =	sor.u32 s3, s0;
	s1 =	sshll.u32 s1, $0x11  }
0xbb: {  	s0 =	sor.u32 s1, s0  }
0xbc: {  	s0 =	sadd.s32 $0x8F2B, s0  }
0xbd: {  	[sflag:s0] =	ssyncadd.remote.s32 $0x1  }
0xbe: {  	_ =	sfence.sel $0xFFFF  }
0xbf: {  	[dreg:$0x0] =	wrdreg $0xFFFFFFFF;
	(pc) =	sbr.abs _section_cstart, $3  }
0xc0: {  	[dreg:$0x1] =	wrdreg $0xFFFFFFFF  }
0xc1: {  	_ =	task.clear_ibuf [dreg:s6], $0x2FFFF;
	_ =	strace $0x9FFFFFFF  }
0xc2: {  	(tm) =	ssettm $0x7FFFFFFF  }
0xc3: {  	_ =	shalt  }
tec
execute0_lowered:
.L_overlay_start_1:
0x0: {  	(tag) =	ssettag $0x1  }
0x1: {  	s6 =	rddreg [dreg:$0x0]  }
0x2: {  	s0 =	srdreg.scid;
	s2 =	rddreg [dreg:$0x1]  }
0x3: {  	s3 =	simm.s32 $0x0;
	s13 =	simm.s32 $0x3;
	s14 =	simm.s32 $0x2A00  }
0x4: {  	s15 =	simm.s32 $0x80;
	s16 =	simm.s32 $0x2800;
	s17 =	simm.s32 $0x2880  }
0x5: {  	s18 =	simm.s32 $0x6A00;
	s19 =	simm.s32 $0x1;
	s20 =	simm.s32 $0x2900  }
0x6: {  	s21 =	simm.s32 $0x2;
	s22 =	simm.s32 $0x2980;
	s5 =	sand.u32 $0x1, s0  }
0x7: {  	s24 =	simm.s32 $0x0;
	s0 =	stileid.u32;
	s8 =	smul.u32 $0x140000, s5  }
0x8: {  	[smem:$0x7FF] =	sst s3;
	s4 =	sadd.s32 $0x5DC00, s6;
	s9 =	smul.u32 $0x14000, s0  }
0x9: {  	s1 =	sshll.u32 s5, $0x4;
	s10 =	smul.u32 $0x50000, s0;
	s29 =	ssub.s32 $0x2, s5  }
0xa: {  	s23 =	sshll.u32 s0, $0x6;
	s1 =	sor.u32 s0, s1;
	s31 =	sshrl.u32 s29, $0x1  }
0xb: {  	s23 =	sor.u32 $0x1C03, s23;
	s7 =	smul.u32 $0x500, s1;
	s1 =	rddreg [dreg:$0x2]  }
0xc: {  	_ =	strace $0x8000004D;
	s8 =	sadd.s32 s9, s8;
	s30 =	sshrl.u32 s10, $0x2  }
0xd: {  	s12 =	ssub.s32 s29, s31;
	s8 =	sshrl.u32 s8, $0x3;
	s5 =	sadd.s32 s30, s2  }
0xe: {  	s12 =	smax.u32 s12, $0x1;
	s7 =	sadd.s32 s7, s6;
	s11 =	sadd.s32 s8, s6  }
0xf: {  	s8 =	sadd.s32 $0x8000, s5;
	s9 =	sadd.s32 $0xC000, s5;
	s10 =	sadd.s32 $0x10000, s5  }
0x10: {  	v0 =	vimm.f32 $0.0e+00;
	s6 =	sadd.s32 $0x3C00, s7;
	s7 =	sadd.s32 $0x4000, s5;
	s11 =	sadd.s32 $0x84E00, s11  }
.LBB2_1:
0x11: {  	[tilespmem:s3], [sflag:$0x3] =	stream.linear.gather [hbm4b:s6+s3], $0x2800, $0x38;
	[tilespmem:$0x1EA00] =	vst v63  }
0x12: {  	_ =	swait.ge [sflag:s13], $0x2800  }
0x13: {  	[sflag:s13] =	ssyncset.done $0x0  }
0x14: {  	s25 =	simm.s32 $0x0;
	s26 =	simm.s32 $0x200;
	[sflag:s13] =	ssyncadd.s32 $0xFFFFD800  }
.LBB2_2:
0x15: {  	p0 =	sne.s32 s26, $0xFE00;
	[tilespmem:s25+$0x2A70] =	vst v0  }
0x16: {  	[tilespmem:s25+$0x2A00] =	vst v0  }
0x17: {  	[tilespmem:s25+$0x2A10] =	vst v0  }
.Ltmp0:
0x18: {  	[tilespmem:s25+$0x2A20] =	vst v0;
	(pc) =	sbr.rel @p0 .LBB2_2-.Ltmp0, $4  }
0x19: {  	[tilespmem:s25+$0x2A30] =	vst v0  }
0x1a: {  	[tilespmem:s25+$0x2A40] =	vst v0  }
0x1b: {  	[tilespmem:s25+$0x2A50] =	vst v0  }
0x1c: {  	[tilespmem:s25+$0x2A60] =	vst v0;
	s25 =	sshra.s32 s26, $0x2;
	s26 =	sadd.s32 $0x200, s26  }
0x1d: {  	[tilespmem:s25+$0x2A70] =	vst v0  }
0x1e: {  	[tilespmem:s25+$0x2A00] =	vst v0  }
0x1f: {  	[tilespmem:s25+$0x2A10] =	vst v0  }
0x20: {  	[tilespmem:s25+$0x2A20] =	vst v0  }
0x21: {  	[tilespmem:s25+$0x2A30] =	vst v0  }
0x22: {  	[tilespmem:s25+$0x2A40] =	vst v0  }
0x23: {  	[tilespmem:s25+$0x2A50] =	vst v0  }
0x24: {  	[tilespmem:s25+$0x2A60] =	vst v0  }
0x25: {  	[spmem:s5] =	stream.linear.scatter [tilespmem:s14], [sflag:$0x3], $0x4000, $0x38;
	[tilespmem:$0x1EA00] =	vst v63  }
0x26: {  	_ =	swait.ge [sflag:s13], $0x4000  }
0x27: {  	[sflag:s13] =	ssyncset.done $0x0  }
0x28: {  	[sflag:s13] =	ssyncadd.s32 $0xFFFFC000  }
0x29: {  	[spmem:s7] =	stream.linear.scatter [tilespmem:s14], [sflag:$0x3], $0x4000, $0x38;
	[tilespmem:$0x1EA00] =	vst v63  }
0x2a: {  	_ =	swait.ge [sflag:s13], $0x4000  }
0x2b: {  	[sflag:s13] =	ssyncset.done $0x0  }
0x2c: {  	[sflag:s13] =	ssyncadd.s32 $0xFFFFC000  }
0x2d: {  	[spmem:s8] =	stream.linear.scatter [tilespmem:s14], [sflag:$0x3], $0x4000, $0x38;
	[tilespmem:$0x1EA00] =	vst v63  }
0x2e: {  	_ =	swait.ge [sflag:s13], $0x4000  }
0x2f: {  	[sflag:s13] =	ssyncset.done $0x0  }
0x30: {  	[sflag:s13] =	ssyncadd.s32 $0xFFFFC000  }
0x31: {  	[spmem:s9] =	stream.linear.scatter [tilespmem:s14], [sflag:$0x3], $0x4000, $0x38;
	[tilespmem:$0x1EA00] =	vst v63  }
0x32: {  	_ =	swait.ge [sflag:s13], $0x4000  }
0x33: {  	[sflag:s13] =	ssyncset.done $0x0  }
0x34: {  	[sflag:s13] =	ssyncadd.s32 $0xFFFFC000  }
0x35: {  	[spmem:s10] =	stream.linear.scatter [tilespmem:s14], [sflag:$0x3], $0x4000, $0x38;
	[tilespmem:$0x1EA00] =	vst v63  }
0x36: {  	_ =	swait.ge [sflag:s13], $0x4000  }
0x37: {  	[sflag:s13] =	ssyncset.done $0x0  }
0x38: {  	[sflag:s13] =	ssyncadd.s32 $0xFFFFC000  }
0x39: {  	[bflag:$0x0] =	sbarrier.arrive $0xFFFF  }
0x3a: {  	v1 =	vld [tilespmem:$0x0];
	_ =	sdelay $0x1  }
0x3b: {  	v2 =	vld [tilespmem:$0x10];
	_ =	sdelay $0x1  }
0x3c: {  	v3 =	vld [tilespmem:$0x20]  }
0x3d: {  	v4 =	vand.u32 $0x3FFF, v1  }
0x3e: {  	v59 =	vld [tilespmem:$0x30];
	v1 =	vshrl.u32 v1, $0xE;
	[tilespmem:$0x2800] =	vst v4  }
0x3f: {  	[tilespmem:$0x2900] =	vst v1;
	v1 =	vand.u32 $0x3FFF, v2  }
0x40: {  	[tilespmem:$0x2810] =	vst v1;
	v1 =	vshrl.u32 v2, $0xE;
	v2 =	vld [tilespmem:$0x40]  }
0x41: {  	[tilespmem:$0x2910] =	vst v1;
	v1 =	vand.u32 $0x3FFF, v3  }
0x42: {  	[tilespmem:$0x2820] =	vst v1;
	v1 =	vshrl.u32 v3, $0xE;
	v3 =	vld [tilespmem:$0x50]  }
0x43: {  	[tilespmem:$0x2920] =	vst v1;
	v1 =	vand.u32 $0x3FFF, v59  }
0x44: {  	v60 =	vld [tilespmem:$0x60];
	[tilespmem:$0x2830] =	vst v1;
	v1 =	vshrl.u32 v59, $0xE  }
0x45: {  	[tilespmem:$0x2930] =	vst v1;
	v1 =	vand.u32 $0x3FFF, v2  }
0x46: {  	[tilespmem:$0x2840] =	vst v1;
	v1 =	vshrl.u32 v2, $0xE;
	v2 =	vld [tilespmem:$0x70]  }
0x47: {  	[tilespmem:$0x2940] =	vst v1;
	v1 =	vand.u32 $0x3FFF, v3  }
0x48: {  	[tilespmem:$0x2850] =	vst v1;
	v1 =	vshrl.u32 v3, $0xE  }
0x49: {  	[tilespmem:$0x2950] =	vst v1;
	v1 =	vand.u32 $0x3FFF, v60  }
0x4a: {  	[tilespmem:$0x2860] =	vst v1;
	v1 =	vshrl.u32 v60, $0xE  }
0x4b: {  	[tilespmem:$0x2960] =	vst v1;
	v1 =	vand.u32 $0x3FFF, v2  }
0x4c: {  	[tilespmem:$0x2870] =	vst v1;
	v1 =	vshrl.u32 v2, $0xE  }
0x4d: {  	[tilespmem:$0x2970] =	vst v1  }
0x4e: {  	[tilespmem:s14], [sflag:$0x1] =	stream.indirect.gather [hbm4b:s4+s15], $0x80, s16, s15, $0xb8;
	[tilespmem:$0x1EA00] =	vst v63  }
0x4f: {  	v1 =	vld [tilespmem:$0x80];
	_ =	sdelay $0x1  }
0x50: {  	v2 =	vld [tilespmem:$0x90];
	_ =	sdelay $0x1  }
0x51: {  	v3 =	vld [tilespmem:$0xA0]  }
0x52: {  	v61 =	vand.u32 $0x3FFF, v1  }
0x53: {  	v62 =	vld [tilespmem:$0xB0];
	v1 =	vshrl.u32 v1, $0xE;
	[tilespmem:$0x2880] =	vst v61  }
0x54: {  	[tilespmem:$0x2980] =	vst v1;
	v1 =	vand.u32 $0x3FFF, v2  }
0x55: {  	[tilespmem:$0x2890] =	vst v1;
	v1 =	vshrl.u32 v2, $0xE;
	v2 =	vld [tilespmem:$0xC0]  }
0x56: {  	[tilespmem:$0x2990] =	vst v1;
	v1 =	vand.u32 $0x3FFF, v3  }
0x57: {  	[tilespmem:$0x28A0] =	vst v1;
	v1 =	vshrl.u32 v3, $0xE;
	v3 =	vld [tilespmem:$0xD0]  }
0x58: {  	[tilespmem:$0x29A0] =	vst v1;
	v1 =	vand.u32 $0x3FFF, v62  }
0x59: {  	v63 =	vld [tilespmem:$0xE0];
	[tilespmem:$0x28B0] =	vst v1;
	v1 =	vshrl.u32 v62, $0xE  }
0x5a: {  	[tilespmem:$0x29B0] =	vst v1;
	v1 =	vand.u32 $0x3FFF, v2  }
0x5b: {  	[tilespmem:$0x28C0] =	vst v1;
	v1 =	vshrl.u32 v2, $0xE;
	v2 =	vld [tilespmem:$0xF0]  }
0x5c: {  	[tilespmem:$0x29C0] =	vst v1;
	v1 =	vand.u32 $0x3FFF, v3  }
0x5d: {  	[tilespmem:$0x28D0] =	vst v1;
	v1 =	vshrl.u32 v3, $0xE  }
0x5e: {  	[tilespmem:$0x29D0] =	vst v1;
	v1 =	vand.u32 $0x3FFF, v63  }
0x5f: {  	[tilespmem:$0x28E0] =	vst v1;
	v1 =	vshrl.u32 v63, $0xE  }
0x60: {  	[tilespmem:$0x29E0] =	vst v1;
	v1 =	vand.u32 $0x3FFF, v2  }
0x61: {  	[tilespmem:$0x28F0] =	vst v1;
	v1 =	vshrl.u32 v2, $0xE  }
0x62: {  	[tilespmem:$0x29F0] =	vst v1  }
0x63: {  	[tilespmem:s18], [sflag:$0x2] =	stream.indirect.gather [hbm4b:s4+s15], $0x80, s17, s15, $0xb8;
	[tilespmem:$0x1EA00] =	vst v63  }
0x64: {  	_ =	swait.ge [sflag:s19], $0x4000  }
0x65: {  	[sflag:s19] =	ssyncset.done $0x0  }
0x66: {  	[sflag:s19] =	ssyncadd.s32 $0xFFFFC000  }
0x67: {  	[spmem:s2] =	stream.indirect.scatter.add.f32 [tilespmem:s14], [sflag:$0x3], $0x80, s20, s15, $0xb8;
	[tilespmem:$0x1EA00] =	vst v63  }
0x68: {  	_ =	swait.ge [sflag:s13], $0x4000  }
0x69: {  	[sflag:s13] =	ssyncset.done $0x0  }
0x6a: {  	s25 =	simm.s32 $0x1F0;
	[sflag:s13] =	ssyncadd.s32 $0xFFFFC000  }
0x6b: {  	v1 =	vld [tilespmem:s25+$0xFFFFFF10];
	_ =	sdelay $0x4  }
0x6c: {  	v2 =	vand.u32 $0x3FFF, v1  }
0x6d: {  	v1 =	vshrl.u32 v1, $0xE;
	[tilespmem:$0x2800] =	vst v2  }
0x6e: {  	[tilespmem:$0x2900] =	vst v1  }
0x6f: {  	v1 =	vld [tilespmem:s25+$0xFFFFFF20];
	_ =	sdelay $0x4  }
0x70: {  	v2 =	vand.u32 $0x3FFF, v1  }
0x71: {  	v1 =	vshrl.u32 v1, $0xE;
	[tilespmem:$0x2810] =	vst v2  }
0x72: {  	[tilespmem:$0x2910] =	vst v1  }
0x73: {  	v1 =	vld [tilespmem:s25+$0xFFFFFF30];
	_ =	sdelay $0x4  }
0x74: {  	v2 =	vand.u32 $0x3FFF, v1  }
0x75: {  	v1 =	vshrl.u32 v1, $0xE;
	[tilespmem:$0x2820] =	vst v2  }
0x76: {  	[tilespmem:$0x2920] =	vst v1  }
0x77: {  	v1 =	vld [tilespmem:s25+$0xFFFFFF40];
	_ =	sdelay $0x4  }
0x78: {  	v2 =	vand.u32 $0x3FFF, v1  }
0x79: {  	v1 =	vshrl.u32 v1, $0xE;
	[tilespmem:$0x2830] =	vst v2  }
0x7a: {  	[tilespmem:$0x2930] =	vst v1  }
0x7b: {  	v1 =	vld [tilespmem:s25+$0xFFFFFF50];
	_ =	sdelay $0x4  }
0x7c: {  	v2 =	vand.u32 $0x3FFF, v1  }
0x7d: {  	v1 =	vshrl.u32 v1, $0xE;
	[tilespmem:$0x2840] =	vst v2  }
0x7e: {  	[tilespmem:$0x2940] =	vst v1  }
0x7f: {  	v1 =	vld [tilespmem:s25+$0xFFFFFF60];
	_ =	sdelay $0x4  }
0x80: {  	v2 =	vand.u32 $0x3FFF, v1  }
0x81: {  	v1 =	vshrl.u32 v1, $0xE;
	[tilespmem:$0x2850] =	vst v2  }
0x82: {  	[tilespmem:$0x2950] =	vst v1  }
0x83: {  	v1 =	vld [tilespmem:s25+$0xFFFFFF70];
	_ =	sdelay $0x4  }
0x84: {  	v2 =	vand.u32 $0x3FFF, v1  }
0x85: {  	v1 =	vshrl.u32 v1, $0xE;
	[tilespmem:$0x2860] =	vst v2  }
0x86: {  	[tilespmem:$0x2960] =	vst v1  }
0x87: {  	v1 =	vld [tilespmem:s25+$0xFFFFFF80];
	_ =	sdelay $0x4  }
0x88: {  	v2 =	vand.u32 $0x3FFF, v1  }
0x89: {  	v1 =	vshrl.u32 v1, $0xE;
	[tilespmem:$0x2870] =	vst v2  }
0x8a: {  	[tilespmem:$0x2970] =	vst v1  }
0x8b: {  	[tilespmem:s14], [sflag:$0x1] =	stream.indirect.gather [hbm4b:s4+s15], $0x80, s16, s15, $0xb8;
	[tilespmem:$0x1EA00] =	vst v63  }
0x8c: {  	_ =	swait.ge [sflag:s21], $0x4000  }
0x8d: {  	[sflag:s21] =	ssyncset.done $0x0  }
0x8e: {  	[sflag:s21] =	ssyncadd.s32 $0xFFFFC000  }
0x8f: {  	[spmem:s2] =	stream.indirect.scatter.add.f32 [tilespmem:s18], [sflag:$0x3], $0x80, s22, s15, $0xb8;
	[tilespmem:$0x1EA00] =	vst v63  }
0x90: {  	_ =	swait.ge [sflag:s13], $0x4000  }
0x91: {  	[sflag:s13] =	ssyncset.done $0x0  }
0x92: {  	[sflag:s13] =	ssyncadd.s32 $0xFFFFC000  }
0x93: {  	v1 =	vld [tilespmem:s25+$0xFFFFFF90];
	_ =	sdelay $0x4  }
0x94: {  	v2 =	vand.u32 $0x3FFF, v1  }
0x95: {  	v1 =	vshrl.u32 v1, $0xE;
	[tilespmem:$0x2880] =	vst v2  }
0x96: {  	[tilespmem:$0x2980] =	vst v1  }
0x97: {  	v1 =	vld [tilespmem:s25+$0xFFFFFFA0];
	_ =	sdelay $0x4  }
0x98: {  	v2 =	vand.u32 $0x3FFF, v1  }
0x99: {  	v1 =	vshrl.u32 v1, $0xE;
	[tilespmem:$0x2890] =	vst v2  }
0x9a: {  	[tilespmem:$0x2990] =	vst v1  }
0x9b: {  	v1 =	vld [tilespmem:s25+$0xFFFFFFB0];
	_ =	sdelay $0x4  }
0x9c: {  	v2 =	vand.u32 $0x3FFF, v1  }
0x9d: {  	v1 =	vshrl.u32 v1, $0xE;
	[tilespmem:$0x28A0] =	vst v2  }
0x9e: {  	[tilespmem:$0x29A0] =	vst v1  }
0x9f: {  	v1 =	vld [tilespmem:s25+$0xFFFFFFC0];
	_ =	sdelay $0x4  }
0xa0: {  	v2 =	vand.u32 $0x3FFF, v1  }
0xa1: {  	v1 =	vshrl.u32 v1, $0xE;
	[tilespmem:$0x28B0] =	vst v2  }
0xa2: {  	[tilespmem:$0x29B0] =	vst v1  }
0xa3: {  	v1 =	vld [tilespmem:s25+$0xFFFFFFD0];
	_ =	sdelay $0x4  }
0xa4: {  	v2 =	vand.u32 $0x3FFF, v1  }
0xa5: {  	v1 =	vshrl.u32 v1, $0xE;
	[tilespmem:$0x28C0] =	vst v2  }
0xa6: {  	[tilespmem:$0x29C0] =	vst v1  }
0xa7: {  	v1 =	vld [tilespmem:s25+$0xFFFFFFE0];
	_ =	sdelay $0x4  }
0xa8: {  	v2 =	vand.u32 $0x3FFF, v1  }
0xa9: {  	v1 =	vshrl.u32 v1, $0xE;
	[tilespmem:$0x28D0] =	vst v2  }
0xaa: {  	[tilespmem:$0x29D0] =	vst v1  }
0xab: {  	v1 =	vld [tilespmem:s25+$0xFFFFFFF0];
	_ =	sdelay $0x4  }
0xac: {  	v2 =	vand.u32 $0x3FFF, v1  }
0xad: {  	s26 =	simm.s32 $0xBC0;
	v1 =	vshrl.u32 v1, $0xE;
	[tilespmem:$0x28E0] =	vst v2  }
.LBB2_4:
0xae: {  	p0 =	sne.s32 s26, $0x9FC0;
	[tilespmem:$0x29E0] =	vst v1;
	s28 =	smov.u32 s26;
	s26 =	sadd.s32 $0x400, s26  }
0xaf: {  	v1 =	vld [tilespmem:s25+$0x0];
	_ =	sdelay $0x4  }
0xb0: {  	v2 =	vand.u32 $0x3FFF, v1;
	v1 =	vshrl.u32 v1, $0xE  }
0xb1: {  	[tilespmem:$0x28F0] =	vst v2  }
0xb2: {  	[tilespmem:$0x29F0] =	vst v1  }
0xb3: {  	[tilespmem:s18], [sflag:$0x2] =	stream.indirect.gather [hbm4b:s4+s15], $0x80, s17, s15, $0xb8;
	[tilespmem:$0x1EA00] =	vst v63  }
0xb4: {  	_ =	swait.ge [sflag:s19], $0x4000  }
0xb5: {  	[sflag:s19] =	ssyncset.done $0x0  }
0xb6: {  	[sflag:s19] =	ssyncadd.s32 $0xFFFFC000  }
0xb7: {  	[spmem:s2] =	stream.indirect.scatter.add.f32 [tilespmem:s14], [sflag:$0x3], $0x80, s20, s15, $0xb8;
	[tilespmem:$0x1EA00] =	vst v63  }
0xb8: {  	_ =	swait.ge [sflag:s13], $0x4000  }
0xb9: {  	[sflag:s13] =	ssyncset.done $0x0  }
0xba: {  	s25 =	sshra.s32 s28, $0x2;
	[sflag:s13] =	ssyncadd.s32 $0xFFFFC000  }
0xbb: {  	v1 =	vld [tilespmem:s25+$0xFFFFFF10];
	_ =	sdelay $0x4  }
0xbc: {  	v2 =	vand.u32 $0x3FFF, v1;
	v1 =	vshrl.u32 v1, $0xE  }
0xbd: {  	[tilespmem:$0x2800] =	vst v2  }
0xbe: {  	[tilespmem:$0x2900] =	vst v1  }
0xbf: {  	v1 =	vld [tilespmem:s25+$0xFFFFFF20];
	_ =	sdelay $0x4  }
0xc0: {  	v2 =	vand.u32 $0x3FFF, v1;
	v1 =	vshrl.u32 v1, $0xE  }
0xc1: {  	[tilespmem:$0x2810] =	vst v2  }
0xc2: {  	[tilespmem:$0x2910] =	vst v1  }
0xc3: {  	v1 =	vld [tilespmem:s25+$0xFFFFFF30];
	_ =	sdelay $0x4  }
0xc4: {  	v2 =	vand.u32 $0x3FFF, v1;
	v1 =	vshrl.u32 v1, $0xE  }
0xc5: {  	[tilespmem:$0x2820] =	vst v2  }
0xc6: {  	[tilespmem:$0x2920] =	vst v1  }
0xc7: {  	v1 =	vld [tilespmem:s25+$0xFFFFFF40];
	_ =	sdelay $0x4  }
0xc8: {  	v2 =	vand.u32 $0x3FFF, v1;
	v1 =	vshrl.u32 v1, $0xE  }
0xc9: {  	[tilespmem:$0x2830] =	vst v2  }
0xca: {  	[tilespmem:$0x2930] =	vst v1  }
0xcb: {  	v1 =	vld [tilespmem:s25+$0xFFFFFF50];
	_ =	sdelay $0x4  }
0xcc: {  	v2 =	vand.u32 $0x3FFF, v1;
	v1 =	vshrl.u32 v1, $0xE  }
0xcd: {  	[tilespmem:$0x2840] =	vst v2  }
0xce: {  	[tilespmem:$0x2940] =	vst v1  }
0xcf: {  	v1 =	vld [tilespmem:s25+$0xFFFFFF60];
	_ =	sdelay $0x4  }
0xd0: {  	v2 =	vand.u32 $0x3FFF, v1;
	v1 =	vshrl.u32 v1, $0xE  }
0xd1: {  	[tilespmem:$0x2850] =	vst v2  }
0xd2: {  	[tilespmem:$0x2950] =	vst v1  }
0xd3: {  	v1 =	vld [tilespmem:s25+$0xFFFFFF70];
	_ =	sdelay $0x4  }
0xd4: {  	v2 =	vand.u32 $0x3FFF, v1;
	v1 =	vshrl.u32 v1, $0xE  }
0xd5: {  	[tilespmem:$0x2860] =	vst v2  }
0xd6: {  	[tilespmem:$0x2960] =	vst v1  }
0xd7: {  	v1 =	vld [tilespmem:s25+$0xFFFFFF80];
	_ =	sdelay $0x4  }
0xd8: {  	v2 =	vand.u32 $0x3FFF, v1;
	v1 =	vshrl.u32 v1, $0xE  }
0xd9: {  	[tilespmem:$0x2870] =	vst v2  }
0xda: {  	[tilespmem:$0x2970] =	vst v1  }
0xdb: {  	[tilespmem:s14], [sflag:$0x1] =	stream.indirect.gather [hbm4b:s4+s15], $0x80, s16, s15, $0xb8;
	[tilespmem:$0x1EA00] =	vst v63  }
0xdc: {  	_ =	swait.ge [sflag:s21], $0x4000  }
0xdd: {  	[sflag:s21] =	ssyncset.done $0x0  }
0xde: {  	[sflag:s21] =	ssyncadd.s32 $0xFFFFC000  }
0xdf: {  	[spmem:s2] =	stream.indirect.scatter.add.f32 [tilespmem:s18], [sflag:$0x3], $0x80, s22, s15, $0xb8;
	[tilespmem:$0x1EA00] =	vst v63  }
0xe0: {  	_ =	swait.ge [sflag:s13], $0x4000  }
0xe1: {  	[sflag:s13] =	ssyncset.done $0x0  }
0xe2: {  	[sflag:s13] =	ssyncadd.s32 $0xFFFFC000  }
0xe3: {  	v1 =	vld [tilespmem:s25+$0xFFFFFF90];
	_ =	sdelay $0x4  }
0xe4: {  	v2 =	vand.u32 $0x3FFF, v1;
	v1 =	vshrl.u32 v1, $0xE  }
0xe5: {  	[tilespmem:$0x2880] =	vst v2  }
0xe6: {  	[tilespmem:$0x2980] =	vst v1  }
0xe7: {  	v1 =	vld [tilespmem:s25+$0xFFFFFFA0];
	_ =	sdelay $0x4  }
0xe8: {  	v2 =	vand.u32 $0x3FFF, v1;
	v1 =	vshrl.u32 v1, $0xE  }
0xe9: {  	[tilespmem:$0x2890] =	vst v2  }
0xea: {  	[tilespmem:$0x2990] =	vst v1  }
0xeb: {  	v1 =	vld [tilespmem:s25+$0xFFFFFFB0];
	_ =	sdelay $0x4  }
0xec: {  	v2 =	vand.u32 $0x3FFF, v1;
	v1 =	vshrl.u32 v1, $0xE  }
0xed: {  	[tilespmem:$0x28A0] =	vst v2  }
0xee: {  	[tilespmem:$0x29A0] =	vst v1  }
0xef: {  	v1 =	vld [tilespmem:s25+$0xFFFFFFC0];
	_ =	sdelay $0x4  }
0xf0: {  	v2 =	vand.u32 $0x3FFF, v1;
	v1 =	vshrl.u32 v1, $0xE  }
0xf1: {  	[tilespmem:$0x28B0] =	vst v2  }
0xf2: {  	[tilespmem:$0x29B0] =	vst v1  }
0xf3: {  	v1 =	vld [tilespmem:s25+$0xFFFFFFD0];
	_ =	sdelay $0x4  }
0xf4: {  	v2 =	vand.u32 $0x3FFF, v1;
	v1 =	vshrl.u32 v1, $0xE  }
0xf5: {  	[tilespmem:$0x28C0] =	vst v2  }
0xf6: {  	[tilespmem:$0x29C0] =	vst v1  }
0xf7: {  	v1 =	vld [tilespmem:s25+$0xFFFFFFE0];
	_ =	sdelay $0x4  }
0xf8: {  	v2 =	vand.u32 $0x3FFF, v1;
	v1 =	vshrl.u32 v1, $0xE  }
0xf9: {  	[tilespmem:$0x28D0] =	vst v2  }
0xfa: {  	[tilespmem:$0x29D0] =	vst v1  }
0xfb: {  	v1 =	vld [tilespmem:s25+$0xFFFFFFF0];
	_ =	sdelay $0x1  }
.Ltmp1:
0xfc: {  	(pc) =	sbr.rel @p0 .LBB2_4-.Ltmp1, $3  }
0xfd: {  	_ =	sdelay $0x1  }
0xfe: {  	v2 =	vand.u32 $0x3FFF, v1;
	v1 =	vshrl.u32 v1, $0xE  }
0xff: {  	[tilespmem:$0x28E0] =	vst v2  }
0x100: {  	[tilespmem:$0x29E0] =	vst v1  }
0x101: {  	v1 =	vld [tilespmem:s25+$0x0];
	_ =	sdelay $0x4  }
0x102: {  	v2 =	vand.u32 $0x3FFF, v1  }
0x103: {  	v1 =	vshrl.u32 v1, $0xE;
	[tilespmem:$0x28F0] =	vst v2  }
0x104: {  	[tilespmem:$0x29F0] =	vst v1  }
0x105: {  	[tilespmem:s18], [sflag:$0x2] =	stream.indirect.gather [hbm4b:s4+s15], $0x80, s17, s15, $0xb8;
	[tilespmem:$0x1EA00] =	vst v63  }
0x106: {  	_ =	swait.ge [sflag:s19], $0x4000  }
0x107: {  	[sflag:s19] =	ssyncset.done $0x0  }
0x108: {  	[sflag:s19] =	ssyncadd.s32 $0xFFFFC000  }
0x109: {  	[spmem:s2] =	stream.indirect.scatter.add.f32 [tilespmem:s14], [sflag:$0x3], $0x80, s20, s15, $0xb8;
	[tilespmem:$0x1EA00] =	vst v63  }
0x10a: {  	_ =	swait.ge [sflag:s13], $0x4000  }
0x10b: {  	[sflag:s13] =	ssyncset.done $0x0  }
0x10c: {  	[sflag:s13] =	ssyncadd.s32 $0xFFFFC000  }
0x10d: {  	_ =	swait.ge [sflag:s21], $0x4000  }
0x10e: {  	[sflag:s21] =	ssyncset.done $0x0  }
0x10f: {  	[sflag:s21] =	ssyncadd.s32 $0xFFFFC000  }
0x110: {  	[spmem:s2] =	stream.indirect.scatter.add.f32 [tilespmem:s18], [sflag:$0x3], $0x80, s22, s15, $0xb8;
	[tilespmem:$0x1EA00] =	vst v63  }
0x111: {  	_ =	swait.ge [sflag:s13], $0x4000  }
0x112: {  	s24 =	sadd.s32 $0x1, s24;
	[sflag:s13] =	ssyncset.done $0x0  }
0x113: {  	p0 =	sne.s32 s24, s12;
	[sflag:s13] =	ssyncadd.s32 $0xFFFFC000  }
.Ltmp2:
0x114: {  	s31 =	sshrl.u32 s5, $0x3;
	[bflag:$0x0] =	sbarrier.arrive $0xFFFF;
	(pc) =	sbr.rel @p0 .LBB2_1-.Ltmp2, $4  }
0x115: {  	[hbm:s11], [sflag:s23] =	dma.local [spmem:s31], $0x2800  }
0x116: {  	_ =	swait.ge [sflag:s13], $0x2800  }
0x117: {  	[sflag:s13] =	ssyncset.done $0x0  }
0x118: {  	[sflag:s13] =	ssyncadd.s32 $0xFFFFD800  }
0x119: {  	_ =	sfence.sel $0x180000  }
0x11a: {  	[bflag:$0x0] =	sbarrier.arrive $0xFFFF  }
0x11b: {  	p0 =	sne.s32 s0, $0x0;
	_ =	strace $0x9000004D  }
0x11c: {  	s0 =	sadd.s32 @!p0 $0x100000, s1;
	[bflag:$0x2] =	sbarrier.arrive $0xFFFF  }
0x11d: {  	[sflag:s0] =	ssyncadd.tile.s32 @!p0 $0x1;
	_ =	shalt  }
.Lfunc_end2:
_tile_overlayer_lowered:
.L_overlay_start_2:
0x11e: {  	(tag) =	ssettag $0x2  }
0x11f: {  	s0 =	rddreg [dreg:$0x0];
	s2 =	stileid.u32  }
0x120: {  	s1 =	rddreg [dreg:$0x1];
	p0 =	sne.s32 s2, $0x0  }
0x121: {  	s3 =	rddreg [dreg:$0x2];
	[bflag:$0x3] =	sbarrier.arrive $0xFFFF;
	s2 =	simm.s32 @!p0 $0x1C03  }
0x122: {  	[timem:s3], [sflag:s2] =	dma.local @!p0 [hbm:s0], s1  }
0x123: {  	s0 =	simm.s32 @!p0 $0x3  }
0x124: {  	_ =	swait.ge @!p0 [sflag:s0], s1  }
0x125: {  	s1 =	ssub.s32 @!p0 $0x0, s1;
	[sflag:s0] =	ssyncset.done @!p0 $0x0  }
0x126: {  	[sflag:s0] =	ssyncadd.s32 @!p0 s1  }
0x127: {  	[bflag:$0x3] =	sbarrier.arrive $0xFFFF  }
0x128: {  	_ =	shalt  }

// kernel: kernel.19.cloned.1.call-start
scs
__scs_entry_jumppad:
0x0: {  	(pc) =	sbr.rel $0x88, $3  }
0x1: {  	(tag) =	ssettag $0x0;
	lr =	simm.s32 $0x1  }
0x2: {  	[smem:$0x3F91] =	sst lr;
	_ =	strace $0xD0000000  }
0x3: {  	_ = 	snop  }
0x4: {  	_ = 	snop  }
0x5: {  	_ = 	snop  }
0x6: {  	_ = 	snop  }
0x7: {  	_ = 	snop  }
__scs_overlays_trampoline_lowered:
0x8: {  	[smem:$0x3FA0] =	sst s0  }
0x9: {  	[smem:$0x3FA1] =	sst s1  }
0xa: {  	[smem:$0x3FA2] =	sst s2  }
0xb: {  	[smem:$0x3FA3] =	sst s3  }
0xc: {  	[smem:$0x3FA4] =	sst s4  }
0xd: {  	[smem:$0x3FA5] =	sst s5  }
0xe: {  	[smem:$0x3FA6] =	sst s6  }
0xf: {  	[smem:$0x3FA7] =	sst s7  }
0x10: {  	[smem:$0x3FA8] =	sst s8  }
0x11: {  	[smem:$0x3FA9] =	sst s9;
	s0 =	simm.s32 @!p0 $0x0  }
0x12: {  	s1 =	sld [smem:$0x3F8F];
	s0 =	simm.s32 @p0 $0x1  }
0x13: {  	[smem:$0x3FAA] =	sst s0;
	s0 =	simm.s32 @!p1 $0x0  }
0x14: {  	s2 =	sld [smem:$0x3F8E];
	s0 =	simm.s32 @p1 $0x1  }
0x15: {  	[smem:$0x3FAB] =	sst s0;
	s0 =	simm.s32 @!p2 $0x0  }
0x16: {  	s3 =	sld [smem:$0x3FDB];
	s0 =	simm.s32 @p2 $0x1  }
0x17: {  	s4 =	simm.s32 $0x1BF5;
	[smem:$0x3FAD] =	sst s0  }
0x18: {  	s0 =	sld [smem:$0x3F90];
	_ =	swait.ge [sflag:s4], $0x0  }
0x19: {  	s7 =	sld [smem:$0x3F91]  }
0x1a: {  	s8 =	sadd.s32 $0xFFFFE003, lr  }
0x1b: {  	s9 =	sadd.s32 $0xFFFFFEF7, lr;
	s5 =	simm.s32 $0xFFFFFFFF;
	p2 =	slt.u32 s8, $0xFFFFF086  }
0x1c: {  	p1 =	slt.u32 s9, $0xF7A;
	s5 =	simm.s32 @!p2 $0x0  }
0x1d: {  	s5 =	simm.s32 @p1 $0x1;
	p0 =	seq.s32 s7, s2  }
0x1e: {  	s7 =	smul.u32 @!p0 $0xF7A, s2;
	p2 =	seq.s32 @!p0 s5, $0x0  }
0x1f: {  	s9 =	smul.u32 $0xF7A, s1;
	s8 =	simm.s32 @!p0 $0x1BF5;
	p2 =	por !p2, p0  }
0x20: {  	[sflag:s8] =	ssyncset.s32 @!p0 $0xFFFFF086;
	s6 =	sadd.s32 @!p0 s3, s7;
	s7 =	simm.s32 @!p0 $0x108  }
0x21: {  	s3 =	sadd.s32 s3, s9;
	s6 =	sadd.s32 @!p0 $0x88, s6;
	s7 =	simm.s32 @p2 $0x1082  }
0x22: {  	[simem:s7], [sflag:s8] =	dma.local @!p0 [hbm:s6], $0xF7A  }
0x23: {  	s9 =	sor.u32 $0xD0000000, s2;
	s6 =	simm.s32 $0x108;
	_ =	swait.ge @!p0 [sflag:s8], $0x0  }
0x24: {  	s3 =	sadd.s32 $0x88, s3;
	s6 =	simm.s32 @!p1 $0x1082;
	[sflag:s4] =	ssyncset.s32 $0xFFFFF086  }
0x25: {  	[simem:s6], [sflag:s4] =	dma.local [hbm:s3], $0xF7A  }
0x26: {  	[smem:$0x3F91] =	sst s1;
	(tag) =	ssettag s2;
	_ =	strace s9  }
0x27: {  	s1 =	sld [smem:$0x3FA1]  }
0x28: {  	s2 =	sld [smem:$0x3FA2]  }
0x29: {  	s4 =	sld [smem:$0x3FA4]  }
0x2a: {  	p0 =	seq.s32 s5, $0x0;
	s5 =	sld [smem:$0x3FA5]  }
0x2b: {  	s6 =	sld [smem:$0x3FA6]  }
0x2c: {  	s7 =	sld [smem:$0x3FA7]  }
0x2d: {  	s3 =	simm.s32 $0x108;
	s8 =	sld [smem:$0x3FA8]  }
0x2e: {  	s3 =	simm.s32 @!p0 $0x1082;
	s9 =	sld [smem:$0x3FA9]  }
0x2f: {  	lr =	sadd.s32 s0, s3;
	s0 =	sld [smem:$0x3FA0]  }
0x30: {  	s3 =	sld [smem:$0x3FA3]  }
0x31: {  	[smem:$0x3FAC] =	sst s10  }
0x32: {  	s10 =	sld [smem:$0x3FAA];
	_ =	sdelay $0x3  }
0x33: {  	p0 =	seq.s32 s10, $0x1;
	s10 =	sld [smem:$0x3FAC];
	_ =	sdelay $0x3  }
0x34: {  	[smem:$0x3FAC] =	sst s10  }
0x35: {  	s10 =	sld [smem:$0x3FAB];
	_ =	sdelay $0x3  }
0x36: {  	p1 =	seq.s32 s10, $0x1;
	s10 =	sld [smem:$0x3FAC];
	_ =	sdelay $0x3  }
0x37: {  	[smem:$0x3FAC] =	sst s10  }
0x38: {  	s10 =	sld [smem:$0x3FAD]  }
0x39: {  	_ = 	snop;
	(pc) =	sbr.ind lr, $3  }
0x3a: {  	_ = 	snop  }
0x3b: {  	_ = 	snop  }
0x3c: {  	p2 =	seq.s32 s10, $0x1;
	s10 =	sld [smem:$0x3FAC]  }
0x3d: {  	_ =	shalt  }
0x3e: {  	_ =	shalt  }
0x3f: {  	_ =	shalt  }
0x40: {  	_ =	shalt  }
0x41: {  	_ =	shalt  }
0x42: {  	_ =	shalt  }
0x43: {  	_ =	shalt  }
0x44: {  	_ =	shalt  }
0x45: {  	_ =	shalt  }
0x46: {  	_ =	shalt  }
0x47: {  	_ =	shalt  }
0x48: {  	_ =	shalt  }
0x49: {  	_ =	shalt  }
0x4a: {  	_ =	shalt  }
0x4b: {  	_ =	shalt  }
0x4c: {  	_ =	shalt  }
0x4d: {  	_ =	shalt  }
0x4e: {  	_ =	shalt  }
0x4f: {  	_ =	shalt  }
0x50: {  	_ =	shalt  }
0x51: {  	_ =	shalt  }
0x52: {  	_ =	shalt  }
0x53: {  	_ =	shalt  }
0x54: {  	_ =	shalt  }
0x55: {  	_ =	shalt  }
0x56: {  	_ =	shalt  }
0x57: {  	_ =	shalt  }
0x58: {  	_ =	shalt  }
0x59: {  	_ =	shalt  }
0x5a: {  	_ =	shalt  }
0x5b: {  	_ =	shalt  }
0x5c: {  	_ =	shalt  }
0x5d: {  	_ =	shalt  }
0x5e: {  	_ =	shalt  }
0x5f: {  	_ =	shalt  }
0x60: {  	_ =	shalt  }
0x61: {  	_ =	shalt  }
0x62: {  	_ =	shalt  }
0x63: {  	_ =	shalt  }
0x64: {  	_ =	shalt  }
0x65: {  	_ =	shalt  }
0x66: {  	_ =	shalt  }
0x67: {  	_ =	shalt  }
0x68: {  	_ =	shalt  }
0x69: {  	_ =	shalt  }
0x6a: {  	_ =	shalt  }
0x6b: {  	_ =	shalt  }
0x6c: {  	_ =	shalt  }
0x6d: {  	_ =	shalt  }
0x6e: {  	_ =	shalt  }
0x6f: {  	_ =	shalt  }
0x70: {  	_ =	shalt  }
0x71: {  	_ =	shalt  }
0x72: {  	_ =	shalt  }
0x73: {  	_ =	shalt  }
0x74: {  	_ =	shalt  }
0x75: {  	_ =	shalt  }
0x76: {  	_ =	shalt  }
0x77: {  	_ =	shalt  }
0x78: {  	_ =	shalt  }
0x79: {  	_ =	shalt  }
0x7a: {  	_ =	shalt  }
0x7b: {  	_ =	shalt  }
0x7c: {  	_ =	shalt  }
0x7d: {  	_ =	shalt  }
0x7e: {  	_ =	shalt  }
0x7f: {  	_ =	shalt  }
0x80: {  	_ =	shalt  }
0x81: {  	_ =	shalt  }
0x82: {  	_ =	shalt  }
0x83: {  	_ =	shalt  }
0x84: {  	_ =	shalt  }
0x85: {  	_ =	shalt  }
0x86: {  	_ =	shalt  }
0x87: {  	_ =	shalt  }
.Lfunc_end0:
.L_simem_size_0:
called_computation.3_lowered:
.L_overlay_start_0:
0x88: {  	s2 =	sld [smem:$0x3FD9]  }
0x89: {  	s3 =	sld [smem:$0x3FFE];
	_ =	sdelay $0x1  }
0x8a: {  	s1 =	srdreg.scid  }
0x8b: {  	s0 =	sand.u32 $0x1, s1  }
0x8c: {  	s16 =	sshll.u32 s0, $0xA;
	s2 =	sadd.s32 s3, s2  }
0x8d: {  	s2 =	sadd.s32 s2, s16  }
0x8e: {  	[smem:$0x3FB8] =	sst s2  }
0x8f: {  	_ = 	snop  }
0x90: {  	(tm) =	ssettm $0x1  }
0x91: {  	s17 =	sld [smem:$0x3FFB];
	_ =	sdelay $0x3  }
0x92: {  	_ =	strace s17  }
0x93: {  	s2 =	sld [smem:$0x3FFC];
	_ =	sdelay $0x3  }
0x94: {  	_ =	strace s2  }
0x95: {  	s2 =	sld [smem:$0x3FFD];
	_ =	sdelay $0x3  }
0x96: {  	_ =	strace s2  }
0x97: {  	_ =	strace $0x8FFFFFFF  }
0x98: {  	s18 =	sld [smem:$0x3FDB];
	_ =	sdelay $0x1  }
0x99: {  	s19 =	simm.s32 $_scs_section_size  }
0x9a: {  	s4 =	simm.s32 $_size__tile_overlayer_lowered;
	s5 =	simm.s32 $_tile_overlayer_lowered  }
0x9b: {  	s22 =	simm.s32 $0x1BFF;
	s21 =	sshll.u32 s5, $0x1;
	s2 =	sadd.s32 s19, s18  }
0x9c: {  	s6 =	simm.s32 $0x0;
	s20 =	sshll.u32 s4, $0x1;
	s4 =	sadd.s32 s21, s2  }
0x9d: {  	[timem:s6], [sflag:s22] =	dma.local [hbm:s4], s20  }
0x9e: {  	_ =	swait.ge [sflag:s22], s20  }
0x9f: {  	s3 =	ssub.s32 $0x0, s20;
	[sflag:s22] =	ssyncset.done $0x0  }
0xa0: {  	[sflag:s22] =	ssyncadd.s32 s3;
	_ =	sdelay $0x1  }
0xa1: {  	s23 =	simm.s32 $0x1B8B  }
0xa2: {  	_ =	swait.ge [sflag:s23], $0x1  }
0xa3: {  	[sflag:s23] =	ssyncset.done $0x0  }
0xa4: {  	s25 =	simm.s32 $0x1B8E;
	s24 =	sld [smem:$0x3FFE];
	[sflag:s23] =	ssyncadd.s32 $0xFFFFFFFF  }
0xa5: {  	s26 =	simm.s32 $execute0_lowered;
	[smem:$0x3FD2] =	sst s25  }
0xa6: {  	s4 =	sshll.u32 s26, $0x1;
	_ =	strace $0x8000004F;
	[dreg:$0x1] =	wrdreg $0xFFFFFFFF  }
0xa7: {  	s28 =	simm.s32 $_size_execute0_lowered;
	s2 =	sadd.s32 s2, s4;
	[dreg:$0x0] =	wrdreg $0x0  }
0xa8: {  	s4 =	sshll.u32 s28, $0x1;
	[dreg:$0x2] =	wrdreg s2  }
0xa9: {  	[dreg:$0x3] =	wrdreg s4  }
0xaa: {  	[dreg:$0x4] =	wrdreg $0xC0  }
0xab: {  	_ =	task [dreg:s6], $0x5FFFF  }
0xac: {  	[dreg:$0x1] =	wrdreg $0xFFFFFFFF  }
0xad: {  	[dreg:$0x0] =	wrdreg $0x60  }
0xae: {  	[dreg:$0x2] =	wrdreg s24  }
0xaf: {  	[dreg:$0x3] =	wrdreg $0xAA000  }
0xb0: {  	[dreg:$0x4] =	wrdreg $0x9  }
0xb1: {  	_ =	task.clear_ibuf [dreg:s6], $0x5FFFF;
	_ =	strace $0x9000004F  }
0xb2: {  	s29 =	simm.s32 $0x9;
	_ =	strace $0x80000051  }
0xb3: {  	_ =	swait.ge [sflag:s29], $0x1  }
0xb4: {  	[sflag:s29] =	ssyncadd.s32 $0xFFFFFFFF  }
0xb5: {  	_ =	strace $0x90000051  }
0xb6: {  	_ =	sfence  }
0xb7: {  	s30 =	sld [smem:$0x0];
	_ =	sdelay $0x2  }
0xb8: {  	s31 =	sshll.u32 s1, $0xD;
	s1 =	sshrl.u32 s1, $0x2  }
0xb9: {  	s3 =	sand.u32 $0x4000, s31;
	s1 =	sadd.s32 s1, s30  }
0xba: {  	s0 =	sor.u32 s3, s0;
	s1 =	sshll.u32 s1, $0x11  }
0xbb: {  	s0 =	sor.u32 s1, s0  }
0xbc: {  	s0 =	sadd.s32 $0x8F2B, s0  }
0xbd: {  	[sflag:s0] =	ssyncadd.remote.s32 $0x1  }
0xbe: {  	_ =	sfence.sel $0xFFFF  }
0xbf: {  	[dreg:$0x0] =	wrdreg $0xFFFFFFFF;
	(pc) =	sbr.abs _section_cstart, $3  }
0xc0: {  	[dreg:$0x1] =	wrdreg $0xFFFFFFFF  }
0xc1: {  	_ =	task.clear_ibuf [dreg:s6], $0x2FFFF;
	_ =	strace $0x9FFFFFFF  }
0xc2: {  	(tm) =	ssettm $0x7FFFFFFF  }
0xc3: {  	_ =	shalt  }
tec
execute0_lowered:
.L_overlay_start_1:
0x0: {  	(tag) =	ssettag $0x1  }
0x1: {  	s6 =	rddreg [dreg:$0x0]  }
0x2: {  	s0 =	srdreg.scid;
	s2 =	rddreg [dreg:$0x1]  }
0x3: {  	s3 =	simm.s32 $0x0;
	s13 =	simm.s32 $0x3;
	s14 =	simm.s32 $0x2A00  }
0x4: {  	s15 =	simm.s32 $0x80;
	s16 =	simm.s32 $0x2800;
	s17 =	simm.s32 $0x2880  }
0x5: {  	s18 =	simm.s32 $0x6A00;
	s19 =	simm.s32 $0x1;
	s20 =	simm.s32 $0x2900  }
0x6: {  	s21 =	simm.s32 $0x2;
	s22 =	simm.s32 $0x2980;
	s5 =	sand.u32 $0x1, s0  }
0x7: {  	s24 =	simm.s32 $0x0;
	s0 =	stileid.u32;
	s8 =	smul.u32 $0x140000, s5  }
0x8: {  	[smem:$0x7FF] =	sst s3;
	s4 =	sadd.s32 $0x5DC00, s6;
	s9 =	smul.u32 $0x14000, s0  }
0x9: {  	s1 =	sshll.u32 s5, $0x4;
	s10 =	smul.u32 $0x50000, s0;
	s29 =	ssub.s32 $0x2, s5  }
0xa: {  	s23 =	sshll.u32 s0, $0x6;
	s1 =	sor.u32 s0, s1;
	s31 =	sshrl.u32 s29, $0x1  }
0xb: {  	s23 =	sor.u32 $0x1C03, s23;
	s7 =	smul.u32 $0x500, s1;
	s1 =	rddreg [dreg:$0x2]  }
0xc: {  	_ =	strace $0x80000050;
	s8 =	sadd.s32 s9, s8;
	s30 =	sshrl.u32 s10, $0x2  }
0xd: {  	s12 =	ssub.s32 s29, s31;
	s8 =	sshrl.u32 s8, $0x3;
	s5 =	sadd.s32 s30, s2  }
0xe: {  	s12 =	smax.u32 s12, $0x1;
	s7 =	sadd.s32 s7, s6;
	s11 =	sadd.s32 s8, s6  }
0xf: {  	s8 =	sadd.s32 $0x8000, s5;
	s9 =	sadd.s32 $0xC000, s5;
	s10 =	sadd.s32 $0x10000, s5  }
0x10: {  	v0 =	vimm.f32 $0.0e+00;
	s6 =	sadd.s32 $0x3C00, s7;
	s7 =	sadd.s32 $0x4000, s5;
	s11 =	sadd.s32 $0x84E00, s11  }
.LBB2_1:
0x11: {  	[tilespmem:s3], [sflag:$0x3] =	stream.linear.gather [hbm4b:s6+s3], $0x2800, $0x38;
	[tilespmem:$0x1EA00] =	vst v63  }
0x12: {  	_ =	swait.ge [sflag:s13], $0x2800  }
0x13: {  	[sflag:s13] =	ssyncset.done $0x0  }
0x14: {  	s25 =	simm.s32 $0x0;
	s26 =	simm.s32 $0x200;
	[sflag:s13] =	ssyncadd.s32 $0xFFFFD800  }
.LBB2_2:
0x15: {  	p0 =	sne.s32 s26, $0xFE00;
	[tilespmem:s25+$0x2A70] =	vst v0  }
0x16: {  	[tilespmem:s25+$0x2A00] =	vst v0  }
0x17: {  	[tilespmem:s25+$0x2A10] =	vst v0  }
.Ltmp0:
0x18: {  	[tilespmem:s25+$0x2A20] =	vst v0;
	(pc) =	sbr.rel @p0 .LBB2_2-.Ltmp0, $4  }
0x19: {  	[tilespmem:s25+$0x2A30] =	vst v0  }
0x1a: {  	[tilespmem:s25+$0x2A40] =	vst v0  }
0x1b: {  	[tilespmem:s25+$0x2A50] =	vst v0  }
0x1c: {  	[tilespmem:s25+$0x2A60] =	vst v0;
	s25 =	sshra.s32 s26, $0x2;
	s26 =	sadd.s32 $0x200, s26  }
0x1d: {  	[tilespmem:s25+$0x2A70] =	vst v0  }
0x1e: {  	[tilespmem:s25+$0x2A00] =	vst v0  }
0x1f: {  	[tilespmem:s25+$0x2A10] =	vst v0  }
0x20: {  	[tilespmem:s25+$0x2A20] =	vst v0  }
0x21: {  	[tilespmem:s25+$0x2A30] =	vst v0  }
0x22: {  	[tilespmem:s25+$0x2A40] =	vst v0  }
0x23: {  	[tilespmem:s25+$0x2A50] =	vst v0  }
0x24: {  	[tilespmem:s25+$0x2A60] =	vst v0  }
0x25: {  	[spmem:s5] =	stream.linear.scatter [tilespmem:s14], [sflag:$0x3], $0x4000, $0x38;
	[tilespmem:$0x1EA00] =	vst v63  }
0x26: {  	_ =	swait.ge [sflag:s13], $0x4000  }
0x27: {  	[sflag:s13] =	ssyncset.done $0x0  }
0x28: {  	[sflag:s13] =	ssyncadd.s32 $0xFFFFC000  }
0x29: {  	[spmem:s7] =	stream.linear.scatter [tilespmem:s14], [sflag:$0x3], $0x4000, $0x38;
	[tilespmem:$0x1EA00] =	vst v63  }
0x2a: {  	_ =	swait.ge [sflag:s13], $0x4000  }
0x2b: {  	[sflag:s13] =	ssyncset.done $0x0  }
0x2c: {  	[sflag:s13] =	ssyncadd.s32 $0xFFFFC000  }
0x2d: {  	[spmem:s8] =	stream.linear.scatter [tilespmem:s14], [sflag:$0x3], $0x4000, $0x38;
	[tilespmem:$0x1EA00] =	vst v63  }
0x2e: {  	_ =	swait.ge [sflag:s13], $0x4000  }
0x2f: {  	[sflag:s13] =	ssyncset.done $0x0  }
0x30: {  	[sflag:s13] =	ssyncadd.s32 $0xFFFFC000  }
0x31: {  	[spmem:s9] =	stream.linear.scatter [tilespmem:s14], [sflag:$0x3], $0x4000, $0x38;
	[tilespmem:$0x1EA00] =	vst v63  }
0x32: {  	_ =	swait.ge [sflag:s13], $0x4000  }
0x33: {  	[sflag:s13] =	ssyncset.done $0x0  }
0x34: {  	[sflag:s13] =	ssyncadd.s32 $0xFFFFC000  }
0x35: {  	[spmem:s10] =	stream.linear.scatter [tilespmem:s14], [sflag:$0x3], $0x4000, $0x38;
	[tilespmem:$0x1EA00] =	vst v63  }
0x36: {  	_ =	swait.ge [sflag:s13], $0x4000  }
0x37: {  	[sflag:s13] =	ssyncset.done $0x0  }
0x38: {  	[sflag:s13] =	ssyncadd.s32 $0xFFFFC000  }
0x39: {  	[bflag:$0x0] =	sbarrier.arrive $0xFFFF  }
0x3a: {  	v1 =	vld [tilespmem:$0x0];
	_ =	sdelay $0x1  }
0x3b: {  	v2 =	vld [tilespmem:$0x10];
	_ =	sdelay $0x1  }
0x3c: {  	v3 =	vld [tilespmem:$0x20]  }
0x3d: {  	v4 =	vand.u32 $0x3FFF, v1  }
0x3e: {  	v59 =	vld [tilespmem:$0x30];
	v1 =	vshrl.u32 v1, $0xE;
	[tilespmem:$0x2800] =	vst v4  }
0x3f: {  	[tilespmem:$0x2900] =	vst v1;
	v1 =	vand.u32 $0x3FFF, v2  }
0x40: {  	[tilespmem:$0x2810] =	vst v1;
	v1 =	vshrl.u32 v2, $0xE;
	v2 =	vld [tilespmem:$0x40]  }
0x41: {  	[tilespmem:$0x2910] =	vst v1;
	v1 =	vand.u32 $0x3FFF, v3  }
0x42: {  	[tilespmem:$0x2820] =	vst v1;
	v1 =	vshrl.u32 v3, $0xE;
	v3 =	vld [tilespmem:$0x50]  }
0x43: {  	[tilespmem:$0x2920] =	vst v1;
	v1 =	vand.u32 $0x3FFF, v59  }
0x44: {  	v60 =	vld [tilespmem:$0x60];
	[tilespmem:$0x2830] =	vst v1;
	v1 =	vshrl.u32 v59, $0xE  }
0x45: {  	[tilespmem:$0x2930] =	vst v1;
	v1 =	vand.u32 $0x3FFF, v2  }
0x46: {  	[tilespmem:$0x2840] =	vst v1;
	v1 =	vshrl.u32 v2, $0xE;
	v2 =	vld [tilespmem:$0x70]  }
0x47: {  	[tilespmem:$0x2940] =	vst v1;
	v1 =	vand.u32 $0x3FFF, v3  }
0x48: {  	[tilespmem:$0x2850] =	vst v1;
	v1 =	vshrl.u32 v3, $0xE  }
0x49: {  	[tilespmem:$0x2950] =	vst v1;
	v1 =	vand.u32 $0x3FFF, v60  }
0x4a: {  	[tilespmem:$0x2860] =	vst v1;
	v1 =	vshrl.u32 v60, $0xE  }
0x4b: {  	[tilespmem:$0x2960] =	vst v1;
	v1 =	vand.u32 $0x3FFF, v2  }
0x4c: {  	[tilespmem:$0x2870] =	vst v1;
	v1 =	vshrl.u32 v2, $0xE  }
0x4d: {  	[tilespmem:$0x2970] =	vst v1  }
0x4e: {  	[tilespmem:s14], [sflag:$0x1] =	stream.indirect.gather [hbm4b:s4+s15], $0x80, s16, s15, $0xb8;
	[tilespmem:$0x1EA00] =	vst v63  }
0x4f: {  	v1 =	vld [tilespmem:$0x80];
	_ =	sdelay $0x1  }
0x50: {  	v2 =	vld [tilespmem:$0x90];
	_ =	sdelay $0x1  }
0x51: {  	v3 =	vld [tilespmem:$0xA0]  }
0x52: {  	v61 =	vand.u32 $0x3FFF, v1  }
0x53: {  	v62 =	vld [tilespmem:$0xB0];
	v1 =	vshrl.u32 v1, $0xE;
	[tilespmem:$0x2880] =	vst v61  }
0x54: {  	[tilespmem:$0x2980] =	vst v1;
	v1 =	vand.u32 $0x3FFF, v2  }
0x55: {  	[tilespmem:$0x2890] =	vst v1;
	v1 =	vshrl.u32 v2, $0xE;
	v2 =	vld [tilespmem:$0xC0]  }
0x56: {  	[tilespmem:$0x2990] =	vst v1;
	v1 =	vand.u32 $0x3FFF, v3  }
0x57: {  	[tilespmem:$0x28A0] =	vst v1;
	v1 =	vshrl.u32 v3, $0xE;
	v3 =	vld [tilespmem:$0xD0]  }
0x58: {  	[tilespmem:$0x29A0] =	vst v1;
	v1 =	vand.u32 $0x3FFF, v62  }
0x59: {  	v63 =	vld [tilespmem:$0xE0];
	[tilespmem:$0x28B0] =	vst v1;
	v1 =	vshrl.u32 v62, $0xE  }
0x5a: {  	[tilespmem:$0x29B0] =	vst v1;
	v1 =	vand.u32 $0x3FFF, v2  }
0x5b: {  	[tilespmem:$0x28C0] =	vst v1;
	v1 =	vshrl.u32 v2, $0xE;
	v2 =	vld [tilespmem:$0xF0]  }
0x5c: {  	[tilespmem:$0x29C0] =	vst v1;
	v1 =	vand.u32 $0x3FFF, v3  }
0x5d: {  	[tilespmem:$0x28D0] =	vst v1;
	v1 =	vshrl.u32 v3, $0xE  }
0x5e: {  	[tilespmem:$0x29D0] =	vst v1;
	v1 =	vand.u32 $0x3FFF, v63  }
0x5f: {  	[tilespmem:$0x28E0] =	vst v1;
	v1 =	vshrl.u32 v63, $0xE  }
0x60: {  	[tilespmem:$0x29E0] =	vst v1;
	v1 =	vand.u32 $0x3FFF, v2  }
0x61: {  	[tilespmem:$0x28F0] =	vst v1;
	v1 =	vshrl.u32 v2, $0xE  }
0x62: {  	[tilespmem:$0x29F0] =	vst v1  }
0x63: {  	[tilespmem:s18], [sflag:$0x2] =	stream.indirect.gather [hbm4b:s4+s15], $0x80, s17, s15, $0xb8;
	[tilespmem:$0x1EA00] =	vst v63  }
0x64: {  	_ =	swait.ge [sflag:s19], $0x4000  }
0x65: {  	[sflag:s19] =	ssyncset.done $0x0  }
0x66: {  	[sflag:s19] =	ssyncadd.s32 $0xFFFFC000  }
0x67: {  	[spmem:s2] =	stream.indirect.scatter.add.f32 [tilespmem:s14], [sflag:$0x3], $0x80, s20, s15, $0xb8;
	[tilespmem:$0x1EA00] =	vst v63  }
0x68: {  	_ =	swait.ge [sflag:s13], $0x4000  }
0x69: {  	[sflag:s13] =	ssyncset.done $0x0  }
0x6a: {  	s25 =	simm.s32 $0x1F0;
	[sflag:s13] =	ssyncadd.s32 $0xFFFFC000  }
0x6b: {  	v1 =	vld [tilespmem:s25+$0xFFFFFF10];
	_ =	sdelay $0x4  }
0x6c: {  	v2 =	vand.u32 $0x3FFF, v1  }
0x6d: {  	v1 =	vshrl.u32 v1, $0xE;
	[tilespmem:$0x2800] =	vst v2  }
0x6e: {  	[tilespmem:$0x2900] =	vst v1  }
0x6f: {  	v1 =	vld [tilespmem:s25+$0xFFFFFF20];
	_ =	sdelay $0x4  }
0x70: {  	v2 =	vand.u32 $0x3FFF, v1  }
0x71: {  	v1 =	vshrl.u32 v1, $0xE;
	[tilespmem:$0x2810] =	vst v2  }
0x72: {  	[tilespmem:$0x2910] =	vst v1  }
0x73: {  	v1 =	vld [tilespmem:s25+$0xFFFFFF30];
	_ =	sdelay $0x4  }
0x74: {  	v2 =	vand.u32 $0x3FFF, v1  }
0x75: {  	v1 =	vshrl.u32 v1, $0xE;
	[tilespmem:$0x2820] =	vst v2  }
0x76: {  	[tilespmem:$0x2920] =	vst v1  }
0x77: {  	v1 =	vld [tilespmem:s25+$0xFFFFFF40];
	_ =	sdelay $0x4  }
0x78: {  	v2 =	vand.u32 $0x3FFF, v1  }
0x79: {  	v1 =	vshrl.u32 v1, $0xE;
	[tilespmem:$0x2830] =	vst v2  }
0x7a: {  	[tilespmem:$0x2930] =	vst v1  }
0x7b: {  	v1 =	vld [tilespmem:s25+$0xFFFFFF50];
	_ =	sdelay $0x4  }
0x7c: {  	v2 =	vand.u32 $0x3FFF, v1  }
0x7d: {  	v1 =	vshrl.u32 v1, $0xE;
	[tilespmem:$0x2840] =	vst v2  }
0x7e: {  	[tilespmem:$0x2940] =	vst v1  }
0x7f: {  	v1 =	vld [tilespmem:s25+$0xFFFFFF60];
	_ =	sdelay $0x4  }
0x80: {  	v2 =	vand.u32 $0x3FFF, v1  }
0x81: {  	v1 =	vshrl.u32 v1, $0xE;
	[tilespmem:$0x2850] =	vst v2  }
0x82: {  	[tilespmem:$0x2950] =	vst v1  }
0x83: {  	v1 =	vld [tilespmem:s25+$0xFFFFFF70];
	_ =	sdelay $0x4  }
0x84: {  	v2 =	vand.u32 $0x3FFF, v1  }
0x85: {  	v1 =	vshrl.u32 v1, $0xE;
	[tilespmem:$0x2860] =	vst v2  }
0x86: {  	[tilespmem:$0x2960] =	vst v1  }
0x87: {  	v1 =	vld [tilespmem:s25+$0xFFFFFF80];
	_ =	sdelay $0x4  }
0x88: {  	v2 =	vand.u32 $0x3FFF, v1  }
0x89: {  	v1 =	vshrl.u32 v1, $0xE;
	[tilespmem:$0x2870] =	vst v2  }
0x8a: {  	[tilespmem:$0x2970] =	vst v1  }
0x8b: {  	[tilespmem:s14], [sflag:$0x1] =	stream.indirect.gather [hbm4b:s4+s15], $0x80, s16, s15, $0xb8;
	[tilespmem:$0x1EA00] =	vst v63  }
0x8c: {  	_ =	swait.ge [sflag:s21], $0x4000  }
0x8d: {  	[sflag:s21] =	ssyncset.done $0x0  }
0x8e: {  	[sflag:s21] =	ssyncadd.s32 $0xFFFFC000  }
0x8f: {  	[spmem:s2] =	stream.indirect.scatter.add.f32 [tilespmem:s18], [sflag:$0x3], $0x80, s22, s15, $0xb8;
	[tilespmem:$0x1EA00] =	vst v63  }
0x90: {  	_ =	swait.ge [sflag:s13], $0x4000  }
0x91: {  	[sflag:s13] =	ssyncset.done $0x0  }
0x92: {  	[sflag:s13] =	ssyncadd.s32 $0xFFFFC000  }
0x93: {  	v1 =	vld [tilespmem:s25+$0xFFFFFF90];
	_ =	sdelay $0x4  }
0x94: {  	v2 =	vand.u32 $0x3FFF, v1  }
0x95: {  	v1 =	vshrl.u32 v1, $0xE;
	[tilespmem:$0x2880] =	vst v2  }
0x96: {  	[tilespmem:$0x2980] =	vst v1  }
0x97: {  	v1 =	vld [tilespmem:s25+$0xFFFFFFA0];
	_ =	sdelay $0x4  }
0x98: {  	v2 =	vand.u32 $0x3FFF, v1  }
0x99: {  	v1 =	vshrl.u32 v1, $0xE;
	[tilespmem:$0x2890] =	vst v2  }
0x9a: {  	[tilespmem:$0x2990] =	vst v1  }
0x9b: {  	v1 =	vld [tilespmem:s25+$0xFFFFFFB0];
	_ =	sdelay $0x4  }
0x9c: {  	v2 =	vand.u32 $0x3FFF, v1  }
0x9d: {  	v1 =	vshrl.u32 v1, $0xE;
	[tilespmem:$0x28A0] =	vst v2  }
0x9e: {  	[tilespmem:$0x29A0] =	vst v1  }
0x9f: {  	v1 =	vld [tilespmem:s25+$0xFFFFFFC0];
	_ =	sdelay $0x4  }
0xa0: {  	v2 =	vand.u32 $0x3FFF, v1  }
0xa1: {  	v1 =	vshrl.u32 v1, $0xE;
	[tilespmem:$0x28B0] =	vst v2  }
0xa2: {  	[tilespmem:$0x29B0] =	vst v1  }
0xa3: {  	v1 =	vld [tilespmem:s25+$0xFFFFFFD0];
	_ =	sdelay $0x4  }
0xa4: {  	v2 =	vand.u32 $0x3FFF, v1  }
0xa5: {  	v1 =	vshrl.u32 v1, $0xE;
	[tilespmem:$0x28C0] =	vst v2  }
0xa6: {  	[tilespmem:$0x29C0] =	vst v1  }
0xa7: {  	v1 =	vld [tilespmem:s25+$0xFFFFFFE0];
	_ =	sdelay $0x4  }
0xa8: {  	v2 =	vand.u32 $0x3FFF, v1  }
0xa9: {  	v1 =	vshrl.u32 v1, $0xE;
	[tilespmem:$0x28D0] =	vst v2  }
0xaa: {  	[tilespmem:$0x29D0] =	vst v1  }
0xab: {  	v1 =	vld [tilespmem:s25+$0xFFFFFFF0];
	_ =	sdelay $0x4  }
0xac: {  	v2 =	vand.u32 $0x3FFF, v1  }
0xad: {  	s26 =	simm.s32 $0xBC0;
	v1 =	vshrl.u32 v1, $0xE;
	[tilespmem:$0x28E0] =	vst v2  }
.LBB2_4:
0xae: {  	p0 =	sne.s32 s26, $0x9FC0;
	[tilespmem:$0x29E0] =	vst v1;
	s28 =	smov.u32 s26;
	s26 =	sadd.s32 $0x400, s26  }
0xaf: {  	v1 =	vld [tilespmem:s25+$0x0];
	_ =	sdelay $0x4  }
0xb0: {  	v2 =	vand.u32 $0x3FFF, v1;
	v1 =	vshrl.u32 v1, $0xE  }
0xb1: {  	[tilespmem:$0x28F0] =	vst v2  }
0xb2: {  	[tilespmem:$0x29F0] =	vst v1  }
0xb3: {  	[tilespmem:s18], [sflag:$0x2] =	stream.indirect.gather [hbm4b:s4+s15], $0x80, s17, s15, $0xb8;
	[tilespmem:$0x1EA00] =	vst v63  }
0xb4: {  	_ =	swait.ge [sflag:s19], $0x4000  }
0xb5: {  	[sflag:s19] =	ssyncset.done $0x0  }
0xb6: {  	[sflag:s19] =	ssyncadd.s32 $0xFFFFC000  }
0xb7: {  	[spmem:s2] =	stream.indirect.scatter.add.f32 [tilespmem:s14], [sflag:$0x3], $0x80, s20, s15, $0xb8;
	[tilespmem:$0x1EA00] =	vst v63  }
0xb8: {  	_ =	swait.ge [sflag:s13], $0x4000  }
0xb9: {  	[sflag:s13] =	ssyncset.done $0x0  }
0xba: {  	s25 =	sshra.s32 s28, $0x2;
	[sflag:s13] =	ssyncadd.s32 $0xFFFFC000  }
0xbb: {  	v1 =	vld [tilespmem:s25+$0xFFFFFF10];
	_ =	sdelay $0x4  }
0xbc: {  	v2 =	vand.u32 $0x3FFF, v1;
	v1 =	vshrl.u32 v1, $0xE  }
0xbd: {  	[tilespmem:$0x2800] =	vst v2  }
0xbe: {  	[tilespmem:$0x2900] =	vst v1  }
0xbf: {  	v1 =	vld [tilespmem:s25+$0xFFFFFF20];
	_ =	sdelay $0x4  }
0xc0: {  	v2 =	vand.u32 $0x3FFF, v1;
	v1 =	vshrl.u32 v1, $0xE  }
0xc1: {  	[tilespmem:$0x2810] =	vst v2  }
0xc2: {  	[tilespmem:$0x2910] =	vst v1  }
0xc3: {  	v1 =	vld [tilespmem:s25+$0xFFFFFF30];
	_ =	sdelay $0x4  }
0xc4: {  	v2 =	vand.u32 $0x3FFF, v1;
	v1 =	vshrl.u32 v1, $0xE  }
0xc5: {  	[tilespmem:$0x2820] =	vst v2  }
0xc6: {  	[tilespmem:$0x2920] =	vst v1  }
0xc7: {  	v1 =	vld [tilespmem:s25+$0xFFFFFF40];
	_ =	sdelay $0x4  }
0xc8: {  	v2 =	vand.u32 $0x3FFF, v1;
	v1 =	vshrl.u32 v1, $0xE  }
0xc9: {  	[tilespmem:$0x2830] =	vst v2  }
0xca: {  	[tilespmem:$0x2930] =	vst v1  }
0xcb: {  	v1 =	vld [tilespmem:s25+$0xFFFFFF50];
	_ =	sdelay $0x4  }
0xcc: {  	v2 =	vand.u32 $0x3FFF, v1;
	v1 =	vshrl.u32 v1, $0xE  }
0xcd: {  	[tilespmem:$0x2840] =	vst v2  }
0xce: {  	[tilespmem:$0x2940] =	vst v1  }
0xcf: {  	v1 =	vld [tilespmem:s25+$0xFFFFFF60];
	_ =	sdelay $0x4  }
0xd0: {  	v2 =	vand.u32 $0x3FFF, v1;
	v1 =	vshrl.u32 v1, $0xE  }
0xd1: {  	[tilespmem:$0x2850] =	vst v2  }
0xd2: {  	[tilespmem:$0x2950] =	vst v1  }
0xd3: {  	v1 =	vld [tilespmem:s25+$0xFFFFFF70];
	_ =	sdelay $0x4  }
0xd4: {  	v2 =	vand.u32 $0x3FFF, v1;
	v1 =	vshrl.u32 v1, $0xE  }
0xd5: {  	[tilespmem:$0x2860] =	vst v2  }
0xd6: {  	[tilespmem:$0x2960] =	vst v1  }
0xd7: {  	v1 =	vld [tilespmem:s25+$0xFFFFFF80];
	_ =	sdelay $0x4  }
0xd8: {  	v2 =	vand.u32 $0x3FFF, v1;
	v1 =	vshrl.u32 v1, $0xE  }
0xd9: {  	[tilespmem:$0x2870] =	vst v2  }
0xda: {  	[tilespmem:$0x2970] =	vst v1  }
0xdb: {  	[tilespmem:s14], [sflag:$0x1] =	stream.indirect.gather [hbm4b:s4+s15], $0x80, s16, s15, $0xb8;
	[tilespmem:$0x1EA00] =	vst v63  }
0xdc: {  	_ =	swait.ge [sflag:s21], $0x4000  }
0xdd: {  	[sflag:s21] =	ssyncset.done $0x0  }
0xde: {  	[sflag:s21] =	ssyncadd.s32 $0xFFFFC000  }
0xdf: {  	[spmem:s2] =	stream.indirect.scatter.add.f32 [tilespmem:s18], [sflag:$0x3], $0x80, s22, s15, $0xb8;
	[tilespmem:$0x1EA00] =	vst v63  }
0xe0: {  	_ =	swait.ge [sflag:s13], $0x4000  }
0xe1: {  	[sflag:s13] =	ssyncset.done $0x0  }
0xe2: {  	[sflag:s13] =	ssyncadd.s32 $0xFFFFC000  }
0xe3: {  	v1 =	vld [tilespmem:s25+$0xFFFFFF90];
	_ =	sdelay $0x4  }
0xe4: {  	v2 =	vand.u32 $0x3FFF, v1;
	v1 =	vshrl.u32 v1, $0xE  }
0xe5: {  	[tilespmem:$0x2880] =	vst v2  }
0xe6: {  	[tilespmem:$0x2980] =	vst v1  }
0xe7: {  	v1 =	vld [tilespmem:s25+$0xFFFFFFA0];
	_ =	sdelay $0x4  }
0xe8: {  	v2 =	vand.u32 $0x3FFF, v1;
	v1 =	vshrl.u32 v1, $0xE  }
0xe9: {  	[tilespmem:$0x2890] =	vst v2  }
0xea: {  	[tilespmem:$0x2990] =	vst v1  }
0xeb: {  	v1 =	vld [tilespmem:s25+$0xFFFFFFB0];
	_ =	sdelay $0x4  }
0xec: {  	v2 =	vand.u32 $0x3FFF, v1;
	v1 =	vshrl.u32 v1, $0xE  }
0xed: {  	[tilespmem:$0x28A0] =	vst v2  }
0xee: {  	[tilespmem:$0x29A0] =	vst v1  }
0xef: {  	v1 =	vld [tilespmem:s25+$0xFFFFFFC0];
	_ =	sdelay $0x4  }
0xf0: {  	v2 =	vand.u32 $0x3FFF, v1;
	v1 =	vshrl.u32 v1, $0xE  }
0xf1: {  	[tilespmem:$0x28B0] =	vst v2  }
0xf2: {  	[tilespmem:$0x29B0] =	vst v1  }
0xf3: {  	v1 =	vld [tilespmem:s25+$0xFFFFFFD0];
	_ =	sdelay $0x4  }
0xf4: {  	v2 =	vand.u32 $0x3FFF, v1;
	v1 =	vshrl.u32 v1, $0xE  }
0xf5: {  	[tilespmem:$0x28C0] =	vst v2  }
0xf6: {  	[tilespmem:$0x29C0] =	vst v1  }
0xf7: {  	v1 =	vld [tilespmem:s25+$0xFFFFFFE0];
	_ =	sdelay $0x4  }
0xf8: {  	v2 =	vand.u32 $0x3FFF, v1;
	v1 =	vshrl.u32 v1, $0xE  }
0xf9: {  	[tilespmem:$0x28D0] =	vst v2  }
0xfa: {  	[tilespmem:$0x29D0] =	vst v1  }
0xfb: {  	v1 =	vld [tilespmem:s25+$0xFFFFFFF0];
	_ =	sdelay $0x1  }
.Ltmp1:
0xfc: {  	(pc) =	sbr.rel @p0 .LBB2_4-.Ltmp1, $3  }
0xfd: {  	_ =	sdelay $0x1  }
0xfe: {  	v2 =	vand.u32 $0x3FFF, v1;
	v1 =	vshrl.u32 v1, $0xE  }
0xff: {  	[tilespmem:$0x28E0] =	vst v2  }
0x100: {  	[tilespmem:$0x29E0] =	vst v1  }
0x101: {  	v1 =	vld [tilespmem:s25+$0x0];
	_ =	sdelay $0x4  }
0x102: {  	v2 =	vand.u32 $0x3FFF, v1  }
0x103: {  	v1 =	vshrl.u32 v1, $0xE;
	[tilespmem:$0x28F0] =	vst v2  }
0x104: {  	[tilespmem:$0x29F0] =	vst v1  }
0x105: {  	[tilespmem:s18], [sflag:$0x2] =	stream.indirect.gather [hbm4b:s4+s15], $0x80, s17, s15, $0xb8;
	[tilespmem:$0x1EA00] =	vst v63  }
0x106: {  	_ =	swait.ge [sflag:s19], $0x4000  }
0x107: {  	[sflag:s19] =	ssyncset.done $0x0  }
0x108: {  	[sflag:s19] =	ssyncadd.s32 $0xFFFFC000  }
0x109: {  	[spmem:s2] =	stream.indirect.scatter.add.f32 [tilespmem:s14], [sflag:$0x3], $0x80, s20, s15, $0xb8;
	[tilespmem:$0x1EA00] =	vst v63  }
0x10a: {  	_ =	swait.ge [sflag:s13], $0x4000  }
0x10b: {  	[sflag:s13] =	ssyncset.done $0x0  }
0x10c: {  	[sflag:s13] =	ssyncadd.s32 $0xFFFFC000  }
0x10d: {  	_ =	swait.ge [sflag:s21], $0x4000  }
0x10e: {  	[sflag:s21] =	ssyncset.done $0x0  }
0x10f: {  	[sflag:s21] =	ssyncadd.s32 $0xFFFFC000  }
0x110: {  	[spmem:s2] =	stream.indirect.scatter.add.f32 [tilespmem:s18], [sflag:$0x3], $0x80, s22, s15, $0xb8;
	[tilespmem:$0x1EA00] =	vst v63  }
0x111: {  	_ =	swait.ge [sflag:s13], $0x4000  }
0x112: {  	s24 =	sadd.s32 $0x1, s24;
	[sflag:s13] =	ssyncset.done $0x0  }
0x113: {  	p0 =	sne.s32 s24, s12;
	[sflag:s13] =	ssyncadd.s32 $0xFFFFC000  }
.Ltmp2:
0x114: {  	s31 =	sshrl.u32 s5, $0x3;
	[bflag:$0x0] =	sbarrier.arrive $0xFFFF;
	(pc) =	sbr.rel @p0 .LBB2_1-.Ltmp2, $4  }
0x115: {  	[hbm:s11], [sflag:s23] =	dma.local [spmem:s31], $0x2800  }
0x116: {  	_ =	swait.ge [sflag:s13], $0x2800  }
0x117: {  	[sflag:s13] =	ssyncset.done $0x0  }
0x118: {  	[sflag:s13] =	ssyncadd.s32 $0xFFFFD800  }
0x119: {  	_ =	sfence.sel $0x180000  }
0x11a: {  	[bflag:$0x0] =	sbarrier.arrive $0xFFFF  }
0x11b: {  	p0 =	sne.s32 s0, $0x0;
	_ =	strace $0x90000050  }
0x11c: {  	s0 =	sadd.s32 @!p0 $0x100000, s1;
	[bflag:$0x2] =	sbarrier.arrive $0xFFFF  }
0x11d: {  	[sflag:s0] =	ssyncadd.tile.s32 @!p0 $0x1;
	_ =	shalt  }
.Lfunc_end2:
_tile_overlayer_lowered:
.L_overlay_start_2:
0x11e: {  	(tag) =	ssettag $0x2  }
0x11f: {  	s0 =	rddreg [dreg:$0x0];
	s2 =	stileid.u32  }
0x120: {  	s1 =	rddreg [dreg:$0x1];
	p0 =	sne.s32 s2, $0x0  }
0x121: {  	s3 =	rddreg [dreg:$0x2];
	[bflag:$0x3] =	sbarrier.arrive $0xFFFF;
	s2 =	simm.s32 @!p0 $0x1C03  }
0x122: {  	[timem:s3], [sflag:s2] =	dma.local @!p0 [hbm:s0], s1  }
0x123: {  	s0 =	simm.s32 @!p0 $0x3  }
0x124: {  	_ =	swait.ge @!p0 [sflag:s0], s1  }
0x125: {  	s1 =	ssub.s32 @!p0 $0x0, s1;
	[sflag:s0] =	ssyncset.done @!p0 $0x0  }
0x126: {  	[sflag:s0] =	ssyncadd.s32 @!p0 s1  }
0x127: {  	[bflag:$0x3] =	sbarrier.arrive $0xFFFF  }
0x128: {  	_ =	shalt  }

</sc_bundles>
